<compile_context>
chip_gen: v7x
topology: tpu7x:2x2x1
jax: 0.10.2.dev20260603
libtpu: 0.0.44.dev20260713+nightly
codegen_flags: <defaults>
</compile_context>

<pallas_src>
import functools

import jax
import jax.numpy as jnp
from jax import lax
from jax.experimental import pallas as pl
from jax.experimental.pallas import tpu as pltpu
from jax.experimental.pallas import tpu_sc as plsc

_NC, _NS = 2, 16
_NW = _NC * _NS
_CHUNK = 40
_LANES = 16


def _fuse_tables_body(pe_ref, a_ref, b_ref, out_ref):
    out_ref[0] = jnp.dot(pe_ref[...], a_ref[0],
                         preferred_element_type=jnp.float32) + b_ref[...]


_HP = 256


def _make_tables(pe_table, W, b):
    P, H = pe_table.shape
    A = W.reshape(H, 4, H).transpose(1, 2, 0)
    A = jnp.pad(A, ((0, 0), (0, 0), (0, _HP - H)))
    bq = jnp.pad((0.25 * b).reshape(1, H), ((0, 0), (0, _HP - H)))
    T = pl.pallas_call(
        _fuse_tables_body,
        grid=(4,),
        in_specs=[
            pl.BlockSpec((P, H), lambda k: (0, 0)),
            pl.BlockSpec((1, H, _HP), lambda k: (k, 0, 0)),
            pl.BlockSpec((1, _HP), lambda k: (0, 0)),
        ],
        out_specs=pl.BlockSpec((1, P, _HP), lambda k: (k, 0, 0)),
        out_shape=jax.ShapeDtypeStruct((4, P, _HP), jnp.float32),
    )(pe_table.astype(jnp.float32), A.astype(jnp.float32),
      bq.astype(jnp.float32))
    return T.reshape(4 * P, _HP)


def _make_sc_lookup(n_rows, H, n_tab):
    per_w = n_rows // _NW
    nch = per_w // _CHUNK
    vec = H // _LANES
    cw = _CHUNK * H
    mesh = plsc.VectorSubcoreMesh(core_axis_name="c", subcore_axis_name="s")

    @functools.partial(
        pl.kernel,
        mesh=mesh,
        out_type=jax.ShapeDtypeStruct((n_rows * H,), jnp.float32),
        scratch_types=[
            pltpu.VMEM((2, 4, _CHUNK), jnp.int32),
            pltpu.VMEM((2, 4, _CHUNK, H), jnp.float32),
            pltpu.VMEM((2, cw), jnp.float32),
            pltpu.VMEM_SHARED((n_tab, H), jnp.float32),
            pltpu.SemaphoreType.DMA,
            pltpu.SemaphoreType.DMA,
            pltpu.SemaphoreType.DMA,
            pltpu.SemaphoreType.DMA,
            pltpu.SemaphoreType.DMA,
            pltpu.SemaphoreType.DMA,
        ],
        compiler_params=pltpu.CompilerParams(use_tc_tiling_on_sc=False),
    )
    def sc_fn(t_hbm, i0_hbm, i1_hbm, i2_hbm, i3_hbm, out_hbm,
              idx_v, rows_v, out_v, t_sp, si0, si1, sg0, sg1, ss0, ss1):
        wid = lax.axis_index("s") * _NC + lax.axis_index("c")
        base = wid * nch

        @pl.when(lax.axis_index("s") == 0)
        def _():
            pltpu.sync_copy(t_hbm.at[:, pl.ds(0, H)], t_sp)

        plsc.subcore_barrier()
        idx_refs = (i0_hbm, i1_hbm, i2_hbm, i3_hbm)
        sem_i = (si0, si1)
        sem_g = (sg0, sg1)
        sem_s = (ss0, ss1)

        def start_idx(ci, slot):
            off = (base + ci) * _CHUNK
            for k in range(4):
                pltpu.async_copy(idx_refs[k].at[pl.ds(off, _CHUNK)],
                                 idx_v.at[slot, k], sem_i[slot])

        def wait_idx(slot):
            pltpu.make_async_copy(i0_hbm.at[pl.ds(0, 4 * _CHUNK)],
                                  idx_v.at[slot], sem_i[slot]).wait()

        def start_gathers(buf):
            for k in range(4):
                pltpu.async_copy(t_sp.at[idx_v.at[buf, k]],
                                 rows_v.at[buf, k], sem_g[buf])

        def wait_gathers(buf):
            pltpu.make_async_copy(out_hbm.at[pl.ds(0, 4 * cw)],
                                  rows_v.at[buf], sem_g[buf]).wait()

        def wait_scatter(buf):
            pltpu.make_async_copy(out_hbm.at[pl.ds(0, cw)],
                                  out_v.at[buf], sem_s[buf]).wait()

        def compute_and_scatter(ci, buf):
            def row_body(r, c2):
                for v in range(vec):
                    sl = pl.ds(v * _LANES, _LANES)
                    acc = (rows_v[buf, 0, r, sl] + rows_v[buf, 1, r, sl]) + (
                        rows_v[buf, 2, r, sl] + rows_v[buf, 3, r, sl])
                    out_v[buf, pl.ds(r * H + v * _LANES, _LANES)] = (
                        jnp.maximum(acc, 0.0))
                return c2

            lax.fori_loop(0, _CHUNK, row_body, 0)
            pltpu.async_copy(out_v.at[buf],
                             out_hbm.at[pl.ds((base + ci) * cw, cw)],
                             sem_s[buf])

        def step(ci, buf, first):
            @pl.when(ci + 1 < nch)
            def _():
                wait_idx(1 - buf)
                start_gathers(1 - buf)
            wait_gathers(buf)

            @pl.when(ci + 2 < nch)
            def _():
                start_idx(ci + 2, buf)

            if not first:
                @pl.when(ci >= 2)
                def _():
                    wait_scatter(buf)
            compute_and_scatter(ci, buf)

        start_idx(0, 0)
        start_idx(1, 1)
        wait_idx(0)
        start_gathers(0)
        step(0, 0, True)

        def chunk_body(h, carry):
            step(1 + 2 * h, 1, False)
            step(2 + 2 * h, 0, False)
            return carry

        lax.fori_loop(0, (nch - 1) // 2, chunk_body, 0)
        if (nch - 1) % 2 == 1:
            step(nch - 1, (nch - 1) % 2, False)
        wait_scatter(0)
        wait_scatter(1)

    return sc_fn


def kernel(pos_s, pos_e, pe_table, W, b):
    B, L = pos_s.shape
    P, H = pe_table.shape
    M = P // 2
    n = B * L * L
    T = _make_tables(pe_table, W, b)
    ps = pos_s.astype(jnp.int32)
    pe = pos_e.astype(jnp.int32)

    def rel(a, c, off):
        d = jnp.clip(a[:, :, None] - c[:, None, :] + M, 0, P - 1)
        return (d + off).reshape(-1)

    out = _make_sc_lookup(n, H, 4 * P)(
        T, rel(ps, ps, 0), rel(ps, pe, P), rel(pe, ps, 2 * P),
        rel(pe, pe, 3 * P))
    return out.reshape(B, L, L, H)

# --- scband reference (transcript-rebuilt; emitter-appended) ---
"""Pipeline reference for scband-four-pos-fusion-embedding-69483980914756 (READ-ONLY COPY).

The authoritative reference and input builder live on the scoring server;
editing this copy changes nothing except your own understanding.
"""

import jax, jax.numpy as jnp
import numpy as np

B, L, H, M = 8, 200, 160, 512

def setup_inputs(seed: int = 0) -> dict:
    key = jax.random.key(seed)
    k1, k2, k3, k4 = jax.random.split(key, 4)
    pos_s = jnp.sort(jax.random.randint(k1, (B, L), 0, M), axis=-1)
    pos_e = jnp.sort(jax.random.randint(k2, (B, L), 0, M), axis=-1)
    pe_table = jax.random.normal(k3, (2 * M, H), dtype=jnp.float32) * 0.02
    W = jax.random.normal(k4, (H, 4 * H), dtype=jnp.float32) * 0.02
    b = jnp.zeros((H,), dtype=jnp.float32)
    return {"pos_s": pos_s, "pos_e": pos_e, "pe_table": pe_table, "W": W, "b": b}

def reference(pos_s, pos_e, pe_table, W, b):
    batch = pos_s.shape[0]
    seq = pos_s.shape[1]
    max_len = pe_table.shape[0] // 2
    pos_ss = pos_s[:, :, None] - pos_s[:, None, :] + max_len
    pos_se = pos_s[:, :, None] - pos_e[:, None, :] + max_len
    pos_es = pos_e[:, :, None] - pos_s[:, None, :] + max_len
    pos_ee = pos_e[:, :, None] - pos_e[:, None, :] + max_len
    pe_4 = jnp.stack([pos_ss.reshape(-1), pos_se.reshape(-1), pos_es.reshape(-1), pos_ee.reshape(-1)], axis=-1)
    emb = jnp.take(pe_table, pe_4, axis=0)       # [N, 4, H]
    emb_flat = emb.reshape(emb.shape[0], -1)     # [N, 4H]
    fused = jax.nn.relu(emb_flat @ W.T + b)      # [N, H]
    rel_pos_embedding = fused
    return rel_pos_embedding.reshape(batch, seq, seq, -1)

if __name__ == "__main__":
    import jax
    _d = setup_inputs()
    print(jax.jit(kernel)(*tuple(_d.values())))

</pallas_src>

<mosaic_0001>
#map = affine_map<(d0, d1) -> (0, 0)>
#map1 = affine_map<(d0, d1) -> (0)>
module attributes {stable_mosaic.version = 14 : i64} {
  func.func @sc_fn(%arg0: i32, %arg1: i32, %arg2: memref<4096x256xf32, #tpu.memory_space<hbm>>, %arg3: memref<320000xi32, #tpu.memory_space<hbm>>, %arg4: memref<320000xi32, #tpu.memory_space<hbm>>, %arg5: memref<320000xi32, #tpu.memory_space<hbm>>, %arg6: memref<320000xi32, #tpu.memory_space<hbm>>, %arg7: memref<51200000xf32, #tpu.memory_space<hbm>>, %arg8: memref<2x4x40xi32, #tpu.memory_space<vmem>>, %arg9: memref<2x4x40x160xf32, #tpu.memory_space<vmem>>, %arg10: memref<2x6400xf32, #tpu.memory_space<vmem>>, %arg11: memref<4096x160xf32, #tpu.memory_space<vmem_shared>>, %arg12: memref<!tpu.dma_semaphore, #tpu.memory_space<semaphore_mem>>, %arg13: memref<!tpu.dma_semaphore, #tpu.memory_space<semaphore_mem>>, %arg14: memref<!tpu.dma_semaphore, #tpu.memory_space<semaphore_mem>>, %arg15: memref<!tpu.dma_semaphore, #tpu.memory_space<semaphore_mem>>, %arg16: memref<!tpu.dma_semaphore, #tpu.memory_space<semaphore_mem>>, %arg17: memref<!tpu.dma_semaphore, #tpu.memory_space<semaphore_mem>>) attributes {dimension_semantics = [#tpu.dimension_semantics<core_parallel>, #tpu.dimension_semantics<subcore_parallel>], iteration_bounds = array<i64: 2, 16>, scalar_prefetch = 0 : i64, scratch_operands = 10 : i64, tpu.core_type = #tpu.core_type<sc_vector_subcore>, window_params = [{transform_indices = #map}, {transform_indices = #map1}, {transform_indices = #map1}, {transform_indices = #map1}, {transform_indices = #map1}, {transform_indices = #map1}]} {
    %mul3A = arith.constant 2 : i32
    %mul3A_0 = arith.muli %arg1, %mul3A : i32
    %add3A = arith.addi %mul3A_0, %arg0 : i32
    %mul3A_1 = arith.constant 250 : i32
    %mul3A_2 = arith.muli %add3A, %mul3A_1 : i32
    %eq3A = arith.constant 0 : i32
    %eq3A_3 = arith.cmpi eq, %arg1, %eq3A : i32
    %convert_element_type3A = arith.extui %eq3A_3 : i1 to i32
    %cond3A = arith.constant 0 : i32
    %cond3A_4 = arith.cmpi ne, %convert_element_type3A, %cond3A : i32
    scf.if %cond3A_4 {
      "tpu.region"() ({
        %run_scoped3A = tpu.sem_alloc : memref<!tpu.dma_semaphore, #tpu.memory_space<semaphore_mem>>
        %dma_start3A_379 = arith.constant 0 : i32
        %dma_start3A_380 = arith.constant 0 : i32
        %dma_start3A_381 = tpu.memref_slice %arg2[%dma_start3A_379, %dma_start3A_380] : memref<4096x256xf32, #tpu.memory_space<hbm>> -> memref<4096x160xf32, #tpu.memory_space<hbm>>
        tpu.enqueue_dma source(%dma_start3A_381 : memref<4096x160xf32, #tpu.memory_space<hbm>>) target(%arg11 : memref<4096x160xf32, #tpu.memory_space<vmem_shared>>) target_semaphore(%run_scoped3A : memref<!tpu.dma_semaphore, #tpu.memory_space<semaphore_mem>>)
        %dma_wait3A_382 = arith.constant 0 : i32
        %dma_wait3A_383 = arith.constant 0 : i32
        %dma_wait3A_384 = tpu.memref_slice %arg2[%dma_wait3A_382, %dma_wait3A_383] : memref<4096x256xf32, #tpu.memory_space<hbm>> -> memref<4096x160xf32, #tpu.memory_space<hbm>>
        tpu.wait_dma2 semaphore(%run_scoped3A : memref<!tpu.dma_semaphore, #tpu.memory_space<semaphore_mem>>) src(%dma_wait3A_384 : memref<4096x160xf32, #tpu.memory_space<hbm>>) dst(%arg11 : memref<4096x160xf32, #tpu.memory_space<vmem_shared>>)
        tpu.yield
      }) : () -> ()
    } else {
    }
    %barrier3A = arith.constant 0 : index
    tpu.barrier barrier_id(%barrier3A)
    %add3A_5 = arith.constant 0 : i32
    %add3A_6 = arith.addi %mul3A_2, %add3A_5 : i32
    %mul3A_7 = arith.constant 40 : i32
    %mul3A_8 = arith.muli %add3A_6, %mul3A_7 : i32
    %dma_start3A = arith.constant 0 : i32
    %dma_start3A_9 = arith.constant 0 : i32
    %dma_start3A_10 = arith.constant 0 : i32
    %dma_start3A_11 = tpu.memref_slice %arg8[%dma_start3A, %dma_start3A_9, %dma_start3A_10] : memref<2x4x40xi32, #tpu.memory_space<vmem>> -> memref<1x1x40xi32, #tpu.memory_space<vmem>>
    %dma_start3A_12 = tpu.memref_squeeze %dma_start3A_11 : memref<1x1x40xi32, #tpu.memory_space<vmem>> -> memref<40xi32, #tpu.memory_space<vmem>>
    %dma_start3A_13 = tpu.memref_slice %arg3[%mul3A_8] : memref<320000xi32, #tpu.memory_space<hbm>> -> memref<40xi32, #tpu.memory_space<hbm>>
    %dma_start3A_14 = arith.constant 0 : i32
    %dma_start3A_15 = tpu.memref_slice %arg8[%dma_start3A, %dma_start3A_9, %dma_start3A_14] : memref<2x4x40xi32, #tpu.memory_space<vmem>> -> memref<1x1x40xi32, #tpu.memory_space<vmem>>
    %dma_start3A_16 = tpu.memref_squeeze %dma_start3A_15 : memref<1x1x40xi32, #tpu.memory_space<vmem>> -> memref<40xi32, #tpu.memory_space<vmem>>
    %dma_start3A_17 = tpu.memref_slice %arg3[%mul3A_8] : memref<320000xi32, #tpu.memory_space<hbm>> -> memref<40xi32, #tpu.memory_space<hbm>>
    tpu.enqueue_dma source(%dma_start3A_17 : memref<40xi32, #tpu.memory_space<hbm>>) target(%dma_start3A_16 : memref<40xi32, #tpu.memory_space<vmem>>) target_semaphore(%arg12 : memref<!tpu.dma_semaphore, #tpu.memory_space<semaphore_mem>>)
    %dma_start3A_18 = arith.constant 0 : i32
    %dma_start3A_19 = arith.constant 1 : i32
    %dma_start3A_20 = arith.constant 0 : i32
    %dma_start3A_21 = tpu.memref_slice %arg8[%dma_start3A_18, %dma_start3A_19, %dma_start3A_20] : memref<2x4x40xi32, #tpu.memory_space<vmem>> -> memref<1x1x40xi32, #tpu.memory_space<vmem>>
    %dma_start3A_22 = tpu.memref_squeeze %dma_start3A_21 : memref<1x1x40xi32, #tpu.memory_space<vmem>> -> memref<40xi32, #tpu.memory_space<vmem>>
    %dma_start3A_23 = tpu.memref_slice %arg4[%mul3A_8] : memref<320000xi32, #tpu.memory_space<hbm>> -> memref<40xi32, #tpu.memory_space<hbm>>
    %dma_start3A_24 = arith.constant 0 : i32
    %dma_start3A_25 = tpu.memref_slice %arg8[%dma_start3A_18, %dma_start3A_19, %dma_start3A_24] : memref<2x4x40xi32, #tpu.memory_space<vmem>> -> memref<1x1x40xi32, #tpu.memory_space<vmem>>
    %dma_start3A_26 = tpu.memref_squeeze %dma_start3A_25 : memref<1x1x40xi32, #tpu.memory_space<vmem>> -> memref<40xi32, #tpu.memory_space<vmem>>
    %dma_start3A_27 = tpu.memref_slice %arg4[%mul3A_8] : memref<320000xi32, #tpu.memory_space<hbm>> -> memref<40xi32, #tpu.memory_space<hbm>>
    tpu.enqueue_dma source(%dma_start3A_27 : memref<40xi32, #tpu.memory_space<hbm>>) target(%dma_start3A_26 : memref<40xi32, #tpu.memory_space<vmem>>) target_semaphore(%arg12 : memref<!tpu.dma_semaphore, #tpu.memory_space<semaphore_mem>>)
    %dma_start3A_28 = arith.constant 0 : i32
    %dma_start3A_29 = arith.constant 2 : i32
    %dma_start3A_30 = arith.constant 0 : i32
    %dma_start3A_31 = tpu.memref_slice %arg8[%dma_start3A_28, %dma_start3A_29, %dma_start3A_30] : memref<2x4x40xi32, #tpu.memory_space<vmem>> -> memref<1x1x40xi32, #tpu.memory_space<vmem>>
    %dma_start3A_32 = tpu.memref_squeeze %dma_start3A_31 : memref<1x1x40xi32, #tpu.memory_space<vmem>> -> memref<40xi32, #tpu.memory_space<vmem>>
    %dma_start3A_33 = tpu.memref_slice %arg5[%mul3A_8] : memref<320000xi32, #tpu.memory_space<hbm>> -> memref<40xi32, #tpu.memory_space<hbm>>
    %dma_start3A_34 = arith.constant 0 : i32
    %dma_start3A_35 = tpu.memref_slice %arg8[%dma_start3A_28, %dma_start3A_29, %dma_start3A_34] : memref<2x4x40xi32, #tpu.memory_space<vmem>> -> memref<1x1x40xi32, #tpu.memory_space<vmem>>
    %dma_start3A_36 = tpu.memref_squeeze %dma_start3A_35 : memref<1x1x40xi32, #tpu.memory_space<vmem>> -> memref<40xi32, #tpu.memory_space<vmem>>
    %dma_start3A_37 = tpu.memref_slice %arg5[%mul3A_8] : memref<320000xi32, #tpu.memory_space<hbm>> -> memref<40xi32, #tpu.memory_space<hbm>>
    tpu.enqueue_dma source(%dma_start3A_37 : memref<40xi32, #tpu.memory_space<hbm>>) target(%dma_start3A_36 : memref<40xi32, #tpu.memory_space<vmem>>) target_semaphore(%arg12 : memref<!tpu.dma_semaphore, #tpu.memory_space<semaphore_mem>>)
    %dma_start3A_38 = arith.constant 0 : i32
    %dma_start3A_39 = arith.constant 3 : i32
    %dma_start3A_40 = arith.constant 0 : i32
    %dma_start3A_41 = tpu.memref_slice %arg8[%dma_start3A_38, %dma_start3A_39, %dma_start3A_40] : memref<2x4x40xi32, #tpu.memory_space<vmem>> -> memref<1x1x40xi32, #tpu.memory_space<vmem>>
    %dma_start3A_42 = tpu.memref_squeeze %dma_start3A_41 : memref<1x1x40xi32, #tpu.memory_space<vmem>> -> memref<40xi32, #tpu.memory_space<vmem>>
    %dma_start3A_43 = tpu.memref_slice %arg6[%mul3A_8] : memref<320000xi32, #tpu.memory_space<hbm>> -> memref<40xi32, #tpu.memory_space<hbm>>
    %dma_start3A_44 = arith.constant 0 : i32
    %dma_start3A_45 = tpu.memref_slice %arg8[%dma_start3A_38, %dma_start3A_39, %dma_start3A_44] : memref<2x4x40xi32, #tpu.memory_space<vmem>> -> memref<1x1x40xi32, #tpu.memory_space<vmem>>
    %dma_start3A_46 = tpu.memref_squeeze %dma_start3A_45 : memref<1x1x40xi32, #tpu.memory_space<vmem>> -> memref<40xi32, #tpu.memory_space<vmem>>
    %dma_start3A_47 = tpu.memref_slice %arg6[%mul3A_8] : memref<320000xi32, #tpu.memory_space<hbm>> -> memref<40xi32, #tpu.memory_space<hbm>>
    tpu.enqueue_dma source(%dma_start3A_47 : memref<40xi32, #tpu.memory_space<hbm>>) target(%dma_start3A_46 : memref<40xi32, #tpu.memory_space<vmem>>) target_semaphore(%arg12 : memref<!tpu.dma_semaphore, #tpu.memory_space<semaphore_mem>>)
    %add3A_48 = arith.constant 1 : i32
    %add3A_49 = arith.addi %mul3A_2, %add3A_48 : i32
    %mul3A_50 = arith.constant 40 : i32
    %mul3A_51 = arith.muli %add3A_49, %mul3A_50 : i32
    %dma_start3A_52 = arith.constant 1 : i32
    %dma_start3A_53 = arith.constant 0 : i32
    %dma_start3A_54 = arith.constant 0 : i32
    %dma_start3A_55 = tpu.memref_slice %arg8[%dma_start3A_52, %dma_start3A_53, %dma_start3A_54] : memref<2x4x40xi32, #tpu.memory_space<vmem>> -> memref<1x1x40xi32, #tpu.memory_space<vmem>>
    %dma_start3A_56 = tpu.memref_squeeze %dma_start3A_55 : memref<1x1x40xi32, #tpu.memory_space<vmem>> -> memref<40xi32, #tpu.memory_space<vmem>>
    %dma_start3A_57 = tpu.memref_slice %arg3[%mul3A_51] : memref<320000xi32, #tpu.memory_space<hbm>> -> memref<40xi32, #tpu.memory_space<hbm>>
    %dma_start3A_58 = arith.constant 0 : i32
    %dma_start3A_59 = tpu.memref_slice %arg8[%dma_start3A_52, %dma_start3A_53, %dma_start3A_58] : memref<2x4x40xi32, #tpu.memory_space<vmem>> -> memref<1x1x40xi32, #tpu.memory_space<vmem>>
    %dma_start3A_60 = tpu.memref_squeeze %dma_start3A_59 : memref<1x1x40xi32, #tpu.memory_space<vmem>> -> memref<40xi32, #tpu.memory_space<vmem>>
    %dma_start3A_61 = tpu.memref_slice %arg3[%mul3A_51] : memref<320000xi32, #tpu.memory_space<hbm>> -> memref<40xi32, #tpu.memory_space<hbm>>
    tpu.enqueue_dma source(%dma_start3A_61 : memref<40xi32, #tpu.memory_space<hbm>>) target(%dma_start3A_60 : memref<40xi32, #tpu.memory_space<vmem>>) target_semaphore(%arg13 : memref<!tpu.dma_semaphore, #tpu.memory_space<semaphore_mem>>)
    %dma_start3A_62 = arith.constant 1 : i32
    %dma_start3A_63 = arith.constant 1 : i32
    %dma_start3A_64 = arith.constant 0 : i32
    %dma_start3A_65 = tpu.memref_slice %arg8[%dma_start3A_62, %dma_start3A_63, %dma_start3A_64] : memref<2x4x40xi32, #tpu.memory_space<vmem>> -> memref<1x1x40xi32, #tpu.memory_space<vmem>>
    %dma_start3A_66 = tpu.memref_squeeze %dma_start3A_65 : memref<1x1x40xi32, #tpu.memory_space<vmem>> -> memref<40xi32, #tpu.memory_space<vmem>>
    %dma_start3A_67 = tpu.memref_slice %arg4[%mul3A_51] : memref<320000xi32, #tpu.memory_space<hbm>> -> memref<40xi32, #tpu.memory_space<hbm>>
    %dma_start3A_68 = arith.constant 0 : i32
    %dma_start3A_69 = tpu.memref_slice %arg8[%dma_start3A_62, %dma_start3A_63, %dma_start3A_68] : memref<2x4x40xi32, #tpu.memory_space<vmem>> -> memref<1x1x40xi32, #tpu.memory_space<vmem>>
    %dma_start3A_70 = tpu.memref_squeeze %dma_start3A_69 : memref<1x1x40xi32, #tpu.memory_space<vmem>> -> memref<40xi32, #tpu.memory_space<vmem>>
    %dma_start3A_71 = tpu.memref_slice %arg4[%mul3A_51] : memref<320000xi32, #tpu.memory_space<hbm>> -> memref<40xi32, #tpu.memory_space<hbm>>
    tpu.enqueue_dma source(%dma_start3A_71 : memref<40xi32, #tpu.memory_space<hbm>>) target(%dma_start3A_70 : memref<40xi32, #tpu.memory_space<vmem>>) target_semaphore(%arg13 : memref<!tpu.dma_semaphore, #tpu.memory_space<semaphore_mem>>)
    %dma_start3A_72 = arith.constant 1 : i32
    %dma_start3A_73 = arith.constant 2 : i32
    %dma_start3A_74 = arith.constant 0 : i32
    %dma_start3A_75 = tpu.memref_slice %arg8[%dma_start3A_72, %dma_start3A_73, %dma_start3A_74] : memref<2x4x40xi32, #tpu.memory_space<vmem>> -> memref<1x1x40xi32, #tpu.memory_space<vmem>>
    %dma_start3A_76 = tpu.memref_squeeze %dma_start3A_75 : memref<1x1x40xi32, #tpu.memory_space<vmem>> -> memref<40xi32, #tpu.memory_space<vmem>>
    %dma_start3A_77 = tpu.memref_slice %arg5[%mul3A_51] : memref<320000xi32, #tpu.memory_space<hbm>> -> memref<40xi32, #tpu.memory_space<hbm>>
    %dma_start3A_78 = arith.constant 0 : i32
    %dma_start3A_79 = tpu.memref_slice %arg8[%dma_start3A_72, %dma_start3A_73, %dma_start3A_78] : memref<2x4x40xi32, #tpu.memory_space<vmem>> -> memref<1x1x40xi32, #tpu.memory_space<vmem>>
    %dma_start3A_80 = tpu.memref_squeeze %dma_start3A_79 : memref<1x1x40xi32, #tpu.memory_space<vmem>> -> memref<40xi32, #tpu.memory_space<vmem>>
    %dma_start3A_81 = tpu.memref_slice %arg5[%mul3A_51] : memref<320000xi32, #tpu.memory_space<hbm>> -> memref<40xi32, #tpu.memory_space<hbm>>
    tpu.enqueue_dma source(%dma_start3A_81 : memref<40xi32, #tpu.memory_space<hbm>>) target(%dma_start3A_80 : memref<40xi32, #tpu.memory_space<vmem>>) target_semaphore(%arg13 : memref<!tpu.dma_semaphore, #tpu.memory_space<semaphore_mem>>)
    %dma_start3A_82 = arith.constant 1 : i32
    %dma_start3A_83 = arith.constant 3 : i32
    %dma_start3A_84 = arith.constant 0 : i32
    %dma_start3A_85 = tpu.memref_slice %arg8[%dma_start3A_82, %dma_start3A_83, %dma_start3A_84] : memref<2x4x40xi32, #tpu.memory_space<vmem>> -> memref<1x1x40xi32, #tpu.memory_space<vmem>>
    %dma_start3A_86 = tpu.memref_squeeze %dma_start3A_85 : memref<1x1x40xi32, #tpu.memory_space<vmem>> -> memref<40xi32, #tpu.memory_space<vmem>>
    %dma_start3A_87 = tpu.memref_slice %arg6[%mul3A_51] : memref<320000xi32, #tpu.memory_space<hbm>> -> memref<40xi32, #tpu.memory_space<hbm>>
    %dma_start3A_88 = arith.constant 0 : i32
    %dma_start3A_89 = tpu.memref_slice %arg8[%dma_start3A_82, %dma_start3A_83, %dma_start3A_88] : memref<2x4x40xi32, #tpu.memory_space<vmem>> -> memref<1x1x40xi32, #tpu.memory_space<vmem>>
    %dma_start3A_90 = tpu.memref_squeeze %dma_start3A_89 : memref<1x1x40xi32, #tpu.memory_space<vmem>> -> memref<40xi32, #tpu.memory_space<vmem>>
    %dma_start3A_91 = tpu.memref_slice %arg6[%mul3A_51] : memref<320000xi32, #tpu.memory_space<hbm>> -> memref<40xi32, #tpu.memory_space<hbm>>
    tpu.enqueue_dma source(%dma_start3A_91 : memref<40xi32, #tpu.memory_space<hbm>>) target(%dma_start3A_90 : memref<40xi32, #tpu.memory_space<vmem>>) target_semaphore(%arg13 : memref<!tpu.dma_semaphore, #tpu.memory_space<semaphore_mem>>)
    %dma_wait3A = arith.constant 0 : i32
    %dma_wait3A_92 = arith.constant 0 : i32
    %dma_wait3A_93 = arith.constant 0 : i32
    %dma_wait3A_94 = tpu.memref_slice %arg8[%dma_wait3A, %dma_wait3A_92, %dma_wait3A_93] : memref<2x4x40xi32, #tpu.memory_space<vmem>> -> memref<1x4x40xi32, #tpu.memory_space<vmem>>
    %dma_wait3A_95 = tpu.memref_squeeze %dma_wait3A_94 : memref<1x4x40xi32, #tpu.memory_space<vmem>> -> memref<4x40xi32, #tpu.memory_space<vmem>>
    %dma_wait3A_96 = arith.constant 0 : i32
    %dma_wait3A_97 = tpu.memref_slice %arg3[%dma_wait3A_96] : memref<320000xi32, #tpu.memory_space<hbm>> -> memref<160xi32, #tpu.memory_space<hbm>>
    %dma_wait3A_98 = arith.constant 0 : i32
    %dma_wait3A_99 = arith.constant 0 : i32
    %dma_wait3A_100 = tpu.memref_slice %arg8[%dma_wait3A, %dma_wait3A_98, %dma_wait3A_99] : memref<2x4x40xi32, #tpu.memory_space<vmem>> -> memref<1x4x40xi32, #tpu.memory_space<vmem>>
    %dma_wait3A_101 = tpu.memref_squeeze %dma_wait3A_100 : memref<1x4x40xi32, #tpu.memory_space<vmem>> -> memref<4x40xi32, #tpu.memory_space<vmem>>
    %dma_wait3A_102 = arith.constant 0 : i32
    %dma_wait3A_103 = tpu.memref_slice %arg3[%dma_wait3A_102] : memref<320000xi32, #tpu.memory_space<hbm>> -> memref<160xi32, #tpu.memory_space<hbm>>
    tpu.wait_dma2 semaphore(%arg12 : memref<!tpu.dma_semaphore, #tpu.memory_space<semaphore_mem>>) src(%dma_wait3A_103 : memref<160xi32, #tpu.memory_space<hbm>>) dst(%dma_wait3A_101 : memref<4x40xi32, #tpu.memory_space<vmem>>)
    %dma_start3A_104 = arith.constant 0 : i32
    %dma_start3A_105 = arith.constant 0 : i32
    %dma_start3A_106 = arith.constant 0 : i32
    %dma_start3A_107 = arith.constant 0 : i32
    %dma_start3A_108 = arith.constant 0 : i32
    %dma_start3A_109 = arith.constant 0 : i32
    %dma_start3A_110 = tpu.memref_slice %arg9[%dma_start3A_106, %dma_start3A_107, %dma_start3A_108, %dma_start3A_109] : memref<2x4x40x160xf32, #tpu.memory_space<vmem>> -> memref<1x1x40x160xf32, #tpu.memory_space<vmem>>
    %dma_start3A_111 = tpu.memref_squeeze %dma_start3A_110 : memref<1x1x40x160xf32, #tpu.memory_space<vmem>> -> memref<40x160xf32, #tpu.memory_space<vmem>>
    %dma_start3A_112 = arith.constant 0 : i32
    %dma_start3A_113 = tpu.memref_slice %arg8[%dma_start3A_104, %dma_start3A_105, %dma_start3A_112] : memref<2x4x40xi32, #tpu.memory_space<vmem>> -> memref<1x1x40xi32, #tpu.memory_space<vmem>>
    %dma_start3A_114 = tpu.memref_squeeze %dma_start3A_113 : memref<1x1x40xi32, #tpu.memory_space<vmem>> -> memref<40xi32, #tpu.memory_space<vmem>>
    %dma_start3A_115 = arith.constant 0 : i32
    %dma_start3A_116 = arith.constant 0 : i32
    %dma_start3A_117 = tpu.memref_slice %arg11[%dma_start3A_115, %dma_start3A_116] : memref<4096x160xf32, #tpu.memory_space<vmem_shared>> -> memref<4096x160xf32, #tpu.memory_space<vmem_shared>>
    tpu.enqueue_indirect_dma source(%dma_start3A_117 : memref<4096x160xf32, #tpu.memory_space<vmem_shared>>) target(%dma_start3A_111 : memref<40x160xf32, #tpu.memory_space<vmem>>) offsets(%dma_start3A_114 : memref<40xi32, #tpu.memory_space<vmem>>) semaphore(%arg14 : memref<!tpu.dma_semaphore, #tpu.memory_space<semaphore_mem>>)
    %dma_start3A_118 = arith.constant 0 : i32
    %dma_start3A_119 = arith.constant 1 : i32
    %dma_start3A_120 = arith.constant 0 : i32
    %dma_start3A_121 = arith.constant 1 : i32
    %dma_start3A_122 = arith.constant 0 : i32
    %dma_start3A_123 = arith.constant 0 : i32
    %dma_start3A_124 = tpu.memref_slice %arg9[%dma_start3A_120, %dma_start3A_121, %dma_start3A_122, %dma_start3A_123] : memref<2x4x40x160xf32, #tpu.memory_space<vmem>> -> memref<1x1x40x160xf32, #tpu.memory_space<vmem>>
    %dma_start3A_125 = tpu.memref_squeeze %dma_start3A_124 : memref<1x1x40x160xf32, #tpu.memory_space<vmem>> -> memref<40x160xf32, #tpu.memory_space<vmem>>
    %dma_start3A_126 = arith.constant 0 : i32
    %dma_start3A_127 = tpu.memref_slice %arg8[%dma_start3A_118, %dma_start3A_119, %dma_start3A_126] : memref<2x4x40xi32, #tpu.memory_space<vmem>> -> memref<1x1x40xi32, #tpu.memory_space<vmem>>
    %dma_start3A_128 = tpu.memref_squeeze %dma_start3A_127 : memref<1x1x40xi32, #tpu.memory_space<vmem>> -> memref<40xi32, #tpu.memory_space<vmem>>
    %dma_start3A_129 = arith.constant 0 : i32
    %dma_start3A_130 = arith.constant 0 : i32
    %dma_start3A_131 = tpu.memref_slice %arg11[%dma_start3A_129, %dma_start3A_130] : memref<4096x160xf32, #tpu.memory_space<vmem_shared>> -> memref<4096x160xf32, #tpu.memory_space<vmem_shared>>
    tpu.enqueue_indirect_dma source(%dma_start3A_131 : memref<4096x160xf32, #tpu.memory_space<vmem_shared>>) target(%dma_start3A_125 : memref<40x160xf32, #tpu.memory_space<vmem>>) offsets(%dma_start3A_128 : memref<40xi32, #tpu.memory_space<vmem>>) semaphore(%arg14 : memref<!tpu.dma_semaphore, #tpu.memory_space<semaphore_mem>>)
    %dma_start3A_132 = arith.constant 0 : i32
    %dma_start3A_133 = arith.constant 2 : i32
    %dma_start3A_134 = arith.constant 0 : i32
    %dma_start3A_135 = arith.constant 2 : i32
    %dma_start3A_136 = arith.constant 0 : i32
    %dma_start3A_137 = arith.constant 0 : i32
    %dma_start3A_138 = tpu.memref_slice %arg9[%dma_start3A_134, %dma_start3A_135, %dma_start3A_136, %dma_start3A_137] : memref<2x4x40x160xf32, #tpu.memory_space<vmem>> -> memref<1x1x40x160xf32, #tpu.memory_space<vmem>>
    %dma_start3A_139 = tpu.memref_squeeze %dma_start3A_138 : memref<1x1x40x160xf32, #tpu.memory_space<vmem>> -> memref<40x160xf32, #tpu.memory_space<vmem>>
    %dma_start3A_140 = arith.constant 0 : i32
    %dma_start3A_141 = tpu.memref_slice %arg8[%dma_start3A_132, %dma_start3A_133, %dma_start3A_140] : memref<2x4x40xi32, #tpu.memory_space<vmem>> -> memref<1x1x40xi32, #tpu.memory_space<vmem>>
    %dma_start3A_142 = tpu.memref_squeeze %dma_start3A_141 : memref<1x1x40xi32, #tpu.memory_space<vmem>> -> memref<40xi32, #tpu.memory_space<vmem>>
    %dma_start3A_143 = arith.constant 0 : i32
    %dma_start3A_144 = arith.constant 0 : i32
    %dma_start3A_145 = tpu.memref_slice %arg11[%dma_start3A_143, %dma_start3A_144] : memref<4096x160xf32, #tpu.memory_space<vmem_shared>> -> memref<4096x160xf32, #tpu.memory_space<vmem_shared>>
    tpu.enqueue_indirect_dma source(%dma_start3A_145 : memref<4096x160xf32, #tpu.memory_space<vmem_shared>>) target(%dma_start3A_139 : memref<40x160xf32, #tpu.memory_space<vmem>>) offsets(%dma_start3A_142 : memref<40xi32, #tpu.memory_space<vmem>>) semaphore(%arg14 : memref<!tpu.dma_semaphore, #tpu.memory_space<semaphore_mem>>)
    %dma_start3A_146 = arith.constant 0 : i32
    %dma_start3A_147 = arith.constant 3 : i32
    %dma_start3A_148 = arith.constant 0 : i32
    %dma_start3A_149 = arith.constant 3 : i32
    %dma_start3A_150 = arith.constant 0 : i32
    %dma_start3A_151 = arith.constant 0 : i32
    %dma_start3A_152 = tpu.memref_slice %arg9[%dma_start3A_148, %dma_start3A_149, %dma_start3A_150, %dma_start3A_151] : memref<2x4x40x160xf32, #tpu.memory_space<vmem>> -> memref<1x1x40x160xf32, #tpu.memory_space<vmem>>
    %dma_start3A_153 = tpu.memref_squeeze %dma_start3A_152 : memref<1x1x40x160xf32, #tpu.memory_space<vmem>> -> memref<40x160xf32, #tpu.memory_space<vmem>>
    %dma_start3A_154 = arith.constant 0 : i32
    %dma_start3A_155 = tpu.memref_slice %arg8[%dma_start3A_146, %dma_start3A_147, %dma_start3A_154] : memref<2x4x40xi32, #tpu.memory_space<vmem>> -> memref<1x1x40xi32, #tpu.memory_space<vmem>>
    %dma_start3A_156 = tpu.memref_squeeze %dma_start3A_155 : memref<1x1x40xi32, #tpu.memory_space<vmem>> -> memref<40xi32, #tpu.memory_space<vmem>>
    %dma_start3A_157 = arith.constant 0 : i32
    %dma_start3A_158 = arith.constant 0 : i32
    %dma_start3A_159 = tpu.memref_slice %arg11[%dma_start3A_157, %dma_start3A_158] : memref<4096x160xf32, #tpu.memory_space<vmem_shared>> -> memref<4096x160xf32, #tpu.memory_space<vmem_shared>>
    tpu.enqueue_indirect_dma source(%dma_start3A_159 : memref<4096x160xf32, #tpu.memory_space<vmem_shared>>) target(%dma_start3A_153 : memref<40x160xf32, #tpu.memory_space<vmem>>) offsets(%dma_start3A_156 : memref<40xi32, #tpu.memory_space<vmem>>) semaphore(%arg14 : memref<!tpu.dma_semaphore, #tpu.memory_space<semaphore_mem>>)
    %dma_wait3A_160 = arith.constant 1 : i32
    %dma_wait3A_161 = arith.constant 0 : i32
    %dma_wait3A_162 = arith.constant 0 : i32
    %dma_wait3A_163 = tpu.memref_slice %arg8[%dma_wait3A_160, %dma_wait3A_161, %dma_wait3A_162] : memref<2x4x40xi32, #tpu.memory_space<vmem>> -> memref<1x4x40xi32, #tpu.memory_space<vmem>>
    %dma_wait3A_164 = tpu.memref_squeeze %dma_wait3A_163 : memref<1x4x40xi32, #tpu.memory_space<vmem>> -> memref<4x40xi32, #tpu.memory_space<vmem>>
    %dma_wait3A_165 = arith.constant 0 : i32
    %dma_wait3A_166 = tpu.memref_slice %arg3[%dma_wait3A_165] : memref<320000xi32, #tpu.memory_space<hbm>> -> memref<160xi32, #tpu.memory_space<hbm>>
    %dma_wait3A_167 = arith.constant 0 : i32
    %dma_wait3A_168 = arith.constant 0 : i32
    %dma_wait3A_169 = tpu.memref_slice %arg8[%dma_wait3A_160, %dma_wait3A_167, %dma_wait3A_168] : memref<2x4x40xi32, #tpu.memory_space<vmem>> -> memref<1x4x40xi32, #tpu.memory_space<vmem>>
    %dma_wait3A_170 = tpu.memref_squeeze %dma_wait3A_169 : memref<1x4x40xi32, #tpu.memory_space<vmem>> -> memref<4x40xi32, #tpu.memory_space<vmem>>
    %dma_wait3A_171 = arith.constant 0 : i32
    %dma_wait3A_172 = tpu.memref_slice %arg3[%dma_wait3A_171] : memref<320000xi32, #tpu.memory_space<hbm>> -> memref<160xi32, #tpu.memory_space<hbm>>
    tpu.wait_dma2 semaphore(%arg13 : memref<!tpu.dma_semaphore, #tpu.memory_space<semaphore_mem>>) src(%dma_wait3A_172 : memref<160xi32, #tpu.memory_space<hbm>>) dst(%dma_wait3A_170 : memref<4x40xi32, #tpu.memory_space<vmem>>)
    %dma_start3A_173 = arith.constant 1 : i32
    %dma_start3A_174 = arith.constant 0 : i32
    %dma_start3A_175 = arith.constant 1 : i32
    %dma_start3A_176 = arith.constant 0 : i32
    %dma_start3A_177 = arith.constant 0 : i32
    %dma_start3A_178 = arith.constant 0 : i32
    %dma_start3A_179 = tpu.memref_slice %arg9[%dma_start3A_175, %dma_start3A_176, %dma_start3A_177, %dma_start3A_178] : memref<2x4x40x160xf32, #tpu.memory_space<vmem>> -> memref<1x1x40x160xf32, #tpu.memory_space<vmem>>
    %dma_start3A_180 = tpu.memref_squeeze %dma_start3A_179 : memref<1x1x40x160xf32, #tpu.memory_space<vmem>> -> memref<40x160xf32, #tpu.memory_space<vmem>>
    %dma_start3A_181 = arith.constant 0 : i32
    %dma_start3A_182 = tpu.memref_slice %arg8[%dma_start3A_173, %dma_start3A_174, %dma_start3A_181] : memref<2x4x40xi32, #tpu.memory_space<vmem>> -> memref<1x1x40xi32, #tpu.memory_space<vmem>>
    %dma_start3A_183 = tpu.memref_squeeze %dma_start3A_182 : memref<1x1x40xi32, #tpu.memory_space<vmem>> -> memref<40xi32, #tpu.memory_space<vmem>>
    %dma_start3A_184 = arith.constant 0 : i32
    %dma_start3A_185 = arith.constant 0 : i32
    %dma_start3A_186 = tpu.memref_slice %arg11[%dma_start3A_184, %dma_start3A_185] : memref<4096x160xf32, #tpu.memory_space<vmem_shared>> -> memref<4096x160xf32, #tpu.memory_space<vmem_shared>>
    tpu.enqueue_indirect_dma source(%dma_start3A_186 : memref<4096x160xf32, #tpu.memory_space<vmem_shared>>) target(%dma_start3A_180 : memref<40x160xf32, #tpu.memory_space<vmem>>) offsets(%dma_start3A_183 : memref<40xi32, #tpu.memory_space<vmem>>) semaphore(%arg15 : memref<!tpu.dma_semaphore, #tpu.memory_space<semaphore_mem>>)
    %dma_start3A_187 = arith.constant 1 : i32
    %dma_start3A_188 = arith.constant 1 : i32
    %dma_start3A_189 = arith.constant 1 : i32
    %dma_start3A_190 = arith.constant 1 : i32
    %dma_start3A_191 = arith.constant 0 : i32
    %dma_start3A_192 = arith.constant 0 : i32
    %dma_start3A_193 = tpu.memref_slice %arg9[%dma_start3A_189, %dma_start3A_190, %dma_start3A_191, %dma_start3A_192] : memref<2x4x40x160xf32, #tpu.memory_space<vmem>> -> memref<1x1x40x160xf32, #tpu.memory_space<vmem>>
    %dma_start3A_194 = tpu.memref_squeeze %dma_start3A_193 : memref<1x1x40x160xf32, #tpu.memory_space<vmem>> -> memref<40x160xf32, #tpu.memory_space<vmem>>
    %dma_start3A_195 = arith.constant 0 : i32
    %dma_start3A_196 = tpu.memref_slice %arg8[%dma_start3A_187, %dma_start3A_188, %dma_start3A_195] : memref<2x4x40xi32, #tpu.memory_space<vmem>> -> memref<1x1x40xi32, #tpu.memory_space<vmem>>
    %dma_start3A_197 = tpu.memref_squeeze %dma_start3A_196 : memref<1x1x40xi32, #tpu.memory_space<vmem>> -> memref<40xi32, #tpu.memory_space<vmem>>
    %dma_start3A_198 = arith.constant 0 : i32
    %dma_start3A_199 = arith.constant 0 : i32
    %dma_start3A_200 = tpu.memref_slice %arg11[%dma_start3A_198, %dma_start3A_199] : memref<4096x160xf32, #tpu.memory_space<vmem_shared>> -> memref<4096x160xf32, #tpu.memory_space<vmem_shared>>
    tpu.enqueue_indirect_dma source(%dma_start3A_200 : memref<4096x160xf32, #tpu.memory_space<vmem_shared>>) target(%dma_start3A_194 : memref<40x160xf32, #tpu.memory_space<vmem>>) offsets(%dma_start3A_197 : memref<40xi32, #tpu.memory_space<vmem>>) semaphore(%arg15 : memref<!tpu.dma_semaphore, #tpu.memory_space<semaphore_mem>>)
    %dma_start3A_201 = arith.constant 1 : i32
    %dma_start3A_202 = arith.constant 2 : i32
    %dma_start3A_203 = arith.constant 1 : i32
    %dma_start3A_204 = arith.constant 2 : i32
    %dma_start3A_205 = arith.constant 0 : i32
    %dma_start3A_206 = arith.constant 0 : i32
    %dma_start3A_207 = tpu.memref_slice %arg9[%dma_start3A_203, %dma_start3A_204, %dma_start3A_205, %dma_start3A_206] : memref<2x4x40x160xf32, #tpu.memory_space<vmem>> -> memref<1x1x40x160xf32, #tpu.memory_space<vmem>>
    %dma_start3A_208 = tpu.memref_squeeze %dma_start3A_207 : memref<1x1x40x160xf32, #tpu.memory_space<vmem>> -> memref<40x160xf32, #tpu.memory_space<vmem>>
    %dma_start3A_209 = arith.constant 0 : i32
    %dma_start3A_210 = tpu.memref_slice %arg8[%dma_start3A_201, %dma_start3A_202, %dma_start3A_209] : memref<2x4x40xi32, #tpu.memory_space<vmem>> -> memref<1x1x40xi32, #tpu.memory_space<vmem>>
    %dma_start3A_211 = tpu.memref_squeeze %dma_start3A_210 : memref<1x1x40xi32, #tpu.memory_space<vmem>> -> memref<40xi32, #tpu.memory_space<vmem>>
    %dma_start3A_212 = arith.constant 0 : i32
    %dma_start3A_213 = arith.constant 0 : i32
    %dma_start3A_214 = tpu.memref_slice %arg11[%dma_start3A_212, %dma_start3A_213] : memref<4096x160xf32, #tpu.memory_space<vmem_shared>> -> memref<4096x160xf32, #tpu.memory_space<vmem_shared>>
    tpu.enqueue_indirect_dma source(%dma_start3A_214 : memref<4096x160xf32, #tpu.memory_space<vmem_shared>>) target(%dma_start3A_208 : memref<40x160xf32, #tpu.memory_space<vmem>>) offsets(%dma_start3A_211 : memref<40xi32, #tpu.memory_space<vmem>>) semaphore(%arg15 : memref<!tpu.dma_semaphore, #tpu.memory_space<semaphore_mem>>)
    %dma_start3A_215 = arith.constant 1 : i32
    %dma_start3A_216 = arith.constant 3 : i32
    %dma_start3A_217 = arith.constant 1 : i32
    %dma_start3A_218 = arith.constant 3 : i32
    %dma_start3A_219 = arith.constant 0 : i32
    %dma_start3A_220 = arith.constant 0 : i32
    %dma_start3A_221 = tpu.memref_slice %arg9[%dma_start3A_217, %dma_start3A_218, %dma_start3A_219, %dma_start3A_220] : memref<2x4x40x160xf32, #tpu.memory_space<vmem>> -> memref<1x1x40x160xf32, #tpu.memory_space<vmem>>
    %dma_start3A_222 = tpu.memref_squeeze %dma_start3A_221 : memref<1x1x40x160xf32, #tpu.memory_space<vmem>> -> memref<40x160xf32, #tpu.memory_space<vmem>>
    %dma_start3A_223 = arith.constant 0 : i32
    %dma_start3A_224 = tpu.memref_slice %arg8[%dma_start3A_215, %dma_start3A_216, %dma_start3A_223] : memref<2x4x40xi32, #tpu.memory_space<vmem>> -> memref<1x1x40xi32, #tpu.memory_space<vmem>>
    %dma_start3A_225 = tpu.memref_squeeze %dma_start3A_224 : memref<1x1x40xi32, #tpu.memory_space<vmem>> -> memref<40xi32, #tpu.memory_space<vmem>>
    %dma_start3A_226 = arith.constant 0 : i32
    %dma_start3A_227 = arith.constant 0 : i32
    %dma_start3A_228 = tpu.memref_slice %arg11[%dma_start3A_226, %dma_start3A_227] : memref<4096x160xf32, #tpu.memory_space<vmem_shared>> -> memref<4096x160xf32, #tpu.memory_space<vmem_shared>>
    tpu.enqueue_indirect_dma source(%dma_start3A_228 : memref<4096x160xf32, #tpu.memory_space<vmem_shared>>) target(%dma_start3A_222 : memref<40x160xf32, #tpu.memory_space<vmem>>) offsets(%dma_start3A_225 : memref<40xi32, #tpu.memory_space<vmem>>) semaphore(%arg15 : memref<!tpu.dma_semaphore, #tpu.memory_space<semaphore_mem>>)
    %dma_wait3A_229 = arith.constant 0 : i32
    %dma_wait3A_230 = arith.constant 0 : i32
    %dma_wait3A_231 = arith.constant 0 : i32
    %dma_wait3A_232 = arith.constant 0 : i32
    %dma_wait3A_233 = tpu.memref_slice %arg9[%dma_wait3A_229, %dma_wait3A_230, %dma_wait3A_231, %dma_wait3A_232] : memref<2x4x40x160xf32, #tpu.memory_space<vmem>> -> memref<1x4x40x160xf32, #tpu.memory_space<vmem>>
    %dma_wait3A_234 = tpu.memref_squeeze %dma_wait3A_233 : memref<1x4x40x160xf32, #tpu.memory_space<vmem>> -> memref<4x40x160xf32, #tpu.memory_space<vmem>>
    %dma_wait3A_235 = arith.constant 0 : i32
    %dma_wait3A_236 = tpu.memref_slice %arg7[%dma_wait3A_235] : memref<51200000xf32, #tpu.memory_space<hbm>> -> memref<25600xf32, #tpu.memory_space<hbm>>
    %dma_wait3A_237 = arith.constant 0 : i32
    %dma_wait3A_238 = arith.constant 0 : i32
    %dma_wait3A_239 = arith.constant 0 : i32
    %dma_wait3A_240 = tpu.memref_slice %arg9[%dma_wait3A_229, %dma_wait3A_237, %dma_wait3A_238, %dma_wait3A_239] : memref<2x4x40x160xf32, #tpu.memory_space<vmem>> -> memref<1x4x40x160xf32, #tpu.memory_space<vmem>>
    %dma_wait3A_241 = tpu.memref_squeeze %dma_wait3A_240 : memref<1x4x40x160xf32, #tpu.memory_space<vmem>> -> memref<4x40x160xf32, #tpu.memory_space<vmem>>
    %dma_wait3A_242 = arith.constant 0 : i32
    %dma_wait3A_243 = tpu.memref_slice %arg7[%dma_wait3A_242] : memref<51200000xf32, #tpu.memory_space<hbm>> -> memref<25600xf32, #tpu.memory_space<hbm>>
    tpu.wait_dma2 semaphore(%arg14 : memref<!tpu.dma_semaphore, #tpu.memory_space<semaphore_mem>>) src(%dma_wait3A_243 : memref<25600xf32, #tpu.memory_space<hbm>>) dst(%dma_wait3A_241 : memref<4x40x160xf32, #tpu.memory_space<vmem>>)
    %add3A_244 = arith.constant 2 : i32
    %add3A_245 = arith.addi %mul3A_2, %add3A_244 : i32
    %mul3A_246 = arith.constant 40 : i32
    %mul3A_247 = arith.muli %add3A_245, %mul3A_246 : i32
    %dma_start3A_248 = arith.constant 0 : i32
    %dma_start3A_249 = arith.constant 0 : i32
    %dma_start3A_250 = arith.constant 0 : i32
    %dma_start3A_251 = tpu.memref_slice %arg8[%dma_start3A_248, %dma_start3A_249, %dma_start3A_250] : memref<2x4x40xi32, #tpu.memory_space<vmem>> -> memref<1x1x40xi32, #tpu.memory_space<vmem>>
    %dma_start3A_252 = tpu.memref_squeeze %dma_start3A_251 : memref<1x1x40xi32, #tpu.memory_space<vmem>> -> memref<40xi32, #tpu.memory_space<vmem>>
    %dma_start3A_253 = tpu.memref_slice %arg3[%mul3A_247] : memref<320000xi32, #tpu.memory_space<hbm>> -> memref<40xi32, #tpu.memory_space<hbm>>
    %dma_start3A_254 = arith.constant 0 : i32
    %dma_start3A_255 = tpu.memref_slice %arg8[%dma_start3A_248, %dma_start3A_249, %dma_start3A_254] : memref<2x4x40xi32, #tpu.memory_space<vmem>> -> memref<1x1x40xi32, #tpu.memory_space<vmem>>
    %dma_start3A_256 = tpu.memref_squeeze %dma_start3A_255 : memref<1x1x40xi32, #tpu.memory_space<vmem>> -> memref<40xi32, #tpu.memory_space<vmem>>
    %dma_start3A_257 = tpu.memref_slice %arg3[%mul3A_247] : memref<320000xi32, #tpu.memory_space<hbm>> -> memref<40xi32, #tpu.memory_space<hbm>>
    tpu.enqueue_dma source(%dma_start3A_257 : memref<40xi32, #tpu.memory_space<hbm>>) target(%dma_start3A_256 : memref<40xi32, #tpu.memory_space<vmem>>) target_semaphore(%arg12 : memref<!tpu.dma_semaphore, #tpu.memory_space<semaphore_mem>>)
    %dma_start3A_258 = arith.constant 0 : i32
    %dma_start3A_259 = arith.constant 1 : i32
    %dma_start3A_260 = arith.constant 0 : i32
    %dma_start3A_261 = tpu.memref_slice %arg8[%dma_start3A_258, %dma_start3A_259, %dma_start3A_260] : memref<2x4x40xi32, #tpu.memory_space<vmem>> -> memref<1x1x40xi32, #tpu.memory_space<vmem>>
    %dma_start3A_262 = tpu.memref_squeeze %dma_start3A_261 : memref<1x1x40xi32, #tpu.memory_space<vmem>> -> memref<40xi32, #tpu.memory_space<vmem>>
    %dma_start3A_263 = tpu.memref_slice %arg4[%mul3A_247] : memref<320000xi32, #tpu.memory_space<hbm>> -> memref<40xi32, #tpu.memory_space<hbm>>
    %dma_start3A_264 = arith.constant 0 : i32
    %dma_start3A_265 = tpu.memref_slice %arg8[%dma_start3A_258, %dma_start3A_259, %dma_start3A_264] : memref<2x4x40xi32, #tpu.memory_space<vmem>> -> memref<1x1x40xi32, #tpu.memory_space<vmem>>
    %dma_start3A_266 = tpu.memref_squeeze %dma_start3A_265 : memref<1x1x40xi32, #tpu.memory_space<vmem>> -> memref<40xi32, #tpu.memory_space<vmem>>
    %dma_start3A_267 = tpu.memref_slice %arg4[%mul3A_247] : memref<320000xi32, #tpu.memory_space<hbm>> -> memref<40xi32, #tpu.memory_space<hbm>>
    tpu.enqueue_dma source(%dma_start3A_267 : memref<40xi32, #tpu.memory_space<hbm>>) target(%dma_start3A_266 : memref<40xi32, #tpu.memory_space<vmem>>) target_semaphore(%arg12 : memref<!tpu.dma_semaphore, #tpu.memory_space<semaphore_mem>>)
    %dma_start3A_268 = arith.constant 0 : i32
    %dma_start3A_269 = arith.constant 2 : i32
    %dma_start3A_270 = arith.constant 0 : i32
    %dma_start3A_271 = tpu.memref_slice %arg8[%dma_start3A_268, %dma_start3A_269, %dma_start3A_270] : memref<2x4x40xi32, #tpu.memory_space<vmem>> -> memref<1x1x40xi32, #tpu.memory_space<vmem>>
    %dma_start3A_272 = tpu.memref_squeeze %dma_start3A_271 : memref<1x1x40xi32, #tpu.memory_space<vmem>> -> memref<40xi32, #tpu.memory_space<vmem>>
    %dma_start3A_273 = tpu.memref_slice %arg5[%mul3A_247] : memref<320000xi32, #tpu.memory_space<hbm>> -> memref<40xi32, #tpu.memory_space<hbm>>
    %dma_start3A_274 = arith.constant 0 : i32
    %dma_start3A_275 = tpu.memref_slice %arg8[%dma_start3A_268, %dma_start3A_269, %dma_start3A_274] : memref<2x4x40xi32, #tpu.memory_space<vmem>> -> memref<1x1x40xi32, #tpu.memory_space<vmem>>
    %dma_start3A_276 = tpu.memref_squeeze %dma_start3A_275 : memref<1x1x40xi32, #tpu.memory_space<vmem>> -> memref<40xi32, #tpu.memory_space<vmem>>
    %dma_start3A_277 = tpu.memref_slice %arg5[%mul3A_247] : memref<320000xi32, #tpu.memory_space<hbm>> -> memref<40xi32, #tpu.memory_space<hbm>>
    tpu.enqueue_dma source(%dma_start3A_277 : memref<40xi32, #tpu.memory_space<hbm>>) target(%dma_start3A_276 : memref<40xi32, #tpu.memory_space<vmem>>) target_semaphore(%arg12 : memref<!tpu.dma_semaphore, #tpu.memory_space<semaphore_mem>>)
    %dma_start3A_278 = arith.constant 0 : i32
    %dma_start3A_279 = arith.constant 3 : i32
    %dma_start3A_280 = arith.constant 0 : i32
    %dma_start3A_281 = tpu.memref_slice %arg8[%dma_start3A_278, %dma_start3A_279, %dma_start3A_280] : memref<2x4x40xi32, #tpu.memory_space<vmem>> -> memref<1x1x40xi32, #tpu.memory_space<vmem>>
    %dma_start3A_282 = tpu.memref_squeeze %dma_start3A_281 : memref<1x1x40xi32, #tpu.memory_space<vmem>> -> memref<40xi32, #tpu.memory_space<vmem>>
    %dma_start3A_283 = tpu.memref_slice %arg6[%mul3A_247] : memref<320000xi32, #tpu.memory_space<hbm>> -> memref<40xi32, #tpu.memory_space<hbm>>
    %dma_start3A_284 = arith.constant 0 : i32
    %dma_start3A_285 = tpu.memref_slice %arg8[%dma_start3A_278, %dma_start3A_279, %dma_start3A_284] : memref<2x4x40xi32, #tpu.memory_space<vmem>> -> memref<1x1x40xi32, #tpu.memory_space<vmem>>
    %dma_start3A_286 = tpu.memref_squeeze %dma_start3A_285 : memref<1x1x40xi32, #tpu.memory_space<vmem>> -> memref<40xi32, #tpu.memory_space<vmem>>
    %dma_start3A_287 = tpu.memref_slice %arg6[%mul3A_247] : memref<320000xi32, #tpu.memory_space<hbm>> -> memref<40xi32, #tpu.memory_space<hbm>>
    tpu.enqueue_dma source(%dma_start3A_287 : memref<40xi32, #tpu.memory_space<hbm>>) target(%dma_start3A_286 : memref<40xi32, #tpu.memory_space<vmem>>) target_semaphore(%arg12 : memref<!tpu.dma_semaphore, #tpu.memory_space<semaphore_mem>>)
    %scan3A = arith.constant 0 : i32
    %scan3A_288 = arith.constant 0 : i32
    %scan3A_289 = arith.constant 40 : i32
    %scan3A_290 = arith.addi %scan3A_288, %scan3A_289 : i32
    %scan3A_291 = arith.constant 1 : i32
    scf.for %scan3A_379 = %scan3A_288 to %scan3A_290 step %scan3A_291  : i32 {
      %get3A = arith.constant 0 : i32
      %get3A_380 = arith.constant 0 : i32
      %get3A_381 = arith.index_cast %get3A : i32 to index
      %get3A_382 = arith.index_cast %get3A_380 : i32 to index
      %get3A_383 = arith.index_cast %scan3A_379 : i32 to index
      %get3A_384 = arith.constant 0 : index
      %get3A_385 = tpu.vector_load %arg9[%get3A_381, %get3A_382, %get3A_383, %get3A_384] {strides = array<i32>} : memref<2x4x40x160xf32, #tpu.memory_space<vmem>>, vector<1x1x1x16xf32>,
      %get3A_386 = vector.shape_cast %get3A_385 : vector<1x1x1x16xf32> to vector<16xf32>
      %get3A_387 = arith.constant 0 : i32
      %get3A_388 = arith.constant 1 : i32
      %get3A_389 = arith.index_cast %get3A_387 : i32 to index
      %get3A_390 = arith.index_cast %get3A_388 : i32 to index
      %get3A_391 = arith.index_cast %scan3A_379 : i32 to index
      %get3A_392 = arith.constant 0 : index
      %get3A_393 = tpu.vector_load %arg9[%get3A_389, %get3A_390, %get3A_391, %get3A_392] {strides = array<i32>} : memref<2x4x40x160xf32, #tpu.memory_space<vmem>>, vector<1x1x1x16xf32>,
      %get3A_394 = vector.shape_cast %get3A_393 : vector<1x1x1x16xf32> to vector<16xf32>
      %add3A_395 = arith.addf %get3A_386, %get3A_394 : vector<16xf32>
      %get3A_396 = arith.constant 0 : i32
      %get3A_397 = arith.constant 2 : i32
      %get3A_398 = arith.index_cast %get3A_396 : i32 to index
      %get3A_399 = arith.index_cast %get3A_397 : i32 to index
      %get3A_400 = arith.index_cast %scan3A_379 : i32 to index
      %get3A_401 = arith.constant 0 : index
      %get3A_402 = tpu.vector_load %arg9[%get3A_398, %get3A_399, %get3A_400, %get3A_401] {strides = array<i32>} : memref<2x4x40x160xf32, #tpu.memory_space<vmem>>, vector<1x1x1x16xf32>,
      %get3A_403 = vector.shape_cast %get3A_402 : vector<1x1x1x16xf32> to vector<16xf32>
      %get3A_404 = arith.constant 0 : i32
      %get3A_405 = arith.constant 3 : i32
      %get3A_406 = arith.index_cast %get3A_404 : i32 to index
      %get3A_407 = arith.index_cast %get3A_405 : i32 to index
      %get3A_408 = arith.index_cast %scan3A_379 : i32 to index
      %get3A_409 = arith.constant 0 : index
      %get3A_410 = tpu.vector_load %arg9[%get3A_406, %get3A_407, %get3A_408, %get3A_409] {strides = array<i32>} : memref<2x4x40x160xf32, #tpu.memory_space<vmem>>, vector<1x1x1x16xf32>,
      %get3A_411 = vector.shape_cast %get3A_410 : vector<1x1x1x16xf32> to vector<16xf32>
      %add3A_412 = arith.addf %get3A_403, %get3A_411 : vector<16xf32>
      %add3A_413 = arith.addf %add3A_395, %add3A_412 : vector<16xf32>
      %max3A = arith.constant 0.000000e+00 : f32
      %max3A_414 = vector.broadcast %max3A : f32 to vector<16xf32>
      %max3A_415 = arith.maximumf %add3A_413, %max3A_414 : vector<16xf32>
      %mul3A_416 = arith.constant 160 : i32
      %mul3A_417 = arith.muli %scan3A_379, %mul3A_416 : i32
      %add3A_418 = arith.constant 0 : i32
      %add3A_419 = arith.addi %mul3A_417, %add3A_418 : i32
      %swap3A = arith.constant 0 : i32
      %swap3A_420 = arith.index_cast %swap3A : i32 to index
      %swap3A_421 = arith.index_cast %add3A_419 : i32 to index
      %swap3A_422 = tpu.vector_load %arg10[%swap3A_420, %swap3A_421] {strides = array<i32>} : memref<2x6400xf32, #tpu.memory_space<vmem>>, vector<1x16xf32>,
      %swap3A_423 = vector.shape_cast %swap3A_422 : vector<1x16xf32> to vector<16xf32>
      %swap3A_424 = vector.shape_cast %max3A_415 : vector<16xf32> to vector<1x16xf32>
      tpu.vector_store %arg10[%swap3A_420, %swap3A_421], %swap3A_424 {strides = array<i32>} : memref<2x6400xf32, #tpu.memory_space<vmem>>, vector<1x16xf32>,
      %get3A_425 = arith.constant 0 : i32
      %get3A_426 = arith.constant 0 : i32
      %get3A_427 = arith.index_cast %get3A_425 : i32 to index
      %get3A_428 = arith.index_cast %get3A_426 : i32 to index
      %get3A_429 = arith.index_cast %scan3A_379 : i32 to index
      %get3A_430 = arith.constant 16 : index
      %get3A_431 = tpu.vector_load %arg9[%get3A_427, %get3A_428, %get3A_429, %get3A_430] {strides = array<i32>} : memref<2x4x40x160xf32, #tpu.memory_space<vmem>>, vector<1x1x1x16xf32>,
      %get3A_432 = vector.shape_cast %get3A_431 : vector<1x1x1x16xf32> to vector<16xf32>
      %get3A_433 = arith.constant 0 : i32
      %get3A_434 = arith.constant 1 : i32
      %get3A_435 = arith.index_cast %get3A_433 : i32 to index
      %get3A_436 = arith.index_cast %get3A_434 : i32 to index
      %get3A_437 = arith.index_cast %scan3A_379 : i32 to index
      %get3A_438 = arith.constant 16 : index
      %get3A_439 = tpu.vector_load %arg9[%get3A_435, %get3A_436, %get3A_437, %get3A_438] {strides = array<i32>} : memref<2x4x40x160xf32, #tpu.memory_space<vmem>>, vector<1x1x1x16xf32>,
      %get3A_440 = vector.shape_cast %get3A_439 : vector<1x1x1x16xf32> to vector<16xf32>
      %add3A_441 = arith.addf %get3A_432, %get3A_440 : vector<16xf32>
      %get3A_442 = arith.constant 0 : i32
      %get3A_443 = arith.constant 2 : i32
      %get3A_444 = arith.index_cast %get3A_442 : i32 to index
      %get3A_445 = arith.index_cast %get3A_443 : i32 to index
      %get3A_446 = arith.index_cast %scan3A_379 : i32 to index
      %get3A_447 = arith.constant 16 : index
      %get3A_448 = tpu.vector_load %arg9[%get3A_444, %get3A_445, %get3A_446, %get3A_447] {strides = array<i32>} : memref<2x4x40x160xf32, #tpu.memory_space<vmem>>, vector<1x1x1x16xf32>,
      %get3A_449 = vector.shape_cast %get3A_448 : vector<1x1x1x16xf32> to vector<16xf32>
      %get3A_450 = arith.constant 0 : i32
      %get3A_451 = arith.constant 3 : i32
      %get3A_452 = arith.index_cast %get3A_450 : i32 to index
      %get3A_453 = arith.index_cast %get3A_451 : i32 to index
      %get3A_454 = arith.index_cast %scan3A_379 : i32 to index
      %get3A_455 = arith.constant 16 : index
      %get3A_456 = tpu.vector_load %arg9[%get3A_452, %get3A_453, %get3A_454, %get3A_455] {strides = array<i32>} : memref<2x4x40x160xf32, #tpu.memory_space<vmem>>, vector<1x1x1x16xf32>,
      %get3A_457 = vector.shape_cast %get3A_456 : vector<1x1x1x16xf32> to vector<16xf32>
      %add3A_458 = arith.addf %get3A_449, %get3A_457 : vector<16xf32>
      %add3A_459 = arith.addf %add3A_441, %add3A_458 : vector<16xf32>
      %max3A_460 = arith.constant 0.000000e+00 : f32
      %max3A_461 = vector.broadcast %max3A_460 : f32 to vector<16xf32>
      %max3A_462 = arith.maximumf %add3A_459, %max3A_461 : vector<16xf32>
      %mul3A_463 = arith.constant 160 : i32
      %mul3A_464 = arith.muli %scan3A_379, %mul3A_463 : i32
      %add3A_465 = arith.constant 16 : i32
      %add3A_466 = arith.addi %mul3A_464, %add3A_465 : i32
      %swap3A_467 = arith.constant 0 : i32
      %swap3A_468 = arith.index_cast %swap3A_467 : i32 to index
      %swap3A_469 = arith.index_cast %add3A_466 : i32 to index
      %swap3A_470 = tpu.vector_load %arg10[%swap3A_468, %swap3A_469] {strides = array<i32>} : memref<2x6400xf32, #tpu.memory_space<vmem>>, vector<1x16xf32>,
      %swap3A_471 = vector.shape_cast %swap3A_470 : vector<1x16xf32> to vector<16xf32>
      %swap3A_472 = vector.shape_cast %max3A_462 : vector<16xf32> to vector<1x16xf32>
      tpu.vector_store %arg10[%swap3A_468, %swap3A_469], %swap3A_472 {strides = array<i32>} : memref<2x6400xf32, #tpu.memory_space<vmem>>, vector<1x16xf32>,
      %get3A_473 = arith.constant 0 : i32
      %get3A_474 = arith.constant 0 : i32
      %get3A_475 = arith.index_cast %get3A_473 : i32 to index
      %get3A_476 = arith.index_cast %get3A_474 : i32 to index
      %get3A_477 = arith.index_cast %scan3A_379 : i32 to index
      %get3A_478 = arith.constant 32 : index
      %get3A_479 = tpu.vector_load %arg9[%get3A_475, %get3A_476, %get3A_477, %get3A_478] {strides = array<i32>} : memref<2x4x40x160xf32, #tpu.memory_space<vmem>>, vector<1x1x1x16xf32>,
      %get3A_480 = vector.shape_cast %get3A_479 : vector<1x1x1x16xf32> to vector<16xf32>
      %get3A_481 = arith.constant 0 : i32
      %get3A_482 = arith.constant 1 : i32
      %get3A_483 = arith.index_cast %get3A_481 : i32 to index
      %get3A_484 = arith.index_cast %get3A_482 : i32 to index
      %get3A_485 = arith.index_cast %scan3A_379 : i32 to index
      %get3A_486 = arith.constant 32 : index
      %get3A_487 = tpu.vector_load %arg9[%get3A_483, %get3A_484, %get3A_485, %get3A_486] {strides = array<i32>} : memref<2x4x40x160xf32, #tpu.memory_space<vmem>>, vector<1x1x1x16xf32>,
      %get3A_488 = vector.shape_cast %get3A_487 : vector<1x1x1x16xf32> to vector<16xf32>
      %add3A_489 = arith.addf %get3A_480, %get3A_488 : vector<16xf32>
      %get3A_490 = arith.constant 0 : i32
      %get3A_491 = arith.constant 2 : i32
      %get3A_492 = arith.index_cast %get3A_490 : i32 to index
      %get3A_493 = arith.index_cast %get3A_491 : i32 to index
      %get3A_494 = arith.index_cast %scan3A_379 : i32 to index
      %get3A_495 = arith.constant 32 : index
      %get3A_496 = tpu.vector_load %arg9[%get3A_492, %get3A_493, %get3A_494, %get3A_495] {strides = array<i32>} : memref<2x4x40x160xf32, #tpu.memory_space<vmem>>, vector<1x1x1x16xf32>,
      %get3A_497 = vector.shape_cast %get3A_496 : vector<1x1x1x16xf32> to vector<16xf32>
      %get3A_498 = arith.constant 0 : i32
      %get3A_499 = arith.constant 3 : i32
      %get3A_500 = arith.index_cast %get3A_498 : i32 to index
      %get3A_501 = arith.index_cast %get3A_499 : i32 to index
      %get3A_502 = arith.index_cast %scan3A_379 : i32 to index
      %get3A_503 = arith.constant 32 : index
      %get3A_504 = tpu.vector_load %arg9[%get3A_500, %get3A_501, %get3A_502, %get3A_503] {strides = array<i32>} : memref<2x4x40x160xf32, #tpu.memory_space<vmem>>, vector<1x1x1x16xf32>,
      %get3A_505 = vector.shape_cast %get3A_504 : vector<1x1x1x16xf32> to vector<16xf32>
      %add3A_506 = arith.addf %get3A_497, %get3A_505 : vector<16xf32>
      %add3A_507 = arith.addf %add3A_489, %add3A_506 : vector<16xf32>
      %max3A_508 = arith.constant 0.000000e+00 : f32
      %max3A_509 = vector.broadcast %max3A_508 : f32 to vector<16xf32>
      %max3A_510 = arith.maximumf %add3A_507, %max3A_509 : vector<16xf32>
      %mul3A_511 = arith.constant 160 : i32
      %mul3A_512 = arith.muli %scan3A_379, %mul3A_511 : i32
      %add3A_513 = arith.constant 32 : i32
      %add3A_514 = arith.addi %mul3A_512, %add3A_513 : i32
      %swap3A_515 = arith.constant 0 : i32
      %swap3A_516 = arith.index_cast %swap3A_515 : i32 to index
      %swap3A_517 = arith.index_cast %add3A_514 : i32 to index
      %swap3A_518 = tpu.vector_load %arg10[%swap3A_516, %swap3A_517] {strides = array<i32>} : memref<2x6400xf32, #tpu.memory_space<vmem>>, vector<1x16xf32>,
      %swap3A_519 = vector.shape_cast %swap3A_518 : vector<1x16xf32> to vector<16xf32>
      %swap3A_520 = vector.shape_cast %max3A_510 : vector<16xf32> to vector<1x16xf32>
      tpu.vector_store %arg10[%swap3A_516, %swap3A_517], %swap3A_520 {strides = array<i32>} : memref<2x6400xf32, #tpu.memory_space<vmem>>, vector<1x16xf32>,
      %get3A_521 = arith.constant 0 : i32
      %get3A_522 = arith.constant 0 : i32
      %get3A_523 = arith.index_cast %get3A_521 : i32 to index
      %get3A_524 = arith.index_cast %get3A_522 : i32 to index
      %get3A_525 = arith.index_cast %scan3A_379 : i32 to index
      %get3A_526 = arith.constant 48 : index
      %get3A_527 = tpu.vector_load %arg9[%get3A_523, %get3A_524, %get3A_525, %get3A_526] {strides = array<i32>} : memref<2x4x40x160xf32, #tpu.memory_space<vmem>>, vector<1x1x1x16xf32>,
      %get3A_528 = vector.shape_cast %get3A_527 : vector<1x1x1x16xf32> to vector<16xf32>
      %get3A_529 = arith.constant 0 : i32
      %get3A_530 = arith.constant 1 : i32
      %get3A_531 = arith.index_cast %get3A_529 : i32 to index
      %get3A_532 = arith.index_cast %get3A_530 : i32 to index
      %get3A_533 = arith.index_cast %scan3A_379 : i32 to index
      %get3A_534 = arith.constant 48 : index
      %get3A_535 = tpu.vector_load %arg9[%get3A_531, %get3A_532, %get3A_533, %get3A_534] {strides = array<i32>} : memref<2x4x40x160xf32, #tpu.memory_space<vmem>>, vector<1x1x1x16xf32>,
      %get3A_536 = vector.shape_cast %get3A_535 : vector<1x1x1x16xf32> to vector<16xf32>
      %add3A_537 = arith.addf %get3A_528, %get3A_536 : vector<16xf32>
      %get3A_538 = arith.constant 0 : i32
      %get3A_539 = arith.constant 2 : i32
      %get3A_540 = arith.index_cast %get3A_538 : i32 to index
      %get3A_541 = arith.index_cast %get3A_539 : i32 to index
      %get3A_542 = arith.index_cast %scan3A_379 : i32 to index
      %get3A_543 = arith.constant 48 : index
      %get3A_544 = tpu.vector_load %arg9[%get3A_540, %get3A_541, %get3A_542, %get3A_543] {strides = array<i32>} : memref<2x4x40x160xf32, #tpu.memory_space<vmem>>, vector<1x1x1x16xf32>,
      %get3A_545 = vector.shape_cast %get3A_544 : vector<1x1x1x16xf32> to vector<16xf32>
      %get3A_546 = arith.constant 0 : i32
      %get3A_547 = arith.constant 3 : i32
      %get3A_548 = arith.index_cast %get3A_546 : i32 to index
      %get3A_549 = arith.index_cast %get3A_547 : i32 to index
      %get3A_550 = arith.index_cast %scan3A_379 : i32 to index
      %get3A_551 = arith.constant 48 : index
      %get3A_552 = tpu.vector_load %arg9[%get3A_548, %get3A_549, %get3A_550, %get3A_551] {strides = array<i32>} : memref<2x4x40x160xf32, #tpu.memory_space<vmem>>, vector<1x1x1x16xf32>,
      %get3A_553 = vector.shape_cast %get3A_552 : vector<1x1x1x16xf32> to vector<16xf32>
      %add3A_554 = arith.addf %get3A_545, %get3A_553 : vector<16xf32>
      %add3A_555 = arith.addf %add3A_537, %add3A_554 : vector<16xf32>
      %max3A_556 = arith.constant 0.000000e+00 : f32
      %max3A_557 = vector.broadcast %max3A_556 : f32 to vector<16xf32>
      %max3A_558 = arith.maximumf %add3A_555, %max3A_557 : vector<16xf32>
      %mul3A_559 = arith.constant 160 : i32
      %mul3A_560 = arith.muli %scan3A_379, %mul3A_559 : i32
      %add3A_561 = arith.constant 48 : i32
      %add3A_562 = arith.addi %mul3A_560, %add3A_561 : i32
      %swap3A_563 = arith.constant 0 : i32
      %swap3A_564 = arith.index_cast %swap3A_563 : i32 to index
      %swap3A_565 = arith.index_cast %add3A_562 : i32 to index
      %swap3A_566 = tpu.vector_load %arg10[%swap3A_564, %swap3A_565] {strides = array<i32>} : memref<2x6400xf32, #tpu.memory_space<vmem>>, vector<1x16xf32>,
      %swap3A_567 = vector.shape_cast %swap3A_566 : vector<1x16xf32> to vector<16xf32>
      %swap3A_568 = vector.shape_cast %max3A_558 : vector<16xf32> to vector<1x16xf32>
      tpu.vector_store %arg10[%swap3A_564, %swap3A_565], %swap3A_568 {strides = array<i32>} : memref<2x6400xf32, #tpu.memory_space<vmem>>, vector<1x16xf32>,
      %get3A_569 = arith.constant 0 : i32
      %get3A_570 = arith.constant 0 : i32
      %get3A_571 = arith.index_cast %get3A_569 : i32 to index
      %get3A_572 = arith.index_cast %get3A_570 : i32 to index
      %get3A_573 = arith.index_cast %scan3A_379 : i32 to index
      %get3A_574 = arith.constant 64 : index
      %get3A_575 = tpu.vector_load %arg9[%get3A_571, %get3A_572, %get3A_573, %get3A_574] {strides = array<i32>} : memref<2x4x40x160xf32, #tpu.memory_space<vmem>>, vector<1x1x1x16xf32>,
      %get3A_576 = vector.shape_cast %get3A_575 : vector<1x1x1x16xf32> to vector<16xf32>
      %get3A_577 = arith.constant 0 : i32
      %get3A_578 = arith.constant 1 : i32
      %get3A_579 = arith.index_cast %get3A_577 : i32 to index
      %get3A_580 = arith.index_cast %get3A_578 : i32 to index
      %get3A_581 = arith.index_cast %scan3A_379 : i32 to index
      %get3A_582 = arith.constant 64 : index
      %get3A_583 = tpu.vector_load %arg9[%get3A_579, %get3A_580, %get3A_581, %get3A_582] {strides = array<i32>} : memref<2x4x40x160xf32, #tpu.memory_space<vmem>>, vector<1x1x1x16xf32>,
      %get3A_584 = vector.shape_cast %get3A_583 : vector<1x1x1x16xf32> to vector<16xf32>
      %add3A_585 = arith.addf %get3A_576, %get3A_584 : vector<16xf32>
      %get3A_586 = arith.constant 0 : i32
      %get3A_587 = arith.constant 2 : i32
      %get3A_588 = arith.index_cast %get3A_586 : i32 to index
      %get3A_589 = arith.index_cast %get3A_587 : i32 to index
      %get3A_590 = arith.index_cast %scan3A_379 : i32 to index
      %get3A_591 = arith.constant 64 : index
      %get3A_592 = tpu.vector_load %arg9[%get3A_588, %get3A_589, %get3A_590, %get3A_591] {strides = array<i32>} : memref<2x4x40x160xf32, #tpu.memory_space<vmem>>, vector<1x1x1x16xf32>,
      %get3A_593 = vector.shape_cast %get3A_592 : vector<1x1x1x16xf32> to vector<16xf32>
      %get3A_594 = arith.constant 0 : i32
      %get3A_595 = arith.constant 3 : i32
      %get3A_596 = arith.index_cast %get3A_594 : i32 to index
      %get3A_597 = arith.index_cast %get3A_595 : i32 to index
      %get3A_598 = arith.index_cast %scan3A_379 : i32 to index
      %get3A_599 = arith.constant 64 : index
      %get3A_600 = tpu.vector_load %arg9[%get3A_596, %get3A_597, %get3A_598, %get3A_599] {strides = array<i32>} : memref<2x4x40x160xf32, #tpu.memory_space<vmem>>, vector<1x1x1x16xf32>,
      %get3A_601 = vector.shape_cast %get3A_600 : vector<1x1x1x16xf32> to vector<16xf32>
      %add3A_602 = arith.addf %get3A_593, %get3A_601 : vector<16xf32>
      %add3A_603 = arith.addf %add3A_585, %add3A_602 : vector<16xf32>
      %max3A_604 = arith.constant 0.000000e+00 : f32
      %max3A_605 = vector.broadcast %max3A_604 : f32 to vector<16xf32>
      %max3A_606 = arith.maximumf %add3A_603, %max3A_605 : vector<16xf32>
      %mul3A_607 = arith.constant 160 : i32
      %mul3A_608 = arith.muli %scan3A_379, %mul3A_607 : i32
      %add3A_609 = arith.constant 64 : i32
      %add3A_610 = arith.addi %mul3A_608, %add3A_609 : i32
      %swap3A_611 = arith.constant 0 : i32
      %swap3A_612 = arith.index_cast %swap3A_611 : i32 to index
      %swap3A_613 = arith.index_cast %add3A_610 : i32 to index
      %swap3A_614 = tpu.vector_load %arg10[%swap3A_612, %swap3A_613] {strides = array<i32>} : memref<2x6400xf32, #tpu.memory_space<vmem>>, vector<1x16xf32>,
      %swap3A_615 = vector.shape_cast %swap3A_614 : vector<1x16xf32> to vector<16xf32>
      %swap3A_616 = vector.shape_cast %max3A_606 : vector<16xf32> to vector<1x16xf32>
      tpu.vector_store %arg10[%swap3A_612, %swap3A_613], %swap3A_616 {strides = array<i32>} : memref<2x6400xf32, #tpu.memory_space<vmem>>, vector<1x16xf32>,
      %get3A_617 = arith.constant 0 : i32
      %get3A_618 = arith.constant 0 : i32
      %get3A_619 = arith.index_cast %get3A_617 : i32 to index
      %get3A_620 = arith.index_cast %get3A_618 : i32 to index
      %get3A_621 = arith.index_cast %scan3A_379 : i32 to index
      %get3A_622 = arith.constant 80 : index
      %get3A_623 = tpu.vector_load %arg9[%get3A_619, %get3A_620, %get3A_621, %get3A_622] {strides = array<i32>} : memref<2x4x40x160xf32, #tpu.memory_space<vmem>>, vector<1x1x1x16xf32>,
      %get3A_624 = vector.shape_cast %get3A_623 : vector<1x1x1x16xf32> to vector<16xf32>
      %get3A_625 = arith.constant 0 : i32
      %get3A_626 = arith.constant 1 : i32
      %get3A_627 = arith.index_cast %get3A_625 : i32 to index
      %get3A_628 = arith.index_cast %get3A_626 : i32 to index
      %get3A_629 = arith.index_cast %scan3A_379 : i32 to index
      %get3A_630 = arith.constant 80 : index
      %get3A_631 = tpu.vector_load %arg9[%get3A_627, %get3A_628, %get3A_629, %get3A_630] {strides = array<i32>} : memref<2x4x40x160xf32, #tpu.memory_space<vmem>>, vector<1x1x1x16xf32>,
      %get3A_632 = vector.shape_cast %get3A_631 : vector<1x1x1x16xf32> to vector<16xf32>
      %add3A_633 = arith.addf %get3A_624, %get3A_632 : vector<16xf32>
      %get3A_634 = arith.constant 0 : i32
      %get3A_635 = arith.constant 2 : i32
      %get3A_636 = arith.index_cast %get3A_634 : i32 to index
      %get3A_637 = arith.index_cast %get3A_635 : i32 to index
      %get3A_638 = arith.index_cast %scan3A_379 : i32 to index
      %get3A_639 = arith.constant 80 : index
      %get3A_640 = tpu.vector_load %arg9[%get3A_636, %get3A_637, %get3A_638, %get3A_639] {strides = array<i32>} : memref<2x4x40x160xf32, #tpu.memory_space<vmem>>, vector<1x1x1x16xf32>,
      %get3A_641 = vector.shape_cast %get3A_640 : vector<1x1x1x16xf32> to vector<16xf32>
      %get3A_642 = arith.constant 0 : i32
      %get3A_643 = arith.constant 3 : i32
      %get3A_644 = arith.index_cast %get3A_642 : i32 to index
      %get3A_645 = arith.index_cast %get3A_643 : i32 to index
      %get3A_646 = arith.index_cast %scan3A_379 : i32 to index
      %get3A_647 = arith.constant 80 : index
      %get3A_648 = tpu.vector_load %arg9[%get3A_644, %get3A_645, %get3A_646, %get3A_647] {strides = array<i32>} : memref<2x4x40x160xf32, #tpu.memory_space<vmem>>, vector<1x1x1x16xf32>,
      %get3A_649 = vector.shape_cast %get3A_648 : vector<1x1x1x16xf32> to vector<16xf32>
      %add3A_650 = arith.addf %get3A_641, %get3A_649 : vector<16xf32>
      %add3A_651 = arith.addf %add3A_633, %add3A_650 : vector<16xf32>
      %max3A_652 = arith.constant 0.000000e+00 : f32
      %max3A_653 = vector.broadcast %max3A_652 : f32 to vector<16xf32>
      %max3A_654 = arith.maximumf %add3A_651, %max3A_653 : vector<16xf32>
      %mul3A_655 = arith.constant 160 : i32
      %mul3A_656 = arith.muli %scan3A_379, %mul3A_655 : i32
      %add3A_657 = arith.constant 80 : i32
      %add3A_658 = arith.addi %mul3A_656, %add3A_657 : i32
      %swap3A_659 = arith.constant 0 : i32
      %swap3A_660 = arith.index_cast %swap3A_659 : i32 to index
      %swap3A_661 = arith.index_cast %add3A_658 : i32 to index
      %swap3A_662 = tpu.vector_load %arg10[%swap3A_660, %swap3A_661] {strides = array<i32>} : memref<2x6400xf32, #tpu.memory_space<vmem>>, vector<1x16xf32>,
      %swap3A_663 = vector.shape_cast %swap3A_662 : vector<1x16xf32> to vector<16xf32>
      %swap3A_664 = vector.shape_cast %max3A_654 : vector<16xf32> to vector<1x16xf32>
      tpu.vector_store %arg10[%swap3A_660, %swap3A_661], %swap3A_664 {strides = array<i32>} : memref<2x6400xf32, #tpu.memory_space<vmem>>, vector<1x16xf32>,
      %get3A_665 = arith.constant 0 : i32
      %get3A_666 = arith.constant 0 : i32
      %get3A_667 = arith.index_cast %get3A_665 : i32 to index
      %get3A_668 = arith.index_cast %get3A_666 : i32 to index
      %get3A_669 = arith.index_cast %scan3A_379 : i32 to index
      %get3A_670 = arith.constant 96 : index
      %get3A_671 = tpu.vector_load %arg9[%get3A_667, %get3A_668, %get3A_669, %get3A_670] {strides = array<i32>} : memref<2x4x40x160xf32, #tpu.memory_space<vmem>>, vector<1x1x1x16xf32>,
      %get3A_672 = vector.shape_cast %get3A_671 : vector<1x1x1x16xf32> to vector<16xf32>
      %get3A_673 = arith.constant 0 : i32
      %get3A_674 = arith.constant 1 : i32
      %get3A_675 = arith.index_cast %get3A_673 : i32 to index
      %get3A_676 = arith.index_cast %get3A_674 : i32 to index
      %get3A_677 = arith.index_cast %scan3A_379 : i32 to index
      %get3A_678 = arith.constant 96 : index
      %get3A_679 = tpu.vector_load %arg9[%get3A_675, %get3A_676, %get3A_677, %get3A_678] {strides = array<i32>} : memref<2x4x40x160xf32, #tpu.memory_space<vmem>>, vector<1x1x1x16xf32>,
      %get3A_680 = vector.shape_cast %get3A_679 : vector<1x1x1x16xf32> to vector<16xf32>
      %add3A_681 = arith.addf %get3A_672, %get3A_680 : vector<16xf32>
      %get3A_682 = arith.constant 0 : i32
      %get3A_683 = arith.constant 2 : i32
      %get3A_684 = arith.index_cast %get3A_682 : i32 to index
      %get3A_685 = arith.index_cast %get3A_683 : i32 to index
      %get3A_686 = arith.index_cast %scan3A_379 : i32 to index
      %get3A_687 = arith.constant 96 : index
      %get3A_688 = tpu.vector_load %arg9[%get3A_684, %get3A_685, %get3A_686, %get3A_687] {strides = array<i32>} : memref<2x4x40x160xf32, #tpu.memory_space<vmem>>, vector<1x1x1x16xf32>,
      %get3A_689 = vector.shape_cast %get3A_688 : vector<1x1x1x16xf32> to vector<16xf32>
      %get3A_690 = arith.constant 0 : i32
      %get3A_691 = arith.constant 3 : i32
      %get3A_692 = arith.index_cast %get3A_690 : i32 to index
      %get3A_693 = arith.index_cast %get3A_691 : i32 to index
      %get3A_694 = arith.index_cast %scan3A_379 : i32 to index
      %get3A_695 = arith.constant 96 : index
      %get3A_696 = tpu.vector_load %arg9[%get3A_692, %get3A_693, %get3A_694, %get3A_695] {strides = array<i32>} : memref<2x4x40x160xf32, #tpu.memory_space<vmem>>, vector<1x1x1x16xf32>,
      %get3A_697 = vector.shape_cast %get3A_696 : vector<1x1x1x16xf32> to vector<16xf32>
      %add3A_698 = arith.addf %get3A_689, %get3A_697 : vector<16xf32>
      %add3A_699 = arith.addf %add3A_681, %add3A_698 : vector<16xf32>
      %max3A_700 = arith.constant 0.000000e+00 : f32
      %max3A_701 = vector.broadcast %max3A_700 : f32 to vector<16xf32>
      %max3A_702 = arith.maximumf %add3A_699, %max3A_701 : vector<16xf32>
      %mul3A_703 = arith.constant 160 : i32
      %mul3A_704 = arith.muli %scan3A_379, %mul3A_703 : i32
      %add3A_705 = arith.constant 96 : i32
      %add3A_706 = arith.addi %mul3A_704, %add3A_705 : i32
      %swap3A_707 = arith.constant 0 : i32
      %swap3A_708 = arith.index_cast %swap3A_707 : i32 to index
      %swap3A_709 = arith.index_cast %add3A_706 : i32 to index
      %swap3A_710 = tpu.vector_load %arg10[%swap3A_708, %swap3A_709] {strides = array<i32>} : memref<2x6400xf32, #tpu.memory_space<vmem>>, vector<1x16xf32>,
      %swap3A_711 = vector.shape_cast %swap3A_710 : vector<1x16xf32> to vector<16xf32>
      %swap3A_712 = vector.shape_cast %max3A_702 : vector<16xf32> to vector<1x16xf32>
      tpu.vector_store %arg10[%swap3A_708, %swap3A_709], %swap3A_712 {strides = array<i32>} : memref<2x6400xf32, #tpu.memory_space<vmem>>, vector<1x16xf32>,
      %get3A_713 = arith.constant 0 : i32
      %get3A_714 = arith.constant 0 : i32
      %get3A_715 = arith.index_cast %get3A_713 : i32 to index
      %get3A_716 = arith.index_cast %get3A_714 : i32 to index
      %get3A_717 = arith.index_cast %scan3A_379 : i32 to index
      %get3A_718 = arith.constant 112 : index
      %get3A_719 = tpu.vector_load %arg9[%get3A_715, %get3A_716, %get3A_717, %get3A_718] {strides = array<i32>} : memref<2x4x40x160xf32, #tpu.memory_space<vmem>>, vector<1x1x1x16xf32>,
      %get3A_720 = vector.shape_cast %get3A_719 : vector<1x1x1x16xf32> to vector<16xf32>
      %get3A_721 = arith.constant 0 : i32
      %get3A_722 = arith.constant 1 : i32
      %get3A_723 = arith.index_cast %get3A_721 : i32 to index
      %get3A_724 = arith.index_cast %get3A_722 : i32 to index
      %get3A_725 = arith.index_cast %scan3A_379 : i32 to index
      %get3A_726 = arith.constant 112 : index
      %get3A_727 = tpu.vector_load %arg9[%get3A_723, %get3A_724, %get3A_725, %get3A_726] {strides = array<i32>} : memref<2x4x40x160xf32, #tpu.memory_space<vmem>>, vector<1x1x1x16xf32>,
      %get3A_728 = vector.shape_cast %get3A_727 : vector<1x1x1x16xf32> to vector<16xf32>
      %add3A_729 = arith.addf %get3A_720, %get3A_728 : vector<16xf32>
      %get3A_730 = arith.constant 0 : i32
      %get3A_731 = arith.constant 2 : i32
      %get3A_732 = arith.index_cast %get3A_730 : i32 to index
      %get3A_733 = arith.index_cast %get3A_731 : i32 to index
      %get3A_734 = arith.index_cast %scan3A_379 : i32 to index
      %get3A_735 = arith.constant 112 : index
      %get3A_736 = tpu.vector_load %arg9[%get3A_732, %get3A_733, %get3A_734, %get3A_735] {strides = array<i32>} : memref<2x4x40x160xf32, #tpu.memory_space<vmem>>, vector<1x1x1x16xf32>,
      %get3A_737 = vector.shape_cast %get3A_736 : vector<1x1x1x16xf32> to vector<16xf32>
      %get3A_738 = arith.constant 0 : i32
      %get3A_739 = arith.constant 3 : i32
      %get3A_740 = arith.index_cast %get3A_738 : i32 to index
      %get3A_741 = arith.index_cast %get3A_739 : i32 to index
      %get3A_742 = arith.index_cast %scan3A_379 : i32 to index
      %get3A_743 = arith.constant 112 : index
      %get3A_744 = tpu.vector_load %arg9[%get3A_740, %get3A_741, %get3A_742, %get3A_743] {strides = array<i32>} : memref<2x4x40x160xf32, #tpu.memory_space<vmem>>, vector<1x1x1x16xf32>,
      %get3A_745 = vector.shape_cast %get3A_744 : vector<1x1x1x16xf32> to vector<16xf32>
      %add3A_746 = arith.addf %get3A_737, %get3A_745 : vector<16xf32>
      %add3A_747 = arith.addf %add3A_729, %add3A_746 : vector<16xf32>
      %max3A_748 = arith.constant 0.000000e+00 : f32
      %max3A_749 = vector.broadcast %max3A_748 : f32 to vector<16xf32>
      %max3A_750 = arith.maximumf %add3A_747, %max3A_749 : vector<16xf32>
      %mul3A_751 = arith.constant 160 : i32
      %mul3A_752 = arith.muli %scan3A_379, %mul3A_751 : i32
      %add3A_753 = arith.constant 112 : i32
      %add3A_754 = arith.addi %mul3A_752, %add3A_753 : i32
      %swap3A_755 = arith.constant 0 : i32
      %swap3A_756 = arith.index_cast %swap3A_755 : i32 to index
      %swap3A_757 = arith.index_cast %add3A_754 : i32 to index
      %swap3A_758 = tpu.vector_load %arg10[%swap3A_756, %swap3A_757] {strides = array<i32>} : memref<2x6400xf32, #tpu.memory_space<vmem>>, vector<1x16xf32>,
      %swap3A_759 = vector.shape_cast %swap3A_758 : vector<1x16xf32> to vector<16xf32>
      %swap3A_760 = vector.shape_cast %max3A_750 : vector<16xf32> to vector<1x16xf32>
      tpu.vector_store %arg10[%swap3A_756, %swap3A_757], %swap3A_760 {strides = array<i32>} : memref<2x6400xf32, #tpu.memory_space<vmem>>, vector<1x16xf32>,
      %get3A_761 = arith.constant 0 : i32
      %get3A_762 = arith.constant 0 : i32
      %get3A_763 = arith.index_cast %get3A_761 : i32 to index
      %get3A_764 = arith.index_cast %get3A_762 : i32 to index
      %get3A_765 = arith.index_cast %scan3A_379 : i32 to index
      %get3A_766 = arith.constant 128 : index
      %get3A_767 = tpu.vector_load %arg9[%get3A_763, %get3A_764, %get3A_765, %get3A_766] {strides = array<i32>} : memref<2x4x40x160xf32, #tpu.memory_space<vmem>>, vector<1x1x1x16xf32>,
      %get3A_768 = vector.shape_cast %get3A_767 : vector<1x1x1x16xf32> to vector<16xf32>
      %get3A_769 = arith.constant 0 : i32
      %get3A_770 = arith.constant 1 : i32
      %get3A_771 = arith.index_cast %get3A_769 : i32 to index
      %get3A_772 = arith.index_cast %get3A_770 : i32 to index
      %get3A_773 = arith.index_cast %scan3A_379 : i32 to index
      %get3A_774 = arith.constant 128 : index
      %get3A_775 = tpu.vector_load %arg9[%get3A_771, %get3A_772, %get3A_773, %get3A_774] {strides = array<i32>} : memref<2x4x40x160xf32, #tpu.memory_space<vmem>>, vector<1x1x1x16xf32>,
      %get3A_776 = vector.shape_cast %get3A_775 : vector<1x1x1x16xf32> to vector<16xf32>
      %add3A_777 = arith.addf %get3A_768, %get3A_776 : vector<16xf32>
      %get3A_778 = arith.constant 0 : i32
      %get3A_779 = arith.constant 2 : i32
      %get3A_780 = arith.index_cast %get3A_778 : i32 to index
      %get3A_781 = arith.index_cast %get3A_779 : i32 to index
      %get3A_782 = arith.index_cast %scan3A_379 : i32 to index
      %get3A_783 = arith.constant 128 : index
      %get3A_784 = tpu.vector_load %arg9[%get3A_780, %get3A_781, %get3A_782, %get3A_783] {strides = array<i32>} : memref<2x4x40x160xf32, #tpu.memory_space<vmem>>, vector<1x1x1x16xf32>,
      %get3A_785 = vector.shape_cast %get3A_784 : vector<1x1x1x16xf32> to vector<16xf32>
      %get3A_786 = arith.constant 0 : i32
      %get3A_787 = arith.constant 3 : i32
      %get3A_788 = arith.index_cast %get3A_786 : i32 to index
      %get3A_789 = arith.index_cast %get3A_787 : i32 to index
      %get3A_790 = arith.index_cast %scan3A_379 : i32 to index
      %get3A_791 = arith.constant 128 : index
      %get3A_792 = tpu.vector_load %arg9[%get3A_788, %get3A_789, %get3A_790, %get3A_791] {strides = array<i32>} : memref<2x4x40x160xf32, #tpu.memory_space<vmem>>, vector<1x1x1x16xf32>,
      %get3A_793 = vector.shape_cast %get3A_792 : vector<1x1x1x16xf32> to vector<16xf32>
      %add3A_794 = arith.addf %get3A_785, %get3A_793 : vector<16xf32>
      %add3A_795 = arith.addf %add3A_777, %add3A_794 : vector<16xf32>
      %max3A_796 = arith.constant 0.000000e+00 : f32
      %max3A_797 = vector.broadcast %max3A_796 : f32 to vector<16xf32>
      %max3A_798 = arith.maximumf %add3A_795, %max3A_797 : vector<16xf32>
      %mul3A_799 = arith.constant 160 : i32
      %mul3A_800 = arith.muli %scan3A_379, %mul3A_799 : i32
      %add3A_801 = arith.constant 128 : i32
      %add3A_802 = arith.addi %mul3A_800, %add3A_801 : i32
      %swap3A_803 = arith.constant 0 : i32
      %swap3A_804 = arith.index_cast %swap3A_803 : i32 to index
      %swap3A_805 = arith.index_cast %add3A_802 : i32 to index
      %swap3A_806 = tpu.vector_load %arg10[%swap3A_804, %swap3A_805] {strides = array<i32>} : memref<2x6400xf32, #tpu.memory_space<vmem>>, vector<1x16xf32>,
      %swap3A_807 = vector.shape_cast %swap3A_806 : vector<1x16xf32> to vector<16xf32>
      %swap3A_808 = vector.shape_cast %max3A_798 : vector<16xf32> to vector<1x16xf32>
      tpu.vector_store %arg10[%swap3A_804, %swap3A_805], %swap3A_808 {strides = array<i32>} : memref<2x6400xf32, #tpu.memory_space<vmem>>, vector<1x16xf32>,
      %get3A_809 = arith.constant 0 : i32
      %get3A_810 = arith.constant 0 : i32
      %get3A_811 = arith.index_cast %get3A_809 : i32 to index
      %get3A_812 = arith.index_cast %get3A_810 : i32 to index
      %get3A_813 = arith.index_cast %scan3A_379 : i32 to index
      %get3A_814 = arith.constant 144 : index
      %get3A_815 = tpu.vector_load %arg9[%get3A_811, %get3A_812, %get3A_813, %get3A_814] {strides = array<i32>} : memref<2x4x40x160xf32, #tpu.memory_space<vmem>>, vector<1x1x1x16xf32>,
      %get3A_816 = vector.shape_cast %get3A_815 : vector<1x1x1x16xf32> to vector<16xf32>
      %get3A_817 = arith.constant 0 : i32
      %get3A_818 = arith.constant 1 : i32
      %get3A_819 = arith.index_cast %get3A_817 : i32 to index
      %get3A_820 = arith.index_cast %get3A_818 : i32 to index
      %get3A_821 = arith.index_cast %scan3A_379 : i32 to index
      %get3A_822 = arith.constant 144 : index
      %get3A_823 = tpu.vector_load %arg9[%get3A_819, %get3A_820, %get3A_821, %get3A_822] {strides = array<i32>} : memref<2x4x40x160xf32, #tpu.memory_space<vmem>>, vector<1x1x1x16xf32>,
      %get3A_824 = vector.shape_cast %get3A_823 : vector<1x1x1x16xf32> to vector<16xf32>
      %add3A_825 = arith.addf %get3A_816, %get3A_824 : vector<16xf32>
      %get3A_826 = arith.constant 0 : i32
      %get3A_827 = arith.constant 2 : i32
      %get3A_828 = arith.index_cast %get3A_826 : i32 to index
      %get3A_829 = arith.index_cast %get3A_827 : i32 to index
      %get3A_830 = arith.index_cast %scan3A_379 : i32 to index
      %get3A_831 = arith.constant 144 : index
      %get3A_832 = tpu.vector_load %arg9[%get3A_828, %get3A_829, %get3A_830, %get3A_831] {strides = array<i32>} : memref<2x4x40x160xf32, #tpu.memory_space<vmem>>, vector<1x1x1x16xf32>,
      %get3A_833 = vector.shape_cast %get3A_832 : vector<1x1x1x16xf32> to vector<16xf32>
      %get3A_834 = arith.constant 0 : i32
      %get3A_835 = arith.constant 3 : i32
      %get3A_836 = arith.index_cast %get3A_834 : i32 to index
      %get3A_837 = arith.index_cast %get3A_835 : i32 to index
      %get3A_838 = arith.index_cast %scan3A_379 : i32 to index
      %get3A_839 = arith.constant 144 : index
      %get3A_840 = tpu.vector_load %arg9[%get3A_836, %get3A_837, %get3A_838, %get3A_839] {strides = array<i32>} : memref<2x4x40x160xf32, #tpu.memory_space<vmem>>, vector<1x1x1x16xf32>,
      %get3A_841 = vector.shape_cast %get3A_840 : vector<1x1x1x16xf32> to vector<16xf32>
      %add3A_842 = arith.addf %get3A_833, %get3A_841 : vector<16xf32>
      %add3A_843 = arith.addf %add3A_825, %add3A_842 : vector<16xf32>
      %max3A_844 = arith.constant 0.000000e+00 : f32
      %max3A_845 = vector.broadcast %max3A_844 : f32 to vector<16xf32>
      %max3A_846 = arith.maximumf %add3A_843, %max3A_845 : vector<16xf32>
      %mul3A_847 = arith.constant 160 : i32
      %mul3A_848 = arith.muli %scan3A_379, %mul3A_847 : i32
      %add3A_849 = arith.constant 144 : i32
      %add3A_850 = arith.addi %mul3A_848, %add3A_849 : i32
      %swap3A_851 = arith.constant 0 : i32
      %swap3A_852 = arith.index_cast %swap3A_851 : i32 to index
      %swap3A_853 = arith.index_cast %add3A_850 : i32 to index
      %swap3A_854 = tpu.vector_load %arg10[%swap3A_852, %swap3A_853] {strides = array<i32>} : memref<2x6400xf32, #tpu.memory_space<vmem>>, vector<1x16xf32>,
      %swap3A_855 = vector.shape_cast %swap3A_854 : vector<1x16xf32> to vector<16xf32>
      %swap3A_856 = vector.shape_cast %max3A_846 : vector<16xf32> to vector<1x16xf32>
      tpu.vector_store %arg10[%swap3A_852, %swap3A_853], %swap3A_856 {strides = array<i32>} : memref<2x6400xf32, #tpu.memory_space<vmem>>, vector<1x16xf32>,
    }
    %scan3A_292 = arith.constant 40 : i32
    %add3A_293 = arith.constant 0 : i32
    %add3A_294 = arith.addi %mul3A_2, %add3A_293 : i32
    %mul3A_295 = arith.constant 6400 : i32
    %mul3A_296 = arith.muli %add3A_294, %mul3A_295 : i32
    %dma_start3A_297 = arith.constant 0 : i32
    %dma_start3A_298 = arith.constant 0 : i32
    %dma_start3A_299 = tpu.memref_slice %arg10[%dma_start3A_297, %dma_start3A_298] : memref<2x6400xf32, #tpu.memory_space<vmem>> -> memref<1x6400xf32, #tpu.memory_space<vmem>>
    %dma_start3A_300 = tpu.memref_squeeze %dma_start3A_299 : memref<1x6400xf32, #tpu.memory_space<vmem>> -> memref<6400xf32, #tpu.memory_space<vmem>>
    %dma_start3A_301 = tpu.memref_slice %arg7[%mul3A_296] : memref<51200000xf32, #tpu.memory_space<hbm>> -> memref<6400xf32, #tpu.memory_space<hbm>>
    %dma_start3A_302 = tpu.memref_slice %arg7[%mul3A_296] : memref<51200000xf32, #tpu.memory_space<hbm>> -> memref<6400xf32, #tpu.memory_space<hbm>>
    %dma_start3A_303 = arith.constant 0 : i32
    %dma_start3A_304 = tpu.memref_slice %arg10[%dma_start3A_297, %dma_start3A_303] : memref<2x6400xf32, #tpu.memory_space<vmem>> -> memref<1x6400xf32, #tpu.memory_space<vmem>>
    %dma_start3A_305 = tpu.memref_squeeze %dma_start3A_304 : memref<1x6400xf32, #tpu.memory_space<vmem>> -> memref<6400xf32, #tpu.memory_space<vmem>>
    tpu.enqueue_dma source(%dma_start3A_305 : memref<6400xf32, #tpu.memory_space<vmem>>) target(%dma_start3A_302 : memref<6400xf32, #tpu.memory_space<hbm>>) target_semaphore(%arg16 : memref<!tpu.dma_semaphore, #tpu.memory_space<semaphore_mem>>)
    %scan3A_306 = arith.constant 0 : i32
    %scan3A_307 = arith.constant 0 : i32
    %scan3A_308 = arith.constant 124 : i32
    %scan3A_309 = arith.addi %scan3A_307, %scan3A_308 : i32
    %scan3A_310 = arith.constant 1 : i32
    scf.for %scan3A_379 = %scan3A_307 to %scan3A_309 step %scan3A_310  : i32 {
      %mul3A_380 = arith.constant 2 : i32
      %mul3A_381 = arith.muli %mul3A_380, %scan3A_379 : i32
      %add3A_382 = arith.constant 1 : i32
      %add3A_383 = arith.addi %add3A_382, %mul3A_381 : i32
      %add3A_384 = arith.constant 1 : i32
      %add3A_385 = arith.addi %add3A_383, %add3A_384 : i32
      %lt3A = arith.constant 250 : i32
      %lt3A_386 = arith.cmpi slt, %add3A_385, %lt3A : i32
      %convert_element_type3A_387 = arith.extui %lt3A_386 : i1 to i32
      %cond3A_388 = arith.constant 0 : i32
      %cond3A_389 = arith.cmpi ne, %convert_element_type3A_387, %cond3A_388 : i32
      scf.if %cond3A_389 {
        %dma_wait3A_490 = arith.constant 0 : i32
        %dma_wait3A_491 = arith.constant 0 : i32
        %dma_wait3A_492 = arith.constant 0 : i32
        %dma_wait3A_493 = tpu.memref_slice %arg8[%dma_wait3A_490, %dma_wait3A_491, %dma_wait3A_492] : memref<2x4x40xi32, #tpu.memory_space<vmem>> -> memref<1x4x40xi32, #tpu.memory_space<vmem>>
        %dma_wait3A_494 = tpu.memref_squeeze %dma_wait3A_493 : memref<1x4x40xi32, #tpu.memory_space<vmem>> -> memref<4x40xi32, #tpu.memory_space<vmem>>
        %dma_wait3A_495 = arith.constant 0 : i32
        %dma_wait3A_496 = tpu.memref_slice %arg3[%dma_wait3A_495] : memref<320000xi32, #tpu.memory_space<hbm>> -> memref<160xi32, #tpu.memory_space<hbm>>
        %dma_wait3A_497 = arith.constant 0 : i32
        %dma_wait3A_498 = arith.constant 0 : i32
        %dma_wait3A_499 = tpu.memref_slice %arg8[%dma_wait3A_490, %dma_wait3A_497, %dma_wait3A_498] : memref<2x4x40xi32, #tpu.memory_space<vmem>> -> memref<1x4x40xi32, #tpu.memory_space<vmem>>
        %dma_wait3A_500 = tpu.memref_squeeze %dma_wait3A_499 : memref<1x4x40xi32, #tpu.memory_space<vmem>> -> memref<4x40xi32, #tpu.memory_space<vmem>>
        %dma_wait3A_501 = arith.constant 0 : i32
        %dma_wait3A_502 = tpu.memref_slice %arg3[%dma_wait3A_501] : memref<320000xi32, #tpu.memory_space<hbm>> -> memref<160xi32, #tpu.memory_space<hbm>>
        tpu.wait_dma2 semaphore(%arg12 : memref<!tpu.dma_semaphore, #tpu.memory_space<semaphore_mem>>) src(%dma_wait3A_502 : memref<160xi32, #tpu.memory_space<hbm>>) dst(%dma_wait3A_500 : memref<4x40xi32, #tpu.memory_space<vmem>>)
        %dma_start3A_503 = arith.constant 0 : i32
        %dma_start3A_504 = arith.constant 0 : i32
        %dma_start3A_505 = arith.constant 0 : i32
        %dma_start3A_506 = arith.constant 0 : i32
        %dma_start3A_507 = arith.constant 0 : i32
        %dma_start3A_508 = arith.constant 0 : i32
        %dma_start3A_509 = tpu.memref_slice %arg9[%dma_start3A_505, %dma_start3A_506, %dma_start3A_507, %dma_start3A_508] : memref<2x4x40x160xf32, #tpu.memory_space<vmem>> -> memref<1x1x40x160xf32, #tpu.memory_space<vmem>>
        %dma_start3A_510 = tpu.memref_squeeze %dma_start3A_509 : memref<1x1x40x160xf32, #tpu.memory_space<vmem>> -> memref<40x160xf32, #tpu.memory_space<vmem>>
        %dma_start3A_511 = arith.constant 0 : i32
        %dma_start3A_512 = tpu.memref_slice %arg8[%dma_start3A_503, %dma_start3A_504, %dma_start3A_511] : memref<2x4x40xi32, #tpu.memory_space<vmem>> -> memref<1x1x40xi32, #tpu.memory_space<vmem>>
        %dma_start3A_513 = tpu.memref_squeeze %dma_start3A_512 : memref<1x1x40xi32, #tpu.memory_space<vmem>> -> memref<40xi32, #tpu.memory_space<vmem>>
        %dma_start3A_514 = arith.constant 0 : i32
        %dma_start3A_515 = arith.constant 0 : i32
        %dma_start3A_516 = tpu.memref_slice %arg11[%dma_start3A_514, %dma_start3A_515] : memref<4096x160xf32, #tpu.memory_space<vmem_shared>> -> memref<4096x160xf32, #tpu.memory_space<vmem_shared>>
        tpu.enqueue_indirect_dma source(%dma_start3A_516 : memref<4096x160xf32, #tpu.memory_space<vmem_shared>>) target(%dma_start3A_510 : memref<40x160xf32, #tpu.memory_space<vmem>>) offsets(%dma_start3A_513 : memref<40xi32, #tpu.memory_space<vmem>>) semaphore(%arg14 : memref<!tpu.dma_semaphore, #tpu.memory_space<semaphore_mem>>)
        %dma_start3A_517 = arith.constant 0 : i32
        %dma_start3A_518 = arith.constant 1 : i32
        %dma_start3A_519 = arith.constant 0 : i32
        %dma_start3A_520 = arith.constant 1 : i32
        %dma_start3A_521 = arith.constant 0 : i32
        %dma_start3A_522 = arith.constant 0 : i32
        %dma_start3A_523 = tpu.memref_slice %arg9[%dma_start3A_519, %dma_start3A_520, %dma_start3A_521, %dma_start3A_522] : memref<2x4x40x160xf32, #tpu.memory_space<vmem>> -> memref<1x1x40x160xf32, #tpu.memory_space<vmem>>
        %dma_start3A_524 = tpu.memref_squeeze %dma_start3A_523 : memref<1x1x40x160xf32, #tpu.memory_space<vmem>> -> memref<40x160xf32, #tpu.memory_space<vmem>>
        %dma_start3A_525 = arith.constant 0 : i32
        %dma_start3A_526 = tpu.memref_slice %arg8[%dma_start3A_517, %dma_start3A_518, %dma_start3A_525] : memref<2x4x40xi32, #tpu.memory_space<vmem>> -> memref<1x1x40xi32, #tpu.memory_space<vmem>>
        %dma_start3A_527 = tpu.memref_squeeze %dma_start3A_526 : memref<1x1x40xi32, #tpu.memory_space<vmem>> -> memref<40xi32, #tpu.memory_space<vmem>>
        %dma_start3A_528 = arith.constant 0 : i32
        %dma_start3A_529 = arith.constant 0 : i32
        %dma_start3A_530 = tpu.memref_slice %arg11[%dma_start3A_528, %dma_start3A_529] : memref<4096x160xf32, #tpu.memory_space<vmem_shared>> -> memref<4096x160xf32, #tpu.memory_space<vmem_shared>>
        tpu.enqueue_indirect_dma source(%dma_start3A_530 : memref<4096x160xf32, #tpu.memory_space<vmem_shared>>) target(%dma_start3A_524 : memref<40x160xf32, #tpu.memory_space<vmem>>) offsets(%dma_start3A_527 : memref<40xi32, #tpu.memory_space<vmem>>) semaphore(%arg14 : memref<!tpu.dma_semaphore, #tpu.memory_space<semaphore_mem>>)
        %dma_start3A_531 = arith.constant 0 : i32
        %dma_start3A_532 = arith.constant 2 : i32
        %dma_start3A_533 = arith.constant 0 : i32
        %dma_start3A_534 = arith.constant 2 : i32
        %dma_start3A_535 = arith.constant 0 : i32
        %dma_start3A_536 = arith.constant 0 : i32
        %dma_start3A_537 = tpu.memref_slice %arg9[%dma_start3A_533, %dma_start3A_534, %dma_start3A_535, %dma_start3A_536] : memref<2x4x40x160xf32, #tpu.memory_space<vmem>> -> memref<1x1x40x160xf32, #tpu.memory_space<vmem>>
        %dma_start3A_538 = tpu.memref_squeeze %dma_start3A_537 : memref<1x1x40x160xf32, #tpu.memory_space<vmem>> -> memref<40x160xf32, #tpu.memory_space<vmem>>
        %dma_start3A_539 = arith.constant 0 : i32
        %dma_start3A_540 = tpu.memref_slice %arg8[%dma_start3A_531, %dma_start3A_532, %dma_start3A_539] : memref<2x4x40xi32, #tpu.memory_space<vmem>> -> memref<1x1x40xi32, #tpu.memory_space<vmem>>
        %dma_start3A_541 = tpu.memref_squeeze %dma_start3A_540 : memref<1x1x40xi32, #tpu.memory_space<vmem>> -> memref<40xi32, #tpu.memory_space<vmem>>
        %dma_start3A_542 = arith.constant 0 : i32
        %dma_start3A_543 = arith.constant 0 : i32
        %dma_start3A_544 = tpu.memref_slice %arg11[%dma_start3A_542, %dma_start3A_543] : memref<4096x160xf32, #tpu.memory_space<vmem_shared>> -> memref<4096x160xf32, #tpu.memory_space<vmem_shared>>
        tpu.enqueue_indirect_dma source(%dma_start3A_544 : memref<4096x160xf32, #tpu.memory_space<vmem_shared>>) target(%dma_start3A_538 : memref<40x160xf32, #tpu.memory_space<vmem>>) offsets(%dma_start3A_541 : memref<40xi32, #tpu.memory_space<vmem>>) semaphore(%arg14 : memref<!tpu.dma_semaphore, #tpu.memory_space<semaphore_mem>>)
        %dma_start3A_545 = arith.constant 0 : i32
        %dma_start3A_546 = arith.constant 3 : i32
        %dma_start3A_547 = arith.constant 0 : i32
        %dma_start3A_548 = arith.constant 3 : i32
        %dma_start3A_549 = arith.constant 0 : i32
        %dma_start3A_550 = arith.constant 0 : i32
        %dma_start3A_551 = tpu.memref_slice %arg9[%dma_start3A_547, %dma_start3A_548, %dma_start3A_549, %dma_start3A_550] : memref<2x4x40x160xf32, #tpu.memory_space<vmem>> -> memref<1x1x40x160xf32, #tpu.memory_space<vmem>>
        %dma_start3A_552 = tpu.memref_squeeze %dma_start3A_551 : memref<1x1x40x160xf32, #tpu.memory_space<vmem>> -> memref<40x160xf32, #tpu.memory_space<vmem>>
        %dma_start3A_553 = arith.constant 0 : i32
        %dma_start3A_554 = tpu.memref_slice %arg8[%dma_start3A_545, %dma_start3A_546, %dma_start3A_553] : memref<2x4x40xi32, #tpu.memory_space<vmem>> -> memref<1x1x40xi32, #tpu.memory_space<vmem>>
        %dma_start3A_555 = tpu.memref_squeeze %dma_start3A_554 : memref<1x1x40xi32, #tpu.memory_space<vmem>> -> memref<40xi32, #tpu.memory_space<vmem>>
        %dma_start3A_556 = arith.constant 0 : i32
        %dma_start3A_557 = arith.constant 0 : i32
        %dma_start3A_558 = tpu.memref_slice %arg11[%dma_start3A_556, %dma_start3A_557] : memref<4096x160xf32, #tpu.memory_space<vmem_shared>> -> memref<4096x160xf32, #tpu.memory_space<vmem_shared>>
        tpu.enqueue_indirect_dma source(%dma_start3A_558 : memref<4096x160xf32, #tpu.memory_space<vmem_shared>>) target(%dma_start3A_552 : memref<40x160xf32, #tpu.memory_space<vmem>>) offsets(%dma_start3A_555 : memref<40xi32, #tpu.memory_space<vmem>>) semaphore(%arg14 : memref<!tpu.dma_semaphore, #tpu.memory_space<semaphore_mem>>)
      } else {
      }
      %dma_wait3A_390 = arith.constant 1 : i32
      %dma_wait3A_391 = arith.constant 0 : i32
      %dma_wait3A_392 = arith.constant 0 : i32
      %dma_wait3A_393 = arith.constant 0 : i32
      %dma_wait3A_394 = tpu.memref_slice %arg9[%dma_wait3A_390, %dma_wait3A_391, %dma_wait3A_392, %dma_wait3A_393] : memref<2x4x40x160xf32, #tpu.memory_space<vmem>> -> memref<1x4x40x160xf32, #tpu.memory_space<vmem>>
      %dma_wait3A_395 = tpu.memref_squeeze %dma_wait3A_394 : memref<1x4x40x160xf32, #tpu.memory_space<vmem>> -> memref<4x40x160xf32, #tpu.memory_space<vmem>>
      %dma_wait3A_396 = arith.constant 0 : i32
      %dma_wait3A_397 = tpu.memref_slice %arg7[%dma_wait3A_396] : memref<51200000xf32, #tpu.memory_space<hbm>> -> memref<25600xf32, #tpu.memory_space<hbm>>
      %dma_wait3A_398 = arith.constant 0 : i32
      %dma_wait3A_399 = arith.constant 0 : i32
      %dma_wait3A_400 = arith.constant 0 : i32
      %dma_wait3A_401 = tpu.memref_slice %arg9[%dma_wait3A_390, %dma_wait3A_398, %dma_wait3A_399, %dma_wait3A_400] : memref<2x4x40x160xf32, #tpu.memory_space<vmem>> -> memref<1x4x40x160xf32, #tpu.memory_space<vmem>>
      %dma_wait3A_402 = tpu.memref_squeeze %dma_wait3A_401 : memref<1x4x40x160xf32, #tpu.memory_space<vmem>> -> memref<4x40x160xf32, #tpu.memory_space<vmem>>
      %dma_wait3A_403 = arith.constant 0 : i32
      %dma_wait3A_404 = tpu.memref_slice %arg7[%dma_wait3A_403] : memref<51200000xf32, #tpu.memory_space<hbm>> -> memref<25600xf32, #tpu.memory_space<hbm>>
      tpu.wait_dma2 semaphore(%arg15 : memref<!tpu.dma_semaphore, #tpu.memory_space<semaphore_mem>>) src(%dma_wait3A_404 : memref<25600xf32, #tpu.memory_space<hbm>>) dst(%dma_wait3A_402 : memref<4x40x160xf32, #tpu.memory_space<vmem>>)
      %add3A_405 = arith.constant 2 : i32
      %add3A_406 = arith.addi %add3A_383, %add3A_405 : i32
      %lt3A_407 = arith.constant 250 : i32
      %lt3A_408 = arith.cmpi slt, %add3A_406, %lt3A_407 : i32
      %convert_element_type3A_409 = arith.extui %lt3A_408 : i1 to i32
      %cond3A_410 = arith.constant 0 : i32
      %cond3A_411 = arith.cmpi ne, %convert_element_type3A_409, %cond3A_410 : i32
      scf.if %cond3A_411 {
        %add3A_490 = arith.constant 2 : i32
        %add3A_491 = arith.addi %add3A_383, %add3A_490 : i32
        %add3A_492 = arith.addi %mul3A_2, %add3A_491 : i32
        %mul3A_493 = arith.constant 40 : i32
        %mul3A_494 = arith.muli %add3A_492, %mul3A_493 : i32
        %dma_start3A_495 = arith.constant 1 : i32
        %dma_start3A_496 = arith.constant 0 : i32
        %dma_start3A_497 = arith.constant 0 : i32
        %dma_start3A_498 = tpu.memref_slice %arg8[%dma_start3A_495, %dma_start3A_496, %dma_start3A_497] : memref<2x4x40xi32, #tpu.memory_space<vmem>> -> memref<1x1x40xi32, #tpu.memory_space<vmem>>
        %dma_start3A_499 = tpu.memref_squeeze %dma_start3A_498 : memref<1x1x40xi32, #tpu.memory_space<vmem>> -> memref<40xi32, #tpu.memory_space<vmem>>
        %dma_start3A_500 = tpu.memref_slice %arg3[%mul3A_494] : memref<320000xi32, #tpu.memory_space<hbm>> -> memref<40xi32, #tpu.memory_space<hbm>>
        %dma_start3A_501 = arith.constant 0 : i32
        %dma_start3A_502 = tpu.memref_slice %arg8[%dma_start3A_495, %dma_start3A_496, %dma_start3A_501] : memref<2x4x40xi32, #tpu.memory_space<vmem>> -> memref<1x1x40xi32, #tpu.memory_space<vmem>>
        %dma_start3A_503 = tpu.memref_squeeze %dma_start3A_502 : memref<1x1x40xi32, #tpu.memory_space<vmem>> -> memref<40xi32, #tpu.memory_space<vmem>>
        %dma_start3A_504 = tpu.memref_slice %arg3[%mul3A_494] : memref<320000xi32, #tpu.memory_space<hbm>> -> memref<40xi32, #tpu.memory_space<hbm>>
        tpu.enqueue_dma source(%dma_start3A_504 : memref<40xi32, #tpu.memory_space<hbm>>) target(%dma_start3A_503 : memref<40xi32, #tpu.memory_space<vmem>>) target_semaphore(%arg13 : memref<!tpu.dma_semaphore, #tpu.memory_space<semaphore_mem>>)
        %dma_start3A_505 = arith.constant 1 : i32
        %dma_start3A_506 = arith.constant 1 : i32
        %dma_start3A_507 = arith.constant 0 : i32
        %dma_start3A_508 = tpu.memref_slice %arg8[%dma_start3A_505, %dma_start3A_506, %dma_start3A_507] : memref<2x4x40xi32, #tpu.memory_space<vmem>> -> memref<1x1x40xi32, #tpu.memory_space<vmem>>
        %dma_start3A_509 = tpu.memref_squeeze %dma_start3A_508 : memref<1x1x40xi32, #tpu.memory_space<vmem>> -> memref<40xi32, #tpu.memory_space<vmem>>
        %dma_start3A_510 = tpu.memref_slice %arg4[%mul3A_494] : memref<320000xi32, #tpu.memory_space<hbm>> -> memref<40xi32, #tpu.memory_space<hbm>>
        %dma_start3A_511 = arith.constant 0 : i32
        %dma_start3A_512 = tpu.memref_slice %arg8[%dma_start3A_505, %dma_start3A_506, %dma_start3A_511] : memref<2x4x40xi32, #tpu.memory_space<vmem>> -> memref<1x1x40xi32, #tpu.memory_space<vmem>>
        %dma_start3A_513 = tpu.memref_squeeze %dma_start3A_512 : memref<1x1x40xi32, #tpu.memory_space<vmem>> -> memref<40xi32, #tpu.memory_space<vmem>>
        %dma_start3A_514 = tpu.memref_slice %arg4[%mul3A_494] : memref<320000xi32, #tpu.memory_space<hbm>> -> memref<40xi32, #tpu.memory_space<hbm>>
        tpu.enqueue_dma source(%dma_start3A_514 : memref<40xi32, #tpu.memory_space<hbm>>) target(%dma_start3A_513 : memref<40xi32, #tpu.memory_space<vmem>>) target_semaphore(%arg13 : memref<!tpu.dma_semaphore, #tpu.memory_space<semaphore_mem>>)
        %dma_start3A_515 = arith.constant 1 : i32
        %dma_start3A_516 = arith.constant 2 : i32
        %dma_start3A_517 = arith.constant 0 : i32
        %dma_start3A_518 = tpu.memref_slice %arg8[%dma_start3A_515, %dma_start3A_516, %dma_start3A_517] : memref<2x4x40xi32, #tpu.memory_space<vmem>> -> memref<1x1x40xi32, #tpu.memory_space<vmem>>
        %dma_start3A_519 = tpu.memref_squeeze %dma_start3A_518 : memref<1x1x40xi32, #tpu.memory_space<vmem>> -> memref<40xi32, #tpu.memory_space<vmem>>
        %dma_start3A_520 = tpu.memref_slice %arg5[%mul3A_494] : memref<320000xi32, #tpu.memory_space<hbm>> -> memref<40xi32, #tpu.memory_space<hbm>>
        %dma_start3A_521 = arith.constant 0 : i32
        %dma_start3A_522 = tpu.memref_slice %arg8[%dma_start3A_515, %dma_start3A_516, %dma_start3A_521] : memref<2x4x40xi32, #tpu.memory_space<vmem>> -> memref<1x1x40xi32, #tpu.memory_space<vmem>>
        %dma_start3A_523 = tpu.memref_squeeze %dma_start3A_522 : memref<1x1x40xi32, #tpu.memory_space<vmem>> -> memref<40xi32, #tpu.memory_space<vmem>>
        %dma_start3A_524 = tpu.memref_slice %arg5[%mul3A_494] : memref<320000xi32, #tpu.memory_space<hbm>> -> memref<40xi32, #tpu.memory_space<hbm>>
        tpu.enqueue_dma source(%dma_start3A_524 : memref<40xi32, #tpu.memory_space<hbm>>) target(%dma_start3A_523 : memref<40xi32, #tpu.memory_space<vmem>>) target_semaphore(%arg13 : memref<!tpu.dma_semaphore, #tpu.memory_space<semaphore_mem>>)
        %dma_start3A_525 = arith.constant 1 : i32
        %dma_start3A_526 = arith.constant 3 : i32
        %dma_start3A_527 = arith.constant 0 : i32
        %dma_start3A_528 = tpu.memref_slice %arg8[%dma_start3A_525, %dma_start3A_526, %dma_start3A_527] : memref<2x4x40xi32, #tpu.memory_space<vmem>> -> memref<1x1x40xi32, #tpu.memory_space<vmem>>
        %dma_start3A_529 = tpu.memref_squeeze %dma_start3A_528 : memref<1x1x40xi32, #tpu.memory_space<vmem>> -> memref<40xi32, #tpu.memory_space<vmem>>
        %dma_start3A_530 = tpu.memref_slice %arg6[%mul3A_494] : memref<320000xi32, #tpu.memory_space<hbm>> -> memref<40xi32, #tpu.memory_space<hbm>>
        %dma_start3A_531 = arith.constant 0 : i32
        %dma_start3A_532 = tpu.memref_slice %arg8[%dma_start3A_525, %dma_start3A_526, %dma_start3A_531] : memref<2x4x40xi32, #tpu.memory_space<vmem>> -> memref<1x1x40xi32, #tpu.memory_space<vmem>>
        %dma_start3A_533 = tpu.memref_squeeze %dma_start3A_532 : memref<1x1x40xi32, #tpu.memory_space<vmem>> -> memref<40xi32, #tpu.memory_space<vmem>>
        %dma_start3A_534 = tpu.memref_slice %arg6[%mul3A_494] : memref<320000xi32, #tpu.memory_space<hbm>> -> memref<40xi32, #tpu.memory_space<hbm>>
        tpu.enqueue_dma source(%dma_start3A_534 : memref<40xi32, #tpu.memory_space<hbm>>) target(%dma_start3A_533 : memref<40xi32, #tpu.memory_space<vmem>>) target_semaphore(%arg13 : memref<!tpu.dma_semaphore, #tpu.memory_space<semaphore_mem>>)
      } else {
      }
      %ge3A = arith.constant 2 : i32
      %ge3A_412 = arith.cmpi sge, %add3A_383, %ge3A : i32
      %convert_element_type3A_413 = arith.extui %ge3A_412 : i1 to i32
      %cond3A_414 = arith.constant 0 : i32
      %cond3A_415 = arith.cmpi ne, %convert_element_type3A_413, %cond3A_414 : i32
      scf.if %cond3A_415 {
        %dma_wait3A_490 = arith.constant 1 : i32
        %dma_wait3A_491 = arith.constant 0 : i32
        %dma_wait3A_492 = tpu.memref_slice %arg10[%dma_wait3A_490, %dma_wait3A_491] : memref<2x6400xf32, #tpu.memory_space<vmem>> -> memref<1x6400xf32, #tpu.memory_space<vmem>>
        %dma_wait3A_493 = tpu.memref_squeeze %dma_wait3A_492 : memref<1x6400xf32, #tpu.memory_space<vmem>> -> memref<6400xf32, #tpu.memory_space<vmem>>
        %dma_wait3A_494 = arith.constant 0 : i32
        %dma_wait3A_495 = tpu.memref_slice %arg7[%dma_wait3A_494] : memref<51200000xf32, #tpu.memory_space<hbm>> -> memref<6400xf32, #tpu.memory_space<hbm>>
        %dma_wait3A_496 = arith.constant 0 : i32
        %dma_wait3A_497 = tpu.memref_slice %arg10[%dma_wait3A_490, %dma_wait3A_496] : memref<2x6400xf32, #tpu.memory_space<vmem>> -> memref<1x6400xf32, #tpu.memory_space<vmem>>
        %dma_wait3A_498 = tpu.memref_squeeze %dma_wait3A_497 : memref<1x6400xf32, #tpu.memory_space<vmem>> -> memref<6400xf32, #tpu.memory_space<vmem>>
        %dma_wait3A_499 = arith.constant 0 : i32
        %dma_wait3A_500 = tpu.memref_slice %arg7[%dma_wait3A_499] : memref<51200000xf32, #tpu.memory_space<hbm>> -> memref<6400xf32, #tpu.memory_space<hbm>>
        tpu.wait_dma2 semaphore(%arg17 : memref<!tpu.dma_semaphore, #tpu.memory_space<semaphore_mem>>) src(%dma_wait3A_500 : memref<6400xf32, #tpu.memory_space<hbm>>) dst(%dma_wait3A_498 : memref<6400xf32, #tpu.memory_space<vmem>>)
      } else {
      }
      %scan3A_416 = arith.constant 0 : i32
      %scan3A_417 = arith.constant 0 : i32
      %scan3A_418 = arith.constant 40 : i32
      %scan3A_419 = arith.addi %scan3A_417, %scan3A_418 : i32
      %scan3A_420 = arith.constant 1 : i32
      scf.for %scan3A_490 = %scan3A_417 to %scan3A_419 step %scan3A_420  : i32 {
        %get3A = arith.constant 1 : i32
        %get3A_491 = arith.constant 0 : i32
        %get3A_492 = arith.index_cast %get3A : i32 to index
        %get3A_493 = arith.index_cast %get3A_491 : i32 to index
        %get3A_494 = arith.index_cast %scan3A_490 : i32 to index
        %get3A_495 = arith.constant 0 : index
        %get3A_496 = tpu.vector_load %arg9[%get3A_492, %get3A_493, %get3A_494, %get3A_495] {strides = array<i32>} : memref<2x4x40x160xf32, #tpu.memory_space<vmem>>, vector<1x1x1x16xf32>,
        %get3A_497 = vector.shape_cast %get3A_496 : vector<1x1x1x16xf32> to vector<16xf32>
        %get3A_498 = arith.constant 1 : i32
        %get3A_499 = arith.constant 1 : i32
        %get3A_500 = arith.index_cast %get3A_498 : i32 to index
        %get3A_501 = arith.index_cast %get3A_499 : i32 to index
        %get3A_502 = arith.index_cast %scan3A_490 : i32 to index
        %get3A_503 = arith.constant 0 : index
        %get3A_504 = tpu.vector_load %arg9[%get3A_500, %get3A_501, %get3A_502, %get3A_503] {strides = array<i32>} : memref<2x4x40x160xf32, #tpu.memory_space<vmem>>, vector<1x1x1x16xf32>,
        %get3A_505 = vector.shape_cast %get3A_504 : vector<1x1x1x16xf32> to vector<16xf32>
        %add3A_506 = arith.addf %get3A_497, %get3A_505 : vector<16xf32>
        %get3A_507 = arith.constant 1 : i32
        %get3A_508 = arith.constant 2 : i32
        %get3A_509 = arith.index_cast %get3A_507 : i32 to index
        %get3A_510 = arith.index_cast %get3A_508 : i32 to index
        %get3A_511 = arith.index_cast %scan3A_490 : i32 to index
        %get3A_512 = arith.constant 0 : index
        %get3A_513 = tpu.vector_load %arg9[%get3A_509, %get3A_510, %get3A_511, %get3A_512] {strides = array<i32>} : memref<2x4x40x160xf32, #tpu.memory_space<vmem>>, vector<1x1x1x16xf32>,
        %get3A_514 = vector.shape_cast %get3A_513 : vector<1x1x1x16xf32> to vector<16xf32>
        %get3A_515 = arith.constant 1 : i32
        %get3A_516 = arith.constant 3 : i32
        %get3A_517 = arith.index_cast %get3A_515 : i32 to index
        %get3A_518 = arith.index_cast %get3A_516 : i32 to index
        %get3A_519 = arith.index_cast %scan3A_490 : i32 to index
        %get3A_520 = arith.constant 0 : index
        %get3A_521 = tpu.vector_load %arg9[%get3A_517, %get3A_518, %get3A_519, %get3A_520] {strides = array<i32>} : memref<2x4x40x160xf32, #tpu.memory_space<vmem>>, vector<1x1x1x16xf32>,
        %get3A_522 = vector.shape_cast %get3A_521 : vector<1x1x1x16xf32> to vector<16xf32>
        %add3A_523 = arith.addf %get3A_514, %get3A_522 : vector<16xf32>
        %add3A_524 = arith.addf %add3A_506, %add3A_523 : vector<16xf32>
        %max3A = arith.constant 0.000000e+00 : f32
        %max3A_525 = vector.broadcast %max3A : f32 to vector<16xf32>
        %max3A_526 = arith.maximumf %add3A_524, %max3A_525 : vector<16xf32>
        %mul3A_527 = arith.constant 160 : i32
        %mul3A_528 = arith.muli %scan3A_490, %mul3A_527 : i32
        %add3A_529 = arith.constant 0 : i32
        %add3A_530 = arith.addi %mul3A_528, %add3A_529 : i32
        %swap3A = arith.constant 1 : i32
        %swap3A_531 = arith.index_cast %swap3A : i32 to index
        %swap3A_532 = arith.index_cast %add3A_530 : i32 to index
        %swap3A_533 = tpu.vector_load %arg10[%swap3A_531, %swap3A_532] {strides = array<i32>} : memref<2x6400xf32, #tpu.memory_space<vmem>>, vector<1x16xf32>,
        %swap3A_534 = vector.shape_cast %swap3A_533 : vector<1x16xf32> to vector<16xf32>
        %swap3A_535 = vector.shape_cast %max3A_526 : vector<16xf32> to vector<1x16xf32>
        tpu.vector_store %arg10[%swap3A_531, %swap3A_532], %swap3A_535 {strides = array<i32>} : memref<2x6400xf32, #tpu.memory_space<vmem>>, vector<1x16xf32>,
        %get3A_536 = arith.constant 1 : i32
        %get3A_537 = arith.constant 0 : i32
        %get3A_538 = arith.index_cast %get3A_536 : i32 to index
        %get3A_539 = arith.index_cast %get3A_537 : i32 to index
        %get3A_540 = arith.index_cast %scan3A_490 : i32 to index
        %get3A_541 = arith.constant 16 : index
        %get3A_542 = tpu.vector_load %arg9[%get3A_538, %get3A_539, %get3A_540, %get3A_541] {strides = array<i32>} : memref<2x4x40x160xf32, #tpu.memory_space<vmem>>, vector<1x1x1x16xf32>,
        %get3A_543 = vector.shape_cast %get3A_542 : vector<1x1x1x16xf32> to vector<16xf32>
        %get3A_544 = arith.constant 1 : i32
        %get3A_545 = arith.constant 1 : i32
        %get3A_546 = arith.index_cast %get3A_544 : i32 to index
        %get3A_547 = arith.index_cast %get3A_545 : i32 to index
        %get3A_548 = arith.index_cast %scan3A_490 : i32 to index
        %get3A_549 = arith.constant 16 : index
        %get3A_550 = tpu.vector_load %arg9[%get3A_546, %get3A_547, %get3A_548, %get3A_549] {strides = array<i32>} : memref<2x4x40x160xf32, #tpu.memory_space<vmem>>, vector<1x1x1x16xf32>,
        %get3A_551 = vector.shape_cast %get3A_550 : vector<1x1x1x16xf32> to vector<16xf32>
        %add3A_552 = arith.addf %get3A_543, %get3A_551 : vector<16xf32>
        %get3A_553 = arith.constant 1 : i32
        %get3A_554 = arith.constant 2 : i32
        %get3A_555 = arith.index_cast %get3A_553 : i32 to index
        %get3A_556 = arith.index_cast %get3A_554 : i32 to index
        %get3A_557 = arith.index_cast %scan3A_490 : i32 to index
        %get3A_558 = arith.constant 16 : index
        %get3A_559 = tpu.vector_load %arg9[%get3A_555, %get3A_556, %get3A_557, %get3A_558] {strides = array<i32>} : memref<2x4x40x160xf32, #tpu.memory_space<vmem>>, vector<1x1x1x16xf32>,
        %get3A_560 = vector.shape_cast %get3A_559 : vector<1x1x1x16xf32> to vector<16xf32>
        %get3A_561 = arith.constant 1 : i32
        %get3A_562 = arith.constant 3 : i32
        %get3A_563 = arith.index_cast %get3A_561 : i32 to index
        %get3A_564 = arith.index_cast %get3A_562 : i32 to index
        %get3A_565 = arith.index_cast %scan3A_490 : i32 to index
        %get3A_566 = arith.constant 16 : index
        %get3A_567 = tpu.vector_load %arg9[%get3A_563, %get3A_564, %get3A_565, %get3A_566] {strides = array<i32>} : memref<2x4x40x160xf32, #tpu.memory_space<vmem>>, vector<1x1x1x16xf32>,
        %get3A_568 = vector.shape_cast %get3A_567 : vector<1x1x1x16xf32> to vector<16xf32>
        %add3A_569 = arith.addf %get3A_560, %get3A_568 : vector<16xf32>
        %add3A_570 = arith.addf %add3A_552, %add3A_569 : vector<16xf32>
        %max3A_571 = arith.constant 0.000000e+00 : f32
        %max3A_572 = vector.broadcast %max3A_571 : f32 to vector<16xf32>
        %max3A_573 = arith.maximumf %add3A_570, %max3A_572 : vector<16xf32>
        %mul3A_574 = arith.constant 160 : i32
        %mul3A_575 = arith.muli %scan3A_490, %mul3A_574 : i32
        %add3A_576 = arith.constant 16 : i32
        %add3A_577 = arith.addi %mul3A_575, %add3A_576 : i32
        %swap3A_578 = arith.constant 1 : i32
        %swap3A_579 = arith.index_cast %swap3A_578 : i32 to index
        %swap3A_580 = arith.index_cast %add3A_577 : i32 to index
        %swap3A_581 = tpu.vector_load %arg10[%swap3A_579, %swap3A_580] {strides = array<i32>} : memref<2x6400xf32, #tpu.memory_space<vmem>>, vector<1x16xf32>,
        %swap3A_582 = vector.shape_cast %swap3A_581 : vector<1x16xf32> to vector<16xf32>
        %swap3A_583 = vector.shape_cast %max3A_573 : vector<16xf32> to vector<1x16xf32>
        tpu.vector_store %arg10[%swap3A_579, %swap3A_580], %swap3A_583 {strides = array<i32>} : memref<2x6400xf32, #tpu.memory_space<vmem>>, vector<1x16xf32>,
        %get3A_584 = arith.constant 1 : i32
        %get3A_585 = arith.constant 0 : i32
        %get3A_586 = arith.index_cast %get3A_584 : i32 to index
        %get3A_587 = arith.index_cast %get3A_585 : i32 to index
        %get3A_588 = arith.index_cast %scan3A_490 : i32 to index
        %get3A_589 = arith.constant 32 : index
        %get3A_590 = tpu.vector_load %arg9[%get3A_586, %get3A_587, %get3A_588, %get3A_589] {strides = array<i32>} : memref<2x4x40x160xf32, #tpu.memory_space<vmem>>, vector<1x1x1x16xf32>,
        %get3A_591 = vector.shape_cast %get3A_590 : vector<1x1x1x16xf32> to vector<16xf32>
        %get3A_592 = arith.constant 1 : i32
        %get3A_593 = arith.constant 1 : i32
        %get3A_594 = arith.index_cast %get3A_592 : i32 to index
        %get3A_595 = arith.index_cast %get3A_593 : i32 to index
        %get3A_596 = arith.index_cast %scan3A_490 : i32 to index
        %get3A_597 = arith.constant 32 : index
        %get3A_598 = tpu.vector_load %arg9[%get3A_594, %get3A_595, %get3A_596, %get3A_597] {strides = array<i32>} : memref<2x4x40x160xf32, #tpu.memory_space<vmem>>, vector<1x1x1x16xf32>,
        %get3A_599 = vector.shape_cast %get3A_598 : vector<1x1x1x16xf32> to vector<16xf32>
        %add3A_600 = arith.addf %get3A_591, %get3A_599 : vector<16xf32>
        %get3A_601 = arith.constant 1 : i32
        %get3A_602 = arith.constant 2 : i32
        %get3A_603 = arith.index_cast %get3A_601 : i32 to index
        %get3A_604 = arith.index_cast %get3A_602 : i32 to index
        %get3A_605 = arith.index_cast %scan3A_490 : i32 to index
        %get3A_606 = arith.constant 32 : index
        %get3A_607 = tpu.vector_load %arg9[%get3A_603, %get3A_604, %get3A_605, %get3A_606] {strides = array<i32>} : memref<2x4x40x160xf32, #tpu.memory_space<vmem>>, vector<1x1x1x16xf32>,
        %get3A_608 = vector.shape_cast %get3A_607 : vector<1x1x1x16xf32> to vector<16xf32>
        %get3A_609 = arith.constant 1 : i32
        %get3A_610 = arith.constant 3 : i32
        %get3A_611 = arith.index_cast %get3A_609 : i32 to index
        %get3A_612 = arith.index_cast %get3A_610 : i32 to index
        %get3A_613 = arith.index_cast %scan3A_490 : i32 to index
        %get3A_614 = arith.constant 32 : index
        %get3A_615 = tpu.vector_load %arg9[%get3A_611, %get3A_612, %get3A_613, %get3A_614] {strides = array<i32>} : memref<2x4x40x160xf32, #tpu.memory_space<vmem>>, vector<1x1x1x16xf32>,
        %get3A_616 = vector.shape_cast %get3A_615 : vector<1x1x1x16xf32> to vector<16xf32>
        %add3A_617 = arith.addf %get3A_608, %get3A_616 : vector<16xf32>
        %add3A_618 = arith.addf %add3A_600, %add3A_617 : vector<16xf32>
        %max3A_619 = arith.constant 0.000000e+00 : f32
        %max3A_620 = vector.broadcast %max3A_619 : f32 to vector<16xf32>
        %max3A_621 = arith.maximumf %add3A_618, %max3A_620 : vector<16xf32>
        %mul3A_622 = arith.constant 160 : i32
        %mul3A_623 = arith.muli %scan3A_490, %mul3A_622 : i32
        %add3A_624 = arith.constant 32 : i32
        %add3A_625 = arith.addi %mul3A_623, %add3A_624 : i32
        %swap3A_626 = arith.constant 1 : i32
        %swap3A_627 = arith.index_cast %swap3A_626 : i32 to index
        %swap3A_628 = arith.index_cast %add3A_625 : i32 to index
        %swap3A_629 = tpu.vector_load %arg10[%swap3A_627, %swap3A_628] {strides = array<i32>} : memref<2x6400xf32, #tpu.memory_space<vmem>>, vector<1x16xf32>,
        %swap3A_630 = vector.shape_cast %swap3A_629 : vector<1x16xf32> to vector<16xf32>
        %swap3A_631 = vector.shape_cast %max3A_621 : vector<16xf32> to vector<1x16xf32>
        tpu.vector_store %arg10[%swap3A_627, %swap3A_628], %swap3A_631 {strides = array<i32>} : memref<2x6400xf32, #tpu.memory_space<vmem>>, vector<1x16xf32>,
        %get3A_632 = arith.constant 1 : i32
        %get3A_633 = arith.constant 0 : i32
        %get3A_634 = arith.index_cast %get3A_632 : i32 to index
        %get3A_635 = arith.index_cast %get3A_633 : i32 to index
        %get3A_636 = arith.index_cast %scan3A_490 : i32 to index
        %get3A_637 = arith.constant 48 : index
        %get3A_638 = tpu.vector_load %arg9[%get3A_634, %get3A_635, %get3A_636, %get3A_637] {strides = array<i32>} : memref<2x4x40x160xf32, #tpu.memory_space<vmem>>, vector<1x1x1x16xf32>,
        %get3A_639 = vector.shape_cast %get3A_638 : vector<1x1x1x16xf32> to vector<16xf32>
        %get3A_640 = arith.constant 1 : i32
        %get3A_641 = arith.constant 1 : i32
        %get3A_642 = arith.index_cast %get3A_640 : i32 to index
        %get3A_643 = arith.index_cast %get3A_641 : i32 to index
        %get3A_644 = arith.index_cast %scan3A_490 : i32 to index
        %get3A_645 = arith.constant 48 : index
        %get3A_646 = tpu.vector_load %arg9[%get3A_642, %get3A_643, %get3A_644, %get3A_645] {strides = array<i32>} : memref<2x4x40x160xf32, #tpu.memory_space<vmem>>, vector<1x1x1x16xf32>,
        %get3A_647 = vector.shape_cast %get3A_646 : vector<1x1x1x16xf32> to vector<16xf32>
        %add3A_648 = arith.addf %get3A_639, %get3A_647 : vector<16xf32>
        %get3A_649 = arith.constant 1 : i32
        %get3A_650 = arith.constant 2 : i32
        %get3A_651 = arith.index_cast %get3A_649 : i32 to index
        %get3A_652 = arith.index_cast %get3A_650 : i32 to index
        %get3A_653 = arith.index_cast %scan3A_490 : i32 to index
        %get3A_654 = arith.constant 48 : index
        %get3A_655 = tpu.vector_load %arg9[%get3A_651, %get3A_652, %get3A_653, %get3A_654] {strides = array<i32>} : memref<2x4x40x160xf32, #tpu.memory_space<vmem>>, vector<1x1x1x16xf32>,
        %get3A_656 = vector.shape_cast %get3A_655 : vector<1x1x1x16xf32> to vector<16xf32>
        %get3A_657 = arith.constant 1 : i32
        %get3A_658 = arith.constant 3 : i32
        %get3A_659 = arith.index_cast %get3A_657 : i32 to index
        %get3A_660 = arith.index_cast %get3A_658 : i32 to index
        %get3A_661 = arith.index_cast %scan3A_490 : i32 to index
        %get3A_662 = arith.constant 48 : index
        %get3A_663 = tpu.vector_load %arg9[%get3A_659, %get3A_660, %get3A_661, %get3A_662] {strides = array<i32>} : memref<2x4x40x160xf32, #tpu.memory_space<vmem>>, vector<1x1x1x16xf32>,
        %get3A_664 = vector.shape_cast %get3A_663 : vector<1x1x1x16xf32> to vector<16xf32>
        %add3A_665 = arith.addf %get3A_656, %get3A_664 : vector<16xf32>
        %add3A_666 = arith.addf %add3A_648, %add3A_665 : vector<16xf32>
        %max3A_667 = arith.constant 0.000000e+00 : f32
        %max3A_668 = vector.broadcast %max3A_667 : f32 to vector<16xf32>
        %max3A_669 = arith.maximumf %add3A_666, %max3A_668 : vector<16xf32>
        %mul3A_670 = arith.constant 160 : i32
        %mul3A_671 = arith.muli %scan3A_490, %mul3A_670 : i32
        %add3A_672 = arith.constant 48 : i32
        %add3A_673 = arith.addi %mul3A_671, %add3A_672 : i32
        %swap3A_674 = arith.constant 1 : i32
        %swap3A_675 = arith.index_cast %swap3A_674 : i32 to index
        %swap3A_676 = arith.index_cast %add3A_673 : i32 to index
        %swap3A_677 = tpu.vector_load %arg10[%swap3A_675, %swap3A_676] {strides = array<i32>} : memref<2x6400xf32, #tpu.memory_space<vmem>>, vector<1x16xf32>,
        %swap3A_678 = vector.shape_cast %swap3A_677 : vector<1x16xf32> to vector<16xf32>
        %swap3A_679 = vector.shape_cast %max3A_669 : vector<16xf32> to vector<1x16xf32>
        tpu.vector_store %arg10[%swap3A_675, %swap3A_676], %swap3A_679 {strides = array<i32>} : memref<2x6400xf32, #tpu.memory_space<vmem>>, vector<1x16xf32>,
        %get3A_680 = arith.constant 1 : i32
        %get3A_681 = arith.constant 0 : i32
        %get3A_682 = arith.index_cast %get3A_680 : i32 to index
        %get3A_683 = arith.index_cast %get3A_681 : i32 to index
        %get3A_684 = arith.index_cast %scan3A_490 : i32 to index
        %get3A_685 = arith.constant 64 : index
        %get3A_686 = tpu.vector_load %arg9[%get3A_682, %get3A_683, %get3A_684, %get3A_685] {strides = array<i32>} : memref<2x4x40x160xf32, #tpu.memory_space<vmem>>, vector<1x1x1x16xf32>,
        %get3A_687 = vector.shape_cast %get3A_686 : vector<1x1x1x16xf32> to vector<16xf32>
        %get3A_688 = arith.constant 1 : i32
        %get3A_689 = arith.constant 1 : i32
        %get3A_690 = arith.index_cast %get3A_688 : i32 to index
        %get3A_691 = arith.index_cast %get3A_689 : i32 to index
        %get3A_692 = arith.index_cast %scan3A_490 : i32 to index
        %get3A_693 = arith.constant 64 : index
        %get3A_694 = tpu.vector_load %arg9[%get3A_690, %get3A_691, %get3A_692, %get3A_693] {strides = array<i32>} : memref<2x4x40x160xf32, #tpu.memory_space<vmem>>, vector<1x1x1x16xf32>,
        %get3A_695 = vector.shape_cast %get3A_694 : vector<1x1x1x16xf32> to vector<16xf32>
        %add3A_696 = arith.addf %get3A_687, %get3A_695 : vector<16xf32>
        %get3A_697 = arith.constant 1 : i32
        %get3A_698 = arith.constant 2 : i32
        %get3A_699 = arith.index_cast %get3A_697 : i32 to index
        %get3A_700 = arith.index_cast %get3A_698 : i32 to index
        %get3A_701 = arith.index_cast %scan3A_490 : i32 to index
        %get3A_702 = arith.constant 64 : index
        %get3A_703 = tpu.vector_load %arg9[%get3A_699, %get3A_700, %get3A_701, %get3A_702] {strides = array<i32>} : memref<2x4x40x160xf32, #tpu.memory_space<vmem>>, vector<1x1x1x16xf32>,
        %get3A_704 = vector.shape_cast %get3A_703 : vector<1x1x1x16xf32> to vector<16xf32>
        %get3A_705 = arith.constant 1 : i32
        %get3A_706 = arith.constant 3 : i32
        %get3A_707 = arith.index_cast %get3A_705 : i32 to index
        %get3A_708 = arith.index_cast %get3A_706 : i32 to index
        %get3A_709 = arith.index_cast %scan3A_490 : i32 to index
        %get3A_710 = arith.constant 64 : index
        %get3A_711 = tpu.vector_load %arg9[%get3A_707, %get3A_708, %get3A_709, %get3A_710] {strides = array<i32>} : memref<2x4x40x160xf32, #tpu.memory_space<vmem>>, vector<1x1x1x16xf32>,
        %get3A_712 = vector.shape_cast %get3A_711 : vector<1x1x1x16xf32> to vector<16xf32>
        %add3A_713 = arith.addf %get3A_704, %get3A_712 : vector<16xf32>
        %add3A_714 = arith.addf %add3A_696, %add3A_713 : vector<16xf32>
        %max3A_715 = arith.constant 0.000000e+00 : f32
        %max3A_716 = vector.broadcast %max3A_715 : f32 to vector<16xf32>
        %max3A_717 = arith.maximumf %add3A_714, %max3A_716 : vector<16xf32>
        %mul3A_718 = arith.constant 160 : i32
        %mul3A_719 = arith.muli %scan3A_490, %mul3A_718 : i32
        %add3A_720 = arith.constant 64 : i32
        %add3A_721 = arith.addi %mul3A_719, %add3A_720 : i32
        %swap3A_722 = arith.constant 1 : i32
        %swap3A_723 = arith.index_cast %swap3A_722 : i32 to index
        %swap3A_724 = arith.index_cast %add3A_721 : i32 to index
        %swap3A_725 = tpu.vector_load %arg10[%swap3A_723, %swap3A_724] {strides = array<i32>} : memref<2x6400xf32, #tpu.memory_space<vmem>>, vector<1x16xf32>,
        %swap3A_726 = vector.shape_cast %swap3A_725 : vector<1x16xf32> to vector<16xf32>
        %swap3A_727 = vector.shape_cast %max3A_717 : vector<16xf32> to vector<1x16xf32>
        tpu.vector_store %arg10[%swap3A_723, %swap3A_724], %swap3A_727 {strides = array<i32>} : memref<2x6400xf32, #tpu.memory_space<vmem>>, vector<1x16xf32>,
        %get3A_728 = arith.constant 1 : i32
        %get3A_729 = arith.constant 0 : i32
        %get3A_730 = arith.index_cast %get3A_728 : i32 to index
        %get3A_731 = arith.index_cast %get3A_729 : i32 to index
        %get3A_732 = arith.index_cast %scan3A_490 : i32 to index
        %get3A_733 = arith.constant 80 : index
        %get3A_734 = tpu.vector_load %arg9[%get3A_730, %get3A_731, %get3A_732, %get3A_733] {strides = array<i32>} : memref<2x4x40x160xf32, #tpu.memory_space<vmem>>, vector<1x1x1x16xf32>,
        %get3A_735 = vector.shape_cast %get3A_734 : vector<1x1x1x16xf32> to vector<16xf32>
        %get3A_736 = arith.constant 1 : i32
        %get3A_737 = arith.constant 1 : i32
        %get3A_738 = arith.index_cast %get3A_736 : i32 to index
        %get3A_739 = arith.index_cast %get3A_737 : i32 to index
        %get3A_740 = arith.index_cast %scan3A_490 : i32 to index
        %get3A_741 = arith.constant 80 : index
        %get3A_742 = tpu.vector_load %arg9[%get3A_738, %get3A_739, %get3A_740, %get3A_741] {strides = array<i32>} : memref<2x4x40x160xf32, #tpu.memory_space<vmem>>, vector<1x1x1x16xf32>,
        %get3A_743 = vector.shape_cast %get3A_742 : vector<1x1x1x16xf32> to vector<16xf32>
        %add3A_744 = arith.addf %get3A_735, %get3A_743 : vector<16xf32>
        %get3A_745 = arith.constant 1 : i32
        %get3A_746 = arith.constant 2 : i32
        %get3A_747 = arith.index_cast %get3A_745 : i32 to index
        %get3A_748 = arith.index_cast %get3A_746 : i32 to index
        %get3A_749 = arith.index_cast %scan3A_490 : i32 to index
        %get3A_750 = arith.constant 80 : index
        %get3A_751 = tpu.vector_load %arg9[%get3A_747, %get3A_748, %get3A_749, %get3A_750] {strides = array<i32>} : memref<2x4x40x160xf32, #tpu.memory_space<vmem>>, vector<1x1x1x16xf32>,
        %get3A_752 = vector.shape_cast %get3A_751 : vector<1x1x1x16xf32> to vector<16xf32>
        %get3A_753 = arith.constant 1 : i32
        %get3A_754 = arith.constant 3 : i32
        %get3A_755 = arith.index_cast %get3A_753 : i32 to index
        %get3A_756 = arith.index_cast %get3A_754 : i32 to index
        %get3A_757 = arith.index_cast %scan3A_490 : i32 to index
        %get3A_758 = arith.constant 80 : index
        %get3A_759 = tpu.vector_load %arg9[%get3A_755, %get3A_756, %get3A_757, %get3A_758] {strides = array<i32>} : memref<2x4x40x160xf32, #tpu.memory_space<vmem>>, vector<1x1x1x16xf32>,
        %get3A_760 = vector.shape_cast %get3A_759 : vector<1x1x1x16xf32> to vector<16xf32>
        %add3A_761 = arith.addf %get3A_752, %get3A_760 : vector<16xf32>
        %add3A_762 = arith.addf %add3A_744, %add3A_761 : vector<16xf32>
        %max3A_763 = arith.constant 0.000000e+00 : f32
        %max3A_764 = vector.broadcast %max3A_763 : f32 to vector<16xf32>
        %max3A_765 = arith.maximumf %add3A_762, %max3A_764 : vector<16xf32>
        %mul3A_766 = arith.constant 160 : i32
        %mul3A_767 = arith.muli %scan3A_490, %mul3A_766 : i32
        %add3A_768 = arith.constant 80 : i32
        %add3A_769 = arith.addi %mul3A_767, %add3A_768 : i32
        %swap3A_770 = arith.constant 1 : i32
        %swap3A_771 = arith.index_cast %swap3A_770 : i32 to index
        %swap3A_772 = arith.index_cast %add3A_769 : i32 to index
        %swap3A_773 = tpu.vector_load %arg10[%swap3A_771, %swap3A_772] {strides = array<i32>} : memref<2x6400xf32, #tpu.memory_space<vmem>>, vector<1x16xf32>,
        %swap3A_774 = vector.shape_cast %swap3A_773 : vector<1x16xf32> to vector<16xf32>
        %swap3A_775 = vector.shape_cast %max3A_765 : vector<16xf32> to vector<1x16xf32>
        tpu.vector_store %arg10[%swap3A_771, %swap3A_772], %swap3A_775 {strides = array<i32>} : memref<2x6400xf32, #tpu.memory_space<vmem>>, vector<1x16xf32>,
        %get3A_776 = arith.constant 1 : i32
        %get3A_777 = arith.constant 0 : i32
        %get3A_778 = arith.index_cast %get3A_776 : i32 to index
        %get3A_779 = arith.index_cast %get3A_777 : i32 to index
        %get3A_780 = arith.index_cast %scan3A_490 : i32 to index
        %get3A_781 = arith.constant 96 : index
        %get3A_782 = tpu.vector_load %arg9[%get3A_778, %get3A_779, %get3A_780, %get3A_781] {strides = array<i32>} : memref<2x4x40x160xf32, #tpu.memory_space<vmem>>, vector<1x1x1x16xf32>,
        %get3A_783 = vector.shape_cast %get3A_782 : vector<1x1x1x16xf32> to vector<16xf32>
        %get3A_784 = arith.constant 1 : i32
        %get3A_785 = arith.constant 1 : i32
        %get3A_786 = arith.index_cast %get3A_784 : i32 to index
        %get3A_787 = arith.index_cast %get3A_785 : i32 to index
        %get3A_788 = arith.index_cast %scan3A_490 : i32 to index
        %get3A_789 = arith.constant 96 : index
        %get3A_790 = tpu.vector_load %arg9[%get3A_786, %get3A_787, %get3A_788, %get3A_789] {strides = array<i32>} : memref<2x4x40x160xf32, #tpu.memory_space<vmem>>, vector<1x1x1x16xf32>,
        %get3A_791 = vector.shape_cast %get3A_790 : vector<1x1x1x16xf32> to vector<16xf32>
        %add3A_792 = arith.addf %get3A_783, %get3A_791 : vector<16xf32>
        %get3A_793 = arith.constant 1 : i32
        %get3A_794 = arith.constant 2 : i32
        %get3A_795 = arith.index_cast %get3A_793 : i32 to index
        %get3A_796 = arith.index_cast %get3A_794 : i32 to index
        %get3A_797 = arith.index_cast %scan3A_490 : i32 to index
        %get3A_798 = arith.constant 96 : index
        %get3A_799 = tpu.vector_load %arg9[%get3A_795, %get3A_796, %get3A_797, %get3A_798] {strides = array<i32>} : memref<2x4x40x160xf32, #tpu.memory_space<vmem>>, vector<1x1x1x16xf32>,
        %get3A_800 = vector.shape_cast %get3A_799 : vector<1x1x1x16xf32> to vector<16xf32>
        %get3A_801 = arith.constant 1 : i32
        %get3A_802 = arith.constant 3 : i32
        %get3A_803 = arith.index_cast %get3A_801 : i32 to index
        %get3A_804 = arith.index_cast %get3A_802 : i32 to index
        %get3A_805 = arith.index_cast %scan3A_490 : i32 to index
        %get3A_806 = arith.constant 96 : index
        %get3A_807 = tpu.vector_load %arg9[%get3A_803, %get3A_804, %get3A_805, %get3A_806] {strides = array<i32>} : memref<2x4x40x160xf32, #tpu.memory_space<vmem>>, vector<1x1x1x16xf32>,
        %get3A_808 = vector.shape_cast %get3A_807 : vector<1x1x1x16xf32> to vector<16xf32>
        %add3A_809 = arith.addf %get3A_800, %get3A_808 : vector<16xf32>
        %add3A_810 = arith.addf %add3A_792, %add3A_809 : vector<16xf32>
        %max3A_811 = arith.constant 0.000000e+00 : f32
        %max3A_812 = vector.broadcast %max3A_811 : f32 to vector<16xf32>
        %max3A_813 = arith.maximumf %add3A_810, %max3A_812 : vector<16xf32>
        %mul3A_814 = arith.constant 160 : i32
        %mul3A_815 = arith.muli %scan3A_490, %mul3A_814 : i32
        %add3A_816 = arith.constant 96 : i32
        %add3A_817 = arith.addi %mul3A_815, %add3A_816 : i32
        %swap3A_818 = arith.constant 1 : i32
        %swap3A_819 = arith.index_cast %swap3A_818 : i32 to index
        %swap3A_820 = arith.index_cast %add3A_817 : i32 to index
        %swap3A_821 = tpu.vector_load %arg10[%swap3A_819, %swap3A_820] {strides = array<i32>} : memref<2x6400xf32, #tpu.memory_space<vmem>>, vector<1x16xf32>,
        %swap3A_822 = vector.shape_cast %swap3A_821 : vector<1x16xf32> to vector<16xf32>
        %swap3A_823 = vector.shape_cast %max3A_813 : vector<16xf32> to vector<1x16xf32>
        tpu.vector_store %arg10[%swap3A_819, %swap3A_820], %swap3A_823 {strides = array<i32>} : memref<2x6400xf32, #tpu.memory_space<vmem>>, vector<1x16xf32>,
        %get3A_824 = arith.constant 1 : i32
        %get3A_825 = arith.constant 0 : i32
        %get3A_826 = arith.index_cast %get3A_824 : i32 to index
        %get3A_827 = arith.index_cast %get3A_825 : i32 to index
        %get3A_828 = arith.index_cast %scan3A_490 : i32 to index
        %get3A_829 = arith.constant 112 : index
        %get3A_830 = tpu.vector_load %arg9[%get3A_826, %get3A_827, %get3A_828, %get3A_829] {strides = array<i32>} : memref<2x4x40x160xf32, #tpu.memory_space<vmem>>, vector<1x1x1x16xf32>,
        %get3A_831 = vector.shape_cast %get3A_830 : vector<1x1x1x16xf32> to vector<16xf32>
        %get3A_832 = arith.constant 1 : i32
        %get3A_833 = arith.constant 1 : i32
        %get3A_834 = arith.index_cast %get3A_832 : i32 to index
        %get3A_835 = arith.index_cast %get3A_833 : i32 to index
        %get3A_836 = arith.index_cast %scan3A_490 : i32 to index
        %get3A_837 = arith.constant 112 : index
        %get3A_838 = tpu.vector_load %arg9[%get3A_834, %get3A_835, %get3A_836, %get3A_837] {strides = array<i32>} : memref<2x4x40x160xf32, #tpu.memory_space<vmem>>, vector<1x1x1x16xf32>,
        %get3A_839 = vector.shape_cast %get3A_838 : vector<1x1x1x16xf32> to vector<16xf32>
        %add3A_840 = arith.addf %get3A_831, %get3A_839 : vector<16xf32>
        %get3A_841 = arith.constant 1 : i32
        %get3A_842 = arith.constant 2 : i32
        %get3A_843 = arith.index_cast %get3A_841 : i32 to index
        %get3A_844 = arith.index_cast %get3A_842 : i32 to index
        %get3A_845 = arith.index_cast %scan3A_490 : i32 to index
        %get3A_846 = arith.constant 112 : index
        %get3A_847 = tpu.vector_load %arg9[%get3A_843, %get3A_844, %get3A_845, %get3A_846] {strides = array<i32>} : memref<2x4x40x160xf32, #tpu.memory_space<vmem>>, vector<1x1x1x16xf32>,
        %get3A_848 = vector.shape_cast %get3A_847 : vector<1x1x1x16xf32> to vector<16xf32>
        %get3A_849 = arith.constant 1 : i32
        %get3A_850 = arith.constant 3 : i32
        %get3A_851 = arith.index_cast %get3A_849 : i32 to index
        %get3A_852 = arith.index_cast %get3A_850 : i32 to index
        %get3A_853 = arith.index_cast %scan3A_490 : i32 to index
        %get3A_854 = arith.constant 112 : index
        %get3A_855 = tpu.vector_load %arg9[%get3A_851, %get3A_852, %get3A_853, %get3A_854] {strides = array<i32>} : memref<2x4x40x160xf32, #tpu.memory_space<vmem>>, vector<1x1x1x16xf32>,
        %get3A_856 = vector.shape_cast %get3A_855 : vector<1x1x1x16xf32> to vector<16xf32>
        %add3A_857 = arith.addf %get3A_848, %get3A_856 : vector<16xf32>
        %add3A_858 = arith.addf %add3A_840, %add3A_857 : vector<16xf32>
        %max3A_859 = arith.constant 0.000000e+00 : f32
        %max3A_860 = vector.broadcast %max3A_859 : f32 to vector<16xf32>
        %max3A_861 = arith.maximumf %add3A_858, %max3A_860 : vector<16xf32>
        %mul3A_862 = arith.constant 160 : i32
        %mul3A_863 = arith.muli %scan3A_490, %mul3A_862 : i32
        %add3A_864 = arith.constant 112 : i32
        %add3A_865 = arith.addi %mul3A_863, %add3A_864 : i32
        %swap3A_866 = arith.constant 1 : i32
        %swap3A_867 = arith.index_cast %swap3A_866 : i32 to index
        %swap3A_868 = arith.index_cast %add3A_865 : i32 to index
        %swap3A_869 = tpu.vector_load %arg10[%swap3A_867, %swap3A_868] {strides = array<i32>} : memref<2x6400xf32, #tpu.memory_space<vmem>>, vector<1x16xf32>,
        %swap3A_870 = vector.shape_cast %swap3A_869 : vector<1x16xf32> to vector<16xf32>
        %swap3A_871 = vector.shape_cast %max3A_861 : vector<16xf32> to vector<1x16xf32>
        tpu.vector_store %arg10[%swap3A_867, %swap3A_868], %swap3A_871 {strides = array<i32>} : memref<2x6400xf32, #tpu.memory_space<vmem>>, vector<1x16xf32>,
        %get3A_872 = arith.constant 1 : i32
        %get3A_873 = arith.constant 0 : i32
        %get3A_874 = arith.index_cast %get3A_872 : i32 to index
        %get3A_875 = arith.index_cast %get3A_873 : i32 to index
        %get3A_876 = arith.index_cast %scan3A_490 : i32 to index
        %get3A_877 = arith.constant 128 : index
        %get3A_878 = tpu.vector_load %arg9[%get3A_874, %get3A_875, %get3A_876, %get3A_877] {strides = array<i32>} : memref<2x4x40x160xf32, #tpu.memory_space<vmem>>, vector<1x1x1x16xf32>,
        %get3A_879 = vector.shape_cast %get3A_878 : vector<1x1x1x16xf32> to vector<16xf32>
        %get3A_880 = arith.constant 1 : i32
        %get3A_881 = arith.constant 1 : i32
        %get3A_882 = arith.index_cast %get3A_880 : i32 to index
        %get3A_883 = arith.index_cast %get3A_881 : i32 to index
        %get3A_884 = arith.index_cast %scan3A_490 : i32 to index
        %get3A_885 = arith.constant 128 : index
        %get3A_886 = tpu.vector_load %arg9[%get3A_882, %get3A_883, %get3A_884, %get3A_885] {strides = array<i32>} : memref<2x4x40x160xf32, #tpu.memory_space<vmem>>, vector<1x1x1x16xf32>,
        %get3A_887 = vector.shape_cast %get3A_886 : vector<1x1x1x16xf32> to vector<16xf32>
        %add3A_888 = arith.addf %get3A_879, %get3A_887 : vector<16xf32>
        %get3A_889 = arith.constant 1 : i32
        %get3A_890 = arith.constant 2 : i32
        %get3A_891 = arith.index_cast %get3A_889 : i32 to index
        %get3A_892 = arith.index_cast %get3A_890 : i32 to index
        %get3A_893 = arith.index_cast %scan3A_490 : i32 to index
        %get3A_894 = arith.constant 128 : index
        %get3A_895 = tpu.vector_load %arg9[%get3A_891, %get3A_892, %get3A_893, %get3A_894] {strides = array<i32>} : memref<2x4x40x160xf32, #tpu.memory_space<vmem>>, vector<1x1x1x16xf32>,
        %get3A_896 = vector.shape_cast %get3A_895 : vector<1x1x1x16xf32> to vector<16xf32>
        %get3A_897 = arith.constant 1 : i32
        %get3A_898 = arith.constant 3 : i32
        %get3A_899 = arith.index_cast %get3A_897 : i32 to index
        %get3A_900 = arith.index_cast %get3A_898 : i32 to index
        %get3A_901 = arith.index_cast %scan3A_490 : i32 to index
        %get3A_902 = arith.constant 128 : index
        %get3A_903 = tpu.vector_load %arg9[%get3A_899, %get3A_900, %get3A_901, %get3A_902] {strides = array<i32>} : memref<2x4x40x160xf32, #tpu.memory_space<vmem>>, vector<1x1x1x16xf32>,
        %get3A_904 = vector.shape_cast %get3A_903 : vector<1x1x1x16xf32> to vector<16xf32>
        %add3A_905 = arith.addf %get3A_896, %get3A_904 : vector<16xf32>
        %add3A_906 = arith.addf %add3A_888, %add3A_905 : vector<16xf32>
        %max3A_907 = arith.constant 0.000000e+00 : f32
        %max3A_908 = vector.broadcast %max3A_907 : f32 to vector<16xf32>
        %max3A_909 = arith.maximumf %add3A_906, %max3A_908 : vector<16xf32>
        %mul3A_910 = arith.constant 160 : i32
        %mul3A_911 = arith.muli %scan3A_490, %mul3A_910 : i32
        %add3A_912 = arith.constant 128 : i32
        %add3A_913 = arith.addi %mul3A_911, %add3A_912 : i32
        %swap3A_914 = arith.constant 1 : i32
        %swap3A_915 = arith.index_cast %swap3A_914 : i32 to index
        %swap3A_916 = arith.index_cast %add3A_913 : i32 to index
        %swap3A_917 = tpu.vector_load %arg10[%swap3A_915, %swap3A_916] {strides = array<i32>} : memref<2x6400xf32, #tpu.memory_space<vmem>>, vector<1x16xf32>,
        %swap3A_918 = vector.shape_cast %swap3A_917 : vector<1x16xf32> to vector<16xf32>
        %swap3A_919 = vector.shape_cast %max3A_909 : vector<16xf32> to vector<1x16xf32>
        tpu.vector_store %arg10[%swap3A_915, %swap3A_916], %swap3A_919 {strides = array<i32>} : memref<2x6400xf32, #tpu.memory_space<vmem>>, vector<1x16xf32>,
        %get3A_920 = arith.constant 1 : i32
        %get3A_921 = arith.constant 0 : i32
        %get3A_922 = arith.index_cast %get3A_920 : i32 to index
        %get3A_923 = arith.index_cast %get3A_921 : i32 to index
        %get3A_924 = arith.index_cast %scan3A_490 : i32 to index
        %get3A_925 = arith.constant 144 : index
        %get3A_926 = tpu.vector_load %arg9[%get3A_922, %get3A_923, %get3A_924, %get3A_925] {strides = array<i32>} : memref<2x4x40x160xf32, #tpu.memory_space<vmem>>, vector<1x1x1x16xf32>,
        %get3A_927 = vector.shape_cast %get3A_926 : vector<1x1x1x16xf32> to vector<16xf32>
        %get3A_928 = arith.constant 1 : i32
        %get3A_929 = arith.constant 1 : i32
        %get3A_930 = arith.index_cast %get3A_928 : i32 to index
        %get3A_931 = arith.index_cast %get3A_929 : i32 to index
        %get3A_932 = arith.index_cast %scan3A_490 : i32 to index
        %get3A_933 = arith.constant 144 : index
        %get3A_934 = tpu.vector_load %arg9[%get3A_930, %get3A_931, %get3A_932, %get3A_933] {strides = array<i32>} : memref<2x4x40x160xf32, #tpu.memory_space<vmem>>, vector<1x1x1x16xf32>,
        %get3A_935 = vector.shape_cast %get3A_934 : vector<1x1x1x16xf32> to vector<16xf32>
        %add3A_936 = arith.addf %get3A_927, %get3A_935 : vector<16xf32>
        %get3A_937 = arith.constant 1 : i32
        %get3A_938 = arith.constant 2 : i32
        %get3A_939 = arith.index_cast %get3A_937 : i32 to index
        %get3A_940 = arith.index_cast %get3A_938 : i32 to index
        %get3A_941 = arith.index_cast %scan3A_490 : i32 to index
        %get3A_942 = arith.constant 144 : index
        %get3A_943 = tpu.vector_load %arg9[%get3A_939, %get3A_940, %get3A_941, %get3A_942] {strides = array<i32>} : memref<2x4x40x160xf32, #tpu.memory_space<vmem>>, vector<1x1x1x16xf32>,
        %get3A_944 = vector.shape_cast %get3A_943 : vector<1x1x1x16xf32> to vector<16xf32>
        %get3A_945 = arith.constant 1 : i32
        %get3A_946 = arith.constant 3 : i32
        %get3A_947 = arith.index_cast %get3A_945 : i32 to index
        %get3A_948 = arith.index_cast %get3A_946 : i32 to index
        %get3A_949 = arith.index_cast %scan3A_490 : i32 to index
        %get3A_950 = arith.constant 144 : index
        %get3A_951 = tpu.vector_load %arg9[%get3A_947, %get3A_948, %get3A_949, %get3A_950] {strides = array<i32>} : memref<2x4x40x160xf32, #tpu.memory_space<vmem>>, vector<1x1x1x16xf32>,
        %get3A_952 = vector.shape_cast %get3A_951 : vector<1x1x1x16xf32> to vector<16xf32>
        %add3A_953 = arith.addf %get3A_944, %get3A_952 : vector<16xf32>
        %add3A_954 = arith.addf %add3A_936, %add3A_953 : vector<16xf32>
        %max3A_955 = arith.constant 0.000000e+00 : f32
        %max3A_956 = vector.broadcast %max3A_955 : f32 to vector<16xf32>
        %max3A_957 = arith.maximumf %add3A_954, %max3A_956 : vector<16xf32>
        %mul3A_958 = arith.constant 160 : i32
        %mul3A_959 = arith.muli %scan3A_490, %mul3A_958 : i32
        %add3A_960 = arith.constant 144 : i32
        %add3A_961 = arith.addi %mul3A_959, %add3A_960 : i32
        %swap3A_962 = arith.constant 1 : i32
        %swap3A_963 = arith.index_cast %swap3A_962 : i32 to index
        %swap3A_964 = arith.index_cast %add3A_961 : i32 to index
        %swap3A_965 = tpu.vector_load %arg10[%swap3A_963, %swap3A_964] {strides = array<i32>} : memref<2x6400xf32, #tpu.memory_space<vmem>>, vector<1x16xf32>,
        %swap3A_966 = vector.shape_cast %swap3A_965 : vector<1x16xf32> to vector<16xf32>
        %swap3A_967 = vector.shape_cast %max3A_957 : vector<16xf32> to vector<1x16xf32>
        tpu.vector_store %arg10[%swap3A_963, %swap3A_964], %swap3A_967 {strides = array<i32>} : memref<2x6400xf32, #tpu.memory_space<vmem>>, vector<1x16xf32>,
      }
      %scan3A_421 = arith.constant 40 : i32
      %add3A_422 = arith.addi %mul3A_2, %add3A_383 : i32
      %mul3A_423 = arith.constant 6400 : i32
      %mul3A_424 = arith.muli %add3A_422, %mul3A_423 : i32
      %dma_start3A_425 = arith.constant 1 : i32
      %dma_start3A_426 = arith.constant 0 : i32
      %dma_start3A_427 = tpu.memref_slice %arg10[%dma_start3A_425, %dma_start3A_426] : memref<2x6400xf32, #tpu.memory_space<vmem>> -> memref<1x6400xf32, #tpu.memory_space<vmem>>
      %dma_start3A_428 = tpu.memref_squeeze %dma_start3A_427 : memref<1x6400xf32, #tpu.memory_space<vmem>> -> memref<6400xf32, #tpu.memory_space<vmem>>
      %dma_start3A_429 = tpu.memref_slice %arg7[%mul3A_424] : memref<51200000xf32, #tpu.memory_space<hbm>> -> memref<6400xf32, #tpu.memory_space<hbm>>
      %dma_start3A_430 = tpu.memref_slice %arg7[%mul3A_424] : memref<51200000xf32, #tpu.memory_space<hbm>> -> memref<6400xf32, #tpu.memory_space<hbm>>
      %dma_start3A_431 = arith.constant 0 : i32
      %dma_start3A_432 = tpu.memref_slice %arg10[%dma_start3A_425, %dma_start3A_431] : memref<2x6400xf32, #tpu.memory_space<vmem>> -> memref<1x6400xf32, #tpu.memory_space<vmem>>
      %dma_start3A_433 = tpu.memref_squeeze %dma_start3A_432 : memref<1x6400xf32, #tpu.memory_space<vmem>> -> memref<6400xf32, #tpu.memory_space<vmem>>
      tpu.enqueue_dma source(%dma_start3A_433 : memref<6400xf32, #tpu.memory_space<vmem>>) target(%dma_start3A_430 : memref<6400xf32, #tpu.memory_space<hbm>>) target_semaphore(%arg17 : memref<!tpu.dma_semaphore, #tpu.memory_space<semaphore_mem>>)
      %mul3A_434 = arith.constant 2 : i32
      %mul3A_435 = arith.muli %mul3A_434, %scan3A_379 : i32
      %add3A_436 = arith.constant 2 : i32
      %add3A_437 = arith.addi %add3A_436, %mul3A_435 : i32
      %add3A_438 = arith.constant 1 : i32
      %add3A_439 = arith.addi %add3A_437, %add3A_438 : i32
      %lt3A_440 = arith.constant 250 : i32
      %lt3A_441 = arith.cmpi slt, %add3A_439, %lt3A_440 : i32
      %convert_element_type3A_442 = arith.extui %lt3A_441 : i1 to i32
      %cond3A_443 = arith.constant 0 : i32
      %cond3A_444 = arith.cmpi ne, %convert_element_type3A_442, %cond3A_443 : i32
      scf.if %cond3A_444 {
        %dma_wait3A_490 = arith.constant 1 : i32
        %dma_wait3A_491 = arith.constant 0 : i32
        %dma_wait3A_492 = arith.constant 0 : i32
        %dma_wait3A_493 = tpu.memref_slice %arg8[%dma_wait3A_490, %dma_wait3A_491, %dma_wait3A_492] : memref<2x4x40xi32, #tpu.memory_space<vmem>> -> memref<1x4x40xi32, #tpu.memory_space<vmem>>
        %dma_wait3A_494 = tpu.memref_squeeze %dma_wait3A_493 : memref<1x4x40xi32, #tpu.memory_space<vmem>> -> memref<4x40xi32, #tpu.memory_space<vmem>>
        %dma_wait3A_495 = arith.constant 0 : i32
        %dma_wait3A_496 = tpu.memref_slice %arg3[%dma_wait3A_495] : memref<320000xi32, #tpu.memory_space<hbm>> -> memref<160xi32, #tpu.memory_space<hbm>>
        %dma_wait3A_497 = arith.constant 0 : i32
        %dma_wait3A_498 = arith.constant 0 : i32
        %dma_wait3A_499 = tpu.memref_slice %arg8[%dma_wait3A_490, %dma_wait3A_497, %dma_wait3A_498] : memref<2x4x40xi32, #tpu.memory_space<vmem>> -> memref<1x4x40xi32, #tpu.memory_space<vmem>>
        %dma_wait3A_500 = tpu.memref_squeeze %dma_wait3A_499 : memref<1x4x40xi32, #tpu.memory_space<vmem>> -> memref<4x40xi32, #tpu.memory_space<vmem>>
        %dma_wait3A_501 = arith.constant 0 : i32
        %dma_wait3A_502 = tpu.memref_slice %arg3[%dma_wait3A_501] : memref<320000xi32, #tpu.memory_space<hbm>> -> memref<160xi32, #tpu.memory_space<hbm>>
        tpu.wait_dma2 semaphore(%arg13 : memref<!tpu.dma_semaphore, #tpu.memory_space<semaphore_mem>>) src(%dma_wait3A_502 : memref<160xi32, #tpu.memory_space<hbm>>) dst(%dma_wait3A_500 : memref<4x40xi32, #tpu.memory_space<vmem>>)
        %dma_start3A_503 = arith.constant 1 : i32
        %dma_start3A_504 = arith.constant 0 : i32
        %dma_start3A_505 = arith.constant 1 : i32
        %dma_start3A_506 = arith.constant 0 : i32
        %dma_start3A_507 = arith.constant 0 : i32
        %dma_start3A_508 = arith.constant 0 : i32
        %dma_start3A_509 = tpu.memref_slice %arg9[%dma_start3A_505, %dma_start3A_506, %dma_start3A_507, %dma_start3A_508] : memref<2x4x40x160xf32, #tpu.memory_space<vmem>> -> memref<1x1x40x160xf32, #tpu.memory_space<vmem>>
        %dma_start3A_510 = tpu.memref_squeeze %dma_start3A_509 : memref<1x1x40x160xf32, #tpu.memory_space<vmem>> -> memref<40x160xf32, #tpu.memory_space<vmem>>
        %dma_start3A_511 = arith.constant 0 : i32
        %dma_start3A_512 = tpu.memref_slice %arg8[%dma_start3A_503, %dma_start3A_504, %dma_start3A_511] : memref<2x4x40xi32, #tpu.memory_space<vmem>> -> memref<1x1x40xi32, #tpu.memory_space<vmem>>
        %dma_start3A_513 = tpu.memref_squeeze %dma_start3A_512 : memref<1x1x40xi32, #tpu.memory_space<vmem>> -> memref<40xi32, #tpu.memory_space<vmem>>
        %dma_start3A_514 = arith.constant 0 : i32
        %dma_start3A_515 = arith.constant 0 : i32
        %dma_start3A_516 = tpu.memref_slice %arg11[%dma_start3A_514, %dma_start3A_515] : memref<4096x160xf32, #tpu.memory_space<vmem_shared>> -> memref<4096x160xf32, #tpu.memory_space<vmem_shared>>
        tpu.enqueue_indirect_dma source(%dma_start3A_516 : memref<4096x160xf32, #tpu.memory_space<vmem_shared>>) target(%dma_start3A_510 : memref<40x160xf32, #tpu.memory_space<vmem>>) offsets(%dma_start3A_513 : memref<40xi32, #tpu.memory_space<vmem>>) semaphore(%arg15 : memref<!tpu.dma_semaphore, #tpu.memory_space<semaphore_mem>>)
        %dma_start3A_517 = arith.constant 1 : i32
        %dma_start3A_518 = arith.constant 1 : i32
        %dma_start3A_519 = arith.constant 1 : i32
        %dma_start3A_520 = arith.constant 1 : i32
        %dma_start3A_521 = arith.constant 0 : i32
        %dma_start3A_522 = arith.constant 0 : i32
        %dma_start3A_523 = tpu.memref_slice %arg9[%dma_start3A_519, %dma_start3A_520, %dma_start3A_521, %dma_start3A_522] : memref<2x4x40x160xf32, #tpu.memory_space<vmem>> -> memref<1x1x40x160xf32, #tpu.memory_space<vmem>>
        %dma_start3A_524 = tpu.memref_squeeze %dma_start3A_523 : memref<1x1x40x160xf32, #tpu.memory_space<vmem>> -> memref<40x160xf32, #tpu.memory_space<vmem>>
        %dma_start3A_525 = arith.constant 0 : i32
        %dma_start3A_526 = tpu.memref_slice %arg8[%dma_start3A_517, %dma_start3A_518, %dma_start3A_525] : memref<2x4x40xi32, #tpu.memory_space<vmem>> -> memref<1x1x40xi32, #tpu.memory_space<vmem>>
        %dma_start3A_527 = tpu.memref_squeeze %dma_start3A_526 : memref<1x1x40xi32, #tpu.memory_space<vmem>> -> memref<40xi32, #tpu.memory_space<vmem>>
        %dma_start3A_528 = arith.constant 0 : i32
        %dma_start3A_529 = arith.constant 0 : i32
        %dma_start3A_530 = tpu.memref_slice %arg11[%dma_start3A_528, %dma_start3A_529] : memref<4096x160xf32, #tpu.memory_space<vmem_shared>> -> memref<4096x160xf32, #tpu.memory_space<vmem_shared>>
        tpu.enqueue_indirect_dma source(%dma_start3A_530 : memref<4096x160xf32, #tpu.memory_space<vmem_shared>>) target(%dma_start3A_524 : memref<40x160xf32, #tpu.memory_space<vmem>>) offsets(%dma_start3A_527 : memref<40xi32, #tpu.memory_space<vmem>>) semaphore(%arg15 : memref<!tpu.dma_semaphore, #tpu.memory_space<semaphore_mem>>)
        %dma_start3A_531 = arith.constant 1 : i32
        %dma_start3A_532 = arith.constant 2 : i32
        %dma_start3A_533 = arith.constant 1 : i32
        %dma_start3A_534 = arith.constant 2 : i32
        %dma_start3A_535 = arith.constant 0 : i32
        %dma_start3A_536 = arith.constant 0 : i32
        %dma_start3A_537 = tpu.memref_slice %arg9[%dma_start3A_533, %dma_start3A_534, %dma_start3A_535, %dma_start3A_536] : memref<2x4x40x160xf32, #tpu.memory_space<vmem>> -> memref<1x1x40x160xf32, #tpu.memory_space<vmem>>
        %dma_start3A_538 = tpu.memref_squeeze %dma_start3A_537 : memref<1x1x40x160xf32, #tpu.memory_space<vmem>> -> memref<40x160xf32, #tpu.memory_space<vmem>>
        %dma_start3A_539 = arith.constant 0 : i32
        %dma_start3A_540 = tpu.memref_slice %arg8[%dma_start3A_531, %dma_start3A_532, %dma_start3A_539] : memref<2x4x40xi32, #tpu.memory_space<vmem>> -> memref<1x1x40xi32, #tpu.memory_space<vmem>>
        %dma_start3A_541 = tpu.memref_squeeze %dma_start3A_540 : memref<1x1x40xi32, #tpu.memory_space<vmem>> -> memref<40xi32, #tpu.memory_space<vmem>>
        %dma_start3A_542 = arith.constant 0 : i32
        %dma_start3A_543 = arith.constant 0 : i32
        %dma_start3A_544 = tpu.memref_slice %arg11[%dma_start3A_542, %dma_start3A_543] : memref<4096x160xf32, #tpu.memory_space<vmem_shared>> -> memref<4096x160xf32, #tpu.memory_space<vmem_shared>>
        tpu.enqueue_indirect_dma source(%dma_start3A_544 : memref<4096x160xf32, #tpu.memory_space<vmem_shared>>) target(%dma_start3A_538 : memref<40x160xf32, #tpu.memory_space<vmem>>) offsets(%dma_start3A_541 : memref<40xi32, #tpu.memory_space<vmem>>) semaphore(%arg15 : memref<!tpu.dma_semaphore, #tpu.memory_space<semaphore_mem>>)
        %dma_start3A_545 = arith.constant 1 : i32
        %dma_start3A_546 = arith.constant 3 : i32
        %dma_start3A_547 = arith.constant 1 : i32
        %dma_start3A_548 = arith.constant 3 : i32
        %dma_start3A_549 = arith.constant 0 : i32
        %dma_start3A_550 = arith.constant 0 : i32
        %dma_start3A_551 = tpu.memref_slice %arg9[%dma_start3A_547, %dma_start3A_548, %dma_start3A_549, %dma_start3A_550] : memref<2x4x40x160xf32, #tpu.memory_space<vmem>> -> memref<1x1x40x160xf32, #tpu.memory_space<vmem>>
        %dma_start3A_552 = tpu.memref_squeeze %dma_start3A_551 : memref<1x1x40x160xf32, #tpu.memory_space<vmem>> -> memref<40x160xf32, #tpu.memory_space<vmem>>
        %dma_start3A_553 = arith.constant 0 : i32
        %dma_start3A_554 = tpu.memref_slice %arg8[%dma_start3A_545, %dma_start3A_546, %dma_start3A_553] : memref<2x4x40xi32, #tpu.memory_space<vmem>> -> memref<1x1x40xi32, #tpu.memory_space<vmem>>
        %dma_start3A_555 = tpu.memref_squeeze %dma_start3A_554 : memref<1x1x40xi32, #tpu.memory_space<vmem>> -> memref<40xi32, #tpu.memory_space<vmem>>
        %dma_start3A_556 = arith.constant 0 : i32
        %dma_start3A_557 = arith.constant 0 : i32
        %dma_start3A_558 = tpu.memref_slice %arg11[%dma_start3A_556, %dma_start3A_557] : memref<4096x160xf32, #tpu.memory_space<vmem_shared>> -> memref<4096x160xf32, #tpu.memory_space<vmem_shared>>
        tpu.enqueue_indirect_dma source(%dma_start3A_558 : memref<4096x160xf32, #tpu.memory_space<vmem_shared>>) target(%dma_start3A_552 : memref<40x160xf32, #tpu.memory_space<vmem>>) offsets(%dma_start3A_555 : memref<40xi32, #tpu.memory_space<vmem>>) semaphore(%arg15 : memref<!tpu.dma_semaphore, #tpu.memory_space<semaphore_mem>>)
      } else {
      }
      %dma_wait3A_445 = arith.constant 0 : i32
      %dma_wait3A_446 = arith.constant 0 : i32
      %dma_wait3A_447 = arith.constant 0 : i32
      %dma_wait3A_448 = arith.constant 0 : i32
      %dma_wait3A_449 = tpu.memref_slice %arg9[%dma_wait3A_445, %dma_wait3A_446, %dma_wait3A_447, %dma_wait3A_448] : memref<2x4x40x160xf32, #tpu.memory_space<vmem>> -> memref<1x4x40x160xf32, #tpu.memory_space<vmem>>
      %dma_wait3A_450 = tpu.memref_squeeze %dma_wait3A_449 : memref<1x4x40x160xf32, #tpu.memory_space<vmem>> -> memref<4x40x160xf32, #tpu.memory_space<vmem>>
      %dma_wait3A_451 = arith.constant 0 : i32
      %dma_wait3A_452 = tpu.memref_slice %arg7[%dma_wait3A_451] : memref<51200000xf32, #tpu.memory_space<hbm>> -> memref<25600xf32, #tpu.memory_space<hbm>>
      %dma_wait3A_453 = arith.constant 0 : i32
      %dma_wait3A_454 = arith.constant 0 : i32
      %dma_wait3A_455 = arith.constant 0 : i32
      %dma_wait3A_456 = tpu.memref_slice %arg9[%dma_wait3A_445, %dma_wait3A_453, %dma_wait3A_454, %dma_wait3A_455] : memref<2x4x40x160xf32, #tpu.memory_space<vmem>> -> memref<1x4x40x160xf32, #tpu.memory_space<vmem>>
      %dma_wait3A_457 = tpu.memref_squeeze %dma_wait3A_456 : memref<1x4x40x160xf32, #tpu.memory_space<vmem>> -> memref<4x40x160xf32, #tpu.memory_space<vmem>>
      %dma_wait3A_458 = arith.constant 0 : i32
      %dma_wait3A_459 = tpu.memref_slice %arg7[%dma_wait3A_458] : memref<51200000xf32, #tpu.memory_space<hbm>> -> memref<25600xf32, #tpu.memory_space<hbm>>
      tpu.wait_dma2 semaphore(%arg14 : memref<!tpu.dma_semaphore, #tpu.memory_space<semaphore_mem>>) src(%dma_wait3A_459 : memref<25600xf32, #tpu.memory_space<hbm>>) dst(%dma_wait3A_457 : memref<4x40x160xf32, #tpu.memory_space<vmem>>)
      %add3A_460 = arith.constant 2 : i32
      %add3A_461 = arith.addi %add3A_437, %add3A_460 : i32
      %lt3A_462 = arith.constant 250 : i32
      %lt3A_463 = arith.cmpi slt, %add3A_461, %lt3A_462 : i32
      %convert_element_type3A_464 = arith.extui %lt3A_463 : i1 to i32
      %cond3A_465 = arith.constant 0 : i32
      %cond3A_466 = arith.cmpi ne, %convert_element_type3A_464, %cond3A_465 : i32
      scf.if %cond3A_466 {
        %add3A_490 = arith.constant 2 : i32
        %add3A_491 = arith.addi %add3A_437, %add3A_490 : i32
        %add3A_492 = arith.addi %mul3A_2, %add3A_491 : i32
        %mul3A_493 = arith.constant 40 : i32
        %mul3A_494 = arith.muli %add3A_492, %mul3A_493 : i32
        %dma_start3A_495 = arith.constant 0 : i32
        %dma_start3A_496 = arith.constant 0 : i32
        %dma_start3A_497 = arith.constant 0 : i32
        %dma_start3A_498 = tpu.memref_slice %arg8[%dma_start3A_495, %dma_start3A_496, %dma_start3A_497] : memref<2x4x40xi32, #tpu.memory_space<vmem>> -> memref<1x1x40xi32, #tpu.memory_space<vmem>>
        %dma_start3A_499 = tpu.memref_squeeze %dma_start3A_498 : memref<1x1x40xi32, #tpu.memory_space<vmem>> -> memref<40xi32, #tpu.memory_space<vmem>>
        %dma_start3A_500 = tpu.memref_slice %arg3[%mul3A_494] : memref<320000xi32, #tpu.memory_space<hbm>> -> memref<40xi32, #tpu.memory_space<hbm>>
        %dma_start3A_501 = arith.constant 0 : i32
        %dma_start3A_502 = tpu.memref_slice %arg8[%dma_start3A_495, %dma_start3A_496, %dma_start3A_501] : memref<2x4x40xi32, #tpu.memory_space<vmem>> -> memref<1x1x40xi32, #tpu.memory_space<vmem>>
        %dma_start3A_503 = tpu.memref_squeeze %dma_start3A_502 : memref<1x1x40xi32, #tpu.memory_space<vmem>> -> memref<40xi32, #tpu.memory_space<vmem>>
        %dma_start3A_504 = tpu.memref_slice %arg3[%mul3A_494] : memref<320000xi32, #tpu.memory_space<hbm>> -> memref<40xi32, #tpu.memory_space<hbm>>
        tpu.enqueue_dma source(%dma_start3A_504 : memref<40xi32, #tpu.memory_space<hbm>>) target(%dma_start3A_503 : memref<40xi32, #tpu.memory_space<vmem>>) target_semaphore(%arg12 : memref<!tpu.dma_semaphore, #tpu.memory_space<semaphore_mem>>)
        %dma_start3A_505 = arith.constant 0 : i32
        %dma_start3A_506 = arith.constant 1 : i32
        %dma_start3A_507 = arith.constant 0 : i32
        %dma_start3A_508 = tpu.memref_slice %arg8[%dma_start3A_505, %dma_start3A_506, %dma_start3A_507] : memref<2x4x40xi32, #tpu.memory_space<vmem>> -> memref<1x1x40xi32, #tpu.memory_space<vmem>>
        %dma_start3A_509 = tpu.memref_squeeze %dma_start3A_508 : memref<1x1x40xi32, #tpu.memory_space<vmem>> -> memref<40xi32, #tpu.memory_space<vmem>>
        %dma_start3A_510 = tpu.memref_slice %arg4[%mul3A_494] : memref<320000xi32, #tpu.memory_space<hbm>> -> memref<40xi32, #tpu.memory_space<hbm>>
        %dma_start3A_511 = arith.constant 0 : i32
        %dma_start3A_512 = tpu.memref_slice %arg8[%dma_start3A_505, %dma_start3A_506, %dma_start3A_511] : memref<2x4x40xi32, #tpu.memory_space<vmem>> -> memref<1x1x40xi32, #tpu.memory_space<vmem>>
        %dma_start3A_513 = tpu.memref_squeeze %dma_start3A_512 : memref<1x1x40xi32, #tpu.memory_space<vmem>> -> memref<40xi32, #tpu.memory_space<vmem>>
        %dma_start3A_514 = tpu.memref_slice %arg4[%mul3A_494] : memref<320000xi32, #tpu.memory_space<hbm>> -> memref<40xi32, #tpu.memory_space<hbm>>
        tpu.enqueue_dma source(%dma_start3A_514 : memref<40xi32, #tpu.memory_space<hbm>>) target(%dma_start3A_513 : memref<40xi32, #tpu.memory_space<vmem>>) target_semaphore(%arg12 : memref<!tpu.dma_semaphore, #tpu.memory_space<semaphore_mem>>)
        %dma_start3A_515 = arith.constant 0 : i32
        %dma_start3A_516 = arith.constant 2 : i32
        %dma_start3A_517 = arith.constant 0 : i32
        %dma_start3A_518 = tpu.memref_slice %arg8[%dma_start3A_515, %dma_start3A_516, %dma_start3A_517] : memref<2x4x40xi32, #tpu.memory_space<vmem>> -> memref<1x1x40xi32, #tpu.memory_space<vmem>>
        %dma_start3A_519 = tpu.memref_squeeze %dma_start3A_518 : memref<1x1x40xi32, #tpu.memory_space<vmem>> -> memref<40xi32, #tpu.memory_space<vmem>>
        %dma_start3A_520 = tpu.memref_slice %arg5[%mul3A_494] : memref<320000xi32, #tpu.memory_space<hbm>> -> memref<40xi32, #tpu.memory_space<hbm>>
        %dma_start3A_521 = arith.constant 0 : i32
        %dma_start3A_522 = tpu.memref_slice %arg8[%dma_start3A_515, %dma_start3A_516, %dma_start3A_521] : memref<2x4x40xi32, #tpu.memory_space<vmem>> -> memref<1x1x40xi32, #tpu.memory_space<vmem>>
        %dma_start3A_523 = tpu.memref_squeeze %dma_start3A_522 : memref<1x1x40xi32, #tpu.memory_space<vmem>> -> memref<40xi32, #tpu.memory_space<vmem>>
        %dma_start3A_524 = tpu.memref_slice %arg5[%mul3A_494] : memref<320000xi32, #tpu.memory_space<hbm>> -> memref<40xi32, #tpu.memory_space<hbm>>
        tpu.enqueue_dma source(%dma_start3A_524 : memref<40xi32, #tpu.memory_space<hbm>>) target(%dma_start3A_523 : memref<40xi32, #tpu.memory_space<vmem>>) target_semaphore(%arg12 : memref<!tpu.dma_semaphore, #tpu.memory_space<semaphore_mem>>)
        %dma_start3A_525 = arith.constant 0 : i32
        %dma_start3A_526 = arith.constant 3 : i32
        %dma_start3A_527 = arith.constant 0 : i32
        %dma_start3A_528 = tpu.memref_slice %arg8[%dma_start3A_525, %dma_start3A_526, %dma_start3A_527] : memref<2x4x40xi32, #tpu.memory_space<vmem>> -> memref<1x1x40xi32, #tpu.memory_space<vmem>>
        %dma_start3A_529 = tpu.memref_squeeze %dma_start3A_528 : memref<1x1x40xi32, #tpu.memory_space<vmem>> -> memref<40xi32, #tpu.memory_space<vmem>>
        %dma_start3A_530 = tpu.memref_slice %arg6[%mul3A_494] : memref<320000xi32, #tpu.memory_space<hbm>> -> memref<40xi32, #tpu.memory_space<hbm>>
        %dma_start3A_531 = arith.constant 0 : i32
        %dma_start3A_532 = tpu.memref_slice %arg8[%dma_start3A_525, %dma_start3A_526, %dma_start3A_531] : memref<2x4x40xi32, #tpu.memory_space<vmem>> -> memref<1x1x40xi32, #tpu.memory_space<vmem>>
        %dma_start3A_533 = tpu.memref_squeeze %dma_start3A_532 : memref<1x1x40xi32, #tpu.memory_space<vmem>> -> memref<40xi32, #tpu.memory_space<vmem>>
        %dma_start3A_534 = tpu.memref_slice %arg6[%mul3A_494] : memref<320000xi32, #tpu.memory_space<hbm>> -> memref<40xi32, #tpu.memory_space<hbm>>
        tpu.enqueue_dma source(%dma_start3A_534 : memref<40xi32, #tpu.memory_space<hbm>>) target(%dma_start3A_533 : memref<40xi32, #tpu.memory_space<vmem>>) target_semaphore(%arg12 : memref<!tpu.dma_semaphore, #tpu.memory_space<semaphore_mem>>)
      } else {
      }
      %ge3A_467 = arith.constant 2 : i32
      %ge3A_468 = arith.cmpi sge, %add3A_437, %ge3A_467 : i32
      %convert_element_type3A_469 = arith.extui %ge3A_468 : i1 to i32
      %cond3A_470 = arith.constant 0 : i32
      %cond3A_471 = arith.cmpi ne, %convert_element_type3A_469, %cond3A_470 : i32
      scf.if %cond3A_471 {
        %dma_wait3A_490 = arith.constant 0 : i32
        %dma_wait3A_491 = arith.constant 0 : i32
        %dma_wait3A_492 = tpu.memref_slice %arg10[%dma_wait3A_490, %dma_wait3A_491] : memref<2x6400xf32, #tpu.memory_space<vmem>> -> memref<1x6400xf32, #tpu.memory_space<vmem>>
        %dma_wait3A_493 = tpu.memref_squeeze %dma_wait3A_492 : memref<1x6400xf32, #tpu.memory_space<vmem>> -> memref<6400xf32, #tpu.memory_space<vmem>>
        %dma_wait3A_494 = arith.constant 0 : i32
        %dma_wait3A_495 = tpu.memref_slice %arg7[%dma_wait3A_494] : memref<51200000xf32, #tpu.memory_space<hbm>> -> memref<6400xf32, #tpu.memory_space<hbm>>
        %dma_wait3A_496 = arith.constant 0 : i32
        %dma_wait3A_497 = tpu.memref_slice %arg10[%dma_wait3A_490, %dma_wait3A_496] : memref<2x6400xf32, #tpu.memory_space<vmem>> -> memref<1x6400xf32, #tpu.memory_space<vmem>>
        %dma_wait3A_498 = tpu.memref_squeeze %dma_wait3A_497 : memref<1x6400xf32, #tpu.memory_space<vmem>> -> memref<6400xf32, #tpu.memory_space<vmem>>
        %dma_wait3A_499 = arith.constant 0 : i32
        %dma_wait3A_500 = tpu.memref_slice %arg7[%dma_wait3A_499] : memref<51200000xf32, #tpu.memory_space<hbm>> -> memref<6400xf32, #tpu.memory_space<hbm>>
        tpu.wait_dma2 semaphore(%arg16 : memref<!tpu.dma_semaphore, #tpu.memory_space<semaphore_mem>>) src(%dma_wait3A_500 : memref<6400xf32, #tpu.memory_space<hbm>>) dst(%dma_wait3A_498 : memref<6400xf32, #tpu.memory_space<vmem>>)
      } else {
      }
      %scan3A_472 = arith.constant 0 : i32
      %scan3A_473 = arith.constant 0 : i32
      %scan3A_474 = arith.constant 40 : i32
      %scan3A_475 = arith.addi %scan3A_473, %scan3A_474 : i32
      %scan3A_476 = arith.constant 1 : i32
      scf.for %scan3A_490 = %scan3A_473 to %scan3A_475 step %scan3A_476  : i32 {
        %get3A = arith.constant 0 : i32
        %get3A_491 = arith.constant 0 : i32
        %get3A_492 = arith.index_cast %get3A : i32 to index
        %get3A_493 = arith.index_cast %get3A_491 : i32 to index
        %get3A_494 = arith.index_cast %scan3A_490 : i32 to index
        %get3A_495 = arith.constant 0 : index
        %get3A_496 = tpu.vector_load %arg9[%get3A_492, %get3A_493, %get3A_494, %get3A_495] {strides = array<i32>} : memref<2x4x40x160xf32, #tpu.memory_space<vmem>>, vector<1x1x1x16xf32>,
        %get3A_497 = vector.shape_cast %get3A_496 : vector<1x1x1x16xf32> to vector<16xf32>
        %get3A_498 = arith.constant 0 : i32
        %get3A_499 = arith.constant 1 : i32
        %get3A_500 = arith.index_cast %get3A_498 : i32 to index
        %get3A_501 = arith.index_cast %get3A_499 : i32 to index
        %get3A_502 = arith.index_cast %scan3A_490 : i32 to index
        %get3A_503 = arith.constant 0 : index
        %get3A_504 = tpu.vector_load %arg9[%get3A_500, %get3A_501, %get3A_502, %get3A_503] {strides = array<i32>} : memref<2x4x40x160xf32, #tpu.memory_space<vmem>>, vector<1x1x1x16xf32>,
        %get3A_505 = vector.shape_cast %get3A_504 : vector<1x1x1x16xf32> to vector<16xf32>
        %add3A_506 = arith.addf %get3A_497, %get3A_505 : vector<16xf32>
        %get3A_507 = arith.constant 0 : i32
        %get3A_508 = arith.constant 2 : i32
        %get3A_509 = arith.index_cast %get3A_507 : i32 to index
        %get3A_510 = arith.index_cast %get3A_508 : i32 to index
        %get3A_511 = arith.index_cast %scan3A_490 : i32 to index
        %get3A_512 = arith.constant 0 : index
        %get3A_513 = tpu.vector_load %arg9[%get3A_509, %get3A_510, %get3A_511, %get3A_512] {strides = array<i32>} : memref<2x4x40x160xf32, #tpu.memory_space<vmem>>, vector<1x1x1x16xf32>,
        %get3A_514 = vector.shape_cast %get3A_513 : vector<1x1x1x16xf32> to vector<16xf32>
        %get3A_515 = arith.constant 0 : i32
        %get3A_516 = arith.constant 3 : i32
        %get3A_517 = arith.index_cast %get3A_515 : i32 to index
        %get3A_518 = arith.index_cast %get3A_516 : i32 to index
        %get3A_519 = arith.index_cast %scan3A_490 : i32 to index
        %get3A_520 = arith.constant 0 : index
        %get3A_521 = tpu.vector_load %arg9[%get3A_517, %get3A_518, %get3A_519, %get3A_520] {strides = array<i32>} : memref<2x4x40x160xf32, #tpu.memory_space<vmem>>, vector<1x1x1x16xf32>,
        %get3A_522 = vector.shape_cast %get3A_521 : vector<1x1x1x16xf32> to vector<16xf32>
        %add3A_523 = arith.addf %get3A_514, %get3A_522 : vector<16xf32>
        %add3A_524 = arith.addf %add3A_506, %add3A_523 : vector<16xf32>
        %max3A = arith.constant 0.000000e+00 : f32
        %max3A_525 = vector.broadcast %max3A : f32 to vector<16xf32>
        %max3A_526 = arith.maximumf %add3A_524, %max3A_525 : vector<16xf32>
        %mul3A_527 = arith.constant 160 : i32
        %mul3A_528 = arith.muli %scan3A_490, %mul3A_527 : i32
        %add3A_529 = arith.constant 0 : i32
        %add3A_530 = arith.addi %mul3A_528, %add3A_529 : i32
        %swap3A = arith.constant 0 : i32
        %swap3A_531 = arith.index_cast %swap3A : i32 to index
        %swap3A_532 = arith.index_cast %add3A_530 : i32 to index
        %swap3A_533 = tpu.vector_load %arg10[%swap3A_531, %swap3A_532] {strides = array<i32>} : memref<2x6400xf32, #tpu.memory_space<vmem>>, vector<1x16xf32>,
        %swap3A_534 = vector.shape_cast %swap3A_533 : vector<1x16xf32> to vector<16xf32>
        %swap3A_535 = vector.shape_cast %max3A_526 : vector<16xf32> to vector<1x16xf32>
        tpu.vector_store %arg10[%swap3A_531, %swap3A_532], %swap3A_535 {strides = array<i32>} : memref<2x6400xf32, #tpu.memory_space<vmem>>, vector<1x16xf32>,
        %get3A_536 = arith.constant 0 : i32
        %get3A_537 = arith.constant 0 : i32
        %get3A_538 = arith.index_cast %get3A_536 : i32 to index
        %get3A_539 = arith.index_cast %get3A_537 : i32 to index
        %get3A_540 = arith.index_cast %scan3A_490 : i32 to index
        %get3A_541 = arith.constant 16 : index
        %get3A_542 = tpu.vector_load %arg9[%get3A_538, %get3A_539, %get3A_540, %get3A_541] {strides = array<i32>} : memref<2x4x40x160xf32, #tpu.memory_space<vmem>>, vector<1x1x1x16xf32>,
        %get3A_543 = vector.shape_cast %get3A_542 : vector<1x1x1x16xf32> to vector<16xf32>
        %get3A_544 = arith.constant 0 : i32
        %get3A_545 = arith.constant 1 : i32
        %get3A_546 = arith.index_cast %get3A_544 : i32 to index
        %get3A_547 = arith.index_cast %get3A_545 : i32 to index
        %get3A_548 = arith.index_cast %scan3A_490 : i32 to index
        %get3A_549 = arith.constant 16 : index
        %get3A_550 = tpu.vector_load %arg9[%get3A_546, %get3A_547, %get3A_548, %get3A_549] {strides = array<i32>} : memref<2x4x40x160xf32, #tpu.memory_space<vmem>>, vector<1x1x1x16xf32>,
        %get3A_551 = vector.shape_cast %get3A_550 : vector<1x1x1x16xf32> to vector<16xf32>
        %add3A_552 = arith.addf %get3A_543, %get3A_551 : vector<16xf32>
        %get3A_553 = arith.constant 0 : i32
        %get3A_554 = arith.constant 2 : i32
        %get3A_555 = arith.index_cast %get3A_553 : i32 to index
        %get3A_556 = arith.index_cast %get3A_554 : i32 to index
        %get3A_557 = arith.index_cast %scan3A_490 : i32 to index
        %get3A_558 = arith.constant 16 : index
        %get3A_559 = tpu.vector_load %arg9[%get3A_555, %get3A_556, %get3A_557, %get3A_558] {strides = array<i32>} : memref<2x4x40x160xf32, #tpu.memory_space<vmem>>, vector<1x1x1x16xf32>,
        %get3A_560 = vector.shape_cast %get3A_559 : vector<1x1x1x16xf32> to vector<16xf32>
        %get3A_561 = arith.constant 0 : i32
        %get3A_562 = arith.constant 3 : i32
        %get3A_563 = arith.index_cast %get3A_561 : i32 to index
        %get3A_564 = arith.index_cast %get3A_562 : i32 to index
        %get3A_565 = arith.index_cast %scan3A_490 : i32 to index
        %get3A_566 = arith.constant 16 : index
        %get3A_567 = tpu.vector_load %arg9[%get3A_563, %get3A_564, %get3A_565, %get3A_566] {strides = array<i32>} : memref<2x4x40x160xf32, #tpu.memory_space<vmem>>, vector<1x1x1x16xf32>,
        %get3A_568 = vector.shape_cast %get3A_567 : vector<1x1x1x16xf32> to vector<16xf32>
        %add3A_569 = arith.addf %get3A_560, %get3A_568 : vector<16xf32>
        %add3A_570 = arith.addf %add3A_552, %add3A_569 : vector<16xf32>
        %max3A_571 = arith.constant 0.000000e+00 : f32
        %max3A_572 = vector.broadcast %max3A_571 : f32 to vector<16xf32>
        %max3A_573 = arith.maximumf %add3A_570, %max3A_572 : vector<16xf32>
        %mul3A_574 = arith.constant 160 : i32
        %mul3A_575 = arith.muli %scan3A_490, %mul3A_574 : i32
        %add3A_576 = arith.constant 16 : i32
        %add3A_577 = arith.addi %mul3A_575, %add3A_576 : i32
        %swap3A_578 = arith.constant 0 : i32
        %swap3A_579 = arith.index_cast %swap3A_578 : i32 to index
        %swap3A_580 = arith.index_cast %add3A_577 : i32 to index
        %swap3A_581 = tpu.vector_load %arg10[%swap3A_579, %swap3A_580] {strides = array<i32>} : memref<2x6400xf32, #tpu.memory_space<vmem>>, vector<1x16xf32>,
        %swap3A_582 = vector.shape_cast %swap3A_581 : vector<1x16xf32> to vector<16xf32>
        %swap3A_583 = vector.shape_cast %max3A_573 : vector<16xf32> to vector<1x16xf32>
        tpu.vector_store %arg10[%swap3A_579, %swap3A_580], %swap3A_583 {strides = array<i32>} : memref<2x6400xf32, #tpu.memory_space<vmem>>, vector<1x16xf32>,
        %get3A_584 = arith.constant 0 : i32
        %get3A_585 = arith.constant 0 : i32
        %get3A_586 = arith.index_cast %get3A_584 : i32 to index
        %get3A_587 = arith.index_cast %get3A_585 : i32 to index
        %get3A_588 = arith.index_cast %scan3A_490 : i32 to index
        %get3A_589 = arith.constant 32 : index
        %get3A_590 = tpu.vector_load %arg9[%get3A_586, %get3A_587, %get3A_588, %get3A_589] {strides = array<i32>} : memref<2x4x40x160xf32, #tpu.memory_space<vmem>>, vector<1x1x1x16xf32>,
        %get3A_591 = vector.shape_cast %get3A_590 : vector<1x1x1x16xf32> to vector<16xf32>
        %get3A_592 = arith.constant 0 : i32
        %get3A_593 = arith.constant 1 : i32
        %get3A_594 = arith.index_cast %get3A_592 : i32 to index
        %get3A_595 = arith.index_cast %get3A_593 : i32 to index
        %get3A_596 = arith.index_cast %scan3A_490 : i32 to index
        %get3A_597 = arith.constant 32 : index
        %get3A_598 = tpu.vector_load %arg9[%get3A_594, %get3A_595, %get3A_596, %get3A_597] {strides = array<i32>} : memref<2x4x40x160xf32, #tpu.memory_space<vmem>>, vector<1x1x1x16xf32>,
        %get3A_599 = vector.shape_cast %get3A_598 : vector<1x1x1x16xf32> to vector<16xf32>
        %add3A_600 = arith.addf %get3A_591, %get3A_599 : vector<16xf32>
        %get3A_601 = arith.constant 0 : i32
        %get3A_602 = arith.constant 2 : i32
        %get3A_603 = arith.index_cast %get3A_601 : i32 to index
        %get3A_604 = arith.index_cast %get3A_602 : i32 to index
        %get3A_605 = arith.index_cast %scan3A_490 : i32 to index
        %get3A_606 = arith.constant 32 : index
        %get3A_607 = tpu.vector_load %arg9[%get3A_603, %get3A_604, %get3A_605, %get3A_606] {strides = array<i32>} : memref<2x4x40x160xf32, #tpu.memory_space<vmem>>, vector<1x1x1x16xf32>,
        %get3A_608 = vector.shape_cast %get3A_607 : vector<1x1x1x16xf32> to vector<16xf32>
        %get3A_609 = arith.constant 0 : i32
        %get3A_610 = arith.constant 3 : i32
        %get3A_611 = arith.index_cast %get3A_609 : i32 to index
        %get3A_612 = arith.index_cast %get3A_610 : i32 to index
        %get3A_613 = arith.index_cast %scan3A_490 : i32 to index
        %get3A_614 = arith.constant 32 : index
        %get3A_615 = tpu.vector_load %arg9[%get3A_611, %get3A_612, %get3A_613, %get3A_614] {strides = array<i32>} : memref<2x4x40x160xf32, #tpu.memory_space<vmem>>, vector<1x1x1x16xf32>,
        %get3A_616 = vector.shape_cast %get3A_615 : vector<1x1x1x16xf32> to vector<16xf32>
        %add3A_617 = arith.addf %get3A_608, %get3A_616 : vector<16xf32>
        %add3A_618 = arith.addf %add3A_600, %add3A_617 : vector<16xf32>
        %max3A_619 = arith.constant 0.000000e+00 : f32
        %max3A_620 = vector.broadcast %max3A_619 : f32 to vector<16xf32>
        %max3A_621 = arith.maximumf %add3A_618, %max3A_620 : vector<16xf32>
        %mul3A_622 = arith.constant 160 : i32
        %mul3A_623 = arith.muli %scan3A_490, %mul3A_622 : i32
        %add3A_624 = arith.constant 32 : i32
        %add3A_625 = arith.addi %mul3A_623, %add3A_624 : i32
        %swap3A_626 = arith.constant 0 : i32
        %swap3A_627 = arith.index_cast %swap3A_626 : i32 to index
        %swap3A_628 = arith.index_cast %add3A_625 : i32 to index
        %swap3A_629 = tpu.vector_load %arg10[%swap3A_627, %swap3A_628] {strides = array<i32>} : memref<2x6400xf32, #tpu.memory_space<vmem>>, vector<1x16xf32>,
        %swap3A_630 = vector.shape_cast %swap3A_629 : vector<1x16xf32> to vector<16xf32>
        %swap3A_631 = vector.shape_cast %max3A_621 : vector<16xf32> to vector<1x16xf32>
        tpu.vector_store %arg10[%swap3A_627, %swap3A_628], %swap3A_631 {strides = array<i32>} : memref<2x6400xf32, #tpu.memory_space<vmem>>, vector<1x16xf32>,
        %get3A_632 = arith.constant 0 : i32
        %get3A_633 = arith.constant 0 : i32
        %get3A_634 = arith.index_cast %get3A_632 : i32 to index
        %get3A_635 = arith.index_cast %get3A_633 : i32 to index
        %get3A_636 = arith.index_cast %scan3A_490 : i32 to index
        %get3A_637 = arith.constant 48 : index
        %get3A_638 = tpu.vector_load %arg9[%get3A_634, %get3A_635, %get3A_636, %get3A_637] {strides = array<i32>} : memref<2x4x40x160xf32, #tpu.memory_space<vmem>>, vector<1x1x1x16xf32>,
        %get3A_639 = vector.shape_cast %get3A_638 : vector<1x1x1x16xf32> to vector<16xf32>
        %get3A_640 = arith.constant 0 : i32
        %get3A_641 = arith.constant 1 : i32
        %get3A_642 = arith.index_cast %get3A_640 : i32 to index
        %get3A_643 = arith.index_cast %get3A_641 : i32 to index
        %get3A_644 = arith.index_cast %scan3A_490 : i32 to index
        %get3A_645 = arith.constant 48 : index
        %get3A_646 = tpu.vector_load %arg9[%get3A_642, %get3A_643, %get3A_644, %get3A_645] {strides = array<i32>} : memref<2x4x40x160xf32, #tpu.memory_space<vmem>>, vector<1x1x1x16xf32>,
        %get3A_647 = vector.shape_cast %get3A_646 : vector<1x1x1x16xf32> to vector<16xf32>
        %add3A_648 = arith.addf %get3A_639, %get3A_647 : vector<16xf32>
        %get3A_649 = arith.constant 0 : i32
        %get3A_650 = arith.constant 2 : i32
        %get3A_651 = arith.index_cast %get3A_649 : i32 to index
        %get3A_652 = arith.index_cast %get3A_650 : i32 to index
        %get3A_653 = arith.index_cast %scan3A_490 : i32 to index
        %get3A_654 = arith.constant 48 : index
        %get3A_655 = tpu.vector_load %arg9[%get3A_651, %get3A_652, %get3A_653, %get3A_654] {strides = array<i32>} : memref<2x4x40x160xf32, #tpu.memory_space<vmem>>, vector<1x1x1x16xf32>,
        %get3A_656 = vector.shape_cast %get3A_655 : vector<1x1x1x16xf32> to vector<16xf32>
        %get3A_657 = arith.constant 0 : i32
        %get3A_658 = arith.constant 3 : i32
        %get3A_659 = arith.index_cast %get3A_657 : i32 to index
        %get3A_660 = arith.index_cast %get3A_658 : i32 to index
        %get3A_661 = arith.index_cast %scan3A_490 : i32 to index
        %get3A_662 = arith.constant 48 : index
        %get3A_663 = tpu.vector_load %arg9[%get3A_659, %get3A_660, %get3A_661, %get3A_662] {strides = array<i32>} : memref<2x4x40x160xf32, #tpu.memory_space<vmem>>, vector<1x1x1x16xf32>,
        %get3A_664 = vector.shape_cast %get3A_663 : vector<1x1x1x16xf32> to vector<16xf32>
        %add3A_665 = arith.addf %get3A_656, %get3A_664 : vector<16xf32>
        %add3A_666 = arith.addf %add3A_648, %add3A_665 : vector<16xf32>
        %max3A_667 = arith.constant 0.000000e+00 : f32
        %max3A_668 = vector.broadcast %max3A_667 : f32 to vector<16xf32>
        %max3A_669 = arith.maximumf %add3A_666, %max3A_668 : vector<16xf32>
        %mul3A_670 = arith.constant 160 : i32
        %mul3A_671 = arith.muli %scan3A_490, %mul3A_670 : i32
        %add3A_672 = arith.constant 48 : i32
        %add3A_673 = arith.addi %mul3A_671, %add3A_672 : i32
        %swap3A_674 = arith.constant 0 : i32
        %swap3A_675 = arith.index_cast %swap3A_674 : i32 to index
        %swap3A_676 = arith.index_cast %add3A_673 : i32 to index
        %swap3A_677 = tpu.vector_load %arg10[%swap3A_675, %swap3A_676] {strides = array<i32>} : memref<2x6400xf32, #tpu.memory_space<vmem>>, vector<1x16xf32>,
        %swap3A_678 = vector.shape_cast %swap3A_677 : vector<1x16xf32> to vector<16xf32>
        %swap3A_679 = vector.shape_cast %max3A_669 : vector<16xf32> to vector<1x16xf32>
        tpu.vector_store %arg10[%swap3A_675, %swap3A_676], %swap3A_679 {strides = array<i32>} : memref<2x6400xf32, #tpu.memory_space<vmem>>, vector<1x16xf32>,
        %get3A_680 = arith.constant 0 : i32
        %get3A_681 = arith.constant 0 : i32
        %get3A_682 = arith.index_cast %get3A_680 : i32 to index
        %get3A_683 = arith.index_cast %get3A_681 : i32 to index
        %get3A_684 = arith.index_cast %scan3A_490 : i32 to index
        %get3A_685 = arith.constant 64 : index
        %get3A_686 = tpu.vector_load %arg9[%get3A_682, %get3A_683, %get3A_684, %get3A_685] {strides = array<i32>} : memref<2x4x40x160xf32, #tpu.memory_space<vmem>>, vector<1x1x1x16xf32>,
        %get3A_687 = vector.shape_cast %get3A_686 : vector<1x1x1x16xf32> to vector<16xf32>
        %get3A_688 = arith.constant 0 : i32
        %get3A_689 = arith.constant 1 : i32
        %get3A_690 = arith.index_cast %get3A_688 : i32 to index
        %get3A_691 = arith.index_cast %get3A_689 : i32 to index
        %get3A_692 = arith.index_cast %scan3A_490 : i32 to index
        %get3A_693 = arith.constant 64 : index
        %get3A_694 = tpu.vector_load %arg9[%get3A_690, %get3A_691, %get3A_692, %get3A_693] {strides = array<i32>} : memref<2x4x40x160xf32, #tpu.memory_space<vmem>>, vector<1x1x1x16xf32>,
        %get3A_695 = vector.shape_cast %get3A_694 : vector<1x1x1x16xf32> to vector<16xf32>
        %add3A_696 = arith.addf %get3A_687, %get3A_695 : vector<16xf32>
        %get3A_697 = arith.constant 0 : i32
        %get3A_698 = arith.constant 2 : i32
        %get3A_699 = arith.index_cast %get3A_697 : i32 to index
        %get3A_700 = arith.index_cast %get3A_698 : i32 to index
        %get3A_701 = arith.index_cast %scan3A_490 : i32 to index
        %get3A_702 = arith.constant 64 : index
        %get3A_703 = tpu.vector_load %arg9[%get3A_699, %get3A_700, %get3A_701, %get3A_702] {strides = array<i32>} : memref<2x4x40x160xf32, #tpu.memory_space<vmem>>, vector<1x1x1x16xf32>,
        %get3A_704 = vector.shape_cast %get3A_703 : vector<1x1x1x16xf32> to vector<16xf32>
        %get3A_705 = arith.constant 0 : i32
        %get3A_706 = arith.constant 3 : i32
        %get3A_707 = arith.index_cast %get3A_705 : i32 to index
        %get3A_708 = arith.index_cast %get3A_706 : i32 to index
        %get3A_709 = arith.index_cast %scan3A_490 : i32 to index
        %get3A_710 = arith.constant 64 : index
        %get3A_711 = tpu.vector_load %arg9[%get3A_707, %get3A_708, %get3A_709, %get3A_710] {strides = array<i32>} : memref<2x4x40x160xf32, #tpu.memory_space<vmem>>, vector<1x1x1x16xf32>,
        %get3A_712 = vector.shape_cast %get3A_711 : vector<1x1x1x16xf32> to vector<16xf32>
        %add3A_713 = arith.addf %get3A_704, %get3A_712 : vector<16xf32>
        %add3A_714 = arith.addf %add3A_696, %add3A_713 : vector<16xf32>
        %max3A_715 = arith.constant 0.000000e+00 : f32
        %max3A_716 = vector.broadcast %max3A_715 : f32 to vector<16xf32>
        %max3A_717 = arith.maximumf %add3A_714, %max3A_716 : vector<16xf32>
        %mul3A_718 = arith.constant 160 : i32
        %mul3A_719 = arith.muli %scan3A_490, %mul3A_718 : i32
        %add3A_720 = arith.constant 64 : i32
        %add3A_721 = arith.addi %mul3A_719, %add3A_720 : i32
        %swap3A_722 = arith.constant 0 : i32
        %swap3A_723 = arith.index_cast %swap3A_722 : i32 to index
        %swap3A_724 = arith.index_cast %add3A_721 : i32 to index
        %swap3A_725 = tpu.vector_load %arg10[%swap3A_723, %swap3A_724] {strides = array<i32>} : memref<2x6400xf32, #tpu.memory_space<vmem>>, vector<1x16xf32>,
        %swap3A_726 = vector.shape_cast %swap3A_725 : vector<1x16xf32> to vector<16xf32>
        %swap3A_727 = vector.shape_cast %max3A_717 : vector<16xf32> to vector<1x16xf32>
        tpu.vector_store %arg10[%swap3A_723, %swap3A_724], %swap3A_727 {strides = array<i32>} : memref<2x6400xf32, #tpu.memory_space<vmem>>, vector<1x16xf32>,
        %get3A_728 = arith.constant 0 : i32
        %get3A_729 = arith.constant 0 : i32
        %get3A_730 = arith.index_cast %get3A_728 : i32 to index
        %get3A_731 = arith.index_cast %get3A_729 : i32 to index
        %get3A_732 = arith.index_cast %scan3A_490 : i32 to index
        %get3A_733 = arith.constant 80 : index
        %get3A_734 = tpu.vector_load %arg9[%get3A_730, %get3A_731, %get3A_732, %get3A_733] {strides = array<i32>} : memref<2x4x40x160xf32, #tpu.memory_space<vmem>>, vector<1x1x1x16xf32>,
        %get3A_735 = vector.shape_cast %get3A_734 : vector<1x1x1x16xf32> to vector<16xf32>
        %get3A_736 = arith.constant 0 : i32
        %get3A_737 = arith.constant 1 : i32
        %get3A_738 = arith.index_cast %get3A_736 : i32 to index
        %get3A_739 = arith.index_cast %get3A_737 : i32 to index
        %get3A_740 = arith.index_cast %scan3A_490 : i32 to index
        %get3A_741 = arith.constant 80 : index
        %get3A_742 = tpu.vector_load %arg9[%get3A_738, %get3A_739, %get3A_740, %get3A_741] {strides = array<i32>} : memref<2x4x40x160xf32, #tpu.memory_space<vmem>>, vector<1x1x1x16xf32>,
        %get3A_743 = vector.shape_cast %get3A_742 : vector<1x1x1x16xf32> to vector<16xf32>
        %add3A_744 = arith.addf %get3A_735, %get3A_743 : vector<16xf32>
        %get3A_745 = arith.constant 0 : i32
        %get3A_746 = arith.constant 2 : i32
        %get3A_747 = arith.index_cast %get3A_745 : i32 to index
        %get3A_748 = arith.index_cast %get3A_746 : i32 to index
        %get3A_749 = arith.index_cast %scan3A_490 : i32 to index
        %get3A_750 = arith.constant 80 : index
        %get3A_751 = tpu.vector_load %arg9[%get3A_747, %get3A_748, %get3A_749, %get3A_750] {strides = array<i32>} : memref<2x4x40x160xf32, #tpu.memory_space<vmem>>, vector<1x1x1x16xf32>,
        %get3A_752 = vector.shape_cast %get3A_751 : vector<1x1x1x16xf32> to vector<16xf32>
        %get3A_753 = arith.constant 0 : i32
        %get3A_754 = arith.constant 3 : i32
        %get3A_755 = arith.index_cast %get3A_753 : i32 to index
        %get3A_756 = arith.index_cast %get3A_754 : i32 to index
        %get3A_757 = arith.index_cast %scan3A_490 : i32 to index
        %get3A_758 = arith.constant 80 : index
        %get3A_759 = tpu.vector_load %arg9[%get3A_755, %get3A_756, %get3A_757, %get3A_758] {strides = array<i32>} : memref<2x4x40x160xf32, #tpu.memory_space<vmem>>, vector<1x1x1x16xf32>,
        %get3A_760 = vector.shape_cast %get3A_759 : vector<1x1x1x16xf32> to vector<16xf32>
        %add3A_761 = arith.addf %get3A_752, %get3A_760 : vector<16xf32>
        %add3A_762 = arith.addf %add3A_744, %add3A_761 : vector<16xf32>
        %max3A_763 = arith.constant 0.000000e+00 : f32
        %max3A_764 = vector.broadcast %max3A_763 : f32 to vector<16xf32>
        %max3A_765 = arith.maximumf %add3A_762, %max3A_764 : vector<16xf32>
        %mul3A_766 = arith.constant 160 : i32
        %mul3A_767 = arith.muli %scan3A_490, %mul3A_766 : i32
        %add3A_768 = arith.constant 80 : i32
        %add3A_769 = arith.addi %mul3A_767, %add3A_768 : i32
        %swap3A_770 = arith.constant 0 : i32
        %swap3A_771 = arith.index_cast %swap3A_770 : i32 to index
        %swap3A_772 = arith.index_cast %add3A_769 : i32 to index
        %swap3A_773 = tpu.vector_load %arg10[%swap3A_771, %swap3A_772] {strides = array<i32>} : memref<2x6400xf32, #tpu.memory_space<vmem>>, vector<1x16xf32>,
        %swap3A_774 = vector.shape_cast %swap3A_773 : vector<1x16xf32> to vector<16xf32>
        %swap3A_775 = vector.shape_cast %max3A_765 : vector<16xf32> to vector<1x16xf32>
        tpu.vector_store %arg10[%swap3A_771, %swap3A_772], %swap3A_775 {strides = array<i32>} : memref<2x6400xf32, #tpu.memory_space<vmem>>, vector<1x16xf32>,
        %get3A_776 = arith.constant 0 : i32
        %get3A_777 = arith.constant 0 : i32
        %get3A_778 = arith.index_cast %get3A_776 : i32 to index
        %get3A_779 = arith.index_cast %get3A_777 : i32 to index
        %get3A_780 = arith.index_cast %scan3A_490 : i32 to index
        %get3A_781 = arith.constant 96 : index
        %get3A_782 = tpu.vector_load %arg9[%get3A_778, %get3A_779, %get3A_780, %get3A_781] {strides = array<i32>} : memref<2x4x40x160xf32, #tpu.memory_space<vmem>>, vector<1x1x1x16xf32>,
        %get3A_783 = vector.shape_cast %get3A_782 : vector<1x1x1x16xf32> to vector<16xf32>
        %get3A_784 = arith.constant 0 : i32
        %get3A_785 = arith.constant 1 : i32
        %get3A_786 = arith.index_cast %get3A_784 : i32 to index
        %get3A_787 = arith.index_cast %get3A_785 : i32 to index
        %get3A_788 = arith.index_cast %scan3A_490 : i32 to index
        %get3A_789 = arith.constant 96 : index
        %get3A_790 = tpu.vector_load %arg9[%get3A_786, %get3A_787, %get3A_788, %get3A_789] {strides = array<i32>} : memref<2x4x40x160xf32, #tpu.memory_space<vmem>>, vector<1x1x1x16xf32>,
        %get3A_791 = vector.shape_cast %get3A_790 : vector<1x1x1x16xf32> to vector<16xf32>
        %add3A_792 = arith.addf %get3A_783, %get3A_791 : vector<16xf32>
        %get3A_793 = arith.constant 0 : i32
        %get3A_794 = arith.constant 2 : i32
        %get3A_795 = arith.index_cast %get3A_793 : i32 to index
        %get3A_796 = arith.index_cast %get3A_794 : i32 to index
        %get3A_797 = arith.index_cast %scan3A_490 : i32 to index
        %get3A_798 = arith.constant 96 : index
        %get3A_799 = tpu.vector_load %arg9[%get3A_795, %get3A_796, %get3A_797, %get3A_798] {strides = array<i32>} : memref<2x4x40x160xf32, #tpu.memory_space<vmem>>, vector<1x1x1x16xf32>,
        %get3A_800 = vector.shape_cast %get3A_799 : vector<1x1x1x16xf32> to vector<16xf32>
        %get3A_801 = arith.constant 0 : i32
        %get3A_802 = arith.constant 3 : i32
        %get3A_803 = arith.index_cast %get3A_801 : i32 to index
        %get3A_804 = arith.index_cast %get3A_802 : i32 to index
        %get3A_805 = arith.index_cast %scan3A_490 : i32 to index
        %get3A_806 = arith.constant 96 : index
        %get3A_807 = tpu.vector_load %arg9[%get3A_803, %get3A_804, %get3A_805, %get3A_806] {strides = array<i32>} : memref<2x4x40x160xf32, #tpu.memory_space<vmem>>, vector<1x1x1x16xf32>,
        %get3A_808 = vector.shape_cast %get3A_807 : vector<1x1x1x16xf32> to vector<16xf32>
        %add3A_809 = arith.addf %get3A_800, %get3A_808 : vector<16xf32>
        %add3A_810 = arith.addf %add3A_792, %add3A_809 : vector<16xf32>
        %max3A_811 = arith.constant 0.000000e+00 : f32
        %max3A_812 = vector.broadcast %max3A_811 : f32 to vector<16xf32>
        %max3A_813 = arith.maximumf %add3A_810, %max3A_812 : vector<16xf32>
        %mul3A_814 = arith.constant 160 : i32
        %mul3A_815 = arith.muli %scan3A_490, %mul3A_814 : i32
        %add3A_816 = arith.constant 96 : i32
        %add3A_817 = arith.addi %mul3A_815, %add3A_816 : i32
        %swap3A_818 = arith.constant 0 : i32
        %swap3A_819 = arith.index_cast %swap3A_818 : i32 to index
        %swap3A_820 = arith.index_cast %add3A_817 : i32 to index
        %swap3A_821 = tpu.vector_load %arg10[%swap3A_819, %swap3A_820] {strides = array<i32>} : memref<2x6400xf32, #tpu.memory_space<vmem>>, vector<1x16xf32>,
        %swap3A_822 = vector.shape_cast %swap3A_821 : vector<1x16xf32> to vector<16xf32>
        %swap3A_823 = vector.shape_cast %max3A_813 : vector<16xf32> to vector<1x16xf32>
        tpu.vector_store %arg10[%swap3A_819, %swap3A_820], %swap3A_823 {strides = array<i32>} : memref<2x6400xf32, #tpu.memory_space<vmem>>, vector<1x16xf32>,
        %get3A_824 = arith.constant 0 : i32
        %get3A_825 = arith.constant 0 : i32
        %get3A_826 = arith.index_cast %get3A_824 : i32 to index
        %get3A_827 = arith.index_cast %get3A_825 : i32 to index
        %get3A_828 = arith.index_cast %scan3A_490 : i32 to index
        %get3A_829 = arith.constant 112 : index
        %get3A_830 = tpu.vector_load %arg9[%get3A_826, %get3A_827, %get3A_828, %get3A_829] {strides = array<i32>} : memref<2x4x40x160xf32, #tpu.memory_space<vmem>>, vector<1x1x1x16xf32>,
        %get3A_831 = vector.shape_cast %get3A_830 : vector<1x1x1x16xf32> to vector<16xf32>
        %get3A_832 = arith.constant 0 : i32
        %get3A_833 = arith.constant 1 : i32
        %get3A_834 = arith.index_cast %get3A_832 : i32 to index
        %get3A_835 = arith.index_cast %get3A_833 : i32 to index
        %get3A_836 = arith.index_cast %scan3A_490 : i32 to index
        %get3A_837 = arith.constant 112 : index
        %get3A_838 = tpu.vector_load %arg9[%get3A_834, %get3A_835, %get3A_836, %get3A_837] {strides = array<i32>} : memref<2x4x40x160xf32, #tpu.memory_space<vmem>>, vector<1x1x1x16xf32>,
        %get3A_839 = vector.shape_cast %get3A_838 : vector<1x1x1x16xf32> to vector<16xf32>
        %add3A_840 = arith.addf %get3A_831, %get3A_839 : vector<16xf32>
        %get3A_841 = arith.constant 0 : i32
        %get3A_842 = arith.constant 2 : i32
        %get3A_843 = arith.index_cast %get3A_841 : i32 to index
        %get3A_844 = arith.index_cast %get3A_842 : i32 to index
        %get3A_845 = arith.index_cast %scan3A_490 : i32 to index
        %get3A_846 = arith.constant 112 : index
        %get3A_847 = tpu.vector_load %arg9[%get3A_843, %get3A_844, %get3A_845, %get3A_846] {strides = array<i32>} : memref<2x4x40x160xf32, #tpu.memory_space<vmem>>, vector<1x1x1x16xf32>,
        %get3A_848 = vector.shape_cast %get3A_847 : vector<1x1x1x16xf32> to vector<16xf32>
        %get3A_849 = arith.constant 0 : i32
        %get3A_850 = arith.constant 3 : i32
        %get3A_851 = arith.index_cast %get3A_849 : i32 to index
        %get3A_852 = arith.index_cast %get3A_850 : i32 to index
        %get3A_853 = arith.index_cast %scan3A_490 : i32 to index
        %get3A_854 = arith.constant 112 : index
        %get3A_855 = tpu.vector_load %arg9[%get3A_851, %get3A_852, %get3A_853, %get3A_854] {strides = array<i32>} : memref<2x4x40x160xf32, #tpu.memory_space<vmem>>, vector<1x1x1x16xf32>,
        %get3A_856 = vector.shape_cast %get3A_855 : vector<1x1x1x16xf32> to vector<16xf32>
        %add3A_857 = arith.addf %get3A_848, %get3A_856 : vector<16xf32>
        %add3A_858 = arith.addf %add3A_840, %add3A_857 : vector<16xf32>
        %max3A_859 = arith.constant 0.000000e+00 : f32
        %max3A_860 = vector.broadcast %max3A_859 : f32 to vector<16xf32>
        %max3A_861 = arith.maximumf %add3A_858, %max3A_860 : vector<16xf32>
        %mul3A_862 = arith.constant 160 : i32
        %mul3A_863 = arith.muli %scan3A_490, %mul3A_862 : i32
        %add3A_864 = arith.constant 112 : i32
        %add3A_865 = arith.addi %mul3A_863, %add3A_864 : i32
        %swap3A_866 = arith.constant 0 : i32
        %swap3A_867 = arith.index_cast %swap3A_866 : i32 to index
        %swap3A_868 = arith.index_cast %add3A_865 : i32 to index
        %swap3A_869 = tpu.vector_load %arg10[%swap3A_867, %swap3A_868] {strides = array<i32>} : memref<2x6400xf32, #tpu.memory_space<vmem>>, vector<1x16xf32>,
        %swap3A_870 = vector.shape_cast %swap3A_869 : vector<1x16xf32> to vector<16xf32>
        %swap3A_871 = vector.shape_cast %max3A_861 : vector<16xf32> to vector<1x16xf32>
        tpu.vector_store %arg10[%swap3A_867, %swap3A_868], %swap3A_871 {strides = array<i32>} : memref<2x6400xf32, #tpu.memory_space<vmem>>, vector<1x16xf32>,
        %get3A_872 = arith.constant 0 : i32
        %get3A_873 = arith.constant 0 : i32
        %get3A_874 = arith.index_cast %get3A_872 : i32 to index
        %get3A_875 = arith.index_cast %get3A_873 : i32 to index
        %get3A_876 = arith.index_cast %scan3A_490 : i32 to index
        %get3A_877 = arith.constant 128 : index
        %get3A_878 = tpu.vector_load %arg9[%get3A_874, %get3A_875, %get3A_876, %get3A_877] {strides = array<i32>} : memref<2x4x40x160xf32, #tpu.memory_space<vmem>>, vector<1x1x1x16xf32>,
        %get3A_879 = vector.shape_cast %get3A_878 : vector<1x1x1x16xf32> to vector<16xf32>
        %get3A_880 = arith.constant 0 : i32
        %get3A_881 = arith.constant 1 : i32
        %get3A_882 = arith.index_cast %get3A_880 : i32 to index
        %get3A_883 = arith.index_cast %get3A_881 : i32 to index
        %get3A_884 = arith.index_cast %scan3A_490 : i32 to index
        %get3A_885 = arith.constant 128 : index
        %get3A_886 = tpu.vector_load %arg9[%get3A_882, %get3A_883, %get3A_884, %get3A_885] {strides = array<i32>} : memref<2x4x40x160xf32, #tpu.memory_space<vmem>>, vector<1x1x1x16xf32>,
        %get3A_887 = vector.shape_cast %get3A_886 : vector<1x1x1x16xf32> to vector<16xf32>
        %add3A_888 = arith.addf %get3A_879, %get3A_887 : vector<16xf32>
        %get3A_889 = arith.constant 0 : i32
        %get3A_890 = arith.constant 2 : i32
        %get3A_891 = arith.index_cast %get3A_889 : i32 to index
        %get3A_892 = arith.index_cast %get3A_890 : i32 to index
        %get3A_893 = arith.index_cast %scan3A_490 : i32 to index
        %get3A_894 = arith.constant 128 : index
        %get3A_895 = tpu.vector_load %arg9[%get3A_891, %get3A_892, %get3A_893, %get3A_894] {strides = array<i32>} : memref<2x4x40x160xf32, #tpu.memory_space<vmem>>, vector<1x1x1x16xf32>,
        %get3A_896 = vector.shape_cast %get3A_895 : vector<1x1x1x16xf32> to vector<16xf32>
        %get3A_897 = arith.constant 0 : i32
        %get3A_898 = arith.constant 3 : i32
        %get3A_899 = arith.index_cast %get3A_897 : i32 to index
        %get3A_900 = arith.index_cast %get3A_898 : i32 to index
        %get3A_901 = arith.index_cast %scan3A_490 : i32 to index
        %get3A_902 = arith.constant 128 : index
        %get3A_903 = tpu.vector_load %arg9[%get3A_899, %get3A_900, %get3A_901, %get3A_902] {strides = array<i32>} : memref<2x4x40x160xf32, #tpu.memory_space<vmem>>, vector<1x1x1x16xf32>,
        %get3A_904 = vector.shape_cast %get3A_903 : vector<1x1x1x16xf32> to vector<16xf32>
        %add3A_905 = arith.addf %get3A_896, %get3A_904 : vector<16xf32>
        %add3A_906 = arith.addf %add3A_888, %add3A_905 : vector<16xf32>
        %max3A_907 = arith.constant 0.000000e+00 : f32
        %max3A_908 = vector.broadcast %max3A_907 : f32 to vector<16xf32>
        %max3A_909 = arith.maximumf %add3A_906, %max3A_908 : vector<16xf32>
        %mul3A_910 = arith.constant 160 : i32
        %mul3A_911 = arith.muli %scan3A_490, %mul3A_910 : i32
        %add3A_912 = arith.constant 128 : i32
        %add3A_913 = arith.addi %mul3A_911, %add3A_912 : i32
        %swap3A_914 = arith.constant 0 : i32
        %swap3A_915 = arith.index_cast %swap3A_914 : i32 to index
        %swap3A_916 = arith.index_cast %add3A_913 : i32 to index
        %swap3A_917 = tpu.vector_load %arg10[%swap3A_915, %swap3A_916] {strides = array<i32>} : memref<2x6400xf32, #tpu.memory_space<vmem>>, vector<1x16xf32>,
        %swap3A_918 = vector.shape_cast %swap3A_917 : vector<1x16xf32> to vector<16xf32>
        %swap3A_919 = vector.shape_cast %max3A_909 : vector<16xf32> to vector<1x16xf32>
        tpu.vector_store %arg10[%swap3A_915, %swap3A_916], %swap3A_919 {strides = array<i32>} : memref<2x6400xf32, #tpu.memory_space<vmem>>, vector<1x16xf32>,
        %get3A_920 = arith.constant 0 : i32
        %get3A_921 = arith.constant 0 : i32
        %get3A_922 = arith.index_cast %get3A_920 : i32 to index
        %get3A_923 = arith.index_cast %get3A_921 : i32 to index
        %get3A_924 = arith.index_cast %scan3A_490 : i32 to index
        %get3A_925 = arith.constant 144 : index
        %get3A_926 = tpu.vector_load %arg9[%get3A_922, %get3A_923, %get3A_924, %get3A_925] {strides = array<i32>} : memref<2x4x40x160xf32, #tpu.memory_space<vmem>>, vector<1x1x1x16xf32>,
        %get3A_927 = vector.shape_cast %get3A_926 : vector<1x1x1x16xf32> to vector<16xf32>
        %get3A_928 = arith.constant 0 : i32
        %get3A_929 = arith.constant 1 : i32
        %get3A_930 = arith.index_cast %get3A_928 : i32 to index
        %get3A_931 = arith.index_cast %get3A_929 : i32 to index
        %get3A_932 = arith.index_cast %scan3A_490 : i32 to index
        %get3A_933 = arith.constant 144 : index
        %get3A_934 = tpu.vector_load %arg9[%get3A_930, %get3A_931, %get3A_932, %get3A_933] {strides = array<i32>} : memref<2x4x40x160xf32, #tpu.memory_space<vmem>>, vector<1x1x1x16xf32>,
        %get3A_935 = vector.shape_cast %get3A_934 : vector<1x1x1x16xf32> to vector<16xf32>
        %add3A_936 = arith.addf %get3A_927, %get3A_935 : vector<16xf32>
        %get3A_937 = arith.constant 0 : i32
        %get3A_938 = arith.constant 2 : i32
        %get3A_939 = arith.index_cast %get3A_937 : i32 to index
        %get3A_940 = arith.index_cast %get3A_938 : i32 to index
        %get3A_941 = arith.index_cast %scan3A_490 : i32 to index
        %get3A_942 = arith.constant 144 : index
        %get3A_943 = tpu.vector_load %arg9[%get3A_939, %get3A_940, %get3A_941, %get3A_942] {strides = array<i32>} : memref<2x4x40x160xf32, #tpu.memory_space<vmem>>, vector<1x1x1x16xf32>,
        %get3A_944 = vector.shape_cast %get3A_943 : vector<1x1x1x16xf32> to vector<16xf32>
        %get3A_945 = arith.constant 0 : i32
        %get3A_946 = arith.constant 3 : i32
        %get3A_947 = arith.index_cast %get3A_945 : i32 to index
        %get3A_948 = arith.index_cast %get3A_946 : i32 to index
        %get3A_949 = arith.index_cast %scan3A_490 : i32 to index
        %get3A_950 = arith.constant 144 : index
        %get3A_951 = tpu.vector_load %arg9[%get3A_947, %get3A_948, %get3A_949, %get3A_950] {strides = array<i32>} : memref<2x4x40x160xf32, #tpu.memory_space<vmem>>, vector<1x1x1x16xf32>,
        %get3A_952 = vector.shape_cast %get3A_951 : vector<1x1x1x16xf32> to vector<16xf32>
        %add3A_953 = arith.addf %get3A_944, %get3A_952 : vector<16xf32>
        %add3A_954 = arith.addf %add3A_936, %add3A_953 : vector<16xf32>
        %max3A_955 = arith.constant 0.000000e+00 : f32
        %max3A_956 = vector.broadcast %max3A_955 : f32 to vector<16xf32>
        %max3A_957 = arith.maximumf %add3A_954, %max3A_956 : vector<16xf32>
        %mul3A_958 = arith.constant 160 : i32
        %mul3A_959 = arith.muli %scan3A_490, %mul3A_958 : i32
        %add3A_960 = arith.constant 144 : i32
        %add3A_961 = arith.addi %mul3A_959, %add3A_960 : i32
        %swap3A_962 = arith.constant 0 : i32
        %swap3A_963 = arith.index_cast %swap3A_962 : i32 to index
        %swap3A_964 = arith.index_cast %add3A_961 : i32 to index
        %swap3A_965 = tpu.vector_load %arg10[%swap3A_963, %swap3A_964] {strides = array<i32>} : memref<2x6400xf32, #tpu.memory_space<vmem>>, vector<1x16xf32>,
        %swap3A_966 = vector.shape_cast %swap3A_965 : vector<1x16xf32> to vector<16xf32>
        %swap3A_967 = vector.shape_cast %max3A_957 : vector<16xf32> to vector<1x16xf32>
        tpu.vector_store %arg10[%swap3A_963, %swap3A_964], %swap3A_967 {strides = array<i32>} : memref<2x6400xf32, #tpu.memory_space<vmem>>, vector<1x16xf32>,
      }
      %scan3A_477 = arith.constant 40 : i32
      %add3A_478 = arith.addi %mul3A_2, %add3A_437 : i32
      %mul3A_479 = arith.constant 6400 : i32
      %mul3A_480 = arith.muli %add3A_478, %mul3A_479 : i32
      %dma_start3A_481 = arith.constant 0 : i32
      %dma_start3A_482 = arith.constant 0 : i32
      %dma_start3A_483 = tpu.memref_slice %arg10[%dma_start3A_481, %dma_start3A_482] : memref<2x6400xf32, #tpu.memory_space<vmem>> -> memref<1x6400xf32, #tpu.memory_space<vmem>>
      %dma_start3A_484 = tpu.memref_squeeze %dma_start3A_483 : memref<1x6400xf32, #tpu.memory_space<vmem>> -> memref<6400xf32, #tpu.memory_space<vmem>>
      %dma_start3A_485 = tpu.memref_slice %arg7[%mul3A_480] : memref<51200000xf32, #tpu.memory_space<hbm>> -> memref<6400xf32, #tpu.memory_space<hbm>>
      %dma_start3A_486 = tpu.memref_slice %arg7[%mul3A_480] : memref<51200000xf32, #tpu.memory_space<hbm>> -> memref<6400xf32, #tpu.memory_space<hbm>>
      %dma_start3A_487 = arith.constant 0 : i32
      %dma_start3A_488 = tpu.memref_slice %arg10[%dma_start3A_481, %dma_start3A_487] : memref<2x6400xf32, #tpu.memory_space<vmem>> -> memref<1x6400xf32, #tpu.memory_space<vmem>>
      %dma_start3A_489 = tpu.memref_squeeze %dma_start3A_488 : memref<1x6400xf32, #tpu.memory_space<vmem>> -> memref<6400xf32, #tpu.memory_space<vmem>>
      tpu.enqueue_dma source(%dma_start3A_489 : memref<6400xf32, #tpu.memory_space<vmem>>) target(%dma_start3A_486 : memref<6400xf32, #tpu.memory_space<hbm>>) target_semaphore(%arg16 : memref<!tpu.dma_semaphore, #tpu.memory_space<semaphore_mem>>)
    }
    %scan3A_311 = arith.constant 124 : i32
    %dma_wait3A_312 = arith.constant 1 : i32
    %dma_wait3A_313 = arith.constant 0 : i32
    %dma_wait3A_314 = arith.constant 0 : i32
    %dma_wait3A_315 = arith.constant 0 : i32
    %dma_wait3A_316 = tpu.memref_slice %arg9[%dma_wait3A_312, %dma_wait3A_313, %dma_wait3A_314, %dma_wait3A_315] : memref<2x4x40x160xf32, #tpu.memory_space<vmem>> -> memref<1x4x40x160xf32, #tpu.memory_space<vmem>>
    %dma_wait3A_317 = tpu.memref_squeeze %dma_wait3A_316 : memref<1x4x40x160xf32, #tpu.memory_space<vmem>> -> memref<4x40x160xf32, #tpu.memory_space<vmem>>
    %dma_wait3A_318 = arith.constant 0 : i32
    %dma_wait3A_319 = tpu.memref_slice %arg7[%dma_wait3A_318] : memref<51200000xf32, #tpu.memory_space<hbm>> -> memref<25600xf32, #tpu.memory_space<hbm>>
    %dma_wait3A_320 = arith.constant 0 : i32
    %dma_wait3A_321 = arith.constant 0 : i32
    %dma_wait3A_322 = arith.constant 0 : i32
    %dma_wait3A_323 = tpu.memref_slice %arg9[%dma_wait3A_312, %dma_wait3A_320, %dma_wait3A_321, %dma_wait3A_322] : memref<2x4x40x160xf32, #tpu.memory_space<vmem>> -> memref<1x4x40x160xf32, #tpu.memory_space<vmem>>
    %dma_wait3A_324 = tpu.memref_squeeze %dma_wait3A_323 : memref<1x4x40x160xf32, #tpu.memory_space<vmem>> -> memref<4x40x160xf32, #tpu.memory_space<vmem>>
    %dma_wait3A_325 = arith.constant 0 : i32
    %dma_wait3A_326 = tpu.memref_slice %arg7[%dma_wait3A_325] : memref<51200000xf32, #tpu.memory_space<hbm>> -> memref<25600xf32, #tpu.memory_space<hbm>>
    tpu.wait_dma2 semaphore(%arg15 : memref<!tpu.dma_semaphore, #tpu.memory_space<semaphore_mem>>) src(%dma_wait3A_326 : memref<25600xf32, #tpu.memory_space<hbm>>) dst(%dma_wait3A_324 : memref<4x40x160xf32, #tpu.memory_space<vmem>>)
    %dma_wait3A_327 = arith.constant 1 : i32
    %dma_wait3A_328 = arith.constant 0 : i32
    %dma_wait3A_329 = tpu.memref_slice %arg10[%dma_wait3A_327, %dma_wait3A_328] : memref<2x6400xf32, #tpu.memory_space<vmem>> -> memref<1x6400xf32, #tpu.memory_space<vmem>>
    %dma_wait3A_330 = tpu.memref_squeeze %dma_wait3A_329 : memref<1x6400xf32, #tpu.memory_space<vmem>> -> memref<6400xf32, #tpu.memory_space<vmem>>
    %dma_wait3A_331 = arith.constant 0 : i32
    %dma_wait3A_332 = tpu.memref_slice %arg7[%dma_wait3A_331] : memref<51200000xf32, #tpu.memory_space<hbm>> -> memref<6400xf32, #tpu.memory_space<hbm>>
    %dma_wait3A_333 = arith.constant 0 : i32
    %dma_wait3A_334 = tpu.memref_slice %arg10[%dma_wait3A_327, %dma_wait3A_333] : memref<2x6400xf32, #tpu.memory_space<vmem>> -> memref<1x6400xf32, #tpu.memory_space<vmem>>
    %dma_wait3A_335 = tpu.memref_squeeze %dma_wait3A_334 : memref<1x6400xf32, #tpu.memory_space<vmem>> -> memref<6400xf32, #tpu.memory_space<vmem>>
    %dma_wait3A_336 = arith.constant 0 : i32
    %dma_wait3A_337 = tpu.memref_slice %arg7[%dma_wait3A_336] : memref<51200000xf32, #tpu.memory_space<hbm>> -> memref<6400xf32, #tpu.memory_space<hbm>>
    tpu.wait_dma2 semaphore(%arg17 : memref<!tpu.dma_semaphore, #tpu.memory_space<semaphore_mem>>) src(%dma_wait3A_337 : memref<6400xf32, #tpu.memory_space<hbm>>) dst(%dma_wait3A_335 : memref<6400xf32, #tpu.memory_space<vmem>>)
    %scan3A_338 = arith.constant 0 : i32
    %scan3A_339 = arith.constant 0 : i32
    %scan3A_340 = arith.constant 40 : i32
    %scan3A_341 = arith.addi %scan3A_339, %scan3A_340 : i32
    %scan3A_342 = arith.constant 1 : i32
    scf.for %scan3A_379 = %scan3A_339 to %scan3A_341 step %scan3A_342  : i32 {
      %get3A = arith.constant 1 : i32
      %get3A_380 = arith.constant 0 : i32
      %get3A_381 = arith.index_cast %get3A : i32 to index
      %get3A_382 = arith.index_cast %get3A_380 : i32 to index
      %get3A_383 = arith.index_cast %scan3A_379 : i32 to index
      %get3A_384 = arith.constant 0 : index
      %get3A_385 = tpu.vector_load %arg9[%get3A_381, %get3A_382, %get3A_383, %get3A_384] {strides = array<i32>} : memref<2x4x40x160xf32, #tpu.memory_space<vmem>>, vector<1x1x1x16xf32>,
      %get3A_386 = vector.shape_cast %get3A_385 : vector<1x1x1x16xf32> to vector<16xf32>
      %get3A_387 = arith.constant 1 : i32
      %get3A_388 = arith.constant 1 : i32
      %get3A_389 = arith.index_cast %get3A_387 : i32 to index
      %get3A_390 = arith.index_cast %get3A_388 : i32 to index
      %get3A_391 = arith.index_cast %scan3A_379 : i32 to index
      %get3A_392 = arith.constant 0 : index
      %get3A_393 = tpu.vector_load %arg9[%get3A_389, %get3A_390, %get3A_391, %get3A_392] {strides = array<i32>} : memref<2x4x40x160xf32, #tpu.memory_space<vmem>>, vector<1x1x1x16xf32>,
      %get3A_394 = vector.shape_cast %get3A_393 : vector<1x1x1x16xf32> to vector<16xf32>
      %add3A_395 = arith.addf %get3A_386, %get3A_394 : vector<16xf32>
      %get3A_396 = arith.constant 1 : i32
      %get3A_397 = arith.constant 2 : i32
      %get3A_398 = arith.index_cast %get3A_396 : i32 to index
      %get3A_399 = arith.index_cast %get3A_397 : i32 to index
      %get3A_400 = arith.index_cast %scan3A_379 : i32 to index
      %get3A_401 = arith.constant 0 : index
      %get3A_402 = tpu.vector_load %arg9[%get3A_398, %get3A_399, %get3A_400, %get3A_401] {strides = array<i32>} : memref<2x4x40x160xf32, #tpu.memory_space<vmem>>, vector<1x1x1x16xf32>,
      %get3A_403 = vector.shape_cast %get3A_402 : vector<1x1x1x16xf32> to vector<16xf32>
      %get3A_404 = arith.constant 1 : i32
      %get3A_405 = arith.constant 3 : i32
      %get3A_406 = arith.index_cast %get3A_404 : i32 to index
      %get3A_407 = arith.index_cast %get3A_405 : i32 to index
      %get3A_408 = arith.index_cast %scan3A_379 : i32 to index
      %get3A_409 = arith.constant 0 : index
      %get3A_410 = tpu.vector_load %arg9[%get3A_406, %get3A_407, %get3A_408, %get3A_409] {strides = array<i32>} : memref<2x4x40x160xf32, #tpu.memory_space<vmem>>, vector<1x1x1x16xf32>,
      %get3A_411 = vector.shape_cast %get3A_410 : vector<1x1x1x16xf32> to vector<16xf32>
      %add3A_412 = arith.addf %get3A_403, %get3A_411 : vector<16xf32>
      %add3A_413 = arith.addf %add3A_395, %add3A_412 : vector<16xf32>
      %max3A = arith.constant 0.000000e+00 : f32
      %max3A_414 = vector.broadcast %max3A : f32 to vector<16xf32>
      %max3A_415 = arith.maximumf %add3A_413, %max3A_414 : vector<16xf32>
      %mul3A_416 = arith.constant 160 : i32
      %mul3A_417 = arith.muli %scan3A_379, %mul3A_416 : i32
      %add3A_418 = arith.constant 0 : i32
      %add3A_419 = arith.addi %mul3A_417, %add3A_418 : i32
      %swap3A = arith.constant 1 : i32
      %swap3A_420 = arith.index_cast %swap3A : i32 to index
      %swap3A_421 = arith.index_cast %add3A_419 : i32 to index
      %swap3A_422 = tpu.vector_load %arg10[%swap3A_420, %swap3A_421] {strides = array<i32>} : memref<2x6400xf32, #tpu.memory_space<vmem>>, vector<1x16xf32>,
      %swap3A_423 = vector.shape_cast %swap3A_422 : vector<1x16xf32> to vector<16xf32>
      %swap3A_424 = vector.shape_cast %max3A_415 : vector<16xf32> to vector<1x16xf32>
      tpu.vector_store %arg10[%swap3A_420, %swap3A_421], %swap3A_424 {strides = array<i32>} : memref<2x6400xf32, #tpu.memory_space<vmem>>, vector<1x16xf32>,
      %get3A_425 = arith.constant 1 : i32
      %get3A_426 = arith.constant 0 : i32
      %get3A_427 = arith.index_cast %get3A_425 : i32 to index
      %get3A_428 = arith.index_cast %get3A_426 : i32 to index
      %get3A_429 = arith.index_cast %scan3A_379 : i32 to index
      %get3A_430 = arith.constant 16 : index
      %get3A_431 = tpu.vector_load %arg9[%get3A_427, %get3A_428, %get3A_429, %get3A_430] {strides = array<i32>} : memref<2x4x40x160xf32, #tpu.memory_space<vmem>>, vector<1x1x1x16xf32>,
      %get3A_432 = vector.shape_cast %get3A_431 : vector<1x1x1x16xf32> to vector<16xf32>
      %get3A_433 = arith.constant 1 : i32
      %get3A_434 = arith.constant 1 : i32
      %get3A_435 = arith.index_cast %get3A_433 : i32 to index
      %get3A_436 = arith.index_cast %get3A_434 : i32 to index
      %get3A_437 = arith.index_cast %scan3A_379 : i32 to index
      %get3A_438 = arith.constant 16 : index
      %get3A_439 = tpu.vector_load %arg9[%get3A_435, %get3A_436, %get3A_437, %get3A_438] {strides = array<i32>} : memref<2x4x40x160xf32, #tpu.memory_space<vmem>>, vector<1x1x1x16xf32>,
      %get3A_440 = vector.shape_cast %get3A_439 : vector<1x1x1x16xf32> to vector<16xf32>
      %add3A_441 = arith.addf %get3A_432, %get3A_440 : vector<16xf32>
      %get3A_442 = arith.constant 1 : i32
      %get3A_443 = arith.constant 2 : i32
      %get3A_444 = arith.index_cast %get3A_442 : i32 to index
      %get3A_445 = arith.index_cast %get3A_443 : i32 to index
      %get3A_446 = arith.index_cast %scan3A_379 : i32 to index
      %get3A_447 = arith.constant 16 : index
      %get3A_448 = tpu.vector_load %arg9[%get3A_444, %get3A_445, %get3A_446, %get3A_447] {strides = array<i32>} : memref<2x4x40x160xf32, #tpu.memory_space<vmem>>, vector<1x1x1x16xf32>,
      %get3A_449 = vector.shape_cast %get3A_448 : vector<1x1x1x16xf32> to vector<16xf32>
      %get3A_450 = arith.constant 1 : i32
      %get3A_451 = arith.constant 3 : i32
      %get3A_452 = arith.index_cast %get3A_450 : i32 to index
      %get3A_453 = arith.index_cast %get3A_451 : i32 to index
      %get3A_454 = arith.index_cast %scan3A_379 : i32 to index
      %get3A_455 = arith.constant 16 : index
      %get3A_456 = tpu.vector_load %arg9[%get3A_452, %get3A_453, %get3A_454, %get3A_455] {strides = array<i32>} : memref<2x4x40x160xf32, #tpu.memory_space<vmem>>, vector<1x1x1x16xf32>,
      %get3A_457 = vector.shape_cast %get3A_456 : vector<1x1x1x16xf32> to vector<16xf32>
      %add3A_458 = arith.addf %get3A_449, %get3A_457 : vector<16xf32>
      %add3A_459 = arith.addf %add3A_441, %add3A_458 : vector<16xf32>
      %max3A_460 = arith.constant 0.000000e+00 : f32
      %max3A_461 = vector.broadcast %max3A_460 : f32 to vector<16xf32>
      %max3A_462 = arith.maximumf %add3A_459, %max3A_461 : vector<16xf32>
      %mul3A_463 = arith.constant 160 : i32
      %mul3A_464 = arith.muli %scan3A_379, %mul3A_463 : i32
      %add3A_465 = arith.constant 16 : i32
      %add3A_466 = arith.addi %mul3A_464, %add3A_465 : i32
      %swap3A_467 = arith.constant 1 : i32
      %swap3A_468 = arith.index_cast %swap3A_467 : i32 to index
      %swap3A_469 = arith.index_cast %add3A_466 : i32 to index
      %swap3A_470 = tpu.vector_load %arg10[%swap3A_468, %swap3A_469] {strides = array<i32>} : memref<2x6400xf32, #tpu.memory_space<vmem>>, vector<1x16xf32>,
      %swap3A_471 = vector.shape_cast %swap3A_470 : vector<1x16xf32> to vector<16xf32>
      %swap3A_472 = vector.shape_cast %max3A_462 : vector<16xf32> to vector<1x16xf32>
      tpu.vector_store %arg10[%swap3A_468, %swap3A_469], %swap3A_472 {strides = array<i32>} : memref<2x6400xf32, #tpu.memory_space<vmem>>, vector<1x16xf32>,
      %get3A_473 = arith.constant 1 : i32
      %get3A_474 = arith.constant 0 : i32
      %get3A_475 = arith.index_cast %get3A_473 : i32 to index
      %get3A_476 = arith.index_cast %get3A_474 : i32 to index
      %get3A_477 = arith.index_cast %scan3A_379 : i32 to index
      %get3A_478 = arith.constant 32 : index
      %get3A_479 = tpu.vector_load %arg9[%get3A_475, %get3A_476, %get3A_477, %get3A_478] {strides = array<i32>} : memref<2x4x40x160xf32, #tpu.memory_space<vmem>>, vector<1x1x1x16xf32>,
      %get3A_480 = vector.shape_cast %get3A_479 : vector<1x1x1x16xf32> to vector<16xf32>
      %get3A_481 = arith.constant 1 : i32
      %get3A_482 = arith.constant 1 : i32
      %get3A_483 = arith.index_cast %get3A_481 : i32 to index
      %get3A_484 = arith.index_cast %get3A_482 : i32 to index
      %get3A_485 = arith.index_cast %scan3A_379 : i32 to index
      %get3A_486 = arith.constant 32 : index
      %get3A_487 = tpu.vector_load %arg9[%get3A_483, %get3A_484, %get3A_485, %get3A_486] {strides = array<i32>} : memref<2x4x40x160xf32, #tpu.memory_space<vmem>>, vector<1x1x1x16xf32>,
      %get3A_488 = vector.shape_cast %get3A_487 : vector<1x1x1x16xf32> to vector<16xf32>
      %add3A_489 = arith.addf %get3A_480, %get3A_488 : vector<16xf32>
      %get3A_490 = arith.constant 1 : i32
      %get3A_491 = arith.constant 2 : i32
      %get3A_492 = arith.index_cast %get3A_490 : i32 to index
      %get3A_493 = arith.index_cast %get3A_491 : i32 to index
      %get3A_494 = arith.index_cast %scan3A_379 : i32 to index
      %get3A_495 = arith.constant 32 : index
      %get3A_496 = tpu.vector_load %arg9[%get3A_492, %get3A_493, %get3A_494, %get3A_495] {strides = array<i32>} : memref<2x4x40x160xf32, #tpu.memory_space<vmem>>, vector<1x1x1x16xf32>,
      %get3A_497 = vector.shape_cast %get3A_496 : vector<1x1x1x16xf32> to vector<16xf32>
      %get3A_498 = arith.constant 1 : i32
      %get3A_499 = arith.constant 3 : i32
      %get3A_500 = arith.index_cast %get3A_498 : i32 to index
      %get3A_501 = arith.index_cast %get3A_499 : i32 to index
      %get3A_502 = arith.index_cast %scan3A_379 : i32 to index
      %get3A_503 = arith.constant 32 : index
      %get3A_504 = tpu.vector_load %arg9[%get3A_500, %get3A_501, %get3A_502, %get3A_503] {strides = array<i32>} : memref<2x4x40x160xf32, #tpu.memory_space<vmem>>, vector<1x1x1x16xf32>,
      %get3A_505 = vector.shape_cast %get3A_504 : vector<1x1x1x16xf32> to vector<16xf32>
      %add3A_506 = arith.addf %get3A_497, %get3A_505 : vector<16xf32>
      %add3A_507 = arith.addf %add3A_489, %add3A_506 : vector<16xf32>
      %max3A_508 = arith.constant 0.000000e+00 : f32
      %max3A_509 = vector.broadcast %max3A_508 : f32 to vector<16xf32>
      %max3A_510 = arith.maximumf %add3A_507, %max3A_509 : vector<16xf32>
      %mul3A_511 = arith.constant 160 : i32
      %mul3A_512 = arith.muli %scan3A_379, %mul3A_511 : i32
      %add3A_513 = arith.constant 32 : i32
      %add3A_514 = arith.addi %mul3A_512, %add3A_513 : i32
      %swap3A_515 = arith.constant 1 : i32
      %swap3A_516 = arith.index_cast %swap3A_515 : i32 to index
      %swap3A_517 = arith.index_cast %add3A_514 : i32 to index
      %swap3A_518 = tpu.vector_load %arg10[%swap3A_516, %swap3A_517] {strides = array<i32>} : memref<2x6400xf32, #tpu.memory_space<vmem>>, vector<1x16xf32>,
      %swap3A_519 = vector.shape_cast %swap3A_518 : vector<1x16xf32> to vector<16xf32>
      %swap3A_520 = vector.shape_cast %max3A_510 : vector<16xf32> to vector<1x16xf32>
      tpu.vector_store %arg10[%swap3A_516, %swap3A_517], %swap3A_520 {strides = array<i32>} : memref<2x6400xf32, #tpu.memory_space<vmem>>, vector<1x16xf32>,
      %get3A_521 = arith.constant 1 : i32
      %get3A_522 = arith.constant 0 : i32
      %get3A_523 = arith.index_cast %get3A_521 : i32 to index
      %get3A_524 = arith.index_cast %get3A_522 : i32 to index
      %get3A_525 = arith.index_cast %scan3A_379 : i32 to index
      %get3A_526 = arith.constant 48 : index
      %get3A_527 = tpu.vector_load %arg9[%get3A_523, %get3A_524, %get3A_525, %get3A_526] {strides = array<i32>} : memref<2x4x40x160xf32, #tpu.memory_space<vmem>>, vector<1x1x1x16xf32>,
      %get3A_528 = vector.shape_cast %get3A_527 : vector<1x1x1x16xf32> to vector<16xf32>
      %get3A_529 = arith.constant 1 : i32
      %get3A_530 = arith.constant 1 : i32
      %get3A_531 = arith.index_cast %get3A_529 : i32 to index
      %get3A_532 = arith.index_cast %get3A_530 : i32 to index
      %get3A_533 = arith.index_cast %scan3A_379 : i32 to index
      %get3A_534 = arith.constant 48 : index
      %get3A_535 = tpu.vector_load %arg9[%get3A_531, %get3A_532, %get3A_533, %get3A_534] {strides = array<i32>} : memref<2x4x40x160xf32, #tpu.memory_space<vmem>>, vector<1x1x1x16xf32>,
      %get3A_536 = vector.shape_cast %get3A_535 : vector<1x1x1x16xf32> to vector<16xf32>
      %add3A_537 = arith.addf %get3A_528, %get3A_536 : vector<16xf32>
      %get3A_538 = arith.constant 1 : i32
      %get3A_539 = arith.constant 2 : i32
      %get3A_540 = arith.index_cast %get3A_538 : i32 to index
      %get3A_541 = arith.index_cast %get3A_539 : i32 to index
      %get3A_542 = arith.index_cast %scan3A_379 : i32 to index
      %get3A_543 = arith.constant 48 : index
      %get3A_544 = tpu.vector_load %arg9[%get3A_540, %get3A_541, %get3A_542, %get3A_543] {strides = array<i32>} : memref<2x4x40x160xf32, #tpu.memory_space<vmem>>, vector<1x1x1x16xf32>,
      %get3A_545 = vector.shape_cast %get3A_544 : vector<1x1x1x16xf32> to vector<16xf32>
      %get3A_546 = arith.constant 1 : i32
      %get3A_547 = arith.constant 3 : i32
      %get3A_548 = arith.index_cast %get3A_546 : i32 to index
      %get3A_549 = arith.index_cast %get3A_547 : i32 to index
      %get3A_550 = arith.index_cast %scan3A_379 : i32 to index
      %get3A_551 = arith.constant 48 : index
      %get3A_552 = tpu.vector_load %arg9[%get3A_548, %get3A_549, %get3A_550, %get3A_551] {strides = array<i32>} : memref<2x4x40x160xf32, #tpu.memory_space<vmem>>, vector<1x1x1x16xf32>,
      %get3A_553 = vector.shape_cast %get3A_552 : vector<1x1x1x16xf32> to vector<16xf32>
      %add3A_554 = arith.addf %get3A_545, %get3A_553 : vector<16xf32>
      %add3A_555 = arith.addf %add3A_537, %add3A_554 : vector<16xf32>
      %max3A_556 = arith.constant 0.000000e+00 : f32
      %max3A_557 = vector.broadcast %max3A_556 : f32 to vector<16xf32>
      %max3A_558 = arith.maximumf %add3A_555, %max3A_557 : vector<16xf32>
      %mul3A_559 = arith.constant 160 : i32
      %mul3A_560 = arith.muli %scan3A_379, %mul3A_559 : i32
      %add3A_561 = arith.constant 48 : i32
      %add3A_562 = arith.addi %mul3A_560, %add3A_561 : i32
      %swap3A_563 = arith.constant 1 : i32
      %swap3A_564 = arith.index_cast %swap3A_563 : i32 to index
      %swap3A_565 = arith.index_cast %add3A_562 : i32 to index
      %swap3A_566 = tpu.vector_load %arg10[%swap3A_564, %swap3A_565] {strides = array<i32>} : memref<2x6400xf32, #tpu.memory_space<vmem>>, vector<1x16xf32>,
      %swap3A_567 = vector.shape_cast %swap3A_566 : vector<1x16xf32> to vector<16xf32>
      %swap3A_568 = vector.shape_cast %max3A_558 : vector<16xf32> to vector<1x16xf32>
      tpu.vector_store %arg10[%swap3A_564, %swap3A_565], %swap3A_568 {strides = array<i32>} : memref<2x6400xf32, #tpu.memory_space<vmem>>, vector<1x16xf32>,
      %get3A_569 = arith.constant 1 : i32
      %get3A_570 = arith.constant 0 : i32
      %get3A_571 = arith.index_cast %get3A_569 : i32 to index
      %get3A_572 = arith.index_cast %get3A_570 : i32 to index
      %get3A_573 = arith.index_cast %scan3A_379 : i32 to index
      %get3A_574 = arith.constant 64 : index
      %get3A_575 = tpu.vector_load %arg9[%get3A_571, %get3A_572, %get3A_573, %get3A_574] {strides = array<i32>} : memref<2x4x40x160xf32, #tpu.memory_space<vmem>>, vector<1x1x1x16xf32>,
      %get3A_576 = vector.shape_cast %get3A_575 : vector<1x1x1x16xf32> to vector<16xf32>
      %get3A_577 = arith.constant 1 : i32
      %get3A_578 = arith.constant 1 : i32
      %get3A_579 = arith.index_cast %get3A_577 : i32 to index
      %get3A_580 = arith.index_cast %get3A_578 : i32 to index
      %get3A_581 = arith.index_cast %scan3A_379 : i32 to index
      %get3A_582 = arith.constant 64 : index
      %get3A_583 = tpu.vector_load %arg9[%get3A_579, %get3A_580, %get3A_581, %get3A_582] {strides = array<i32>} : memref<2x4x40x160xf32, #tpu.memory_space<vmem>>, vector<1x1x1x16xf32>,
      %get3A_584 = vector.shape_cast %get3A_583 : vector<1x1x1x16xf32> to vector<16xf32>
      %add3A_585 = arith.addf %get3A_576, %get3A_584 : vector<16xf32>
      %get3A_586 = arith.constant 1 : i32
      %get3A_587 = arith.constant 2 : i32
      %get3A_588 = arith.index_cast %get3A_586 : i32 to index
      %get3A_589 = arith.index_cast %get3A_587 : i32 to index
      %get3A_590 = arith.index_cast %scan3A_379 : i32 to index
      %get3A_591 = arith.constant 64 : index
      %get3A_592 = tpu.vector_load %arg9[%get3A_588, %get3A_589, %get3A_590, %get3A_591] {strides = array<i32>} : memref<2x4x40x160xf32, #tpu.memory_space<vmem>>, vector<1x1x1x16xf32>,
      %get3A_593 = vector.shape_cast %get3A_592 : vector<1x1x1x16xf32> to vector<16xf32>
      %get3A_594 = arith.constant 1 : i32
      %get3A_595 = arith.constant 3 : i32
      %get3A_596 = arith.index_cast %get3A_594 : i32 to index
      %get3A_597 = arith.index_cast %get3A_595 : i32 to index
      %get3A_598 = arith.index_cast %scan3A_379 : i32 to index
      %get3A_599 = arith.constant 64 : index
      %get3A_600 = tpu.vector_load %arg9[%get3A_596, %get3A_597, %get3A_598, %get3A_599] {strides = array<i32>} : memref<2x4x40x160xf32, #tpu.memory_space<vmem>>, vector<1x1x1x16xf32>,
      %get3A_601 = vector.shape_cast %get3A_600 : vector<1x1x1x16xf32> to vector<16xf32>
      %add3A_602 = arith.addf %get3A_593, %get3A_601 : vector<16xf32>
      %add3A_603 = arith.addf %add3A_585, %add3A_602 : vector<16xf32>
      %max3A_604 = arith.constant 0.000000e+00 : f32
      %max3A_605 = vector.broadcast %max3A_604 : f32 to vector<16xf32>
      %max3A_606 = arith.maximumf %add3A_603, %max3A_605 : vector<16xf32>
      %mul3A_607 = arith.constant 160 : i32
      %mul3A_608 = arith.muli %scan3A_379, %mul3A_607 : i32
      %add3A_609 = arith.constant 64 : i32
      %add3A_610 = arith.addi %mul3A_608, %add3A_609 : i32
      %swap3A_611 = arith.constant 1 : i32
      %swap3A_612 = arith.index_cast %swap3A_611 : i32 to index
      %swap3A_613 = arith.index_cast %add3A_610 : i32 to index
      %swap3A_614 = tpu.vector_load %arg10[%swap3A_612, %swap3A_613] {strides = array<i32>} : memref<2x6400xf32, #tpu.memory_space<vmem>>, vector<1x16xf32>,
      %swap3A_615 = vector.shape_cast %swap3A_614 : vector<1x16xf32> to vector<16xf32>
      %swap3A_616 = vector.shape_cast %max3A_606 : vector<16xf32> to vector<1x16xf32>
      tpu.vector_store %arg10[%swap3A_612, %swap3A_613], %swap3A_616 {strides = array<i32>} : memref<2x6400xf32, #tpu.memory_space<vmem>>, vector<1x16xf32>,
      %get3A_617 = arith.constant 1 : i32
      %get3A_618 = arith.constant 0 : i32
      %get3A_619 = arith.index_cast %get3A_617 : i32 to index
      %get3A_620 = arith.index_cast %get3A_618 : i32 to index
      %get3A_621 = arith.index_cast %scan3A_379 : i32 to index
      %get3A_622 = arith.constant 80 : index
      %get3A_623 = tpu.vector_load %arg9[%get3A_619, %get3A_620, %get3A_621, %get3A_622] {strides = array<i32>} : memref<2x4x40x160xf32, #tpu.memory_space<vmem>>, vector<1x1x1x16xf32>,
      %get3A_624 = vector.shape_cast %get3A_623 : vector<1x1x1x16xf32> to vector<16xf32>
      %get3A_625 = arith.constant 1 : i32
      %get3A_626 = arith.constant 1 : i32
      %get3A_627 = arith.index_cast %get3A_625 : i32 to index
      %get3A_628 = arith.index_cast %get3A_626 : i32 to index
      %get3A_629 = arith.index_cast %scan3A_379 : i32 to index
      %get3A_630 = arith.constant 80 : index
      %get3A_631 = tpu.vector_load %arg9[%get3A_627, %get3A_628, %get3A_629, %get3A_630] {strides = array<i32>} : memref<2x4x40x160xf32, #tpu.memory_space<vmem>>, vector<1x1x1x16xf32>,
      %get3A_632 = vector.shape_cast %get3A_631 : vector<1x1x1x16xf32> to vector<16xf32>
      %add3A_633 = arith.addf %get3A_624, %get3A_632 : vector<16xf32>
      %get3A_634 = arith.constant 1 : i32
      %get3A_635 = arith.constant 2 : i32
      %get3A_636 = arith.index_cast %get3A_634 : i32 to index
      %get3A_637 = arith.index_cast %get3A_635 : i32 to index
      %get3A_638 = arith.index_cast %scan3A_379 : i32 to index
      %get3A_639 = arith.constant 80 : index
      %get3A_640 = tpu.vector_load %arg9[%get3A_636, %get3A_637, %get3A_638, %get3A_639] {strides = array<i32>} : memref<2x4x40x160xf32, #tpu.memory_space<vmem>>, vector<1x1x1x16xf32>,
      %get3A_641 = vector.shape_cast %get3A_640 : vector<1x1x1x16xf32> to vector<16xf32>
      %get3A_642 = arith.constant 1 : i32
      %get3A_643 = arith.constant 3 : i32
      %get3A_644 = arith.index_cast %get3A_642 : i32 to index
      %get3A_645 = arith.index_cast %get3A_643 : i32 to index
      %get3A_646 = arith.index_cast %scan3A_379 : i32 to index
      %get3A_647 = arith.constant 80 : index
      %get3A_648 = tpu.vector_load %arg9[%get3A_644, %get3A_645, %get3A_646, %get3A_647] {strides = array<i32>} : memref<2x4x40x160xf32, #tpu.memory_space<vmem>>, vector<1x1x1x16xf32>,
      %get3A_649 = vector.shape_cast %get3A_648 : vector<1x1x1x16xf32> to vector<16xf32>
      %add3A_650 = arith.addf %get3A_641, %get3A_649 : vector<16xf32>
      %add3A_651 = arith.addf %add3A_633, %add3A_650 : vector<16xf32>
      %max3A_652 = arith.constant 0.000000e+00 : f32
      %max3A_653 = vector.broadcast %max3A_652 : f32 to vector<16xf32>
      %max3A_654 = arith.maximumf %add3A_651, %max3A_653 : vector<16xf32>
      %mul3A_655 = arith.constant 160 : i32
      %mul3A_656 = arith.muli %scan3A_379, %mul3A_655 : i32
      %add3A_657 = arith.constant 80 : i32
      %add3A_658 = arith.addi %mul3A_656, %add3A_657 : i32
      %swap3A_659 = arith.constant 1 : i32
      %swap3A_660 = arith.index_cast %swap3A_659 : i32 to index
      %swap3A_661 = arith.index_cast %add3A_658 : i32 to index
      %swap3A_662 = tpu.vector_load %arg10[%swap3A_660, %swap3A_661] {strides = array<i32>} : memref<2x6400xf32, #tpu.memory_space<vmem>>, vector<1x16xf32>,
      %swap3A_663 = vector.shape_cast %swap3A_662 : vector<1x16xf32> to vector<16xf32>
      %swap3A_664 = vector.shape_cast %max3A_654 : vector<16xf32> to vector<1x16xf32>
      tpu.vector_store %arg10[%swap3A_660, %swap3A_661], %swap3A_664 {strides = array<i32>} : memref<2x6400xf32, #tpu.memory_space<vmem>>, vector<1x16xf32>,
      %get3A_665 = arith.constant 1 : i32
      %get3A_666 = arith.constant 0 : i32
      %get3A_667 = arith.index_cast %get3A_665 : i32 to index
      %get3A_668 = arith.index_cast %get3A_666 : i32 to index
      %get3A_669 = arith.index_cast %scan3A_379 : i32 to index
      %get3A_670 = arith.constant 96 : index
      %get3A_671 = tpu.vector_load %arg9[%get3A_667, %get3A_668, %get3A_669, %get3A_670] {strides = array<i32>} : memref<2x4x40x160xf32, #tpu.memory_space<vmem>>, vector<1x1x1x16xf32>,
      %get3A_672 = vector.shape_cast %get3A_671 : vector<1x1x1x16xf32> to vector<16xf32>
      %get3A_673 = arith.constant 1 : i32
      %get3A_674 = arith.constant 1 : i32
      %get3A_675 = arith.index_cast %get3A_673 : i32 to index
      %get3A_676 = arith.index_cast %get3A_674 : i32 to index
      %get3A_677 = arith.index_cast %scan3A_379 : i32 to index
      %get3A_678 = arith.constant 96 : index
      %get3A_679 = tpu.vector_load %arg9[%get3A_675, %get3A_676, %get3A_677, %get3A_678] {strides = array<i32>} : memref<2x4x40x160xf32, #tpu.memory_space<vmem>>, vector<1x1x1x16xf32>,
      %get3A_680 = vector.shape_cast %get3A_679 : vector<1x1x1x16xf32> to vector<16xf32>
      %add3A_681 = arith.addf %get3A_672, %get3A_680 : vector<16xf32>
      %get3A_682 = arith.constant 1 : i32
      %get3A_683 = arith.constant 2 : i32
      %get3A_684 = arith.index_cast %get3A_682 : i32 to index
      %get3A_685 = arith.index_cast %get3A_683 : i32 to index
      %get3A_686 = arith.index_cast %scan3A_379 : i32 to index
      %get3A_687 = arith.constant 96 : index
      %get3A_688 = tpu.vector_load %arg9[%get3A_684, %get3A_685, %get3A_686, %get3A_687] {strides = array<i32>} : memref<2x4x40x160xf32, #tpu.memory_space<vmem>>, vector<1x1x1x16xf32>,
      %get3A_689 = vector.shape_cast %get3A_688 : vector<1x1x1x16xf32> to vector<16xf32>
      %get3A_690 = arith.constant 1 : i32
      %get3A_691 = arith.constant 3 : i32
      %get3A_692 = arith.index_cast %get3A_690 : i32 to index
      %get3A_693 = arith.index_cast %get3A_691 : i32 to index
      %get3A_694 = arith.index_cast %scan3A_379 : i32 to index
      %get3A_695 = arith.constant 96 : index
      %get3A_696 = tpu.vector_load %arg9[%get3A_692, %get3A_693, %get3A_694, %get3A_695] {strides = array<i32>} : memref<2x4x40x160xf32, #tpu.memory_space<vmem>>, vector<1x1x1x16xf32>,
      %get3A_697 = vector.shape_cast %get3A_696 : vector<1x1x1x16xf32> to vector<16xf32>
      %add3A_698 = arith.addf %get3A_689, %get3A_697 : vector<16xf32>
      %add3A_699 = arith.addf %add3A_681, %add3A_698 : vector<16xf32>
      %max3A_700 = arith.constant 0.000000e+00 : f32
      %max3A_701 = vector.broadcast %max3A_700 : f32 to vector<16xf32>
      %max3A_702 = arith.maximumf %add3A_699, %max3A_701 : vector<16xf32>
      %mul3A_703 = arith.constant 160 : i32
      %mul3A_704 = arith.muli %scan3A_379, %mul3A_703 : i32
      %add3A_705 = arith.constant 96 : i32
      %add3A_706 = arith.addi %mul3A_704, %add3A_705 : i32
      %swap3A_707 = arith.constant 1 : i32
      %swap3A_708 = arith.index_cast %swap3A_707 : i32 to index
      %swap3A_709 = arith.index_cast %add3A_706 : i32 to index
      %swap3A_710 = tpu.vector_load %arg10[%swap3A_708, %swap3A_709] {strides = array<i32>} : memref<2x6400xf32, #tpu.memory_space<vmem>>, vector<1x16xf32>,
      %swap3A_711 = vector.shape_cast %swap3A_710 : vector<1x16xf32> to vector<16xf32>
      %swap3A_712 = vector.shape_cast %max3A_702 : vector<16xf32> to vector<1x16xf32>
      tpu.vector_store %arg10[%swap3A_708, %swap3A_709], %swap3A_712 {strides = array<i32>} : memref<2x6400xf32, #tpu.memory_space<vmem>>, vector<1x16xf32>,
      %get3A_713 = arith.constant 1 : i32
      %get3A_714 = arith.constant 0 : i32
      %get3A_715 = arith.index_cast %get3A_713 : i32 to index
      %get3A_716 = arith.index_cast %get3A_714 : i32 to index
      %get3A_717 = arith.index_cast %scan3A_379 : i32 to index
      %get3A_718 = arith.constant 112 : index
      %get3A_719 = tpu.vector_load %arg9[%get3A_715, %get3A_716, %get3A_717, %get3A_718] {strides = array<i32>} : memref<2x4x40x160xf32, #tpu.memory_space<vmem>>, vector<1x1x1x16xf32>,
      %get3A_720 = vector.shape_cast %get3A_719 : vector<1x1x1x16xf32> to vector<16xf32>
      %get3A_721 = arith.constant 1 : i32
      %get3A_722 = arith.constant 1 : i32
      %get3A_723 = arith.index_cast %get3A_721 : i32 to index
      %get3A_724 = arith.index_cast %get3A_722 : i32 to index
      %get3A_725 = arith.index_cast %scan3A_379 : i32 to index
      %get3A_726 = arith.constant 112 : index
      %get3A_727 = tpu.vector_load %arg9[%get3A_723, %get3A_724, %get3A_725, %get3A_726] {strides = array<i32>} : memref<2x4x40x160xf32, #tpu.memory_space<vmem>>, vector<1x1x1x16xf32>,
      %get3A_728 = vector.shape_cast %get3A_727 : vector<1x1x1x16xf32> to vector<16xf32>
      %add3A_729 = arith.addf %get3A_720, %get3A_728 : vector<16xf32>
      %get3A_730 = arith.constant 1 : i32
      %get3A_731 = arith.constant 2 : i32
      %get3A_732 = arith.index_cast %get3A_730 : i32 to index
      %get3A_733 = arith.index_cast %get3A_731 : i32 to index
      %get3A_734 = arith.index_cast %scan3A_379 : i32 to index
      %get3A_735 = arith.constant 112 : index
      %get3A_736 = tpu.vector_load %arg9[%get3A_732, %get3A_733, %get3A_734, %get3A_735] {strides = array<i32>} : memref<2x4x40x160xf32, #tpu.memory_space<vmem>>, vector<1x1x1x16xf32>,
      %get3A_737 = vector.shape_cast %get3A_736 : vector<1x1x1x16xf32> to vector<16xf32>
      %get3A_738 = arith.constant 1 : i32
      %get3A_739 = arith.constant 3 : i32
      %get3A_740 = arith.index_cast %get3A_738 : i32 to index
      %get3A_741 = arith.index_cast %get3A_739 : i32 to index
      %get3A_742 = arith.index_cast %scan3A_379 : i32 to index
      %get3A_743 = arith.constant 112 : index
      %get3A_744 = tpu.vector_load %arg9[%get3A_740, %get3A_741, %get3A_742, %get3A_743] {strides = array<i32>} : memref<2x4x40x160xf32, #tpu.memory_space<vmem>>, vector<1x1x1x16xf32>,
      %get3A_745 = vector.shape_cast %get3A_744 : vector<1x1x1x16xf32> to vector<16xf32>
      %add3A_746 = arith.addf %get3A_737, %get3A_745 : vector<16xf32>
      %add3A_747 = arith.addf %add3A_729, %add3A_746 : vector<16xf32>
      %max3A_748 = arith.constant 0.000000e+00 : f32
      %max3A_749 = vector.broadcast %max3A_748 : f32 to vector<16xf32>
      %max3A_750 = arith.maximumf %add3A_747, %max3A_749 : vector<16xf32>
      %mul3A_751 = arith.constant 160 : i32
      %mul3A_752 = arith.muli %scan3A_379, %mul3A_751 : i32
      %add3A_753 = arith.constant 112 : i32
      %add3A_754 = arith.addi %mul3A_752, %add3A_753 : i32
      %swap3A_755 = arith.constant 1 : i32
      %swap3A_756 = arith.index_cast %swap3A_755 : i32 to index
      %swap3A_757 = arith.index_cast %add3A_754 : i32 to index
      %swap3A_758 = tpu.vector_load %arg10[%swap3A_756, %swap3A_757] {strides = array<i32>} : memref<2x6400xf32, #tpu.memory_space<vmem>>, vector<1x16xf32>,
      %swap3A_759 = vector.shape_cast %swap3A_758 : vector<1x16xf32> to vector<16xf32>
      %swap3A_760 = vector.shape_cast %max3A_750 : vector<16xf32> to vector<1x16xf32>
      tpu.vector_store %arg10[%swap3A_756, %swap3A_757], %swap3A_760 {strides = array<i32>} : memref<2x6400xf32, #tpu.memory_space<vmem>>, vector<1x16xf32>,
      %get3A_761 = arith.constant 1 : i32
      %get3A_762 = arith.constant 0 : i32
      %get3A_763 = arith.index_cast %get3A_761 : i32 to index
      %get3A_764 = arith.index_cast %get3A_762 : i32 to index
      %get3A_765 = arith.index_cast %scan3A_379 : i32 to index
      %get3A_766 = arith.constant 128 : index
      %get3A_767 = tpu.vector_load %arg9[%get3A_763, %get3A_764, %get3A_765, %get3A_766] {strides = array<i32>} : memref<2x4x40x160xf32, #tpu.memory_space<vmem>>, vector<1x1x1x16xf32>,
      %get3A_768 = vector.shape_cast %get3A_767 : vector<1x1x1x16xf32> to vector<16xf32>
      %get3A_769 = arith.constant 1 : i32
      %get3A_770 = arith.constant 1 : i32
      %get3A_771 = arith.index_cast %get3A_769 : i32 to index
      %get3A_772 = arith.index_cast %get3A_770 : i32 to index
      %get3A_773 = arith.index_cast %scan3A_379 : i32 to index
      %get3A_774 = arith.constant 128 : index
      %get3A_775 = tpu.vector_load %arg9[%get3A_771, %get3A_772, %get3A_773, %get3A_774] {strides = array<i32>} : memref<2x4x40x160xf32, #tpu.memory_space<vmem>>, vector<1x1x1x16xf32>,
      %get3A_776 = vector.shape_cast %get3A_775 : vector<1x1x1x16xf32> to vector<16xf32>
      %add3A_777 = arith.addf %get3A_768, %get3A_776 : vector<16xf32>
      %get3A_778 = arith.constant 1 : i32
      %get3A_779 = arith.constant 2 : i32
      %get3A_780 = arith.index_cast %get3A_778 : i32 to index
      %get3A_781 = arith.index_cast %get3A_779 : i32 to index
      %get3A_782 = arith.index_cast %scan3A_379 : i32 to index
      %get3A_783 = arith.constant 128 : index
      %get3A_784 = tpu.vector_load %arg9[%get3A_780, %get3A_781, %get3A_782, %get3A_783] {strides = array<i32>} : memref<2x4x40x160xf32, #tpu.memory_space<vmem>>, vector<1x1x1x16xf32>,
      %get3A_785 = vector.shape_cast %get3A_784 : vector<1x1x1x16xf32> to vector<16xf32>
      %get3A_786 = arith.constant 1 : i32
      %get3A_787 = arith.constant 3 : i32
      %get3A_788 = arith.index_cast %get3A_786 : i32 to index
      %get3A_789 = arith.index_cast %get3A_787 : i32 to index
      %get3A_790 = arith.index_cast %scan3A_379 : i32 to index
      %get3A_791 = arith.constant 128 : index
      %get3A_792 = tpu.vector_load %arg9[%get3A_788, %get3A_789, %get3A_790, %get3A_791] {strides = array<i32>} : memref<2x4x40x160xf32, #tpu.memory_space<vmem>>, vector<1x1x1x16xf32>,
      %get3A_793 = vector.shape_cast %get3A_792 : vector<1x1x1x16xf32> to vector<16xf32>
      %add3A_794 = arith.addf %get3A_785, %get3A_793 : vector<16xf32>
      %add3A_795 = arith.addf %add3A_777, %add3A_794 : vector<16xf32>
      %max3A_796 = arith.constant 0.000000e+00 : f32
      %max3A_797 = vector.broadcast %max3A_796 : f32 to vector<16xf32>
      %max3A_798 = arith.maximumf %add3A_795, %max3A_797 : vector<16xf32>
      %mul3A_799 = arith.constant 160 : i32
      %mul3A_800 = arith.muli %scan3A_379, %mul3A_799 : i32
      %add3A_801 = arith.constant 128 : i32
      %add3A_802 = arith.addi %mul3A_800, %add3A_801 : i32
      %swap3A_803 = arith.constant 1 : i32
      %swap3A_804 = arith.index_cast %swap3A_803 : i32 to index
      %swap3A_805 = arith.index_cast %add3A_802 : i32 to index
      %swap3A_806 = tpu.vector_load %arg10[%swap3A_804, %swap3A_805] {strides = array<i32>} : memref<2x6400xf32, #tpu.memory_space<vmem>>, vector<1x16xf32>,
      %swap3A_807 = vector.shape_cast %swap3A_806 : vector<1x16xf32> to vector<16xf32>
      %swap3A_808 = vector.shape_cast %max3A_798 : vector<16xf32> to vector<1x16xf32>
      tpu.vector_store %arg10[%swap3A_804, %swap3A_805], %swap3A_808 {strides = array<i32>} : memref<2x6400xf32, #tpu.memory_space<vmem>>, vector<1x16xf32>,
      %get3A_809 = arith.constant 1 : i32
      %get3A_810 = arith.constant 0 : i32
      %get3A_811 = arith.index_cast %get3A_809 : i32 to index
      %get3A_812 = arith.index_cast %get3A_810 : i32 to index
      %get3A_813 = arith.index_cast %scan3A_379 : i32 to index
      %get3A_814 = arith.constant 144 : index
      %get3A_815 = tpu.vector_load %arg9[%get3A_811, %get3A_812, %get3A_813, %get3A_814] {strides = array<i32>} : memref<2x4x40x160xf32, #tpu.memory_space<vmem>>, vector<1x1x1x16xf32>,
      %get3A_816 = vector.shape_cast %get3A_815 : vector<1x1x1x16xf32> to vector<16xf32>
      %get3A_817 = arith.constant 1 : i32
      %get3A_818 = arith.constant 1 : i32
      %get3A_819 = arith.index_cast %get3A_817 : i32 to index
      %get3A_820 = arith.index_cast %get3A_818 : i32 to index
      %get3A_821 = arith.index_cast %scan3A_379 : i32 to index
      %get3A_822 = arith.constant 144 : index
      %get3A_823 = tpu.vector_load %arg9[%get3A_819, %get3A_820, %get3A_821, %get3A_822] {strides = array<i32>} : memref<2x4x40x160xf32, #tpu.memory_space<vmem>>, vector<1x1x1x16xf32>,
      %get3A_824 = vector.shape_cast %get3A_823 : vector<1x1x1x16xf32> to vector<16xf32>
      %add3A_825 = arith.addf %get3A_816, %get3A_824 : vector<16xf32>
      %get3A_826 = arith.constant 1 : i32
      %get3A_827 = arith.constant 2 : i32
      %get3A_828 = arith.index_cast %get3A_826 : i32 to index
      %get3A_829 = arith.index_cast %get3A_827 : i32 to index
      %get3A_830 = arith.index_cast %scan3A_379 : i32 to index
      %get3A_831 = arith.constant 144 : index
      %get3A_832 = tpu.vector_load %arg9[%get3A_828, %get3A_829, %get3A_830, %get3A_831] {strides = array<i32>} : memref<2x4x40x160xf32, #tpu.memory_space<vmem>>, vector<1x1x1x16xf32>,
      %get3A_833 = vector.shape_cast %get3A_832 : vector<1x1x1x16xf32> to vector<16xf32>
      %get3A_834 = arith.constant 1 : i32
      %get3A_835 = arith.constant 3 : i32
      %get3A_836 = arith.index_cast %get3A_834 : i32 to index
      %get3A_837 = arith.index_cast %get3A_835 : i32 to index
      %get3A_838 = arith.index_cast %scan3A_379 : i32 to index
      %get3A_839 = arith.constant 144 : index
      %get3A_840 = tpu.vector_load %arg9[%get3A_836, %get3A_837, %get3A_838, %get3A_839] {strides = array<i32>} : memref<2x4x40x160xf32, #tpu.memory_space<vmem>>, vector<1x1x1x16xf32>,
      %get3A_841 = vector.shape_cast %get3A_840 : vector<1x1x1x16xf32> to vector<16xf32>
      %add3A_842 = arith.addf %get3A_833, %get3A_841 : vector<16xf32>
      %add3A_843 = arith.addf %add3A_825, %add3A_842 : vector<16xf32>
      %max3A_844 = arith.constant 0.000000e+00 : f32
      %max3A_845 = vector.broadcast %max3A_844 : f32 to vector<16xf32>
      %max3A_846 = arith.maximumf %add3A_843, %max3A_845 : vector<16xf32>
      %mul3A_847 = arith.constant 160 : i32
      %mul3A_848 = arith.muli %scan3A_379, %mul3A_847 : i32
      %add3A_849 = arith.constant 144 : i32
      %add3A_850 = arith.addi %mul3A_848, %add3A_849 : i32
      %swap3A_851 = arith.constant 1 : i32
      %swap3A_852 = arith.index_cast %swap3A_851 : i32 to index
      %swap3A_853 = arith.index_cast %add3A_850 : i32 to index
      %swap3A_854 = tpu.vector_load %arg10[%swap3A_852, %swap3A_853] {strides = array<i32>} : memref<2x6400xf32, #tpu.memory_space<vmem>>, vector<1x16xf32>,
      %swap3A_855 = vector.shape_cast %swap3A_854 : vector<1x16xf32> to vector<16xf32>
      %swap3A_856 = vector.shape_cast %max3A_846 : vector<16xf32> to vector<1x16xf32>
      tpu.vector_store %arg10[%swap3A_852, %swap3A_853], %swap3A_856 {strides = array<i32>} : memref<2x6400xf32, #tpu.memory_space<vmem>>, vector<1x16xf32>,
    }
    %scan3A_343 = arith.constant 40 : i32
    %add3A_344 = arith.constant 249 : i32
    %add3A_345 = arith.addi %mul3A_2, %add3A_344 : i32
    %mul3A_346 = arith.constant 6400 : i32
    %mul3A_347 = arith.muli %add3A_345, %mul3A_346 : i32
    %dma_start3A_348 = arith.constant 1 : i32
    %dma_start3A_349 = arith.constant 0 : i32
    %dma_start3A_350 = tpu.memref_slice %arg10[%dma_start3A_348, %dma_start3A_349] : memref<2x6400xf32, #tpu.memory_space<vmem>> -> memref<1x6400xf32, #tpu.memory_space<vmem>>
    %dma_start3A_351 = tpu.memref_squeeze %dma_start3A_350 : memref<1x6400xf32, #tpu.memory_space<vmem>> -> memref<6400xf32, #tpu.memory_space<vmem>>
    %dma_start3A_352 = tpu.memref_slice %arg7[%mul3A_347] : memref<51200000xf32, #tpu.memory_space<hbm>> -> memref<6400xf32, #tpu.memory_space<hbm>>
    %dma_start3A_353 = tpu.memref_slice %arg7[%mul3A_347] : memref<51200000xf32, #tpu.memory_space<hbm>> -> memref<6400xf32, #tpu.memory_space<hbm>>
    %dma_start3A_354 = arith.constant 0 : i32
    %dma_start3A_355 = tpu.memref_slice %arg10[%dma_start3A_348, %dma_start3A_354] : memref<2x6400xf32, #tpu.memory_space<vmem>> -> memref<1x6400xf32, #tpu.memory_space<vmem>>
    %dma_start3A_356 = tpu.memref_squeeze %dma_start3A_355 : memref<1x6400xf32, #tpu.memory_space<vmem>> -> memref<6400xf32, #tpu.memory_space<vmem>>
    tpu.enqueue_dma source(%dma_start3A_356 : memref<6400xf32, #tpu.memory_space<vmem>>) target(%dma_start3A_353 : memref<6400xf32, #tpu.memory_space<hbm>>) target_semaphore(%arg17 : memref<!tpu.dma_semaphore, #tpu.memory_space<semaphore_mem>>)
    %dma_wait3A_357 = arith.constant 0 : i32
    %dma_wait3A_358 = arith.constant 0 : i32
    %dma_wait3A_359 = tpu.memref_slice %arg10[%dma_wait3A_357, %dma_wait3A_358] : memref<2x6400xf32, #tpu.memory_space<vmem>> -> memref<1x6400xf32, #tpu.memory_space<vmem>>
    %dma_wait3A_360 = tpu.memref_squeeze %dma_wait3A_359 : memref<1x6400xf32, #tpu.memory_space<vmem>> -> memref<6400xf32, #tpu.memory_space<vmem>>
    %dma_wait3A_361 = arith.constant 0 : i32
    %dma_wait3A_362 = tpu.memref_slice %arg7[%dma_wait3A_361] : memref<51200000xf32, #tpu.memory_space<hbm>> -> memref<6400xf32, #tpu.memory_space<hbm>>
    %dma_wait3A_363 = arith.constant 0 : i32
    %dma_wait3A_364 = tpu.memref_slice %arg10[%dma_wait3A_357, %dma_wait3A_363] : memref<2x6400xf32, #tpu.memory_space<vmem>> -> memref<1x6400xf32, #tpu.memory_space<vmem>>
    %dma_wait3A_365 = tpu.memref_squeeze %dma_wait3A_364 : memref<1x6400xf32, #tpu.memory_space<vmem>> -> memref<6400xf32, #tpu.memory_space<vmem>>
    %dma_wait3A_366 = arith.constant 0 : i32
    %dma_wait3A_367 = tpu.memref_slice %arg7[%dma_wait3A_366] : memref<51200000xf32, #tpu.memory_space<hbm>> -> memref<6400xf32, #tpu.memory_space<hbm>>
    tpu.wait_dma2 semaphore(%arg16 : memref<!tpu.dma_semaphore, #tpu.memory_space<semaphore_mem>>) src(%dma_wait3A_367 : memref<6400xf32, #tpu.memory_space<hbm>>) dst(%dma_wait3A_365 : memref<6400xf32, #tpu.memory_space<vmem>>)
    %dma_wait3A_368 = arith.constant 1 : i32
    %dma_wait3A_369 = arith.constant 0 : i32
    %dma_wait3A_370 = tpu.memref_slice %arg10[%dma_wait3A_368, %dma_wait3A_369] : memref<2x6400xf32, #tpu.memory_space<vmem>> -> memref<1x6400xf32, #tpu.memory_space<vmem>>
    %dma_wait3A_371 = tpu.memref_squeeze %dma_wait3A_370 : memref<1x6400xf32, #tpu.memory_space<vmem>> -> memref<6400xf32, #tpu.memory_space<vmem>>
    %dma_wait3A_372 = arith.constant 0 : i32
    %dma_wait3A_373 = tpu.memref_slice %arg7[%dma_wait3A_372] : memref<51200000xf32, #tpu.memory_space<hbm>> -> memref<6400xf32, #tpu.memory_space<hbm>>
    %dma_wait3A_374 = arith.constant 0 : i32
    %dma_wait3A_375 = tpu.memref_slice %arg10[%dma_wait3A_368, %dma_wait3A_374] : memref<2x6400xf32, #tpu.memory_space<vmem>> -> memref<1x6400xf32, #tpu.memory_space<vmem>>
    %dma_wait3A_376 = tpu.memref_squeeze %dma_wait3A_375 : memref<1x6400xf32, #tpu.memory_space<vmem>> -> memref<6400xf32, #tpu.memory_space<vmem>>
    %dma_wait3A_377 = arith.constant 0 : i32
    %dma_wait3A_378 = tpu.memref_slice %arg7[%dma_wait3A_377] : memref<51200000xf32, #tpu.memory_space<hbm>> -> memref<6400xf32, #tpu.memory_space<hbm>>
    tpu.wait_dma2 semaphore(%arg17 : memref<!tpu.dma_semaphore, #tpu.memory_space<semaphore_mem>>) src(%dma_wait3A_378 : memref<6400xf32, #tpu.memory_space<hbm>>) dst(%dma_wait3A_376 : memref<6400xf32, #tpu.memory_space<vmem>>)
    return
  }
}

module attributes {stable_mosaic.version = 14 : i64} {
  func.func @_fuse_tables_body(%arg0: i32, %arg1: memref<1024x160xf32, #tpu.memory_space<vmem>>, %arg2: memref<1x160x256xf32, #tpu.memory_space<vmem>>, %arg3: memref<1x256xf32, #tpu.memory_space<vmem>>, %arg4: memref<1x1024x256xf32, #tpu.memory_space<vmem>>) attributes {dimension_semantics = [#tpu.dimension_semantics<arbitrary>], iteration_bounds = array<i64: 4>, scalar_prefetch = 0 : i64, scratch_operands = 0 : i64, tpu.core_type = #tpu.core_type<tc>, window_params = [{pipeline_mode = #tpu.pipeline_mode<synchronous>, transform_indices = @transform_0, window_bounds = array<i64: 1024, 160>}, {transform_indices = @transform_1, window_bounds = array<i64: 1, 160, 256>}, {pipeline_mode = #tpu.pipeline_mode<synchronous>, transform_indices = @transform_2, window_bounds = array<i64: 1, 256>}, {transform_indices = @transform_3, window_bounds = array<i64: 1, 1024, 256>}]} {
    %get3A = arith.constant 0 : index
    %get3A_0 = arith.constant 0 : index
    %get3A_1 = vector.load %arg1[%get3A, %get3A_0] : memref<1024x160xf32, #tpu.memory_space<vmem>>, vector<1024x160xf32>
    %get3A_2 = arith.constant 0 : index
    %get3A_3 = arith.constant 0 : index
    %get3A_4 = arith.constant 0 : index
    %get3A_5 = vector.load %arg2[%get3A_2, %get3A_3, %get3A_4] : memref<1x160x256xf32, #tpu.memory_space<vmem>>, vector<1x160x256xf32>
    %get3A_6 = vector.shape_cast %get3A_5 : vector<1x160x256xf32> to vector<160x256xf32>
    %dot_general3A = arith.constant dense<0.000000e+00> : vector<1024x256xf32>
    %dot_general3A_7 = tpu.matmul %get3A_1, %get3A_6, %dot_general3A {dimension_numbers = #tpu.dot_dimension_numbers<[1], [0], [0], [1], [0, 0, 1, 1], [], []>, transpose_lhs_hint = false} : vector<1024x160xf32>, vector<160x256xf32>, vector<1024x256xf32> -> vector<1024x256xf32>
    %get3A_8 = arith.constant 0 : index
    %get3A_9 = arith.constant 0 : index
    %get3A_10 = vector.load %arg3[%get3A_8, %get3A_9] : memref<1x256xf32, #tpu.memory_space<vmem>>, vector<1x256xf32>
    %add3A = vector.broadcast %get3A_10 : vector<1x256xf32> to vector<1024x256xf32>
    %add3A_11 = arith.addf %dot_general3A_7, %add3A : vector<1024x256xf32>
    %swap3A = arith.constant 0 : index
    %swap3A_12 = arith.constant 0 : index
    %swap3A_13 = arith.constant 0 : index
    %swap3A_14 = vector.load %arg4[%swap3A, %swap3A_12, %swap3A_13] : memref<1x1024x256xf32, #tpu.memory_space<vmem>>, vector<1x1024x256xf32>
    %swap3A_15 = vector.shape_cast %swap3A_14 : vector<1x1024x256xf32> to vector<1024x256xf32>
    %swap3A_16 = vector.shape_cast %add3A_11 : vector<1024x256xf32> to vector<1x1024x256xf32>
    tpu.vector_store %arg4[%swap3A, %swap3A_12, %swap3A_13], %swap3A_16 {strides = array<i32>} : memref<1x1024x256xf32, #tpu.memory_space<vmem>>, vector<1x1024x256xf32>,
    return
  }
  func.func @transform_0(%arg0: i32) -> (i32, i32) {
    %c0_i32 = arith.constant 0 : i32
    %c0_i32_0 = arith.constant 0 : i32
    %c0_i32_1 = arith.constant 0 : i32
    return %c0_i32, %c0_i32_0 : i32, i32
  }
  func.func @transform_1(%arg0: i32) -> (i32, i32, i32) {
    %c0_i32 = arith.constant 0 : i32
    %c0_i32_0 = arith.constant 0 : i32
    %c0_i32_1 = arith.constant 0 : i32
    return %arg0, %c0_i32, %c0_i32_0 : i32, i32, i32
  }
  func.func @transform_2(%arg0: i32) -> (i32, i32) {
    %c0_i32 = arith.constant 0 : i32
    %c0_i32_0 = arith.constant 0 : i32
    %c0_i32_1 = arith.constant 0 : i32
    return %c0_i32, %c0_i32_0 : i32, i32
  }
  func.func @transform_3(%arg0: i32) -> (i32, i32, i32) {
    %c0_i32 = arith.constant 0 : i32
    %c0_i32_0 = arith.constant 0 : i32
    %c0_i32_1 = arith.constant 0 : i32
    return %arg0, %c0_i32, %c0_i32_0 : i32, i32, i32
  }
}

</mosaic_0001>

<sc_bundles>
// kernel: kernel.4.cloned.1.call-start
scs
__scs_entry_jumppad:
0x0: {  	(pc) =	sbr.rel $0x88, $3  }
0x1: {  	(tag) =	ssettag $0x0;
	lr =	simm.s32 $0x1  }
0x2: {  	[smem:$0x3F9C] =	sst lr;
	_ =	strace $0xD0000000  }
0x3: {  	_ = 	snop  }
0x4: {  	_ = 	snop  }
0x5: {  	_ = 	snop  }
0x6: {  	_ = 	snop  }
0x7: {  	_ = 	snop  }
__scs_overlays_trampoline_lowered:
0x8: {  	[smem:$0x3FAB] =	sst s0  }
0x9: {  	[smem:$0x3FAC] =	sst s1  }
0xa: {  	[smem:$0x3FAD] =	sst s2  }
0xb: {  	[smem:$0x3FAE] =	sst s3  }
0xc: {  	[smem:$0x3FAF] =	sst s4  }
0xd: {  	[smem:$0x3FB0] =	sst s5  }
0xe: {  	[smem:$0x3FB1] =	sst s6  }
0xf: {  	[smem:$0x3FB2] =	sst s7  }
0x10: {  	[smem:$0x3FB3] =	sst s8  }
0x11: {  	[smem:$0x3FB4] =	sst s9;
	s0 =	simm.s32 @!p0 $0x0  }
0x12: {  	s1 =	sld [smem:$0x3F9A];
	s0 =	simm.s32 @p0 $0x1  }
0x13: {  	[smem:$0x3FB5] =	sst s0;
	s0 =	simm.s32 @!p1 $0x0  }
0x14: {  	s2 =	sld [smem:$0x3F99];
	s0 =	simm.s32 @p1 $0x1  }
0x15: {  	[smem:$0x3FB6] =	sst s0;
	s0 =	simm.s32 @!p2 $0x0  }
0x16: {  	s3 =	sld [smem:$0x3FDB];
	s0 =	simm.s32 @p2 $0x1  }
0x17: {  	s4 =	simm.s32 $0x1BF5;
	[smem:$0x3FB8] =	sst s0  }
0x18: {  	s0 =	sld [smem:$0x3F9B];
	_ =	swait.ge [sflag:s4], $0x0  }
0x19: {  	s7 =	sld [smem:$0x3F9C]  }
0x1a: {  	s8 =	sadd.s32 $0xFFFFE003, lr  }
0x1b: {  	s9 =	sadd.s32 $0xFFFFFEF7, lr;
	s5 =	simm.s32 $0xFFFFFFFF;
	p2 =	slt.u32 s8, $0xFFFFF086  }
0x1c: {  	p1 =	slt.u32 s9, $0xF7A;
	s5 =	simm.s32 @!p2 $0x0  }
0x1d: {  	s5 =	simm.s32 @p1 $0x1;
	p0 =	seq.s32 s7, s2  }
0x1e: {  	s7 =	smul.u32 @!p0 $0xF7A, s2;
	p2 =	seq.s32 @!p0 s5, $0x0  }
0x1f: {  	s9 =	smul.u32 $0xF7A, s1;
	s8 =	simm.s32 @!p0 $0x1BF5;
	p2 =	por !p2, p0  }
0x20: {  	[sflag:s8] =	ssyncset.s32 @!p0 $0xFFFFF086;
	s6 =	sadd.s32 @!p0 s3, s7;
	s7 =	simm.s32 @!p0 $0x108  }
0x21: {  	s3 =	sadd.s32 s3, s9;
	s6 =	sadd.s32 @!p0 $0x88, s6;
	s7 =	simm.s32 @p2 $0x1082  }
0x22: {  	[simem:s7], [sflag:s8] =	dma.local @!p0 [hbm:s6], $0xF7A  }
0x23: {  	s9 =	sor.u32 $0xD0000000, s2;
	s6 =	simm.s32 $0x108;
	_ =	swait.ge @!p0 [sflag:s8], $0x0  }
0x24: {  	s3 =	sadd.s32 $0x88, s3;
	s6 =	simm.s32 @!p1 $0x1082;
	[sflag:s4] =	ssyncset.s32 $0xFFFFF086  }
0x25: {  	[simem:s6], [sflag:s4] =	dma.local [hbm:s3], $0xF7A  }
0x26: {  	[smem:$0x3F9C] =	sst s1;
	(tag) =	ssettag s2;
	_ =	strace s9  }
0x27: {  	s1 =	sld [smem:$0x3FAC]  }
0x28: {  	s2 =	sld [smem:$0x3FAD]  }
0x29: {  	s4 =	sld [smem:$0x3FAF]  }
0x2a: {  	p0 =	seq.s32 s5, $0x0;
	s5 =	sld [smem:$0x3FB0]  }
0x2b: {  	s6 =	sld [smem:$0x3FB1]  }
0x2c: {  	s7 =	sld [smem:$0x3FB2]  }
0x2d: {  	s3 =	simm.s32 $0x108;
	s8 =	sld [smem:$0x3FB3]  }
0x2e: {  	s3 =	simm.s32 @!p0 $0x1082;
	s9 =	sld [smem:$0x3FB4]  }
0x2f: {  	lr =	sadd.s32 s0, s3;
	s0 =	sld [smem:$0x3FAB]  }
0x30: {  	s3 =	sld [smem:$0x3FAE]  }
0x31: {  	[smem:$0x3FB7] =	sst s10  }
0x32: {  	s10 =	sld [smem:$0x3FB5];
	_ =	sdelay $0x3  }
0x33: {  	p0 =	seq.s32 s10, $0x1;
	s10 =	sld [smem:$0x3FB7];
	_ =	sdelay $0x3  }
0x34: {  	[smem:$0x3FB7] =	sst s10  }
0x35: {  	s10 =	sld [smem:$0x3FB6];
	_ =	sdelay $0x3  }
0x36: {  	p1 =	seq.s32 s10, $0x1;
	s10 =	sld [smem:$0x3FB7];
	_ =	sdelay $0x3  }
0x37: {  	[smem:$0x3FB7] =	sst s10  }
0x38: {  	s10 =	sld [smem:$0x3FB8]  }
0x39: {  	_ = 	snop;
	(pc) =	sbr.ind lr, $3  }
0x3a: {  	_ = 	snop  }
0x3b: {  	_ = 	snop  }
0x3c: {  	p2 =	seq.s32 s10, $0x1;
	s10 =	sld [smem:$0x3FB7]  }
0x3d: {  	_ =	shalt  }
0x3e: {  	_ =	shalt  }
0x3f: {  	_ =	shalt  }
0x40: {  	_ =	shalt  }
0x41: {  	_ =	shalt  }
0x42: {  	_ =	shalt  }
0x43: {  	_ =	shalt  }
0x44: {  	_ =	shalt  }
0x45: {  	_ =	shalt  }
0x46: {  	_ =	shalt  }
0x47: {  	_ =	shalt  }
0x48: {  	_ =	shalt  }
0x49: {  	_ =	shalt  }
0x4a: {  	_ =	shalt  }
0x4b: {  	_ =	shalt  }
0x4c: {  	_ =	shalt  }
0x4d: {  	_ =	shalt  }
0x4e: {  	_ =	shalt  }
0x4f: {  	_ =	shalt  }
0x50: {  	_ =	shalt  }
0x51: {  	_ =	shalt  }
0x52: {  	_ =	shalt  }
0x53: {  	_ =	shalt  }
0x54: {  	_ =	shalt  }
0x55: {  	_ =	shalt  }
0x56: {  	_ =	shalt  }
0x57: {  	_ =	shalt  }
0x58: {  	_ =	shalt  }
0x59: {  	_ =	shalt  }
0x5a: {  	_ =	shalt  }
0x5b: {  	_ =	shalt  }
0x5c: {  	_ =	shalt  }
0x5d: {  	_ =	shalt  }
0x5e: {  	_ =	shalt  }
0x5f: {  	_ =	shalt  }
0x60: {  	_ =	shalt  }
0x61: {  	_ =	shalt  }
0x62: {  	_ =	shalt  }
0x63: {  	_ =	shalt  }
0x64: {  	_ =	shalt  }
0x65: {  	_ =	shalt  }
0x66: {  	_ =	shalt  }
0x67: {  	_ =	shalt  }
0x68: {  	_ =	shalt  }
0x69: {  	_ =	shalt  }
0x6a: {  	_ =	shalt  }
0x6b: {  	_ =	shalt  }
0x6c: {  	_ =	shalt  }
0x6d: {  	_ =	shalt  }
0x6e: {  	_ =	shalt  }
0x6f: {  	_ =	shalt  }
0x70: {  	_ =	shalt  }
0x71: {  	_ =	shalt  }
0x72: {  	_ =	shalt  }
0x73: {  	_ =	shalt  }
0x74: {  	_ =	shalt  }
0x75: {  	_ =	shalt  }
0x76: {  	_ =	shalt  }
0x77: {  	_ =	shalt  }
0x78: {  	_ =	shalt  }
0x79: {  	_ =	shalt  }
0x7a: {  	_ =	shalt  }
0x7b: {  	_ =	shalt  }
0x7c: {  	_ =	shalt  }
0x7d: {  	_ =	shalt  }
0x7e: {  	_ =	shalt  }
0x7f: {  	_ =	shalt  }
0x80: {  	_ =	shalt  }
0x81: {  	_ =	shalt  }
0x82: {  	_ =	shalt  }
0x83: {  	_ =	shalt  }
0x84: {  	_ =	shalt  }
0x85: {  	_ =	shalt  }
0x86: {  	_ =	shalt  }
0x87: {  	_ =	shalt  }
.Lfunc_end0:
.L_simem_size_0:
called_computation.1_lowered:
.L_overlay_start_0:
0x88: {  	s2 =	sld [smem:$0x3FD9]  }
0x89: {  	s3 =	sld [smem:$0x3FFE];
	_ =	sdelay $0x1  }
0x8a: {  	s1 =	srdreg.scid  }
0x8b: {  	s0 =	sand.u32 $0x1, s1  }
0x8c: {  	s17 =	sshll.u32 s0, $0xA;
	s2 =	sadd.s32 s3, s2  }
0x8d: {  	s2 =	sadd.s32 s2, s17  }
0x8e: {  	[smem:$0x3FC3] =	sst s2  }
0x8f: {  	_ = 	snop  }
0x90: {  	s2 =	sld [smem:$0x3FD0];
	(tm) =	ssettm $0x1  }
0x91: {  	s18 =	sld [smem:$0x3FFB];
	_ =	sdelay $0x3  }
0x92: {  	_ =	strace s18  }
0x93: {  	s3 =	sld [smem:$0x3FFC];
	_ =	sdelay $0x3  }
0x94: {  	_ =	strace s3  }
0x95: {  	s3 =	sld [smem:$0x3FFD];
	_ =	sdelay $0x3  }
0x96: {  	_ =	strace s3  }
0x97: {  	_ =	strace $0x8FFFFFFF  }
0x98: {  	s19 =	sld [smem:$0x3FDB];
	_ =	sdelay $0x1  }
0x99: {  	s4 =	simm.s32 $_scs_section_size  }
0x9a: {  	s5 =	simm.s32 $_size__tile_overlayer_lowered;
	s6 =	simm.s32 $_tile_overlayer_lowered  }
0x9b: {  	s22 =	simm.s32 $0x1BFF;
	s21 =	sshll.u32 s6, $0x1;
	s3 =	sadd.s32 s4, s19  }
0x9c: {  	s7 =	simm.s32 $0x0;
	s20 =	sshll.u32 s5, $0x1;
	s5 =	sadd.s32 s21, s3  }
0x9d: {  	[timem:s7], [sflag:s22] =	dma.local [hbm:s5], s20  }
0x9e: {  	_ =	swait.ge [sflag:s22], s20  }
0x9f: {  	s4 =	ssub.s32 $0x0, s20;
	[sflag:s22] =	ssyncset.done $0x0  }
0xa0: {  	[sflag:s22] =	ssyncadd.s32 s4;
	_ =	sdelay $0x1  }
0xa1: {  	s23 =	simm.s32 $0x1B8B  }
0xa2: {  	_ =	swait.ge [sflag:s23], $0x1  }
0xa3: {  	[sflag:s23] =	ssyncset.done $0x0  }
0xa4: {  	s25 =	simm.s32 $0x1B8E;
	s24 =	sld [smem:$0x3FFE];
	[sflag:s23] =	ssyncadd.s32 $0xFFFFFFFF  }
0xa5: {  	s26 =	simm.s32 $execute0_lowered;
	[smem:$0x3FD2] =	sst s25  }
0xa6: {  	s5 =	sshll.u32 s26, $0x1;
	_ =	strace $0x80000046;
	[dreg:$0x1] =	wrdreg $0xFFFFFFFF  }
0xa7: {  	s28 =	simm.s32 $_size_execute0_lowered;
	s3 =	sadd.s32 s3, s5;
	[dreg:$0x0] =	wrdreg $0x0  }
0xa8: {  	s5 =	sshll.u32 s28, $0x1;
	[dreg:$0x2] =	wrdreg s3  }
0xa9: {  	[dreg:$0x3] =	wrdreg s5  }
0xaa: {  	[dreg:$0x4] =	wrdreg $0xC0  }
0xab: {  	_ =	task [dreg:s7], $0x5FFFF  }
0xac: {  	[dreg:$0x1] =	wrdreg $0xFFFFFFFF  }
0xad: {  	[dreg:$0x0] =	wrdreg $0x60  }
0xae: {  	[dreg:$0x2] =	wrdreg s24  }
0xaf: {  	[dreg:$0x3] =	wrdreg s2  }
0xb0: {  	[dreg:$0x4] =	wrdreg $0xFB400  }
0xb1: {  	[dreg:$0x5] =	wrdreg $0x9  }
0xb2: {  	_ =	task.clear_ibuf [dreg:s7], $0x6FFFF;
	_ =	strace $0x90000046  }
0xb3: {  	s29 =	simm.s32 $0x9;
	_ =	strace $0x80000048  }
0xb4: {  	_ =	swait.ge [sflag:s29], $0x1  }
0xb5: {  	[sflag:s29] =	ssyncadd.s32 $0xFFFFFFFF  }
0xb6: {  	_ =	strace $0x90000048  }
0xb7: {  	_ =	sfence  }
0xb8: {  	s30 =	sld [smem:$0x0];
	_ =	sdelay $0x2  }
0xb9: {  	s31 =	sshll.u32 s1, $0xD;
	s1 =	sshrl.u32 s1, $0x2  }
0xba: {  	s3 =	sand.u32 $0x4000, s31;
	s1 =	sadd.s32 s1, s30  }
0xbb: {  	s0 =	sor.u32 s3, s0;
	s1 =	sshll.u32 s1, $0x11  }
0xbc: {  	s0 =	sor.u32 s1, s0  }
0xbd: {  	s0 =	sadd.s32 $0x8F2B, s0  }
0xbe: {  	[sflag:s0] =	ssyncadd.remote.s32 $0x1  }
0xbf: {  	_ =	sfence.sel $0xFFFF  }
0xc0: {  	[dreg:$0x0] =	wrdreg $0xFFFFFFFF;
	(pc) =	sbr.abs _section_cstart, $3  }
0xc1: {  	[dreg:$0x1] =	wrdreg $0xFFFFFFFF  }
0xc2: {  	_ =	task.clear_ibuf [dreg:s7], $0x2FFFF;
	_ =	strace $0x9FFFFFFF  }
0xc3: {  	(tm) =	ssettm $0x7FFFFFFF  }
tec
execute0_lowered:
.L_overlay_start_1:
0x0: {  	(tag) =	ssettag $0x1  }
0x1: {  	s0 =	rddreg [dreg:$0x0]  }
0x2: {  	s1 =	rddreg [dreg:$0x1]  }
0x3: {  	s2 =	rddreg [dreg:$0x2]  }
0x4: {  	s3 =	simm.s32 $0x0;
	s4 =	srdreg.scid;
	s9 =	stileid.u32  }
0x5: {  	s29 =	simm.s32 $0x28;
	s30 =	simm.s32 $0x50;
	s31 =	simm.s32 $0x78  }
0x6: {  	s28 =	simm.s32 $0x4;
	[smem:$0x7FF] =	sst s3;
	s5 =	sadd.s32 $0x1000, s0  }
0x7: {  	s4 =	sand.u32 $0x1, s4;
	s7 =	sshll.u32 s9, $0x1;
	s6 =	sadd.s32 $0x2AE00, s0  }
0x8: {  	s8 =	sadd.s32 $0x34C00, s0;
	p0 =	sne.s32 s9, $0x0;
	s10 =	sor.u32 s4, s7  }
0x9: {  	_ =	strace $0x80000047;
	[dreg:$0x4] =	wrdreg s5;
	s11 =	smul.u32 $0x2710, s10  }
0xa: {  	s5 =	sadd.s32 $0x3EA00, s0;
	s4 =	ssub.s32 $0x2, s4;
	s12 =	smul.u32 $0x4E2, s10  }
0xb: {  	s7 =	sadd.s32 $0x21000, s0;
	s25 =	sshrl.u32 s4, $0x1;
	s20 =	smul.u32 $0x30D40, s10  }
0xc: {  	s0 =	ssub.s32 s4, s25;
	s4 =	smul.u32 $0xFA, s10;
	s14 =	sadd.s32 s5, s12  }
0xd: {  	s10 =	smul.u32 $0x186A00, s10;
	s26 =	sadd.s32 s6, s12;
	[dreg:$0x5] =	wrdreg s14  }
0xe: {  	s13 =	sadd.s32 $0x28, s11;
	s15 =	sadd.s32 s7, s12;
	[dreg:$0x6] =	wrdreg s26  }
0xf: {  	s12 =	sadd.s32 s8, s12;
	s11 =	sshrl.u32 s11, $0x3;
	[dreg:$0x7] =	wrdreg s15  }
0x10: {  	s24 =	sadd.s32 s1, s20;
	s0 =	smax.u32 s0, $0x1;
	[dreg:$0x8] =	wrdreg s12  }
0x11: {  	s13 =	sshrl.u32 s13, $0x3;
	s11 =	sadd.s32 $0xA, s11;
	[dreg:$0x11] =	wrdreg s24  }
0x12: {  	s25 =	sshrl.u32 s10, $0x3;
	[dreg:$0x13] =	wrdreg s0;
	s16 =	sadd.s32 s5, s13  }
0x13: {  	s24 =	sadd.s32 $0x4, s4;
	s17 =	sadd.s32 s6, s13;
	[dreg:$0x9] =	wrdreg s16  }
0x14: {  	s0 =	simm.s32 $0xA0;
	s18 =	sadd.s32 s7, s13;
	[dreg:$0xa] =	wrdreg s17  }
0x15: {  	s10 =	simm.s32 $0x118;
	s19 =	sadd.s32 s8, s13;
	[dreg:$0xb] =	wrdreg s18  }
0x16: {  	s12 =	simm.s32 $0xE240;
	s21 =	sadd.s32 s5, s11;
	[dreg:$0xc] =	wrdreg s19  }
0x17: {  	s15 =	simm.s32 $0x0;
	s22 =	sadd.s32 s6, s11;
	[dreg:$0xd] =	wrdreg s21  }
0x18: {  	s23 =	sadd.s32 s7, s11;
	s11 =	sadd.s32 s8, s11;
	[dreg:$0xe] =	wrdreg s22  }
0x19: {  	s9 =	sadd.s32 s1, s25;
	s25 =	sadd.s32 $0x2, s4;
	[dreg:$0xf] =	wrdreg s23  }
0x1a: {  	s13 =	simm.s32 $0x5;
	[dreg:$0x10] =	wrdreg s11;
	s22 =	sadd.s32 $0x3, s4  }
0x1b: {  	s23 =	sor.u32 $0x1, s4;
	s26 =	sadd.s32 $0x30A20, s9;
	s4 =	simm.s32 $0xC8  }
0x1c: {  	s9 =	simm.s32 $0xF0;
	s11 =	simm.s32 $0x1;
	s16 =	simm.s32 $0x2  }
0x1d: {  	s21 =	simm.s32 $0x3;
	[dreg:$0x12] =	wrdreg s26;
	s26 =	simm.s32 $0xC940  }
.LBB2_1:
0x1e: {  	[dreg:$0x14] =	wrdreg s15  }
0x1f: {  	s14 =	sshrl.u32 @!p0 s2, $0x3;
	s15 =	simm.s32 @!p0 $0x2;
	s17 =	simm.s32 @!p0 $0x14  }
0x20: {  	s18 =	simm.s32 @!p0 $0x20;
	s19 =	simm.s32 @!p0 $0x1C07;
	s20 =	rddreg [dreg:$0x4]  }
0x21: {  	[spmem:s14@s17], [sflag:s19] =	dma.strided @!p0 [hbm:s20@s18], $0x14000, s15, $0xa   }
0x22: {  	s14 =	simm.s32 @!p0 $0x7  }
0x23: {  	_ =	swait.ge @!p0 [sflag:s14], $0x14000  }
0x24: {  	[sflag:s14] =	ssyncset.done @!p0 $0x0  }
0x25: {  	[sflag:s14] =	ssyncadd.s32 @!p0 $0xFFFEC000  }
0x26: {  	[bflag:$0x0] =	sbarrier.arrive $0xFFFF  }
0x27: {  	s15 =	rddreg [dreg:$0x5]  }
0x28: {  	[tilespmem:s3], [sflag:$0x1] =	stream.linear.gather [hbm4b:s15+s3], $0x28, $0x38;
	[tilespmem:$0x19B40] =	vst v63  }
0x29: {  	s17 =	rddreg [dreg:$0x6]  }
0x2a: {  	[tilespmem:s29], [sflag:$0x1] =	stream.linear.gather [hbm4b:s17+s3], $0x28, $0x38;
	[tilespmem:$0x19B40] =	vst v63  }
0x2b: {  	s18 =	rddreg [dreg:$0x7]  }
0x2c: {  	[tilespmem:s30], [sflag:$0x1] =	stream.linear.gather [hbm4b:s18+s3], $0x28, $0x38;
	[tilespmem:$0x19B40] =	vst v63  }
0x2d: {  	s19 =	rddreg [dreg:$0x8]  }
0x2e: {  	[tilespmem:s31], [sflag:$0x1] =	stream.linear.gather [hbm4b:s19+s3], $0x28, $0x38;
	[tilespmem:$0x19B40] =	vst v63  }
0x2f: {  	s20 =	rddreg [dreg:$0x9]  }
0x30: {  	[tilespmem:s0], [sflag:$0x2] =	stream.linear.gather [hbm4b:s20+s3], $0x28, $0x38;
	[tilespmem:$0x19B40] =	vst v63  }
0x31: {  	s15 =	rddreg [dreg:$0xa]  }
0x32: {  	[tilespmem:s4], [sflag:$0x2] =	stream.linear.gather [hbm4b:s15+s3], $0x28, $0x38;
	[tilespmem:$0x19B40] =	vst v63  }
0x33: {  	s17 =	rddreg [dreg:$0xb]  }
0x34: {  	[tilespmem:s9], [sflag:$0x2] =	stream.linear.gather [hbm4b:s17+s3], $0x28, $0x38;
	[tilespmem:$0x19B40] =	vst v63  }
0x35: {  	s18 =	rddreg [dreg:$0xc]  }
0x36: {  	[tilespmem:s10], [sflag:$0x2] =	stream.linear.gather [hbm4b:s18+s3], $0x28, $0x38;
	[tilespmem:$0x19B40] =	vst v63  }
0x37: {  	_ =	swait.ge [sflag:s11], $0xA0  }
0x38: {  	[sflag:s11] =	ssyncset.done $0x0  }
0x39: {  	s19 =	simm.s32 $0x140;
	[sflag:s11] =	ssyncadd.s32 $0xFFFFFF60  }
0x3a: {  	[tilespmem:s19], [sflag:$0x3] =	stream.indirect.gather [spmem:s2], $0xA0, s3, s29, $0xb8;
	[tilespmem:$0x19B40] =	vst v63  }
0x3b: {  	s20 =	simm.s32 $0x1A40  }
0x3c: {  	[tilespmem:s20], [sflag:$0x3] =	stream.indirect.gather [spmem:s2], $0xA0, s29, s29, $0xb8;
	[tilespmem:$0x19B40] =	vst v63  }
0x3d: {  	s15 =	simm.s32 $0x3340  }
0x3e: {  	[tilespmem:s15], [sflag:$0x3] =	stream.indirect.gather [spmem:s2], $0xA0, s30, s29, $0xb8;
	[tilespmem:$0x19B40] =	vst v63  }
0x3f: {  	s17 =	simm.s32 $0x4C40  }
0x40: {  	[tilespmem:s17], [sflag:$0x3] =	stream.indirect.gather [spmem:s2], $0xA0, s31, s29, $0xb8;
	[tilespmem:$0x19B40] =	vst v63  }
0x41: {  	_ =	swait.ge [sflag:s16], $0xA0  }
0x42: {  	[sflag:s16] =	ssyncset.done $0x0  }
0x43: {  	s18 =	simm.s32 $0x6540;
	[sflag:s16] =	ssyncadd.s32 $0xFFFFFF60  }
0x44: {  	[tilespmem:s18], [sflag:$0x4] =	stream.indirect.gather [spmem:s2], $0xA0, s0, s29, $0xb8;
	[tilespmem:$0x19B40] =	vst v63  }
0x45: {  	s19 =	simm.s32 $0x7E40  }
0x46: {  	[tilespmem:s19], [sflag:$0x4] =	stream.indirect.gather [spmem:s2], $0xA0, s4, s29, $0xb8;
	[tilespmem:$0x19B40] =	vst v63  }
0x47: {  	s20 =	simm.s32 $0x9740  }
0x48: {  	[tilespmem:s20], [sflag:$0x4] =	stream.indirect.gather [spmem:s2], $0xA0, s9, s29, $0xb8;
	[tilespmem:$0x19B40] =	vst v63  }
0x49: {  	s15 =	simm.s32 $0xB040  }
0x4a: {  	[tilespmem:s15], [sflag:$0x4] =	stream.indirect.gather [spmem:s2], $0xA0, s10, s29, $0xb8;
	[tilespmem:$0x19B40] =	vst v63  }
0x4b: {  	_ =	swait.ge [sflag:s21], $0x6400  }
0x4c: {  	[sflag:s21] =	ssyncset.done $0x0  }
0x4d: {  	s17 =	rddreg [dreg:$0xd];
	[sflag:s21] =	ssyncadd.s32 $0xFFFF9C00  }
0x4e: {  	[tilespmem:s3], [sflag:$0x1] =	stream.linear.gather [hbm4b:s17+s3], $0x28, $0x38;
	[tilespmem:$0x19B40] =	vst v63  }
0x4f: {  	s18 =	rddreg [dreg:$0xe]  }
0x50: {  	[tilespmem:s29], [sflag:$0x1] =	stream.linear.gather [hbm4b:s18+s3], $0x28, $0x38;
	[tilespmem:$0x19B40] =	vst v63  }
0x51: {  	s19 =	rddreg [dreg:$0xf]  }
0x52: {  	[tilespmem:s30], [sflag:$0x1] =	stream.linear.gather [hbm4b:s19+s3], $0x28, $0x38;
	[tilespmem:$0x19B40] =	vst v63  }
0x53: {  	s14 =	simm.s32 $0x0;
	s20 =	rddreg [dreg:$0x10]  }
0x54: {  	[tilespmem:s31], [sflag:$0x1] =	stream.linear.gather [hbm4b:s20+s3], $0x28, $0x38;
	[tilespmem:$0x19B40] =	vst v63  }
0x55: {  	v0 =	vld [tilespmem:s14+$0x1D0]  }
0x56: {  	v1 =	vld [tilespmem:s14+$0x1AD0]  }
0x57: {  	v2 =	vld [tilespmem:s14+$0x33D0]  }
0x58: {  	v3 =	vld [tilespmem:s14+$0x4CD0]  }
0x59: {  	v4 =	vld [tilespmem:s14+$0x140]  }
0x5a: {  	v5 =	vld [tilespmem:s14+$0x1A40]  }
0x5b: {  	v6 =	vld [tilespmem:s14+$0x3340]  }
0x5c: {  	v7 =	vld [tilespmem:s14+$0x4C40]  }
0x5d: {  	v8 =	vld [tilespmem:s14+$0x150]  }
0x5e: {  	v9 =	vld [tilespmem:s14+$0x160]  }
0x5f: {  	v62 =	vld [tilespmem:s14+$0x190]  }
0x60: {  	v0 =	vadd.f32 v1, v0;
	v1 =	vadd.f32 v3, v2;
	v2 =	vld [tilespmem:s14+$0x1A50]  }
0x61: {  	v3 =	vld [tilespmem:s14+$0x3350]  }
0x62: {  	v0 =	vadd.f32 v1, v0;
	v1 =	vld [tilespmem:s14+$0x4C50]  }
0x63: {  	v4 =	vadd.f32 v5, v4;
	v5 =	vadd.f32 v7, v6;
	v6 =	vld [tilespmem:s14+$0x1A60]  }
0x64: {  	v7 =	vld [tilespmem:s14+$0x170];
	v0 =	vmax.f32 v0, $0.0e+00  }
0x65: {  	[tilespmem:s14+$0xC9D0] =	vst v0;
	v0 =	vadd.f32 v5, v4;
	v4 =	vld [tilespmem:s14+$0x3360]  }
0x66: {  	v5 =	vld [tilespmem:s14+$0x4C60]  }
0x67: {  	v2 =	vadd.f32 v2, v8;
	v0 =	vmax.f32 v0, $0.0e+00;
	v1 =	vadd.f32 v1, v3;
	v3 =	vld [tilespmem:s14+$0x4C70]  }
0x68: {  	[tilespmem:s14+$0xC940] =	vst v0;
	v0 =	vld [tilespmem:s14+$0x1A70]  }
0x69: {  	v1 =	vadd.f32 v1, v2;
	v2 =	vld [tilespmem:s14+$0x3370]  }
0x6a: {  	v8 =	vld [tilespmem:s14+$0x180]  }
0x6b: {  	v6 =	vadd.f32 v6, v9;
	v4 =	vadd.f32 v5, v4;
	v5 =	vld [tilespmem:s14+$0x3380];
	v1 =	vmax.f32 v1, $0.0e+00  }
0x6c: {  	[tilespmem:s14+$0xC950] =	vst v1;
	v1 =	vld [tilespmem:s14+$0x1A80]  }
0x6d: {  	v4 =	vadd.f32 v4, v6;
	v6 =	vld [tilespmem:s14+$0x4C80]  }
0x6e: {  	v0 =	vadd.f32 v0, v7;
	v7 =	vld [tilespmem:s14+$0x1A0];
	v2 =	vadd.f32 v3, v2  }
0x6f: {  	v4 =	vmax.f32 v4, $0.0e+00;
	v3 =	vld [tilespmem:s14+$0x1A90]  }
0x70: {  	[tilespmem:s14+$0xC960] =	vst v4;
	v4 =	vld [tilespmem:s14+$0x4C90];
	v0 =	vadd.f32 v2, v0  }
0x71: {  	v2 =	vld [tilespmem:s14+$0x3390]  }
0x72: {  	v1 =	vadd.f32 v1, v8;
	v5 =	vadd.f32 v6, v5;
	v6 =	vld [tilespmem:s14+$0x4CA0];
	v0 =	vmax.f32 v0, $0.0e+00  }
0x73: {  	[tilespmem:s14+$0xC970] =	vst v0;
	v0 =	vld [tilespmem:s14+$0x1AA0]  }
0x74: {  	v1 =	vadd.f32 v5, v1;
	v5 =	vld [tilespmem:s14+$0x33A0]  }
0x75: {  	v63 =	vld [tilespmem:s14+$0x4CB0]  }
0x76: {  	v8 =	vld [tilespmem:s14+$0x1B0];
	v3 =	vadd.f32 v3, v62;
	v1 =	vmax.f32 v1, $0.0e+00;
	v2 =	vadd.f32 v4, v2  }
0x77: {  	[tilespmem:s14+$0xC980] =	vst v1;
	v1 =	vld [tilespmem:s14+$0x1AB0]  }
0x78: {  	v2 =	vadd.f32 v2, v3;
	v3 =	vld [tilespmem:s14+$0x33B0]  }
0x79: {  	v10 =	vld [tilespmem:s14+$0x1C0];
	v0 =	vadd.f32 v0, v7;
	v4 =	vadd.f32 v6, v5  }
0x7a: {  	v5 =	vld [tilespmem:s14+$0x1AC0];
	v2 =	vmax.f32 v2, $0.0e+00  }
0x7b: {  	[tilespmem:s14+$0xC990] =	vst v2;
	v2 =	vld [tilespmem:s14+$0x33C0];
	v6 =	vadd.f32 v4, v0  }
0x7c: {  	s15 =	simm.s32 $0xA0;
	v4 =	vld [tilespmem:s14+$0x4CC0]  }
0x7d: {  	v0 =	vld [tilespmem:s15+$0x1D0];
	v7 =	vadd.f32 v1, v8;
	v6 =	vmax.f32 v6, $0.0e+00;
	v8 =	vadd.f32 v63, v3  }
0x7e: {  	v1 =	vld [tilespmem:s15+$0x1AD0];
	[tilespmem:s14+$0xC9A0] =	vst v6  }
0x7f: {  	s17 =	simm.s32 $0x500;
	v5 =	vadd.f32 v5, v10;
	v3 =	vld [tilespmem:s15+$0x33D0];
	v6 =	vadd.f32 v8, v7  }
.LBB2_2:
0x80: {  	p1 =	sne.s32 s17, $0x6180;
	v7 =	vld [tilespmem:s15+$0x4CD0]  }
0x81: {  	v8 =	vld [tilespmem:s15+$0x140];
	v6 =	vmax.f32 v6, $0.0e+00;
	v2 =	vadd.f32 v4, v2  }
0x82: {  	v4 =	vld [tilespmem:s15+$0x1A40];
	[tilespmem:s14+$0xC9B0] =	vst v6  }
0x83: {  	v6 =	vld [tilespmem:s15+$0x3340];
	v2 =	vadd.f32 v2, v5  }
0x84: {  	v5 =	vld [tilespmem:s15+$0x4C40]  }
0x85: {  	v0 =	vadd.f32 v1, v0;
	v9 =	vld [tilespmem:s15+$0x150];
	v1 =	vadd.f32 v7, v3;
	v2 =	vmax.f32 v2, $0.0e+00  }
0x86: {  	v3 =	vld [tilespmem:s15+$0x1A50];
	[tilespmem:s14+$0xC9C0] =	vst v2;
	s14 =	smov.u32 s15  }
0x87: {  	v2 =	vadd.f32 v4, v8;
	v4 =	vld [tilespmem:s14+$0x3350];
	v0 =	vadd.f32 v1, v0  }
0x88: {  	v1 =	vld [tilespmem:s14+$0x4C50]  }
0x89: {  	v5 =	vadd.f32 v5, v6;
	v6 =	vld [tilespmem:s14+$0x160];
	v0 =	vmax.f32 v0, $0.0e+00  }
0x8a: {  	v7 =	vld [tilespmem:s14+$0x1A60];
	[tilespmem:s14+$0xC9D0] =	vst v0  }
0x8b: {  	v0 =	vadd.f32 v5, v2;
	v2 =	vadd.f32 v3, v9;
	v3 =	vld [tilespmem:s14+$0x3360]  }
0x8c: {  	v5 =	vld [tilespmem:s14+$0x4C60]  }
0x8d: {  	v0 =	vmax.f32 v0, $0.0e+00;
	v1 =	vadd.f32 v1, v4;
	v4 =	vld [tilespmem:s14+$0x170]  }
0x8e: {  	[tilespmem:s14+$0xC940] =	vst v0;
	v0 =	vld [tilespmem:s14+$0x1A70]  }
0x8f: {  	v1 =	vadd.f32 v1, v2;
	v2 =	vadd.f32 v7, v6;
	v6 =	vld [tilespmem:s14+$0x3370]  }
0x90: {  	v7 =	vld [tilespmem:s14+$0x4C70]  }
0x91: {  	v1 =	vmax.f32 v1, $0.0e+00;
	v3 =	vadd.f32 v5, v3;
	v5 =	vld [tilespmem:s14+$0x180]  }
0x92: {  	[tilespmem:s14+$0xC950] =	vst v1;
	v1 =	vld [tilespmem:s14+$0x1A80]  }
0x93: {  	v2 =	vadd.f32 v3, v2;
	v0 =	vadd.f32 v0, v4;
	v3 =	vld [tilespmem:s14+$0x3380]  }
0x94: {  	v4 =	vld [tilespmem:s14+$0x4C80]  }
0x95: {  	v2 =	vmax.f32 v2, $0.0e+00;
	v6 =	vadd.f32 v7, v6;
	v7 =	vld [tilespmem:s14+$0x190]  }
0x96: {  	[tilespmem:s14+$0xC960] =	vst v2;
	v2 =	vld [tilespmem:s14+$0x1A90]  }
0x97: {  	v0 =	vadd.f32 v6, v0;
	v1 =	vadd.f32 v1, v5;
	v5 =	vld [tilespmem:s14+$0x3390]  }
0x98: {  	v6 =	vld [tilespmem:s14+$0x4C90]  }
0x99: {  	v0 =	vmax.f32 v0, $0.0e+00;
	v3 =	vadd.f32 v4, v3;
	v4 =	vld [tilespmem:s14+$0x1A0]  }
0x9a: {  	[tilespmem:s14+$0xC970] =	vst v0;
	v0 =	vld [tilespmem:s14+$0x1AA0]  }
0x9b: {  	v1 =	vadd.f32 v3, v1;
	v2 =	vadd.f32 v2, v7;
	v3 =	vld [tilespmem:s14+$0x33A0]  }
0x9c: {  	v7 =	vld [tilespmem:s14+$0x4CA0]  }
0x9d: {  	v1 =	vmax.f32 v1, $0.0e+00;
	v5 =	vadd.f32 v6, v5;
	v6 =	vld [tilespmem:s14+$0x1B0]  }
0x9e: {  	[tilespmem:s14+$0xC980] =	vst v1;
	v1 =	vld [tilespmem:s14+$0x1AB0]  }
0x9f: {  	v2 =	vadd.f32 v5, v2;
	v0 =	vadd.f32 v0, v4;
	v5 =	vld [tilespmem:s14+$0x33B0]  }
0xa0: {  	v8 =	vld [tilespmem:s14+$0x4CB0]  }
0xa1: {  	v2 =	vmax.f32 v2, $0.0e+00;
	v3 =	vadd.f32 v7, v3;
	v7 =	vld [tilespmem:s14+$0x1C0]  }
0xa2: {  	[tilespmem:s14+$0xC990] =	vst v2;
	v9 =	vld [tilespmem:s14+$0x1AC0]  }
.Ltmp0:
0xa3: {  	v3 =	vadd.f32 v3, v0;
	v6 =	vadd.f32 v1, v6;
	v2 =	vld [tilespmem:s14+$0x33C0];
	(pc) =	sbr.rel @p1 .LBB2_2-.Ltmp0, $4  }
0xa4: {  	s15 =	sshra.s32 s17, $0x2;
	v4 =	vld [tilespmem:s14+$0x4CC0]  }
0xa5: {  	v0 =	vld [tilespmem:s15+$0x1D0];
	v3 =	vmax.f32 v3, $0.0e+00;
	v5 =	vadd.f32 v8, v5  }
0xa6: {  	v1 =	vld [tilespmem:s15+$0x1AD0];
	[tilespmem:s14+$0xC9A0] =	vst v3  }
0xa7: {  	s17 =	sadd.s32 $0x280, s17;
	v3 =	vld [tilespmem:s15+$0x33D0];
	v6 =	vadd.f32 v5, v6;
	v5 =	vadd.f32 v9, v7  }
0xa8: {  	v7 =	vld [tilespmem:s15+$0x4CD0]  }
0xa9: {  	v8 =	vld [tilespmem:s15+$0x140];
	v6 =	vmax.f32 v6, $0.0e+00;
	v2 =	vadd.f32 v4, v2  }
0xaa: {  	v9 =	vld [tilespmem:s15+$0x1A40];
	[tilespmem:s14+$0xC9B0] =	vst v6  }
0xab: {  	v28 =	vld [tilespmem:s15+$0x3340];
	v2 =	vadd.f32 v2, v5  }
0xac: {  	v29 =	vld [tilespmem:s15+$0x4C40]  }
0xad: {  	v6 =	vld [tilespmem:s15+$0x150];
	v2 =	vmax.f32 v2, $0.0e+00  }
0xae: {  	v10 =	vld [tilespmem:s15+$0x1A50];
	[tilespmem:s14+$0xC9C0] =	vst v2  }
0xaf: {  	v2 =	vld [tilespmem:s15+$0x3350]  }
0xb0: {  	v31 =	vld [tilespmem:s15+$0x4C50]  }
0xb1: {  	v32 =	vld [tilespmem:s15+$0x160]  }
0xb2: {  	v34 =	vld [tilespmem:s15+$0x1A60]  }
0xb3: {  	v36 =	vld [tilespmem:s15+$0x3360]  }
0xb4: {  	v37 =	vld [tilespmem:s15+$0x4C60]  }
0xb5: {  	v38 =	vld [tilespmem:s15+$0x170]  }
0xb6: {  	v39 =	vld [tilespmem:s15+$0x1A70]  }
0xb7: {  	v40 =	vld [tilespmem:s15+$0x3370]  }
0xb8: {  	v41 =	vld [tilespmem:s15+$0x4C70]  }
0xb9: {  	v42 =	vld [tilespmem:s15+$0x180]  }
0xba: {  	v43 =	vld [tilespmem:s15+$0x1A80]  }
0xbb: {  	v44 =	vld [tilespmem:s15+$0x3380]  }
0xbc: {  	v45 =	vld [tilespmem:s15+$0x4C80]  }
0xbd: {  	v46 =	vld [tilespmem:s15+$0x190]  }
0xbe: {  	v47 =	vld [tilespmem:s15+$0x1A90]  }
0xbf: {  	v48 =	vld [tilespmem:s15+$0x3390]  }
0xc0: {  	v49 =	vld [tilespmem:s15+$0x4C90]  }
0xc1: {  	v50 =	vld [tilespmem:s15+$0x1A0]  }
0xc2: {  	v51 =	vld [tilespmem:s15+$0x1AA0]  }
0xc3: {  	v0 =	vadd.f32 v1, v0;
	v30 =	vadd.f32 v7, v3;
	v52 =	vld [tilespmem:s15+$0x33A0]  }
0xc4: {  	v33 =	vadd.f32 v9, v8;
	v53 =	vld [tilespmem:s15+$0x4CA0];
	v4 =	vadd.f32 v29, v28  }
0xc5: {  	v0 =	vadd.f32 v30, v0;
	v54 =	vld [tilespmem:s15+$0x1B0];
	v6 =	vadd.f32 v10, v6  }
0xc6: {  	v55 =	vld [tilespmem:s15+$0x1AB0];
	v35 =	vadd.f32 v4, v33;
	v1 =	vadd.f32 v31, v2  }
0xc7: {  	v56 =	vld [tilespmem:s15+$0x33B0];
	v0 =	vmax.f32 v0, $0.0e+00;
	v3 =	vadd.f32 v34, v32;
	v4 =	vadd.f32 v37, v36  }
0xc8: {  	v60 =	vld [tilespmem:s15+$0x33C0];
	[tilespmem:s15+$0xC9D0] =	vst v0;
	v0 =	vmax.f32 v35, $0.0e+00;
	v2 =	vadd.f32 v41, v40;
	v1 =	vadd.f32 v1, v6  }
0xc9: {  	v11 =	vld [tilespmem:s15+$0x4CC0];
	[tilespmem:s15+$0xC940] =	vst v0;
	v0 =	vadd.f32 v39, v38;
	v3 =	vadd.f32 v4, v3  }
0xca: {  	v57 =	vld [tilespmem:s15+$0x4CB0];
	v4 =	vadd.f32 v45, v44;
	v1 =	vmax.f32 v1, $0.0e+00  }
0xcb: {  	v58 =	vld [tilespmem:s15+$0x1C0];
	v0 =	vadd.f32 v2, v0;
	v3 =	vmax.f32 v3, $0.0e+00;
	[tilespmem:s15+$0xC950] =	vst v1;
	v1 =	vadd.f32 v43, v42  }
0xcc: {  	v59 =	vld [tilespmem:s15+$0x1AC0];
	v2 =	vadd.f32 v49, v48;
	[tilespmem:s15+$0xC960] =	vst v3;
	v3 =	vadd.f32 v47, v46  }
0xcd: {  	v1 =	vadd.f32 v4, v1  }
0xce: {  	v61 =	vadd.f32 v11, v60;
	v0 =	vmax.f32 v0, $0.0e+00;
	v2 =	vadd.f32 v2, v3  }
0xcf: {  	[tilespmem:s15+$0xC970] =	vst v0;
	v0 =	vadd.f32 v51, v50;
	v4 =	vadd.f32 v53, v52;
	v1 =	vmax.f32 v1, $0.0e+00  }
0xd0: {  	v3 =	vadd.f32 v57, v56;
	v2 =	vmax.f32 v2, $0.0e+00;
	[tilespmem:s15+$0xC980] =	vst v1;
	v1 =	vadd.f32 v55, v54  }
0xd1: {  	v0 =	vadd.f32 v4, v0;
	[tilespmem:s15+$0xC990] =	vst v2;
	v2 =	vadd.f32 v59, v58  }
0xd2: {  	v1 =	vadd.f32 v3, v1  }
0xd3: {  	v0 =	vmax.f32 v0, $0.0e+00;
	v2 =	vadd.f32 v61, v2  }
0xd4: {  	[tilespmem:s15+$0xC9A0] =	vst v0;
	v62 =	vmax.f32 v1, $0.0e+00  }
0xd5: {  	v63 =	vmax.f32 v2, $0.0e+00;
	[tilespmem:s15+$0xC9B0] =	vst v62  }
0xd6: {  	s20 =	rddreg [dreg:$0x11];
	s14 =	simm.s32 $0x0;
	[tilespmem:s15+$0xC9C0] =	vst v63  }
0xd7: {  	[hbm4b:s20+s14] =	stream.linear.scatter [tilespmem:s26], [sflag:$0x5], $0x1900, $0x38;
	[tilespmem:$0x19B40] =	vst v63  }
.LBB2_4:
0xd8: {  	_ =	swait.ge [sflag:s11], $0xA0  }
0xd9: {  	[sflag:s11] =	ssyncset.done $0x0  }
0xda: {  	s15 =	simm.s32 $0x140;
	[sflag:s11] =	ssyncadd.s32 $0xFFFFFF60  }
0xdb: {  	[tilespmem:s15], [sflag:$0x3] =	stream.indirect.gather [spmem:s2], $0xA0, s3, s29, $0xb8;
	[tilespmem:$0x19B40] =	vst v63  }
0xdc: {  	s20 =	simm.s32 $0x1A40  }
0xdd: {  	[tilespmem:s20], [sflag:$0x3] =	stream.indirect.gather [spmem:s2], $0xA0, s29, s29, $0xb8;
	[tilespmem:$0x19B40] =	vst v63  }
0xde: {  	s17 =	simm.s32 $0x3340;
	s15 =	sshll.u32 s14, $0x1  }
0xdf: {  	[tilespmem:s17], [sflag:$0x3] =	stream.indirect.gather [spmem:s2], $0xA0, s30, s29, $0xb8;
	[tilespmem:$0x19B40] =	vst v63  }
0xe0: {  	s18 =	sadd.s32 s15, s22;
	s17 =	simm.s32 $0x4C40  }
0xe1: {  	[tilespmem:s17], [sflag:$0x3] =	stream.indirect.gather [spmem:s2], $0xA0, s31, s29, $0xb8;
	[tilespmem:$0x19B40] =	vst v63  }
0xe2: {  	s17 =	smul.u32 $0x5, s18;
	_ =	swait.ge [sflag:s28], $0x6400  }
0xe3: {  	[sflag:s28] =	ssyncset.done $0x0  }
0xe4: {  	s18 =	sadd.s32 s5, s17;
	[sflag:s28] =	ssyncadd.s32 $0xFFFF9C00  }
0xe5: {  	[tilespmem:s0], [sflag:$0x2] =	stream.linear.gather [hbm4b:s18+s3], $0x28, $0x38;
	[tilespmem:$0x19B40] =	vst v63  }
0xe6: {  	s19 =	sadd.s32 s6, s17  }
0xe7: {  	[tilespmem:s4], [sflag:$0x2] =	stream.linear.gather [hbm4b:s19+s3], $0x28, $0x38;
	[tilespmem:$0x19B40] =	vst v63  }
0xe8: {  	s20 =	sadd.s32 s7, s17  }
0xe9: {  	[tilespmem:s9], [sflag:$0x2] =	stream.linear.gather [hbm4b:s20+s3], $0x28, $0x38;
	[tilespmem:$0x19B40] =	vst v63  }
0xea: {  	p1 =	seq.s32 s14, $0x0;
	s17 =	sadd.s32 s8, s17  }
0xeb: {  	[tilespmem:s10], [sflag:$0x2] =	stream.linear.gather [hbm4b:s17+s3], $0x28, $0x38;
	[tilespmem:$0x19B40] =	vst v63  }
0xec: {  	s17 =	simm.s32 @!p1 $0x6  }
0xed: {  	_ =	swait.ge @!p1 [sflag:s17], $0x1900  }
0xee: {  	[sflag:s17] =	ssyncset.done @!p1 $0x0  }
0xef: {  	[sflag:s17] =	ssyncadd.s32 @!p1 $0xFFFFE700;
	s17 =	simm.s32 $0x0  }
0xf0: {  	v0 =	vld [tilespmem:s17+$0x65D0]  }
0xf1: {  	v1 =	vld [tilespmem:s17+$0x7ED0]  }
0xf2: {  	v2 =	vld [tilespmem:s17+$0x97D0]  }
0xf3: {  	v3 =	vld [tilespmem:s17+$0xB0D0]  }
0xf4: {  	v4 =	vld [tilespmem:s17+$0x6540]  }
0xf5: {  	v5 =	vld [tilespmem:s17+$0x7E40]  }
0xf6: {  	v6 =	vld [tilespmem:s17+$0x9740]  }
0xf7: {  	v7 =	vld [tilespmem:s17+$0xB040]  }
0xf8: {  	v8 =	vld [tilespmem:s17+$0x6550]  }
0xf9: {  	v9 =	vld [tilespmem:s17+$0x6560]  }
0xfa: {  	v62 =	vld [tilespmem:s17+$0x6590]  }
0xfb: {  	v0 =	vadd.f32 v1, v0;
	v1 =	vadd.f32 v3, v2;
	v2 =	vld [tilespmem:s17+$0x7E50]  }
0xfc: {  	v3 =	vld [tilespmem:s17+$0x9750]  }
0xfd: {  	v0 =	vadd.f32 v1, v0;
	v1 =	vld [tilespmem:s17+$0xB050]  }
0xfe: {  	v4 =	vadd.f32 v5, v4;
	v5 =	vadd.f32 v7, v6;
	v6 =	vld [tilespmem:s17+$0x7E60]  }
0xff: {  	v7 =	vld [tilespmem:s17+$0x6570];
	v0 =	vmax.f32 v0, $0.0e+00  }
0x100: {  	[tilespmem:s17+$0xE2D0] =	vst v0;
	v0 =	vadd.f32 v5, v4;
	v4 =	vld [tilespmem:s17+$0x9760]  }
0x101: {  	v5 =	vld [tilespmem:s17+$0xB060]  }
0x102: {  	v2 =	vadd.f32 v2, v8;
	v0 =	vmax.f32 v0, $0.0e+00;
	v1 =	vadd.f32 v1, v3;
	v3 =	vld [tilespmem:s17+$0xB070]  }
0x103: {  	[tilespmem:s17+$0xE240] =	vst v0;
	v0 =	vld [tilespmem:s17+$0x7E70]  }
0x104: {  	v1 =	vadd.f32 v1, v2;
	v2 =	vld [tilespmem:s17+$0x9770]  }
0x105: {  	v8 =	vld [tilespmem:s17+$0x6580]  }
0x106: {  	v6 =	vadd.f32 v6, v9;
	v4 =	vadd.f32 v5, v4;
	v5 =	vld [tilespmem:s17+$0x9780];
	v1 =	vmax.f32 v1, $0.0e+00  }
0x107: {  	[tilespmem:s17+$0xE250] =	vst v1;
	v1 =	vld [tilespmem:s17+$0x7E80]  }
0x108: {  	v4 =	vadd.f32 v4, v6;
	v6 =	vld [tilespmem:s17+$0xB080]  }
0x109: {  	v0 =	vadd.f32 v0, v7;
	v7 =	vld [tilespmem:s17+$0x65A0];
	v2 =	vadd.f32 v3, v2  }
0x10a: {  	v4 =	vmax.f32 v4, $0.0e+00;
	v3 =	vld [tilespmem:s17+$0x7E90]  }
0x10b: {  	[tilespmem:s17+$0xE260] =	vst v4;
	v4 =	vld [tilespmem:s17+$0xB090];
	v0 =	vadd.f32 v2, v0  }
0x10c: {  	v2 =	vld [tilespmem:s17+$0x9790]  }
0x10d: {  	v1 =	vadd.f32 v1, v8;
	v5 =	vadd.f32 v6, v5;
	v6 =	vld [tilespmem:s17+$0xB0A0];
	v0 =	vmax.f32 v0, $0.0e+00  }
0x10e: {  	[tilespmem:s17+$0xE270] =	vst v0;
	v0 =	vld [tilespmem:s17+$0x7EA0]  }
0x10f: {  	v1 =	vadd.f32 v5, v1;
	v5 =	vld [tilespmem:s17+$0x97A0]  }
0x110: {  	v63 =	vld [tilespmem:s17+$0xB0B0]  }
0x111: {  	v8 =	vld [tilespmem:s17+$0x65B0];
	v3 =	vadd.f32 v3, v62;
	v1 =	vmax.f32 v1, $0.0e+00;
	v2 =	vadd.f32 v4, v2  }
0x112: {  	[tilespmem:s17+$0xE280] =	vst v1;
	v1 =	vld [tilespmem:s17+$0x7EB0]  }
0x113: {  	v2 =	vadd.f32 v2, v3;
	v3 =	vld [tilespmem:s17+$0x97B0]  }
0x114: {  	v10 =	vld [tilespmem:s17+$0x65C0];
	v0 =	vadd.f32 v0, v7;
	v4 =	vadd.f32 v6, v5  }
0x115: {  	v5 =	vld [tilespmem:s17+$0x7EC0];
	v2 =	vmax.f32 v2, $0.0e+00  }
0x116: {  	[tilespmem:s17+$0xE290] =	vst v2;
	v2 =	vld [tilespmem:s17+$0x97C0];
	v6 =	vadd.f32 v4, v0  }
0x117: {  	s18 =	simm.s32 $0xA0;
	v4 =	vld [tilespmem:s17+$0xB0C0]  }
0x118: {  	v0 =	vld [tilespmem:s18+$0x65D0];
	v7 =	vadd.f32 v1, v8;
	v6 =	vmax.f32 v6, $0.0e+00;
	v8 =	vadd.f32 v63, v3  }
0x119: {  	v1 =	vld [tilespmem:s18+$0x7ED0];
	[tilespmem:s17+$0xE2A0] =	vst v6  }
0x11a: {  	s19 =	simm.s32 $0x500;
	v5 =	vadd.f32 v5, v10;
	v3 =	vld [tilespmem:s18+$0x97D0];
	v6 =	vadd.f32 v8, v7  }
.LBB2_5:
0x11b: {  	p1 =	sne.s32 s19, $0x6180;
	v7 =	vld [tilespmem:s18+$0xB0D0]  }
0x11c: {  	v8 =	vld [tilespmem:s18+$0x6540];
	v6 =	vmax.f32 v6, $0.0e+00;
	v2 =	vadd.f32 v4, v2  }
0x11d: {  	v4 =	vld [tilespmem:s18+$0x7E40];
	[tilespmem:s17+$0xE2B0] =	vst v6  }
0x11e: {  	v6 =	vld [tilespmem:s18+$0x9740];
	v2 =	vadd.f32 v2, v5  }
0x11f: {  	v5 =	vld [tilespmem:s18+$0xB040]  }
0x120: {  	v0 =	vadd.f32 v1, v0;
	v9 =	vld [tilespmem:s18+$0x6550];
	v1 =	vadd.f32 v7, v3;
	v2 =	vmax.f32 v2, $0.0e+00  }
0x121: {  	v3 =	vld [tilespmem:s18+$0x7E50];
	[tilespmem:s17+$0xE2C0] =	vst v2;
	s17 =	smov.u32 s18  }
0x122: {  	v2 =	vadd.f32 v4, v8;
	v4 =	vld [tilespmem:s17+$0x9750];
	v0 =	vadd.f32 v1, v0  }
0x123: {  	v1 =	vld [tilespmem:s17+$0xB050]  }
0x124: {  	v5 =	vadd.f32 v5, v6;
	v6 =	vld [tilespmem:s17+$0x6560];
	v0 =	vmax.f32 v0, $0.0e+00  }
0x125: {  	v7 =	vld [tilespmem:s17+$0x7E60];
	[tilespmem:s17+$0xE2D0] =	vst v0  }
0x126: {  	v0 =	vadd.f32 v5, v2;
	v2 =	vadd.f32 v3, v9;
	v3 =	vld [tilespmem:s17+$0x9760]  }
0x127: {  	v5 =	vld [tilespmem:s17+$0xB060]  }
0x128: {  	v0 =	vmax.f32 v0, $0.0e+00;
	v1 =	vadd.f32 v1, v4;
	v4 =	vld [tilespmem:s17+$0x6570]  }
0x129: {  	[tilespmem:s17+$0xE240] =	vst v0;
	v0 =	vld [tilespmem:s17+$0x7E70]  }
0x12a: {  	v1 =	vadd.f32 v1, v2;
	v2 =	vadd.f32 v7, v6;
	v6 =	vld [tilespmem:s17+$0x9770]  }
0x12b: {  	v7 =	vld [tilespmem:s17+$0xB070]  }
0x12c: {  	v1 =	vmax.f32 v1, $0.0e+00;
	v3 =	vadd.f32 v5, v3;
	v5 =	vld [tilespmem:s17+$0x6580]  }
0x12d: {  	[tilespmem:s17+$0xE250] =	vst v1;
	v1 =	vld [tilespmem:s17+$0x7E80]  }
0x12e: {  	v2 =	vadd.f32 v3, v2;
	v0 =	vadd.f32 v0, v4;
	v3 =	vld [tilespmem:s17+$0x9780]  }
0x12f: {  	v4 =	vld [tilespmem:s17+$0xB080]  }
0x130: {  	v2 =	vmax.f32 v2, $0.0e+00;
	v6 =	vadd.f32 v7, v6;
	v7 =	vld [tilespmem:s17+$0x6590]  }
0x131: {  	[tilespmem:s17+$0xE260] =	vst v2;
	v2 =	vld [tilespmem:s17+$0x7E90]  }
0x132: {  	v0 =	vadd.f32 v6, v0;
	v1 =	vadd.f32 v1, v5;
	v5 =	vld [tilespmem:s17+$0x9790]  }
0x133: {  	v6 =	vld [tilespmem:s17+$0xB090]  }
0x134: {  	v0 =	vmax.f32 v0, $0.0e+00;
	v3 =	vadd.f32 v4, v3;
	v4 =	vld [tilespmem:s17+$0x65A0]  }
0x135: {  	[tilespmem:s17+$0xE270] =	vst v0;
	v0 =	vld [tilespmem:s17+$0x7EA0]  }
0x136: {  	v1 =	vadd.f32 v3, v1;
	v2 =	vadd.f32 v2, v7;
	v3 =	vld [tilespmem:s17+$0x97A0]  }
0x137: {  	v7 =	vld [tilespmem:s17+$0xB0A0]  }
0x138: {  	v1 =	vmax.f32 v1, $0.0e+00;
	v5 =	vadd.f32 v6, v5;
	v6 =	vld [tilespmem:s17+$0x65B0]  }
0x139: {  	[tilespmem:s17+$0xE280] =	vst v1;
	v1 =	vld [tilespmem:s17+$0x7EB0]  }
0x13a: {  	v2 =	vadd.f32 v5, v2;
	v0 =	vadd.f32 v0, v4;
	v5 =	vld [tilespmem:s17+$0x97B0]  }
0x13b: {  	v8 =	vld [tilespmem:s17+$0xB0B0]  }
0x13c: {  	v2 =	vmax.f32 v2, $0.0e+00;
	v3 =	vadd.f32 v7, v3;
	v7 =	vld [tilespmem:s17+$0x65C0]  }
0x13d: {  	[tilespmem:s17+$0xE290] =	vst v2;
	v9 =	vld [tilespmem:s17+$0x7EC0]  }
.Ltmp1:
0x13e: {  	v3 =	vadd.f32 v3, v0;
	v6 =	vadd.f32 v1, v6;
	v2 =	vld [tilespmem:s17+$0x97C0];
	(pc) =	sbr.rel @p1 .LBB2_5-.Ltmp1, $4  }
0x13f: {  	s18 =	sshra.s32 s19, $0x2;
	v4 =	vld [tilespmem:s17+$0xB0C0]  }
0x140: {  	v0 =	vld [tilespmem:s18+$0x65D0];
	v3 =	vmax.f32 v3, $0.0e+00;
	v5 =	vadd.f32 v8, v5  }
0x141: {  	v1 =	vld [tilespmem:s18+$0x7ED0];
	[tilespmem:s17+$0xE2A0] =	vst v3  }
0x142: {  	s19 =	sadd.s32 $0x280, s19;
	v3 =	vld [tilespmem:s18+$0x97D0];
	v6 =	vadd.f32 v5, v6;
	v5 =	vadd.f32 v9, v7  }
0x143: {  	v7 =	vld [tilespmem:s18+$0xB0D0]  }
0x144: {  	v8 =	vld [tilespmem:s18+$0x6540];
	v6 =	vmax.f32 v6, $0.0e+00;
	v2 =	vadd.f32 v4, v2  }
0x145: {  	v9 =	vld [tilespmem:s18+$0x7E40];
	[tilespmem:s17+$0xE2B0] =	vst v6  }
0x146: {  	v4 =	vld [tilespmem:s18+$0x9740];
	v2 =	vadd.f32 v2, v5  }
0x147: {  	v5 =	vld [tilespmem:s18+$0xB040]  }
0x148: {  	v6 =	vld [tilespmem:s18+$0x6550];
	v2 =	vmax.f32 v2, $0.0e+00  }
0x149: {  	v10 =	vld [tilespmem:s18+$0x7E50];
	v0 =	vadd.f32 v1, v0;
	v1 =	vadd.f32 v7, v3;
	[tilespmem:s17+$0xE2C0] =	vst v2  }
0x14a: {  	v2 =	vld [tilespmem:s18+$0x9750]  }
0x14b: {  	v0 =	vadd.f32 v1, v0;
	v1 =	vld [tilespmem:s18+$0xB050]  }
0x14c: {  	v3 =	vld [tilespmem:s18+$0x6560]  }
0x14d: {  	v7 =	vadd.f32 v9, v8;
	v8 =	vld [tilespmem:s18+$0x6570]  }
0x14e: {  	v57 =	vld [tilespmem:s18+$0x6580]  }
0x14f: {  	v58 =	vld [tilespmem:s18+$0x65B0];
	v4 =	vadd.f32 v5, v4  }
0x150: {  	v5 =	vld [tilespmem:s18+$0x7E60];
	v0 =	vmax.f32 v0, $0.0e+00  }
0x151: {  	[tilespmem:s18+$0xE2D0] =	vst v0;
	v0 =	vadd.f32 v4, v7;
	v4 =	vld [tilespmem:s18+$0x9760]  }
0x152: {  	v7 =	vld [tilespmem:s18+$0xB060]  }
0x153: {  	v59 =	vld [tilespmem:s18+$0x97C0]  }
0x154: {  	v6 =	vadd.f32 v10, v6;
	v0 =	vmax.f32 v0, $0.0e+00;
	v1 =	vadd.f32 v1, v2;
	v2 =	vld [tilespmem:s18+$0x9770]  }
0x155: {  	[tilespmem:s18+$0xE240] =	vst v0;
	v0 =	vld [tilespmem:s18+$0x7E70]  }
0x156: {  	v1 =	vadd.f32 v1, v6;
	v6 =	vld [tilespmem:s18+$0xB070]  }
0x157: {  	v3 =	vadd.f32 v5, v3;
	v5 =	vld [tilespmem:s18+$0xB080];
	v4 =	vadd.f32 v7, v4  }
0x158: {  	v7 =	vld [tilespmem:s18+$0x6590];
	v1 =	vmax.f32 v1, $0.0e+00  }
0x159: {  	[tilespmem:s18+$0xE250] =	vst v1;
	v1 =	vld [tilespmem:s18+$0x7E80];
	v3 =	vadd.f32 v4, v3  }
0x15a: {  	v4 =	vld [tilespmem:s18+$0x9780]  }
0x15b: {  	v0 =	vadd.f32 v0, v8;
	v3 =	vmax.f32 v3, $0.0e+00;
	v2 =	vadd.f32 v6, v2;
	v6 =	vld [tilespmem:s18+$0xB090]  }
0x15c: {  	[tilespmem:s18+$0xE260] =	vst v3;
	v3 =	vld [tilespmem:s18+$0x7E90]  }
0x15d: {  	v0 =	vadd.f32 v2, v0;
	v2 =	vld [tilespmem:s18+$0x9790]  }
0x15e: {  	v11 =	vld [tilespmem:s18+$0xB0C0]  }
0x15f: {  	v8 =	vld [tilespmem:s18+$0x65A0];
	v1 =	vadd.f32 v1, v57;
	v4 =	vadd.f32 v5, v4  }
0x160: {  	v5 =	vld [tilespmem:s18+$0xB0A0];
	v0 =	vmax.f32 v0, $0.0e+00  }
0x161: {  	[tilespmem:s18+$0xE270] =	vst v0;
	v0 =	vld [tilespmem:s18+$0x7EA0];
	v1 =	vadd.f32 v4, v1  }
0x162: {  	v4 =	vld [tilespmem:s18+$0x97A0];
	v3 =	vadd.f32 v3, v7;
	v2 =	vadd.f32 v6, v2  }
0x163: {  	v7 =	vld [tilespmem:s18+$0x65C0]  }
0x164: {  	v1 =	vmax.f32 v1, $0.0e+00;
	v6 =	vld [tilespmem:s18+$0xB0B0];
	v2 =	vadd.f32 v2, v3  }
0x165: {  	[tilespmem:s18+$0xE280] =	vst v1;
	v1 =	vld [tilespmem:s18+$0x7EB0]  }
0x166: {  	v3 =	vld [tilespmem:s18+$0x97B0];
	v2 =	vmax.f32 v2, $0.0e+00  }
0x167: {  	[tilespmem:s18+$0xE290] =	vst v2;
	v2 =	vld [tilespmem:s18+$0x7EC0]  }
0x168: {  	v0 =	vadd.f32 v0, v8;
	v4 =	vadd.f32 v5, v4;
	_ =	sdelay $0x1  }
0x169: {  	v0 =	vadd.f32 v4, v0  }
0x16a: {  	v1 =	vadd.f32 v1, v58;
	v3 =	vadd.f32 v6, v3  }
0x16b: {  	v4 =	vadd.f32 v11, v59;
	v2 =	vadd.f32 v2, v7  }
0x16c: {  	v1 =	vadd.f32 v3, v1  }
0x16d: {  	s19 =	sadd.s32 s15, s23;
	v0 =	vmax.f32 v0, $0.0e+00;
	v2 =	vadd.f32 v4, v2  }
0x16e: {  	s17 =	smul.u32 $0x320, s19;
	[tilespmem:s18+$0xE2A0] =	vst v0;
	v0 =	vmax.f32 v1, $0.0e+00  }
0x16f: {  	[tilespmem:s18+$0xE2B0] =	vst v0;
	v0 =	vmax.f32 v2, $0.0e+00  }
0x170: {  	s17 =	sadd.s32 s1, s17;
	[tilespmem:s18+$0xE2C0] =	vst v0  }
0x171: {  	[hbm4b:s17+s3] =	stream.linear.scatter [tilespmem:s12], [sflag:$0x6], $0x1900, $0x38;
	[tilespmem:$0x19B40] =	vst v63  }
0x172: {  	_ =	swait.ge [sflag:s16], $0xA0  }
0x173: {  	[sflag:s16] =	ssyncset.done $0x0  }
0x174: {  	s20 =	simm.s32 $0x6540;
	[sflag:s16] =	ssyncadd.s32 $0xFFFFFF60  }
0x175: {  	[tilespmem:s20], [sflag:$0x4] =	stream.indirect.gather [spmem:s2], $0xA0, s0, s29, $0xb8;
	[tilespmem:$0x19B40] =	vst v63  }
0x176: {  	s18 =	simm.s32 $0x7E40  }
0x177: {  	[tilespmem:s18], [sflag:$0x4] =	stream.indirect.gather [spmem:s2], $0xA0, s4, s29, $0xb8;
	[tilespmem:$0x19B40] =	vst v63  }
0x178: {  	p1 =	seq.s32 s14, $0x7B;
	s19 =	simm.s32 $0x9740  }
0x179: {  	[tilespmem:s19], [sflag:$0x4] =	stream.indirect.gather [spmem:s2], $0xA0, s9, s29, $0xb8;
	[tilespmem:$0x19B40] =	vst v63  }
0x17a: {  	s17 =	sadd.s32 @!p1 s15, s24;
	s20 =	simm.s32 $0xB040  }
0x17b: {  	[tilespmem:s20], [sflag:$0x4] =	stream.indirect.gather [spmem:s2], $0xA0, s10, s29, $0xb8;
	[tilespmem:$0x19B40] =	vst v63  }
0x17c: {  	s17 =	smul.u32 @!p1 $0x5, s17;
	_ =	swait.ge [sflag:s21], $0x6400  }
0x17d: {  	[sflag:s21] =	ssyncset.done $0x0  }
0x17e: {  	s18 =	sadd.s32 @!p1 s5, s17;
	s19 =	simm.s32 @!p1 $0x0;
	[sflag:s21] =	ssyncadd.s32 $0xFFFF9C00  }
0x17f: {  	[tilespmem:s19], [sflag:$0x1] =	stream.linear.gather @!p1 [hbm4b:s18+s19], $0x28, $0x38;
	[tilespmem:$0x19B40] =	vst v63  }
0x180: {  	s20 =	simm.s32 @!p1 $0x28;
	s18 =	sadd.s32 @!p1 s6, s17  }
0x181: {  	[tilespmem:s20], [sflag:$0x1] =	stream.linear.gather @!p1 [hbm4b:s18+s19], $0x28, $0x38;
	[tilespmem:$0x19B40] =	vst v63  }
0x182: {  	s18 =	sadd.s32 @!p1 s7, s17;
	s20 =	simm.s32 @!p1 $0x50  }
0x183: {  	[tilespmem:s20], [sflag:$0x1] =	stream.linear.gather @!p1 [hbm4b:s18+s19], $0x28, $0x38;
	[tilespmem:$0x19B40] =	vst v63  }
0x184: {  	s17 =	sadd.s32 @!p1 s8, s17;
	s18 =	simm.s32 @!p1 $0x78  }
0x185: {  	[tilespmem:s18], [sflag:$0x1] =	stream.linear.gather @!p1 [hbm4b:s17+s19], $0x28, $0x38;
	[tilespmem:$0x19B40] =	vst v63  }
0x186: {  	_ =	swait.ge [sflag:s13], $0x1900  }
0x187: {  	[sflag:s13] =	ssyncset.done $0x0  }
0x188: {  	s17 =	simm.s32 $0x0;
	[sflag:s13] =	ssyncadd.s32 $0xFFFFE700  }
0x189: {  	v0 =	vld [tilespmem:s17+$0x1D0]  }
0x18a: {  	v1 =	vld [tilespmem:s17+$0x1AD0]  }
0x18b: {  	v2 =	vld [tilespmem:s17+$0x33D0]  }
0x18c: {  	v3 =	vld [tilespmem:s17+$0x4CD0]  }
0x18d: {  	v4 =	vld [tilespmem:s17+$0x140]  }
0x18e: {  	v5 =	vld [tilespmem:s17+$0x1A40]  }
0x18f: {  	v6 =	vld [tilespmem:s17+$0x3340]  }
0x190: {  	v7 =	vld [tilespmem:s17+$0x4C40]  }
0x191: {  	v8 =	vld [tilespmem:s17+$0x150]  }
0x192: {  	v60 =	vld [tilespmem:s17+$0x160]  }
0x193: {  	v61 =	vld [tilespmem:s17+$0x190]  }
0x194: {  	v0 =	vadd.f32 v1, v0;
	v1 =	vadd.f32 v3, v2;
	v2 =	vld [tilespmem:s17+$0x1A50]  }
0x195: {  	v3 =	vld [tilespmem:s17+$0x3350]  }
0x196: {  	v0 =	vadd.f32 v1, v0;
	v1 =	vld [tilespmem:s17+$0x4C50]  }
0x197: {  	v4 =	vadd.f32 v5, v4;
	v5 =	vadd.f32 v7, v6;
	v6 =	vld [tilespmem:s17+$0x1A60]  }
0x198: {  	v7 =	vld [tilespmem:s17+$0x170];
	v0 =	vmax.f32 v0, $0.0e+00  }
0x199: {  	[tilespmem:s17+$0xC9D0] =	vst v0;
	v0 =	vadd.f32 v5, v4;
	v4 =	vld [tilespmem:s17+$0x3360]  }
0x19a: {  	v5 =	vld [tilespmem:s17+$0x4C60]  }
0x19b: {  	v2 =	vadd.f32 v2, v8;
	v0 =	vmax.f32 v0, $0.0e+00;
	v1 =	vadd.f32 v1, v3;
	v3 =	vld [tilespmem:s17+$0x4C70]  }
0x19c: {  	[tilespmem:s17+$0xC940] =	vst v0;
	v0 =	vld [tilespmem:s17+$0x1A70]  }
0x19d: {  	v1 =	vadd.f32 v1, v2;
	v2 =	vld [tilespmem:s17+$0x3370]  }
0x19e: {  	v8 =	vld [tilespmem:s17+$0x180]  }
0x19f: {  	v6 =	vadd.f32 v6, v60;
	v4 =	vadd.f32 v5, v4;
	v5 =	vld [tilespmem:s17+$0x3380];
	v1 =	vmax.f32 v1, $0.0e+00  }
0x1a0: {  	[tilespmem:s17+$0xC950] =	vst v1;
	v1 =	vld [tilespmem:s17+$0x1A80]  }
0x1a1: {  	v4 =	vadd.f32 v4, v6;
	v6 =	vld [tilespmem:s17+$0x4C80]  }
0x1a2: {  	v0 =	vadd.f32 v0, v7;
	v7 =	vld [tilespmem:s17+$0x1A0];
	v2 =	vadd.f32 v3, v2  }
0x1a3: {  	v4 =	vmax.f32 v4, $0.0e+00;
	v3 =	vld [tilespmem:s17+$0x1A90]  }
0x1a4: {  	[tilespmem:s17+$0xC960] =	vst v4;
	v4 =	vld [tilespmem:s17+$0x4C90];
	v0 =	vadd.f32 v2, v0  }
0x1a5: {  	v2 =	vld [tilespmem:s17+$0x3390]  }
0x1a6: {  	v1 =	vadd.f32 v1, v8;
	v5 =	vadd.f32 v6, v5;
	v6 =	vld [tilespmem:s17+$0x4CA0];
	v0 =	vmax.f32 v0, $0.0e+00  }
0x1a7: {  	[tilespmem:s17+$0xC970] =	vst v0;
	v0 =	vld [tilespmem:s17+$0x1AA0]  }
0x1a8: {  	v1 =	vadd.f32 v5, v1;
	v5 =	vld [tilespmem:s17+$0x33A0]  }
0x1a9: {  	v62 =	vld [tilespmem:s17+$0x4CB0]  }
0x1aa: {  	v8 =	vld [tilespmem:s17+$0x1B0];
	v3 =	vadd.f32 v3, v61;
	v1 =	vmax.f32 v1, $0.0e+00;
	v2 =	vadd.f32 v4, v2  }
0x1ab: {  	[tilespmem:s17+$0xC980] =	vst v1;
	v1 =	vld [tilespmem:s17+$0x1AB0]  }
0x1ac: {  	v2 =	vadd.f32 v2, v3;
	v3 =	vld [tilespmem:s17+$0x33B0]  }
0x1ad: {  	v63 =	vld [tilespmem:s17+$0x1C0];
	v0 =	vadd.f32 v0, v7;
	v4 =	vadd.f32 v6, v5  }
0x1ae: {  	v5 =	vld [tilespmem:s17+$0x1AC0];
	v2 =	vmax.f32 v2, $0.0e+00  }
0x1af: {  	[tilespmem:s17+$0xC990] =	vst v2;
	v2 =	vld [tilespmem:s17+$0x33C0];
	v6 =	vadd.f32 v4, v0  }
0x1b0: {  	s18 =	simm.s32 $0xA0;
	v4 =	vld [tilespmem:s17+$0x4CC0]  }
0x1b1: {  	v0 =	vld [tilespmem:s18+$0x1D0];
	v7 =	vadd.f32 v1, v8;
	v6 =	vmax.f32 v6, $0.0e+00;
	v8 =	vadd.f32 v62, v3  }
0x1b2: {  	v1 =	vld [tilespmem:s18+$0x1AD0];
	[tilespmem:s17+$0xC9A0] =	vst v6  }
0x1b3: {  	s19 =	simm.s32 $0x500;
	v5 =	vadd.f32 v5, v63;
	v3 =	vld [tilespmem:s18+$0x33D0];
	v6 =	vadd.f32 v8, v7  }
.LBB2_7:
0x1b4: {  	p1 =	sne.s32 s19, $0x6180;
	v7 =	vld [tilespmem:s18+$0x4CD0]  }
0x1b5: {  	v8 =	vld [tilespmem:s18+$0x140];
	v6 =	vmax.f32 v6, $0.0e+00;
	v2 =	vadd.f32 v4, v2  }
0x1b6: {  	v4 =	vld [tilespmem:s18+$0x1A40];
	[tilespmem:s17+$0xC9B0] =	vst v6  }
0x1b7: {  	v6 =	vld [tilespmem:s18+$0x3340];
	v2 =	vadd.f32 v2, v5  }
0x1b8: {  	v5 =	vld [tilespmem:s18+$0x4C40]  }
0x1b9: {  	v0 =	vadd.f32 v1, v0;
	v9 =	vld [tilespmem:s18+$0x150];
	v1 =	vadd.f32 v7, v3;
	v2 =	vmax.f32 v2, $0.0e+00  }
0x1ba: {  	v3 =	vld [tilespmem:s18+$0x1A50];
	[tilespmem:s17+$0xC9C0] =	vst v2;
	s17 =	smov.u32 s18  }
0x1bb: {  	v2 =	vadd.f32 v4, v8;
	v4 =	vld [tilespmem:s17+$0x3350];
	v0 =	vadd.f32 v1, v0  }
0x1bc: {  	v1 =	vld [tilespmem:s17+$0x4C50]  }
0x1bd: {  	v5 =	vadd.f32 v5, v6;
	v6 =	vld [tilespmem:s17+$0x160];
	v0 =	vmax.f32 v0, $0.0e+00  }
0x1be: {  	v7 =	vld [tilespmem:s17+$0x1A60];
	[tilespmem:s17+$0xC9D0] =	vst v0  }
0x1bf: {  	v0 =	vadd.f32 v5, v2;
	v2 =	vadd.f32 v3, v9;
	v3 =	vld [tilespmem:s17+$0x3360]  }
0x1c0: {  	v5 =	vld [tilespmem:s17+$0x4C60]  }
0x1c1: {  	v0 =	vmax.f32 v0, $0.0e+00;
	v1 =	vadd.f32 v1, v4;
	v4 =	vld [tilespmem:s17+$0x170]  }
0x1c2: {  	[tilespmem:s17+$0xC940] =	vst v0;
	v0 =	vld [tilespmem:s17+$0x1A70]  }
0x1c3: {  	v1 =	vadd.f32 v1, v2;
	v2 =	vadd.f32 v7, v6;
	v6 =	vld [tilespmem:s17+$0x3370]  }
0x1c4: {  	v7 =	vld [tilespmem:s17+$0x4C70]  }
0x1c5: {  	v1 =	vmax.f32 v1, $0.0e+00;
	v3 =	vadd.f32 v5, v3;
	v5 =	vld [tilespmem:s17+$0x180]  }
0x1c6: {  	[tilespmem:s17+$0xC950] =	vst v1;
	v1 =	vld [tilespmem:s17+$0x1A80]  }
0x1c7: {  	v2 =	vadd.f32 v3, v2;
	v0 =	vadd.f32 v0, v4;
	v3 =	vld [tilespmem:s17+$0x3380]  }
0x1c8: {  	v4 =	vld [tilespmem:s17+$0x4C80]  }
0x1c9: {  	v2 =	vmax.f32 v2, $0.0e+00;
	v6 =	vadd.f32 v7, v6;
	v7 =	vld [tilespmem:s17+$0x190]  }
0x1ca: {  	[tilespmem:s17+$0xC960] =	vst v2;
	v2 =	vld [tilespmem:s17+$0x1A90]  }
0x1cb: {  	v0 =	vadd.f32 v6, v0;
	v1 =	vadd.f32 v1, v5;
	v5 =	vld [tilespmem:s17+$0x3390]  }
0x1cc: {  	v6 =	vld [tilespmem:s17+$0x4C90]  }
0x1cd: {  	v0 =	vmax.f32 v0, $0.0e+00;
	v3 =	vadd.f32 v4, v3;
	v4 =	vld [tilespmem:s17+$0x1A0]  }
0x1ce: {  	[tilespmem:s17+$0xC970] =	vst v0;
	v0 =	vld [tilespmem:s17+$0x1AA0]  }
0x1cf: {  	v1 =	vadd.f32 v3, v1;
	v2 =	vadd.f32 v2, v7;
	v3 =	vld [tilespmem:s17+$0x33A0]  }
0x1d0: {  	v7 =	vld [tilespmem:s17+$0x4CA0]  }
0x1d1: {  	v1 =	vmax.f32 v1, $0.0e+00;
	v5 =	vadd.f32 v6, v5;
	v6 =	vld [tilespmem:s17+$0x1B0]  }
0x1d2: {  	[tilespmem:s17+$0xC980] =	vst v1;
	v1 =	vld [tilespmem:s17+$0x1AB0]  }
0x1d3: {  	v2 =	vadd.f32 v5, v2;
	v0 =	vadd.f32 v0, v4;
	v5 =	vld [tilespmem:s17+$0x33B0]  }
0x1d4: {  	v8 =	vld [tilespmem:s17+$0x4CB0]  }
0x1d5: {  	v2 =	vmax.f32 v2, $0.0e+00;
	v3 =	vadd.f32 v7, v3;
	v7 =	vld [tilespmem:s17+$0x1C0]  }
0x1d6: {  	[tilespmem:s17+$0xC990] =	vst v2;
	v9 =	vld [tilespmem:s17+$0x1AC0]  }
.Ltmp2:
0x1d7: {  	v3 =	vadd.f32 v3, v0;
	v6 =	vadd.f32 v1, v6;
	v2 =	vld [tilespmem:s17+$0x33C0];
	(pc) =	sbr.rel @p1 .LBB2_7-.Ltmp2, $4  }
0x1d8: {  	s18 =	sshra.s32 s19, $0x2;
	v4 =	vld [tilespmem:s17+$0x4CC0]  }
0x1d9: {  	v0 =	vld [tilespmem:s18+$0x1D0];
	v3 =	vmax.f32 v3, $0.0e+00;
	v5 =	vadd.f32 v8, v5  }
0x1da: {  	v1 =	vld [tilespmem:s18+$0x1AD0];
	[tilespmem:s17+$0xC9A0] =	vst v3  }
0x1db: {  	s19 =	sadd.s32 $0x280, s19;
	v3 =	vld [tilespmem:s18+$0x33D0];
	v6 =	vadd.f32 v5, v6;
	v5 =	vadd.f32 v9, v7  }
0x1dc: {  	v7 =	vld [tilespmem:s18+$0x4CD0]  }
0x1dd: {  	v8 =	vld [tilespmem:s18+$0x140];
	v6 =	vmax.f32 v6, $0.0e+00;
	v2 =	vadd.f32 v4, v2  }
0x1de: {  	v9 =	vld [tilespmem:s18+$0x1A40];
	[tilespmem:s17+$0xC9B0] =	vst v6  }
0x1df: {  	v28 =	vld [tilespmem:s18+$0x3340];
	v2 =	vadd.f32 v2, v5  }
0x1e0: {  	v29 =	vld [tilespmem:s18+$0x4C40]  }
0x1e1: {  	v6 =	vld [tilespmem:s18+$0x150];
	v2 =	vmax.f32 v2, $0.0e+00  }
0x1e2: {  	v10 =	vld [tilespmem:s18+$0x1A50];
	[tilespmem:s17+$0xC9C0] =	vst v2  }
0x1e3: {  	v2 =	vld [tilespmem:s18+$0x3350]  }
0x1e4: {  	v31 =	vld [tilespmem:s18+$0x4C50]  }
0x1e5: {  	v32 =	vld [tilespmem:s18+$0x160]  }
0x1e6: {  	v34 =	vld [tilespmem:s18+$0x1A60]  }
0x1e7: {  	v36 =	vld [tilespmem:s18+$0x3360]  }
0x1e8: {  	v37 =	vld [tilespmem:s18+$0x4C60]  }
0x1e9: {  	v38 =	vld [tilespmem:s18+$0x170]  }
0x1ea: {  	v39 =	vld [tilespmem:s18+$0x1A70]  }
0x1eb: {  	v40 =	vld [tilespmem:s18+$0x3370]  }
0x1ec: {  	v41 =	vld [tilespmem:s18+$0x4C70]  }
0x1ed: {  	v42 =	vld [tilespmem:s18+$0x180]  }
0x1ee: {  	v43 =	vld [tilespmem:s18+$0x1A80]  }
0x1ef: {  	v44 =	vld [tilespmem:s18+$0x3380]  }
0x1f0: {  	v45 =	vld [tilespmem:s18+$0x4C80]  }
0x1f1: {  	v46 =	vld [tilespmem:s18+$0x190]  }
0x1f2: {  	v47 =	vld [tilespmem:s18+$0x1A90]  }
0x1f3: {  	v48 =	vld [tilespmem:s18+$0x3390]  }
0x1f4: {  	v49 =	vld [tilespmem:s18+$0x4C90]  }
0x1f5: {  	v50 =	vld [tilespmem:s18+$0x1A0]  }
0x1f6: {  	v51 =	vld [tilespmem:s18+$0x1AA0]  }
0x1f7: {  	v0 =	vadd.f32 v1, v0;
	v30 =	vadd.f32 v7, v3;
	v52 =	vld [tilespmem:s18+$0x33A0]  }
0x1f8: {  	v33 =	vadd.f32 v9, v8;
	v53 =	vld [tilespmem:s18+$0x4CA0];
	v4 =	vadd.f32 v29, v28  }
0x1f9: {  	v0 =	vadd.f32 v30, v0;
	v54 =	vld [tilespmem:s18+$0x1B0];
	v6 =	vadd.f32 v10, v6  }
0x1fa: {  	v55 =	vld [tilespmem:s18+$0x1AB0];
	v35 =	vadd.f32 v4, v33;
	v1 =	vadd.f32 v31, v2  }
0x1fb: {  	v56 =	vld [tilespmem:s18+$0x33B0];
	v0 =	vmax.f32 v0, $0.0e+00;
	v3 =	vadd.f32 v34, v32;
	v4 =	vadd.f32 v37, v36  }
0x1fc: {  	v60 =	vld [tilespmem:s18+$0x33C0];
	[tilespmem:s18+$0xC9D0] =	vst v0;
	v0 =	vmax.f32 v35, $0.0e+00;
	v2 =	vadd.f32 v41, v40;
	v1 =	vadd.f32 v1, v6  }
0x1fd: {  	v11 =	vld [tilespmem:s18+$0x4CC0];
	[tilespmem:s18+$0xC940] =	vst v0;
	v0 =	vadd.f32 v39, v38;
	v3 =	vadd.f32 v4, v3  }
0x1fe: {  	v57 =	vld [tilespmem:s18+$0x4CB0];
	v4 =	vadd.f32 v45, v44;
	v1 =	vmax.f32 v1, $0.0e+00  }
0x1ff: {  	v58 =	vld [tilespmem:s18+$0x1C0];
	v0 =	vadd.f32 v2, v0;
	v3 =	vmax.f32 v3, $0.0e+00;
	[tilespmem:s18+$0xC950] =	vst v1;
	v1 =	vadd.f32 v43, v42  }
0x200: {  	v59 =	vld [tilespmem:s18+$0x1AC0];
	v2 =	vadd.f32 v49, v48;
	[tilespmem:s18+$0xC960] =	vst v3;
	v3 =	vadd.f32 v47, v46  }
0x201: {  	v1 =	vadd.f32 v4, v1  }
0x202: {  	v61 =	vadd.f32 v11, v60;
	v0 =	vmax.f32 v0, $0.0e+00;
	v2 =	vadd.f32 v2, v3  }
0x203: {  	[tilespmem:s18+$0xC970] =	vst v0;
	v0 =	vadd.f32 v51, v50;
	v4 =	vadd.f32 v53, v52;
	v1 =	vmax.f32 v1, $0.0e+00  }
0x204: {  	v3 =	vadd.f32 v57, v56;
	v2 =	vmax.f32 v2, $0.0e+00;
	[tilespmem:s18+$0xC980] =	vst v1;
	v1 =	vadd.f32 v55, v54  }
0x205: {  	s14 =	sadd.s32 $0x1, s14;
	v0 =	vadd.f32 v4, v0;
	[tilespmem:s18+$0xC990] =	vst v2;
	v2 =	vadd.f32 v59, v58  }
0x206: {  	p1 =	sne.s32 s14, $0x7C;
	v1 =	vadd.f32 v3, v1  }
.Ltmp3:
0x207: {  	s15 =	sadd.s32 s15, s25;
	v0 =	vmax.f32 v0, $0.0e+00;
	v2 =	vadd.f32 v61, v2;
	(pc) =	sbr.rel @p1 .LBB2_4-.Ltmp3, $4  }
0x208: {  	s15 =	smul.u32 $0x320, s15;
	[tilespmem:s18+$0xC9A0] =	vst v0;
	v62 =	vmax.f32 v1, $0.0e+00  }
0x209: {  	v63 =	vmax.f32 v2, $0.0e+00;
	[tilespmem:s18+$0xC9B0] =	vst v62  }
0x20a: {  	s15 =	sadd.s32 s1, s15;
	[tilespmem:s18+$0xC9C0] =	vst v63  }
0x20b: {  	[hbm4b:s15+s3] =	stream.linear.scatter [tilespmem:s26], [sflag:$0x5], $0x1900, $0x38;
	[tilespmem:$0x19B40] =	vst v63  }
0x20c: {  	_ =	swait.ge [sflag:s28], $0x6400  }
0x20d: {  	[sflag:s28] =	ssyncset.done $0x0  }
0x20e: {  	s18 =	simm.s32 $0x6;
	[sflag:s28] =	ssyncadd.s32 $0xFFFF9C00  }
0x20f: {  	_ =	swait.ge [sflag:s18], $0x1900  }
0x210: {  	[sflag:s18] =	ssyncset.done $0x0  }
0x211: {  	s14 =	simm.s32 $0x0;
	[sflag:s18] =	ssyncadd.s32 $0xFFFFE700  }
0x212: {  	v0 =	vld [tilespmem:s14+$0x65D0]  }
0x213: {  	v1 =	vld [tilespmem:s14+$0x7ED0]  }
0x214: {  	v2 =	vld [tilespmem:s14+$0x97D0]  }
0x215: {  	v3 =	vld [tilespmem:s14+$0xB0D0]  }
0x216: {  	v4 =	vld [tilespmem:s14+$0x6540]  }
0x217: {  	v5 =	vld [tilespmem:s14+$0x7E40]  }
0x218: {  	v6 =	vld [tilespmem:s14+$0x9740]  }
0x219: {  	v7 =	vld [tilespmem:s14+$0xB040]  }
0x21a: {  	v8 =	vld [tilespmem:s14+$0x6550]  }
0x21b: {  	v9 =	vld [tilespmem:s14+$0x6560]  }
0x21c: {  	v62 =	vld [tilespmem:s14+$0x6590]  }
0x21d: {  	v0 =	vadd.f32 v1, v0;
	v1 =	vadd.f32 v3, v2;
	v2 =	vld [tilespmem:s14+$0x7E50]  }
0x21e: {  	v3 =	vld [tilespmem:s14+$0x9750]  }
0x21f: {  	v0 =	vadd.f32 v1, v0;
	v1 =	vld [tilespmem:s14+$0xB050]  }
0x220: {  	v4 =	vadd.f32 v5, v4;
	v5 =	vadd.f32 v7, v6;
	v6 =	vld [tilespmem:s14+$0x7E60]  }
0x221: {  	v7 =	vld [tilespmem:s14+$0x6570];
	v0 =	vmax.f32 v0, $0.0e+00  }
0x222: {  	[tilespmem:s14+$0xE2D0] =	vst v0;
	v0 =	vadd.f32 v5, v4;
	v4 =	vld [tilespmem:s14+$0x9760]  }
0x223: {  	v5 =	vld [tilespmem:s14+$0xB060]  }
0x224: {  	v2 =	vadd.f32 v2, v8;
	v0 =	vmax.f32 v0, $0.0e+00;
	v1 =	vadd.f32 v1, v3;
	v3 =	vld [tilespmem:s14+$0xB070]  }
0x225: {  	[tilespmem:s14+$0xE240] =	vst v0;
	v0 =	vld [tilespmem:s14+$0x7E70]  }
0x226: {  	v1 =	vadd.f32 v1, v2;
	v2 =	vld [tilespmem:s14+$0x9770]  }
0x227: {  	v8 =	vld [tilespmem:s14+$0x6580]  }
0x228: {  	v6 =	vadd.f32 v6, v9;
	v4 =	vadd.f32 v5, v4;
	v5 =	vld [tilespmem:s14+$0x9780];
	v1 =	vmax.f32 v1, $0.0e+00  }
0x229: {  	[tilespmem:s14+$0xE250] =	vst v1;
	v1 =	vld [tilespmem:s14+$0x7E80]  }
0x22a: {  	v4 =	vadd.f32 v4, v6;
	v6 =	vld [tilespmem:s14+$0xB080]  }
0x22b: {  	v0 =	vadd.f32 v0, v7;
	v7 =	vld [tilespmem:s14+$0x65A0];
	v2 =	vadd.f32 v3, v2  }
0x22c: {  	v4 =	vmax.f32 v4, $0.0e+00;
	v3 =	vld [tilespmem:s14+$0x7E90]  }
0x22d: {  	[tilespmem:s14+$0xE260] =	vst v4;
	v4 =	vld [tilespmem:s14+$0xB090];
	v0 =	vadd.f32 v2, v0  }
0x22e: {  	v2 =	vld [tilespmem:s14+$0x9790]  }
0x22f: {  	v1 =	vadd.f32 v1, v8;
	v5 =	vadd.f32 v6, v5;
	v6 =	vld [tilespmem:s14+$0xB0A0];
	v0 =	vmax.f32 v0, $0.0e+00  }
0x230: {  	[tilespmem:s14+$0xE270] =	vst v0;
	v0 =	vld [tilespmem:s14+$0x7EA0]  }
0x231: {  	v1 =	vadd.f32 v5, v1;
	v5 =	vld [tilespmem:s14+$0x97A0]  }
0x232: {  	v63 =	vld [tilespmem:s14+$0xB0B0]  }
0x233: {  	v8 =	vld [tilespmem:s14+$0x65B0];
	v3 =	vadd.f32 v3, v62;
	v1 =	vmax.f32 v1, $0.0e+00;
	v2 =	vadd.f32 v4, v2  }
0x234: {  	[tilespmem:s14+$0xE280] =	vst v1;
	v1 =	vld [tilespmem:s14+$0x7EB0]  }
0x235: {  	v2 =	vadd.f32 v2, v3;
	v3 =	vld [tilespmem:s14+$0x97B0]  }
0x236: {  	v10 =	vld [tilespmem:s14+$0x65C0];
	v0 =	vadd.f32 v0, v7;
	v4 =	vadd.f32 v6, v5  }
0x237: {  	v5 =	vld [tilespmem:s14+$0x7EC0];
	v2 =	vmax.f32 v2, $0.0e+00  }
0x238: {  	[tilespmem:s14+$0xE290] =	vst v2;
	v2 =	vld [tilespmem:s14+$0x97C0];
	v6 =	vadd.f32 v4, v0  }
0x239: {  	s15 =	simm.s32 $0xA0;
	v4 =	vld [tilespmem:s14+$0xB0C0]  }
0x23a: {  	v0 =	vld [tilespmem:s15+$0x65D0];
	v7 =	vadd.f32 v1, v8;
	v6 =	vmax.f32 v6, $0.0e+00;
	v8 =	vadd.f32 v63, v3  }
0x23b: {  	v1 =	vld [tilespmem:s15+$0x7ED0];
	[tilespmem:s14+$0xE2A0] =	vst v6  }
0x23c: {  	s17 =	simm.s32 $0x500;
	v5 =	vadd.f32 v5, v10;
	v3 =	vld [tilespmem:s15+$0x97D0];
	v6 =	vadd.f32 v8, v7  }
.LBB2_10:
0x23d: {  	p1 =	sne.s32 s17, $0x6180;
	v7 =	vld [tilespmem:s15+$0xB0D0]  }
0x23e: {  	v8 =	vld [tilespmem:s15+$0x6540];
	v6 =	vmax.f32 v6, $0.0e+00;
	v2 =	vadd.f32 v4, v2  }
0x23f: {  	v4 =	vld [tilespmem:s15+$0x7E40];
	[tilespmem:s14+$0xE2B0] =	vst v6  }
0x240: {  	v6 =	vld [tilespmem:s15+$0x9740];
	v2 =	vadd.f32 v2, v5  }
0x241: {  	v5 =	vld [tilespmem:s15+$0xB040]  }
0x242: {  	v0 =	vadd.f32 v1, v0;
	v9 =	vld [tilespmem:s15+$0x6550];
	v1 =	vadd.f32 v7, v3;
	v2 =	vmax.f32 v2, $0.0e+00  }
0x243: {  	v3 =	vld [tilespmem:s15+$0x7E50];
	[tilespmem:s14+$0xE2C0] =	vst v2;
	s14 =	smov.u32 s15  }
0x244: {  	v2 =	vadd.f32 v4, v8;
	v4 =	vld [tilespmem:s14+$0x9750];
	v0 =	vadd.f32 v1, v0  }
0x245: {  	v1 =	vld [tilespmem:s14+$0xB050]  }
0x246: {  	v5 =	vadd.f32 v5, v6;
	v6 =	vld [tilespmem:s14+$0x6560];
	v0 =	vmax.f32 v0, $0.0e+00  }
0x247: {  	v7 =	vld [tilespmem:s14+$0x7E60];
	[tilespmem:s14+$0xE2D0] =	vst v0  }
0x248: {  	v0 =	vadd.f32 v5, v2;
	v2 =	vadd.f32 v3, v9;
	v3 =	vld [tilespmem:s14+$0x9760]  }
0x249: {  	v5 =	vld [tilespmem:s14+$0xB060]  }
0x24a: {  	v0 =	vmax.f32 v0, $0.0e+00;
	v1 =	vadd.f32 v1, v4;
	v4 =	vld [tilespmem:s14+$0x6570]  }
0x24b: {  	[tilespmem:s14+$0xE240] =	vst v0;
	v0 =	vld [tilespmem:s14+$0x7E70]  }
0x24c: {  	v1 =	vadd.f32 v1, v2;
	v2 =	vadd.f32 v7, v6;
	v6 =	vld [tilespmem:s14+$0x9770]  }
0x24d: {  	v7 =	vld [tilespmem:s14+$0xB070]  }
0x24e: {  	v1 =	vmax.f32 v1, $0.0e+00;
	v3 =	vadd.f32 v5, v3;
	v5 =	vld [tilespmem:s14+$0x6580]  }
0x24f: {  	[tilespmem:s14+$0xE250] =	vst v1;
	v1 =	vld [tilespmem:s14+$0x7E80]  }
0x250: {  	v2 =	vadd.f32 v3, v2;
	v0 =	vadd.f32 v0, v4;
	v3 =	vld [tilespmem:s14+$0x9780]  }
0x251: {  	v4 =	vld [tilespmem:s14+$0xB080]  }
0x252: {  	v2 =	vmax.f32 v2, $0.0e+00;
	v6 =	vadd.f32 v7, v6;
	v7 =	vld [tilespmem:s14+$0x6590]  }
0x253: {  	[tilespmem:s14+$0xE260] =	vst v2;
	v2 =	vld [tilespmem:s14+$0x7E90]  }
0x254: {  	v0 =	vadd.f32 v6, v0;
	v1 =	vadd.f32 v1, v5;
	v5 =	vld [tilespmem:s14+$0x9790]  }
0x255: {  	v6 =	vld [tilespmem:s14+$0xB090]  }
0x256: {  	v0 =	vmax.f32 v0, $0.0e+00;
	v3 =	vadd.f32 v4, v3;
	v4 =	vld [tilespmem:s14+$0x65A0]  }
0x257: {  	[tilespmem:s14+$0xE270] =	vst v0;
	v0 =	vld [tilespmem:s14+$0x7EA0]  }
0x258: {  	v1 =	vadd.f32 v3, v1;
	v2 =	vadd.f32 v2, v7;
	v3 =	vld [tilespmem:s14+$0x97A0]  }
0x259: {  	v7 =	vld [tilespmem:s14+$0xB0A0]  }
0x25a: {  	v1 =	vmax.f32 v1, $0.0e+00;
	v5 =	vadd.f32 v6, v5;
	v6 =	vld [tilespmem:s14+$0x65B0]  }
0x25b: {  	[tilespmem:s14+$0xE280] =	vst v1;
	v1 =	vld [tilespmem:s14+$0x7EB0]  }
0x25c: {  	v2 =	vadd.f32 v5, v2;
	v0 =	vadd.f32 v0, v4;
	v5 =	vld [tilespmem:s14+$0x97B0]  }
0x25d: {  	v8 =	vld [tilespmem:s14+$0xB0B0]  }
0x25e: {  	v2 =	vmax.f32 v2, $0.0e+00;
	v3 =	vadd.f32 v7, v3;
	v7 =	vld [tilespmem:s14+$0x65C0]  }
0x25f: {  	[tilespmem:s14+$0xE290] =	vst v2;
	v9 =	vld [tilespmem:s14+$0x7EC0]  }
.Ltmp4:
0x260: {  	v3 =	vadd.f32 v3, v0;
	v6 =	vadd.f32 v1, v6;
	v2 =	vld [tilespmem:s14+$0x97C0];
	(pc) =	sbr.rel @p1 .LBB2_10-.Ltmp4, $4  }
0x261: {  	s15 =	sshra.s32 s17, $0x2;
	v4 =	vld [tilespmem:s14+$0xB0C0]  }
0x262: {  	v0 =	vld [tilespmem:s15+$0x65D0];
	v3 =	vmax.f32 v3, $0.0e+00;
	v5 =	vadd.f32 v8, v5  }
0x263: {  	v1 =	vld [tilespmem:s15+$0x7ED0];
	[tilespmem:s14+$0xE2A0] =	vst v3  }
0x264: {  	s17 =	sadd.s32 $0x280, s17;
	v3 =	vld [tilespmem:s15+$0x97D0];
	v6 =	vadd.f32 v5, v6;
	v5 =	vadd.f32 v9, v7  }
0x265: {  	v7 =	vld [tilespmem:s15+$0xB0D0]  }
0x266: {  	v8 =	vld [tilespmem:s15+$0x6540];
	v6 =	vmax.f32 v6, $0.0e+00;
	v2 =	vadd.f32 v4, v2  }
0x267: {  	v9 =	vld [tilespmem:s15+$0x7E40];
	[tilespmem:s14+$0xE2B0] =	vst v6  }
0x268: {  	v28 =	vld [tilespmem:s15+$0x9740];
	v2 =	vadd.f32 v2, v5  }
0x269: {  	v29 =	vld [tilespmem:s15+$0xB040]  }
0x26a: {  	v6 =	vld [tilespmem:s15+$0x6550];
	v2 =	vmax.f32 v2, $0.0e+00  }
0x26b: {  	v10 =	vld [tilespmem:s15+$0x7E50];
	[tilespmem:s14+$0xE2C0] =	vst v2  }
0x26c: {  	v2 =	vld [tilespmem:s15+$0x9750]  }
0x26d: {  	v31 =	vld [tilespmem:s15+$0xB050]  }
0x26e: {  	v32 =	vld [tilespmem:s15+$0x6560]  }
0x26f: {  	v34 =	vld [tilespmem:s15+$0x7E60]  }
0x270: {  	v36 =	vld [tilespmem:s15+$0x9760]  }
0x271: {  	v37 =	vld [tilespmem:s15+$0xB060]  }
0x272: {  	v38 =	vld [tilespmem:s15+$0x6570]  }
0x273: {  	v39 =	vld [tilespmem:s15+$0x7E70]  }
0x274: {  	v40 =	vld [tilespmem:s15+$0x9770]  }
0x275: {  	v41 =	vld [tilespmem:s15+$0xB070]  }
0x276: {  	v42 =	vld [tilespmem:s15+$0x6580]  }
0x277: {  	v43 =	vld [tilespmem:s15+$0x7E80]  }
0x278: {  	v44 =	vld [tilespmem:s15+$0x9780]  }
0x279: {  	v45 =	vld [tilespmem:s15+$0xB080]  }
0x27a: {  	v46 =	vld [tilespmem:s15+$0x6590]  }
0x27b: {  	v47 =	vld [tilespmem:s15+$0x7E90]  }
0x27c: {  	v48 =	vld [tilespmem:s15+$0x9790]  }
0x27d: {  	v49 =	vld [tilespmem:s15+$0xB090]  }
0x27e: {  	v50 =	vld [tilespmem:s15+$0x65A0]  }
0x27f: {  	v51 =	vld [tilespmem:s15+$0x7EA0]  }
0x280: {  	v0 =	vadd.f32 v1, v0;
	v30 =	vadd.f32 v7, v3;
	v52 =	vld [tilespmem:s15+$0x97A0]  }
0x281: {  	v33 =	vadd.f32 v9, v8;
	v53 =	vld [tilespmem:s15+$0xB0A0];
	v4 =	vadd.f32 v29, v28  }
0x282: {  	v0 =	vadd.f32 v30, v0;
	v54 =	vld [tilespmem:s15+$0x65B0];
	v6 =	vadd.f32 v10, v6  }
0x283: {  	v55 =	vld [tilespmem:s15+$0x7EB0];
	v35 =	vadd.f32 v4, v33;
	v1 =	vadd.f32 v31, v2  }
0x284: {  	v56 =	vld [tilespmem:s15+$0x97B0];
	v0 =	vmax.f32 v0, $0.0e+00;
	v3 =	vadd.f32 v34, v32;
	v4 =	vadd.f32 v37, v36  }
0x285: {  	v60 =	vld [tilespmem:s15+$0x97C0];
	[tilespmem:s15+$0xE2D0] =	vst v0;
	v0 =	vmax.f32 v35, $0.0e+00;
	v2 =	vadd.f32 v41, v40;
	v1 =	vadd.f32 v1, v6  }
0x286: {  	v11 =	vld [tilespmem:s15+$0xB0C0];
	[tilespmem:s15+$0xE240] =	vst v0;
	v0 =	vadd.f32 v39, v38;
	v3 =	vadd.f32 v4, v3  }
0x287: {  	v57 =	vld [tilespmem:s15+$0xB0B0];
	v4 =	vadd.f32 v45, v44;
	v1 =	vmax.f32 v1, $0.0e+00  }
0x288: {  	v58 =	vld [tilespmem:s15+$0x65C0];
	v0 =	vadd.f32 v2, v0;
	v3 =	vmax.f32 v3, $0.0e+00;
	[tilespmem:s15+$0xE250] =	vst v1;
	v1 =	vadd.f32 v43, v42  }
0x289: {  	v59 =	vld [tilespmem:s15+$0x7EC0];
	v2 =	vadd.f32 v49, v48;
	[tilespmem:s15+$0xE260] =	vst v3;
	v3 =	vadd.f32 v47, v46  }
0x28a: {  	v1 =	vadd.f32 v4, v1  }
0x28b: {  	v61 =	vadd.f32 v11, v60;
	v0 =	vmax.f32 v0, $0.0e+00;
	v2 =	vadd.f32 v2, v3  }
0x28c: {  	[tilespmem:s15+$0xE270] =	vst v0;
	v0 =	vadd.f32 v51, v50;
	v4 =	vadd.f32 v53, v52;
	v1 =	vmax.f32 v1, $0.0e+00  }
0x28d: {  	v3 =	vadd.f32 v57, v56;
	v2 =	vmax.f32 v2, $0.0e+00;
	[tilespmem:s15+$0xE280] =	vst v1;
	v1 =	vadd.f32 v55, v54  }
0x28e: {  	v0 =	vadd.f32 v4, v0;
	[tilespmem:s15+$0xE290] =	vst v2;
	v2 =	vadd.f32 v59, v58  }
0x28f: {  	v1 =	vadd.f32 v3, v1  }
0x290: {  	v0 =	vmax.f32 v0, $0.0e+00;
	v2 =	vadd.f32 v61, v2  }
0x291: {  	[tilespmem:s15+$0xE2A0] =	vst v0;
	v62 =	vmax.f32 v1, $0.0e+00  }
0x292: {  	v63 =	vmax.f32 v2, $0.0e+00;
	[tilespmem:s15+$0xE2B0] =	vst v62  }
0x293: {  	s17 =	rddreg [dreg:$0x12];
	[tilespmem:s15+$0xE2C0] =	vst v63  }
0x294: {  	[hbm4b:s17+s3] =	stream.linear.scatter [tilespmem:s12], [sflag:$0x6], $0x1900, $0x38;
	[tilespmem:$0x19B40] =	vst v63  }
0x295: {  	_ =	swait.ge [sflag:s13], $0x1900  }
0x296: {  	[sflag:s13] =	ssyncset.done $0x0  }
0x297: {  	[sflag:s13] =	ssyncadd.s32 $0xFFFFE700  }
0x298: {  	_ =	swait.ge [sflag:s18], $0x1900  }
0x299: {  	s19 =	rddreg [dreg:$0x14]  }
0x29a: {  	s20 =	rddreg [dreg:$0x13];
	s15 =	sadd.s32 $0x1, s19  }
0x29b: {  	p1 =	sne.s32 s15, s20  }
.Ltmp5:
0x29c: {  	_ = 	snop;
	(pc) =	sbr.rel @p1 .LBB2_1-.Ltmp5, $3  }
0x29d: {  	_ =	sdelay $0x1  }
0x29e: {  	[sflag:s18] =	ssyncset.done $0x0  }
0x29f: {  	[sflag:s18] =	ssyncadd.s32 $0xFFFFE700  }
0x2a0: {  	_ =	sfence.sel $0x180000  }
0x2a1: {  	[bflag:$0x0] =	sbarrier.arrive $0xFFFF  }
0x2a2: {  	_ =	strace $0x90000047  }
0x2a3: {  	[bflag:$0x2] =	sbarrier.arrive $0xFFFF  }
0x2a4: {  	s0 =	rddreg [dreg:$0x3]  }
0x2a5: {  	s0 =	sadd.s32 @!p0 $0x100000, s0  }
0x2a6: {  	[sflag:s0] =	ssyncadd.tile.s32 @!p0 $0x1;
	_ =	shalt  }
.Lfunc_end2:
_tile_overlayer_lowered:
.L_overlay_start_2:
0x2a7: {  	(tag) =	ssettag $0x2  }
0x2a8: {  	s0 =	rddreg [dreg:$0x0];
	s2 =	stileid.u32  }
0x2a9: {  	s1 =	rddreg [dreg:$0x1];
	p0 =	sne.s32 s2, $0x0  }
0x2aa: {  	s3 =	rddreg [dreg:$0x2];
	[bflag:$0x3] =	sbarrier.arrive $0xFFFF;
	s2 =	simm.s32 @!p0 $0x1C07  }
0x2ab: {  	[timem:s3], [sflag:s2] =	dma.local @!p0 [hbm:s0], s1  }
0x2ac: {  	s0 =	simm.s32 @!p0 $0x7  }
0x2ad: {  	_ =	swait.ge @!p0 [sflag:s0], s1  }
0x2ae: {  	s1 =	ssub.s32 @!p0 $0x0, s1;
	[sflag:s0] =	ssyncset.done @!p0 $0x0  }
0x2af: {  	[sflag:s0] =	ssyncadd.s32 @!p0 s1  }
0x2b0: {  	[bflag:$0x3] =	sbarrier.arrive $0xFFFF  }
0x2b1: {  	_ =	shalt  }

// kernel: sparse-core-data-format-call.cloned.1.call-start
scs
called_computation_lowered:
.L_overlay_start_0:
0x0: {  	s2 =	sld [smem:$0x3FD9]  }
0x1: {  	s3 =	sld [smem:$0x3FFE];
	_ =	sdelay $0x1  }
0x2: {  	s1 =	srdreg.scid  }
0x3: {  	s0 =	sand.u32 $0x1, s1  }
0x4: {  	s18 =	sshll.u32 s0, $0xA;
	s2 =	sadd.s32 s3, s2  }
0x5: {  	s2 =	sadd.s32 s2, s18  }
0x6: {  	[smem:$0x3FC3] =	sst s2  }
0x7: {  	_ = 	snop  }
0x8: {  	s2 =	sld [smem:$0x3FD0];
	(tm) =	ssettm $0x1  }
0x9: {  	s19 =	sld [smem:$0x3FFB];
	_ =	sdelay $0x3  }
0xa: {  	_ =	strace s19  }
0xb: {  	s3 =	sld [smem:$0x3FFC];
	_ =	sdelay $0x3  }
0xc: {  	_ =	strace s3  }
0xd: {  	s3 =	sld [smem:$0x3FFD];
	_ =	sdelay $0x3  }
0xe: {  	_ =	strace s3  }
0xf: {  	_ =	strace $0x8FFFFFFF  }
0x10: {  	s20 =	sld [smem:$0x3FDB];
	_ =	sdelay $0x1  }
0x11: {  	s4 =	simm.s32 $_scs_section_size  }
0x12: {  	s5 =	simm.s32 $_size__tile_overlayer_lowered;
	s6 =	simm.s32 $_tile_overlayer_lowered  }
0x13: {  	s23 =	simm.s32 $0x1BFF;
	s22 =	sshll.u32 s6, $0x1;
	s3 =	sadd.s32 s4, s20  }
0x14: {  	s7 =	simm.s32 $0x0;
	s21 =	sshll.u32 s5, $0x1;
	s5 =	sadd.s32 s22, s3  }
0x15: {  	[timem:s7], [sflag:s23] =	dma.local [hbm:s5], s21  }
0x16: {  	_ =	swait.ge [sflag:s23], s21  }
0x17: {  	s4 =	ssub.s32 $0x0, s21;
	[sflag:s23] =	ssyncset.done $0x0  }
0x18: {  	[sflag:s23] =	ssyncadd.s32 s4;
	_ =	sdelay $0x1  }
0x19: {  	s24 =	simm.s32 $0x1B8B  }
0x1a: {  	_ =	swait.ge [sflag:s24], $0x1  }
0x1b: {  	[sflag:s24] =	ssyncset.done $0x0  }
0x1c: {  	s26 =	simm.s32 $0x1B8E;
	s25 =	sld [smem:$0x3FFE];
	[sflag:s24] =	ssyncadd.s32 $0xFFFFFFFF  }
0x1d: {  	s27 =	simm.s32 $execute0_lowered;
	[smem:$0x3FD2] =	sst s26  }
0x1e: {  	s5 =	sshll.u32 s27, $0x1;
	_ =	strace $0x80000049;
	[dreg:$0x1] =	wrdreg $0xFFFFFFFF  }
0x1f: {  	s28 =	simm.s32 $_size_execute0_lowered;
	s3 =	sadd.s32 s3, s5;
	[dreg:$0x0] =	wrdreg $0x0  }
0x20: {  	s5 =	sshll.u32 s28, $0x1;
	[dreg:$0x2] =	wrdreg s3  }
0x21: {  	[dreg:$0x3] =	wrdreg s5  }
0x22: {  	[dreg:$0x4] =	wrdreg $0xC0  }
0x23: {  	_ =	task [dreg:s7], $0x5FFFF  }
0x24: {  	[dreg:$0x1] =	wrdreg $0xFFFFFFFF  }
0x25: {  	[dreg:$0x0] =	wrdreg $0x60  }
0x26: {  	[dreg:$0x2] =	wrdreg s25  }
0x27: {  	[dreg:$0x3] =	wrdreg s2  }
0x28: {  	[dreg:$0x4] =	wrdreg $0x9  }
0x29: {  	_ =	task.clear_ibuf [dreg:s7], $0x5FFFF;
	_ =	strace $0x90000049  }
0x2a: {  	s29 =	simm.s32 $0x9;
	_ =	strace $0x8000004B  }
0x2b: {  	_ =	swait.ge [sflag:s29], $0x1  }
0x2c: {  	[sflag:s29] =	ssyncadd.s32 $0xFFFFFFFF  }
0x2d: {  	_ =	strace $0x9000004B  }
0x2e: {  	_ =	sfence  }
0x2f: {  	s30 =	sld [smem:$0x0];
	_ =	sdelay $0x2  }
0x30: {  	s31 =	sshll.u32 s1, $0xD;
	s1 =	sshrl.u32 s1, $0x2  }
0x31: {  	s3 =	sand.u32 $0x4000, s31;
	s1 =	sadd.s32 s1, s30  }
0x32: {  	s0 =	sor.u32 s3, s0;
	s1 =	sshll.u32 s1, $0x11  }
0x33: {  	s0 =	sor.u32 s1, s0  }
0x34: {  	s0 =	sadd.s32 $0x8F2B, s0  }
0x35: {  	[sflag:s0] =	ssyncadd.remote.s32 $0x1  }
0x36: {  	_ =	sfence.sel $0xFFFF  }
0x37: {  	[dreg:$0x0] =	wrdreg $0xFFFFFFFF;
	(pc) =	sbr.abs _section_cstart, $3  }
0x38: {  	[dreg:$0x1] =	wrdreg $0xFFFFFFFF  }
0x39: {  	_ =	task.clear_ibuf [dreg:s7], $0x2FFFF;
	_ =	strace $0x9FFFFFFF  }
0x3a: {  	(tm) =	ssettm $0x7FFFFFFF  }
0x3b: {  	_ =	shalt  }
tec
execute0_lowered:
.L_overlay_start_1:
0x0: {  	(tag) =	ssettag $0x1  }
0x1: {  	s0 =	rddreg [dreg:$0x0];
	s1 =	srdreg.scid  }
0x2: {  	s2 =	stileid.u32;
	_ =	strace $0x8000004A;
	s29 =	simm.s32 $0x1  }
0x3: {  	s31 =	simm.s32 $0x2;
	s17 =	simm.s32 $0x0;
	s18 =	simm.s32 $0x0  }
0x4: {  	s19 =	simm.s32 $0x0;
	s11 =	simm.s32 $0x0;
	s20 =	simm.s32 $0x0  }
0x5: {  	s13 =	simm.s32 $0x0;
	s14 =	simm.s32 $0x0;
	s15 =	simm.s32 $0x0  }
0x6: {  	s12 =	simm.s32 $0x0;
	s1 =	sshll.u32 s1, $0x7;
	s28 =	sshll.u32 s2, $0x4  }
0x7: {  	s7 =	sand.u32 $0x7, s2;
	s6 =	sand.u32 $0x80, s1;
	s4 =	sand.u32 $0x80, s28  }
.Ltmp0:
0x8: {  	[dreg:$0x4] =	wrdreg s7;
	s30 =	smax.u32 s4, $0x48;
	(pc) =	sbr.rel .LBB1_1-.Ltmp0, $4  }
0x9: {  	s0 =	sadd.s32 s6, s0;
	s3 =	sshll.u32 s4, $0x5;
	s1 =	sshll.u32 s30, $0x7  }
0xa: {  	[dreg:$0x3] =	wrdreg s4;
	s0 =	sadd.s32 s3, s0;
	s8 =	sxor.u32 $0x6400, s1  }
0xb: {  	[sflag:s29] =	ssyncpa.u1 $0x0;
	s9 =	sadd.s32 $0x1000, s0;
	[dreg:$0x5] =	wrdreg s8  }
0xc: {  	[sflag:s31] =	ssyncpa.u1 $0x0;
	s16 =	smov.u32 s7;
	[dreg:$0x6] =	wrdreg s9  }
.LBB1_11:
0xd: {  	p0 =	sgt.s32 s11, $0x20;
	s1 =	smul.u32 $0xFA000, s14  }
0xe: {  	s0 =	smov.u32 s11;
	s2 =	smul.u32 $0x1400, s13;
	s3 =	rddreg [dreg:$0x1]  }
0xf: {  	s29 =	sshll.u32 s11, $0x5;
	s30 =	sor.u32 $0x8000, s25;
	s0 =	simm.s32 @!p0 $0x20  }
0x10: {  	s31 =	simm.s32 $0x400;
	s6 =	smov.u32 s4;
	s0 =	sshll.u32 s0, $0x7  }
0x11: {  	s4 =	rddreg [dreg:$0x3];
	s1 =	sadd.s32 s3, s1;
	s0 =	ssub.s32 $0x5000, s0  }
0x12: {  	s7 =	rddreg [dreg:$0x4];
	s1 =	sadd.s32 s2, s1;
	s0 =	smul.u32 s21, s0  }
0x13: {  	s5 =	simm.s32 $0x800;
	s8 =	rddreg [dreg:$0x5];
	s1 =	sadd.s32 s20, s1  }
0x14: {  	s9 =	rddreg [dreg:$0x6];
	s1 =	sadd.s32 s29, s1;
	s0 =	sand.u32 $0x3FFFFF80, s0  }
0x15: {  	[hbm4b:s1+s31] =	stream.strided.scatter [tilespmem:s30], [sflag:$0x2], s0, s5, s31, $0x20;
	[tilespmem:$0x10100] =	vst v63  }
.LBB1_12:
0x16: {  	p0 =	slt.u32 s12, $0x2;
	s1 =	smov.u32 s19;
	s2 =	smov.u32 s18  }
0x17: {  	p1 =	sgt.s32 @!p0 s19, $0x7;
	s0 =	sshra.s32 @!p0 s19, $0x1F;
	p2 =	sgt.s32 @!p0 s18, $0xC7  }
0x18: {  	p1 =	por !p1, p0;
	s0 =	sand.u32 @!p0 s0, s19;
	p2 =	por !p2, p0  }
0x19: {  	s1 =	simm.s32 @p1 $0x7;
	s2 =	simm.s32 @p2 $0xC7;
	p1 =	sgt.s32 @!p0 s17, $0x20  }
0x1a: {  	s0 =	ssub.s32 @!p0 s1, s0;
	s1 =	sshra.s32 @!p0 s18, $0x1F;
	p1 =	por !p1, p0  }
0x1b: {  	s1 =	sand.u32 @!p0 s1, s18;
	s3 =	sadd.s32 @!p0 $0xFFFFFFF9, s0;
	s17 =	simm.s32 @p1 $0x20  }
0x1c: {  	s0 =	ssub.s32 @!p0 $0x8, s0;
	p1 =	sgt.s32 @!p0 s3, $0x0;
	s1 =	ssub.s32 @!p0 s2, s1  }
0x1d: {  	s3 =	sshll.u32 @!p0 s17, $0x7;
	p1 =	por !p1, p0;
	s2 =	sadd.s32 @!p0 $0xFFFFFF39, s1  }
0x1e: {  	s0 =	simm.s32 @!p1 $0x0;
	p1 =	sgt.s32 @!p0 s2, $0x0;
	s2 =	ssub.s32 @!p0 $0x5000, s3  }
0x1f: {  	s1 =	ssub.s32 @!p0 $0xC8, s1;
	p1 =	por !p1, p0;
	s0 =	smul.u32 @!p0 s0, s2  }
0x20: {  	s1 =	simm.s32 @!p1 $0x0  }
0x21: {  	s0 =	smul.u32 @!p0 s1, s0;
	s1 =	sadd.s32 $0x1, s15  }
0x22: {  	s5 =	smov.u32 s16;
	s3 =	sadd.s32 $0x8, s16;
	p1 =	sgt.s32 s1, $0xC7  }
0x23: {  	s5 =	smov.u32 @p1 s3  }
0x24: {  	s12 =	sadd.s32 $0x1, s12;
	s1 =	simm.s32 @p1 $0x0;
	p1 =	sgt.s32 s5, $0x7  }
0x25: {  	s20 =	smov.u32 s4;
	s5 =	smov.u32 @p1 s7;
	p1 =	sne.s32 s12, $0xCA  }
.Ltmp1:
0x26: {  	s19 =	smov.u32 s14;
	s14 =	smov.u32 s16;
	(pc) =	sbr.rel @!p1 .LBB1_13-.Ltmp1, $4  }
0x27: {  	s18 =	smov.u32 s13;
	s2 =	simm.s32 @!p0 $0x2;
	s0 =	sand.u32 @!p0 $0x3FFFFF80, s0  }
0x28: {  	s13 =	smov.u32 s15;
	s17 =	smov.u32 s11;
	_ =	swait.ge @!p0 [sflag:s2], s0  }
0x29: {  	s11 =	smov.u32 s6;
	s0 =	ssub.s32 @!p0 $0x0, s0;
	[sflag:s2] =	ssyncset.done @!p0 $0x0  }
0x2a: {  	s15 =	smov.u32 s1;
	[sflag:s2] =	ssyncadd.s32 @!p0 s0;
	s16 =	smov.u32 s5  }
.LBB1_1:
0x2b: {  	p0 =	sgt.u32 s12, $0xC7  }
0x2c: {  	s0 =	smov.u32 s16;
	p1 =	sgt.s32 @!p0 s16, $0x7  }
0x2d: {  	s1 =	sshra.s32 @!p0 s16, $0x1F;
	s2 =	sshra.s32 @!p0 s15, $0x1F;
	p1 =	por !p1, p0  }
0x2e: {  	s1 =	sand.u32 @!p0 s1, s16;
	s0 =	simm.s32 @p1 $0x7;
	p1 =	sgt.s32 @!p0 s15, $0xC7  }
0x2f: {  	s0 =	ssub.s32 @!p0 s0, s1;
	p1 =	por !p1, p0;
	s1 =	smov.u32 s15  }
0x30: {  	s2 =	sand.u32 @!p0 s2, s15;
	s3 =	sadd.s32 @!p0 $0xFFFFFFF9, s0;
	s1 =	simm.s32 @p1 $0xC7  }
0x31: {  	p1 =	sgt.s32 @!p0 s3, $0x0;
	s1 =	ssub.s32 @!p0 s1, s2  }
0x32: {  	s0 =	ssub.s32 @!p0 $0x8, s0;
	p1 =	por !p1, p0;
	s2 =	sadd.s32 @!p0 $0xFFFFFF39, s1  }
0x33: {  	s0 =	simm.s32 @!p1 $0x0;
	p1 =	sgt.s32 @!p0 s2, $0x0;
	s2 =	smul.u32 @!p0 $0x138800, s16  }
0x34: {  	s1 =	ssub.s32 @!p0 $0xC8, s1;
	p1 =	por !p1, p0;
	s0 =	smul.u32 @!p0 s0, s8  }
0x35: {  	s3 =	smul.u32 @!p0 $0x1900, s15;
	s1 =	simm.s32 @!p1 $0x0  }
0x36: {  	s2 =	sadd.s32 @!p0 s2, s9;
	s0 =	smul.u32 @!p0 s1, s0;
	s1 =	sxor.u32 @!p0 $0xFFFFFFFF, s12  }
0x37: {  	s5 =	simm.s32 @!p0 $0x800;
	s2 =	sadd.s32 @!p0 s3, s2;
	s1 =	sshll.u32 @!p0 s1, $0xE  }
0x38: {  	s3 =	simm.s32 @!p0 $0x400;
	s1 =	sand.u32 @!p0 $0x4000, s1;
	s0 =	sand.u32 @!p0 $0x3FFFFC00, s0  }
0x39: {  	[tilespmem:s1], [sflag:$0x1] =	stream.strided.gather @!p0 [hbm4b:s2+s3], s0, s5, s3, $0x38;
	[tilespmem:$0x10100] =	vst v63  }
0x3a: {  	p0 =	seq.s32 s12, $0x0  }
0x3b: {  	p1 =	seq.s32 @!p0 s12, $0xC9  }
0x3c: {  	p0 =	por p0, p1  }
.Ltmp2:
0x3d: {  	_ = 	snop;
	(pc) =	sbr.rel @p0 .LBB1_12-.Ltmp2, $1  }
0x3e: {  	_ =	sdelay $0x3  }
0x3f: {  	p0 =	sgt.s32 s14, $0x7;
	s0 =	smov.u32 s14;
	s1 =	sshra.s32 s14, $0x1F  }
0x40: {  	s2 =	sshra.s32 s13, $0x1F;
	s0 =	simm.s32 @!p0 $0x7;
	s1 =	sand.u32 s1, s14  }
0x41: {  	p0 =	sgt.s32 s13, $0xC7;
	s0 =	ssub.s32 s0, s1;
	s1 =	smov.u32 s13  }
0x42: {  	s2 =	sand.u32 s2, s13;
	s1 =	simm.s32 @!p0 $0xC7  }
0x43: {  	s3 =	sadd.s32 $0xFFFFFFF9, s0;
	s1 =	ssub.s32 s1, s2  }
0x44: {  	s0 =	ssub.s32 $0x8, s0;
	p0 =	sgt.s32 s3, $0x0;
	s2 =	sadd.s32 $0xFFFFFF39, s1  }
0x45: {  	s0 =	simm.s32 @p0 $0x0;
	s1 =	ssub.s32 $0xC8, s1;
	p0 =	sgt.s32 s2, $0x0  }
0x46: {  	p1 =	sgt.s32 s20, $0x48;
	s1 =	simm.s32 @p0 $0x0  }
0x47: {  	s2 =	smov.u32 s20;
	s21 =	smul.u32 s0, s1;
	s1 =	sadd.s32 $0x1, s14  }
0x48: {  	s2 =	simm.s32 @!p1 $0x48;
	p0 =	slt.s32 s1, $0x8  }
0x49: {  	s27 =	sshll.u32 s2, $0x7;
	s2 =	sadd.s32 $0x1, s13;
	s1 =	simm.s32 @!p0 $0x8  }
0x4a: {  	p1 =	slt.s32 s11, $0x20;
	p0 =	slt.s32 s2, $0xC8;
	s22 =	ssub.s32 s1, s14  }
0x4b: {  	s2 =	simm.s32 @!p0 $0xC8;
	p0 =	slt.s32 s20, $0x48;
	s1 =	smov.u32 s20  }
0x4c: {  	s23 =	ssub.s32 s2, s13;
	s1 =	simm.s32 @!p0 $0x48;
	p0 =	slt.s32 s22, $0x1  }
0x4d: {  	s2 =	smov.u32 s11;
	s1 =	ssub.s32 s1, s20;
	p2 =	slt.s32 @!p0 s23, $0x1  }
0x4e: {  	s2 =	simm.s32 @!p1 $0x20;
	s24 =	sadd.s32 $0x80, s1;
	p1 =	por p0, p2  }
0x4f: {  	s28 =	ssub.s32 s2, s11;
	p2 =	seq.s32 @!p1 s24, $0x0  }
0x50: {  	s26 =	sadd.s32 $0x80, s28;
	p1 =	por p1, p2  }
0x51: {  	s0 =	ssub.s32 $0x6400, s27;
	p2 =	seq.s32 @!p1 s26, $0x0  }
0x52: {  	s0 =	smul.u32 s21, s0;
	p1 =	por p1, p2  }
.Ltmp3:
0x53: {  	_ = 	snop;
	(pc) =	sbr.rel @p1 .LBB1_11-.Ltmp3, $4  }
0x54: {  	s30 =	simm.s32 $0x1;
	s29 =	sand.u32 $0x3FFFFF80, s0  }
0x55: {  	_ =	swait.ge [sflag:s30], s29  }
0x56: {  	s0 =	sand.u32 $0x1, s12;
	s31 =	ssub.s32 $0x0, s29;
	[sflag:s30] =	ssyncset.done $0x0  }
0x57: {  	s4 =	smov.u32 s6;
	s25 =	smul.u32 $0x4080, s0;
	[sflag:s30] =	ssyncadd.s32 s31  }
0x58: {  	_ = 	snop  }
0x59: {  	s27 =	sshll.u32 @!p0 s0, $0xE;
	s29 =	simm.s32 $0x0;
	s28 =	sor.u32 @!p0 $0x8000, s25  }
.LBB1_4:
0x5a: {  	s30 =	simm.s32 $0x0  }
.LBB1_5:
0x5b: {  	s0 =	sadd.s32 s29, s30  }
0x5c: {  	s1 =	smul.u32 $0x10200, s0  }
0x5d: {  	s0 =	sshll.u32 s0, $0x10  }
0x5e: {  	s0 =	sshra.s32 s0, $0x2;
	s1 =	sshra.s32 s1, $0x2  }
0x5f: {  	s31 =	sadd.s32 s0, s27;
	s0 =	sadd.s32 s1, s28;
	s1 =	simm.s32 $0x0  }
.LBB1_6:
0x60: {  	s2 =	sshll.u32 s1, $0x7;
	s9 =	sshrl.u32 s1, $0x4  }
0x61: {  	s8 =	sand.u32 $0x7F, s1;
	s7 =	simm.s32 $0x0;
	s3 =	sand.u32 $0x380, s2  }
0x62: {  	s5 =	sadd.s32 s8, s0;
	s10 =	sadd.s32 s3, s31;
	s3 =	simm.s32 $0x0  }
.LBB1_7:
0x63: {  	s8 =	sand.u32 $0x3C00, s3  }
0x64: {  	s8 =	sadd.s32 s2, s8  }
0x65: {  	s8 =	sand.u32 $0x3C00, s8  }
0x66: {  	s6 =	sand.u32 $0x70, s7;
	s8 =	sadd.s32 s8, s10  }
0x67: {  	s6 =	sadd.s32 s6, s8;
	s8 =	sadd.s32 s7, s9  }
0x68: {  	s7 =	sadd.s32 $0x10, s7;
	s8 =	sand.u32 $0x78, s8  }
0x69: {  	v0 =	vld [tilespmem:s6+$0x0];
	p0 =	slt.u32 s7, s26;
	s6 =	smul.u32 $0x204, s8  }
.Ltmp4:
0x6a: {  	_ = 	snop;
	(pc) =	sbr.rel @p0 .LBB1_7-.Ltmp4, $4  }
0x6b: {  	_ = 	snop  }
0x6c: {  	s6 =	sshrl.u32 s6, $0x2  }
0x6d: {  	s6 =	sadd.s32 s6, s5  }
0x6e: {  	s3 =	sadd.s32 $0x80, s3;
	[tilespmem:s6+$0x0 ss:$0x81] =	vst.msk $0xffff, v0  }
0x6f: {  	s1 =	sadd.s32 $0x1, s1  }
0x70: {  	p0 =	sne.s32 s1, s24  }
.Ltmp5:
0x71: {  	_ = 	snop;
	(pc) =	sbr.rel @p0 .LBB1_6-.Ltmp5, $1  }
0x72: {  	_ =	sdelay $0x3  }
0x73: {  	s30 =	sadd.s32 $0x1, s30  }
0x74: {  	p0 =	sne.s32 s30, s23  }
.Ltmp6:
0x75: {  	_ = 	snop;
	(pc) =	sbr.rel @p0 .LBB1_5-.Ltmp6, $1  }
0x76: {  	_ =	sdelay $0x3  }
0x77: {  	s29 =	sadd.s32 $0x1, s29  }
0x78: {  	p0 =	sne.s32 s29, s22  }
.Ltmp7:
0x79: {  	_ = 	snop;
	(pc) =	sbr.rel @p0 .LBB1_4-.Ltmp7, $4  }
.Ltmp8:
0x7a: {  	_ = 	snop;
	(pc) =	sbr.rel @!p0 .LBB1_11-.Ltmp8, $4  }
0x7b: {  	_ = 	snop  }
0x7c: {  	_ = 	snop  }
0x7d: {  	_ = 	snop  }
0x7e: {  	_ = 	snop  }
.LBB1_13:
0x7f: {  	_ =	sfence.sel $0x180000  }
0x80: {  	s0 =	simm.s32 $0x1;
	[bflag:$0x0] =	sbarrier.arrive $0xFFFF  }
0x81: {  	s30 =	simm.s32 $0x2;
	[sflag:s0] =	ssyncpa.u1 $0x1  }
0x82: {  	[sflag:s30] =	ssyncpa.u1 $0x1  }
0x83: {  	_ =	strace $0x9000004A  }
0x84: {  	s31 =	stileid.u32;
	[bflag:$0x2] =	sbarrier.arrive $0xFFFF  }
0x85: {  	p0 =	sne.s32 s31, $0x0;
	s0 =	rddreg [dreg:$0x2]  }
0x86: {  	s0 =	sadd.s32 @!p0 $0x100000, s0  }
0x87: {  	[sflag:s0] =	ssyncadd.tile.s32 @!p0 $0x1;
	_ =	shalt  }
.Lfunc_end1:
_tile_overlayer_lowered:
.L_overlay_start_2:
0x88: {  	(tag) =	ssettag $0x2  }
0x89: {  	s0 =	rddreg [dreg:$0x0];
	s2 =	stileid.u32  }
0x8a: {  	s1 =	rddreg [dreg:$0x1];
	p0 =	sne.s32 s2, $0x0  }
0x8b: {  	s3 =	rddreg [dreg:$0x2];
	[bflag:$0x3] =	sbarrier.arrive $0xFFFF;
	s2 =	simm.s32 @!p0 $0x1C01  }
0x8c: {  	[timem:s3], [sflag:s2] =	dma.local @!p0 [hbm:s0], s1  }
0x8d: {  	s0 =	simm.s32 @!p0 $0x1  }
0x8e: {  	_ =	swait.ge @!p0 [sflag:s0], s1  }
0x8f: {  	s1 =	ssub.s32 @!p0 $0x0, s1;
	[sflag:s0] =	ssyncset.done @!p0 $0x0  }
0x90: {  	[sflag:s0] =	ssyncadd.s32 @!p0 s1  }
0x91: {  	[bflag:$0x3] =	sbarrier.arrive $0xFFFF  }
0x92: {  	_ =	shalt  }

</sc_bundles>
